<compile_context>
chip_gen: v7x
topology: tpu7x:2x2x1
jax: 0.10.2.dev20260603
libtpu: 0.0.44.dev20260713+nightly
codegen_flags: <defaults>
</compile_context>

<pallas_src>
import numpy as np
import jax
import jax.numpy as jnp
from jax import lax
from jax.experimental import pallas as pl
from jax.experimental.pallas import tpu as pltpu
from jax.experimental.pallas import tpu_sc as plsc

C = 128
K = 15
CPG = 16
GROUPS = 8
H = 32
SIGMA = 2.0
N = 10000
M = 10000

NC = 2
NS = 16
NW = NC * NS
QB = 8
NCHUNK = M // QB
MODW = 256


def _interleave_pairs(x):
    b = x.astype(jnp.bfloat16).reshape(x.shape[:-1] + (4, 2, 16))
    b = jnp.swapaxes(b, -1, -2)
    w = lax.bitcast_convert_type(b, jnp.int32)
    return w.reshape(x.shape[:-1] + (64,))



def _mlp_body(x_ref, w1_ref, b1_ref, w2_ref, o_ref):
    x = x_ref[...]
    h = jnp.dot(x, w1_ref[...], preferred_element_type=jnp.float32)
    h = h + b1_ref[...]
    h = jnp.where(h > 0, h, h * 0.1)
    z = jnp.dot(h, w2_ref[...], preferred_element_type=jnp.float32)
    o_ref[...] = 1.0 / (1.0 + jnp.exp(-z))


def _modulations(s_feats, W1, b1, W2p):
    mb = 1000
    return pl.pallas_call(
        _mlp_body,
        grid=(M // mb,),
        in_specs=[
            pl.BlockSpec((mb, C), lambda i: (i, 0)),
            pl.BlockSpec((C, C), lambda i: (0, 0)),
            pl.BlockSpec((1, C), lambda i: (0, 0)),
            pl.BlockSpec((C, MODW), lambda i: (0, 0)),
        ],
        out_specs=pl.BlockSpec((mb, MODW), lambda i: (i, 0)),
        out_shape=jax.ShapeDtypeStruct((M, MODW), jnp.float32),
    )(s_feats, W1, b1.reshape(1, C), W2p)



def _take_splat(vec, idx):
    return vec.at[jnp.full((16,), 0, jnp.int32) + idx].get(
        mode="promise_in_bounds")


def _sc_body(nb_hbm, qp_hbm, spts_hbm, sfeats_hbm, wts_hbm, kp_hbm, mod_hbm,
             out_hbm,
             spts_v, wts_v, kp_v, nb_v, qp_v, mod_v, feat_v, out_v,
             sem_i, sem_f, sem_o):
    wid = lax.axis_index("c") * NS + lax.axis_index("s")

    pltpu.sync_copy(spts_hbm, spts_v)
    pltpu.sync_copy(wts_hbm, wts_v)
    pltpu.sync_copy(kp_hbm, kp_v)

    kpxv = kp_v[pl.ds(0, 16)]
    kpyv = kp_v[pl.ds(16, 16)]
    kpzv = kp_v[pl.ds(32, 16)]
    kpx = [kpxv[k] for k in range(K)]
    kpy = [kpyv[k] for k in range(K)]
    kpz = [kpzv[k] for k in range(K)]

    nchunks = (NCHUNK - wid + NW - 1) // NW

    def issue_idx(c):
        s = c % 3
        base = (wid + NW * c) * QB
        pltpu.async_copy(nb_hbm.at[pl.ds(base * H, QB * H)], nb_v.at[s],
                         sem_i)
        pltpu.async_copy(qp_hbm.at[pl.ds(base * 4, QB * 4)], qp_v.at[s],
                         sem_i)
        pltpu.async_copy(mod_hbm.at[pl.ds(base * MODW, QB * MODW)],
                         mod_v.at[s], sem_i)

    def wait_idx(c):
        s = c % 3
        pltpu.make_async_copy(nb_hbm.at[pl.ds(0, QB * H)], nb_v.at[s],
                              sem_i).wait()
        pltpu.make_async_copy(qp_hbm.at[pl.ds(0, QB * 4)], qp_v.at[s],
                              sem_i).wait()
        pltpu.make_async_copy(mod_hbm.at[pl.ds(0, QB * MODW)], mod_v.at[s],
                              sem_i).wait()

    def issue_feat(c):
        s, sf = c % 3, c % 2
        pltpu.async_copy(sfeats_hbm.at[nb_v.at[s, pl.ds(0, 128)]],
                         feat_v.at[sf, pl.ds(0, 128)], sem_f)
        pltpu.async_copy(sfeats_hbm.at[nb_v.at[s, pl.ds(128, 128)]],
                         feat_v.at[sf, pl.ds(128, 128)], sem_f)

    def wait_feat(c):
        s, sf = c % 3, c % 2
        pltpu.make_async_copy(sfeats_hbm.at[nb_v.at[s, pl.ds(0, 128)]],
                              feat_v.at[sf, pl.ds(0, 128)], sem_f).wait()
        pltpu.make_async_copy(sfeats_hbm.at[nb_v.at[s, pl.ds(128, 128)]],
                              feat_v.at[sf, pl.ds(128, 128)], sem_f).wait()

    def wait_out(c):
        base = (wid + NW * c) * QB
        pltpu.make_async_copy(out_v, out_hbm.at[pl.ds(base, QB)],
                              sem_o).wait()

    issue_idx(0)

    @pl.when(nchunks > 1)
    def _():
        issue_idx(1)

    wait_idx(0)
    issue_feat(0)

    def chunk_body(c, carry):
        sf = c % 2
        si = c % 3
        base = (wid + NW * c) * QB
        wait_feat(c)

        @pl.when(c + 1 < nchunks)
        def _():
            wait_idx(c + 1)

        @pl.when(c + 2 < nchunks)
        def _():
            issue_idx(c + 2)

        @pl.when(c + 1 < nchunks)
        def _():
            issue_feat(c + 1)

        @pl.when(c > 0)
        def _():
            wait_out(c - 1)

        qall0 = qp_v[si, pl.ds(0, 16)]
        qall1 = qp_v[si, pl.ds(16, 16)]

        def q_body(i, carry_q):
            qv = jnp.where(i < 4, qall0, qall1)
            qo = (i % 4) * 4
            qxs = _take_splat(qv, qo)
            qys = _take_splat(qv, qo + 1)
            qzs = _take_splat(qv, qo + 2)

            def half_body(jh, accs):
                t16 = i * H + jh * 16
                idx16 = nb_v[si, pl.ds(t16, 16)]
                xs = plsc.load_gather(spts_v, [idx16])
                ys = plsc.load_gather(spts_v, [idx16 + N])
                zs = plsc.load_gather(spts_v, [idx16 + 2 * N])
                dx = xs - qxs
                dy = ys - qys
                dz = zs - qzs
                best = jnp.full((16,), 1e30, jnp.float32)
                bestk = jnp.zeros((16,), jnp.int32)
                for k in range(K):
                    ddx = dx - kpx[k]
                    ddy = dy - kpy[k]
                    ddz = dz - kpz[k]
                    d2 = ddx * ddx + ddy * ddy + ddz * ddz
                    m = d2 < best
                    best = jnp.where(m, d2, best)
                    bestk = jnp.where(m, jnp.int32(k), bestk)
                x = jnp.maximum(best, jnp.float32(1e-24))
                xi = plsc.bitcast(x, jnp.int32)
                r = plsc.bitcast(jnp.int32(0x5F3759DF) - (xi >> 1),
                                 jnp.float32)
                for _ in range(3):
                    r = r * (1.5 - 0.5 * x * r * r)
                s = x * r
                infl16 = jnp.maximum(1.0 - s * jnp.float32(1.0 / SIGMA), 0.0)

                accs = list(accs)
                for l in range(16):
                    kk = bestk[l]
                    fl = infl16[l]
                    m16 = mod_v[si, pl.ds(i * MODW + kk * CPG, 16)]
                    modi = m16 * fl
                    n = t16 + l
                    for b in range(4):
                        fv = plsc.bitcast(feat_v[sf, n, pl.ds(b * 16, 16)],
                                          jnp.bfloat16)
                        wv = plsc.bitcast(
                            wts_v[pl.ds(kk * 64 + b * 16, 16)],
                            jnp.bfloat16)
                        te, to = plsc.unpack(
                            fv * wv, format=plsc.PackFormat.INTERLEAVED)
                        accs[2 * b] = accs[2 * b] + te * modi
                        accs[2 * b + 1] = accs[2 * b + 1] + to * modi
                return tuple(accs)

            accs = lax.fori_loop(
                0, 2, half_body,
                tuple(jnp.zeros((16,), jnp.float32) for _ in range(GROUPS)))
            for g in range(GROUPS):
                out_v[i, pl.ds(g * CPG, 16)] = accs[g]
            return carry_q

        lax.fori_loop(0, QB, q_body, 0)
        pltpu.async_copy(out_v, out_hbm.at[pl.ds(base, QB)], sem_o)
        return carry

    lax.fori_loop(0, nchunks, chunk_body, 0)
    wait_out(nchunks - 1)


def _sc_main(nb_flat, qp_pad, spts_flat, s_feats, wts_flat, kp, mod_flat):
    mesh = plsc.VectorSubcoreMesh(core_axis_name="c", subcore_axis_name="s",
                                  num_cores=NC, num_subcores=NS)
    return pl.kernel(
        _sc_body,
        out_type=jax.ShapeDtypeStruct((M, C), jnp.float32),
        mesh=mesh,
        compiler_params=pltpu.CompilerParams(needs_layout_passes=False),
        scratch_types=[
            pltpu.VMEM((3 * N,), jnp.float32),
            pltpu.VMEM((K * 64,), jnp.int32),
            pltpu.VMEM((48,), jnp.float32),
            pltpu.VMEM((3, QB * H), jnp.int32),
            pltpu.VMEM((3, QB * 4), jnp.float32),
            pltpu.VMEM((3, QB * MODW), jnp.float32),
            pltpu.VMEM((2, QB * H, C), jnp.int32),
            pltpu.VMEM((QB, C), jnp.float32),
            pltpu.SemaphoreType.DMA,
            pltpu.SemaphoreType.DMA,
            pltpu.SemaphoreType.DMA,
        ],
    )(nb_flat, qp_pad, spts_flat, s_feats, wts_flat, kp, mod_flat)



def kernel(q_pts, s_pts, s_feats, neighb_inds, weights, W1, b1, W2,
           kernel_points):
    nb_flat = neighb_inds.astype(jnp.int32).reshape(-1)
    qp_flat = jnp.pad(q_pts, ((0, 0), (0, 1))).reshape(-1)
    spts_flat = s_pts.T.reshape(-1)
    wts_flat = _interleave_pairs(weights).reshape(-1)
    kp_flat = jnp.pad(kernel_points, ((0, 16 - K), (0, 0))).T.reshape(-1)
    W2p = jnp.pad(W2, ((0, 0), (0, MODW - K * CPG)))
    sf_pairs = jnp.pad(_interleave_pairs(s_feats), ((0, 0), (0, 64)))
    mod = _modulations(s_feats, W1, b1, W2p)
    return _sc_main(nb_flat, qp_flat, spts_flat, sf_pairs, wts_flat,
                    kp_flat, mod.reshape(-1))

# --- scband reference (transcript-rebuilt; emitter-appended) ---
"""Pipeline reference for scband-kpmini-mod-47957604827526 (READ-ONLY COPY).

The authoritative reference and input builder live on the scoring server;
editing this copy changes nothing except your own understanding.
"""

import jax, jax.numpy as jnp
import numpy as np

CHANNELS = 128
SHELL_SIZES = [1, 14]
RADIUS = 2.0
SIGMA = 2.0
GROUPS = 8
CH_PER_GRP = CHANNELS // GROUPS  # 16
K = int(np.sum(SHELL_SIZES))  # 15
INF = 1e6


def _fibonacci_sphere(n, r):
    i = np.arange(n, dtype=np.float64)
    golden = np.pi * (3.0 - np.sqrt(5.0))
    y = 1.0 - 2.0 * (i + 0.5) / n
    rad = np.sqrt(np.maximum(1.0 - y * y, 0.0))
    theta = golden * i
    pts = np.stack([np.cos(theta) * rad, y, np.sin(theta) * rad], axis=1)
    return (r * pts).astype(np.float32)


def _init_kernel_points(radius, shell_sizes):
    # Deterministic stand-in for KPConv's optimized kernel point disposition:
    # fixed center point + Fibonacci-sphere shells at evenly spaced radii.
    pts = []
    n_shells = len(shell_sizes)
    for si, s in enumerate(shell_sizes):
        if si == 0 and s == 1:
            pts.append(np.zeros((1, 3), np.float32))
        else:
            r = radius * float(si) / float(max(n_shells - 1, 1))
            pts.append(_fibonacci_sphere(s, r))
    return jnp.asarray(np.concatenate(pts, axis=0))


def setup_inputs(seed: int = 0) -> dict:
    key = jax.random.key(seed)
    k1, k2, k3, k4, k5, k6, k7, k8 = jax.random.split(key, 8)
    N = 10000
    H = 32
    C = CHANNELS
    Cout = K * CH_PER_GRP
    q_pts = jax.random.normal(k1, (N, 3), dtype=jnp.float32)
    s_pts = jax.random.normal(k2, (N, 3), dtype=jnp.float32)
    s_feats = jax.random.normal(k3, (N, C), dtype=jnp.float32)
    neighb_inds = jax.random.randint(k4, (N, H), 0, N, dtype=jnp.int64)
    bw = 1.0 / np.sqrt(C)
    weights = jax.random.uniform(k5, (K, C), minval=-bw, maxval=bw, dtype=jnp.float32)
    W1 = jax.random.uniform(k6, (C, C), minval=-bw, maxval=bw, dtype=jnp.float32)
    b1 = jax.random.uniform(k7, (C,), minval=-bw, maxval=bw, dtype=jnp.float32)
    W2 = jax.random.uniform(k8, (C, Cout), minval=-bw, maxval=bw, dtype=jnp.float32)
    kernel_points = _init_kernel_points(RADIUS, SHELL_SIZES)
    return {"q_pts": q_pts, "s_pts": s_pts, "s_feats": s_feats,
            "neighb_inds": neighb_inds, "weights": weights,
            "W1": W1, "b1": b1, "W2": W2, "kernel_points": kernel_points}


def reference(q_pts, s_pts, s_feats, neighb_inds, weights, W1, b1, W2, kernel_points):
    M = q_pts.shape[0]
    C = s_feats.shape[1]

    # Gather neighbor features (with zero padding row)
    padded_s_feats = jnp.concatenate([s_feats, jnp.zeros((1, C), s_feats.dtype)], axis=0)
    neighbor_feats = jnp.take(padded_s_feats, neighb_inds, axis=0)  # (M, H, C)

    # Pooled features (M == N -> use s_feats directly)
    pooled_feats = s_feats

    # alpha_mlp: Linear(C,C) -> LeakyReLU(0.1) -> Linear(C, K*CpG, bias=False)
    h = jnp.dot(pooled_feats, W1) + b1
    h = jax.nn.leaky_relu(h, 0.1)
    modulations = jnp.dot(h, W2)  # (M, K*CpG)
    modulations = jax.nn.sigmoid(modulations)  # attention_act='sigmoid'
    modulations = modulations.reshape(M, K, CH_PER_GRP)

    # Kernel point influences (torch.no_grad -> stop_gradient)
    s_pts_pad = jnp.concatenate([s_pts, jnp.zeros((1, 3), s_pts.dtype) + INF], axis=0)
    neighbors = jnp.take(s_pts_pad, neighb_inds, axis=0) - q_pts[:, None, :]  # (M, H, 3)
    differences = neighbors[:, :, None, :] - kernel_points[None, None, :, :]  # (M, H, K, 3)
    sq_distances = jnp.sum(differences ** 2, axis=3)  # (M, H, K)
    nn_sq_dists = jnp.min(sq_distances, axis=2)  # (M, H)
    neighbors_1nn = jnp.argmin(sq_distances, axis=2)  # (M, H)
    influence_weights = jnp.clip(1.0 - jnp.sqrt(nn_sq_dists) / SIGMA, 0.0, None)  # linear
    influence_weights = jax.lax.stop_gradient(influence_weights)

    # Modulate depthwise kernel weights per query point
    # (1, K, G, CpG) * (M, K, 1, CpG) -> (M, K, G, CpG) -> (M, K, C)
    conv_w = weights.reshape(K, GROUPS, CH_PER_GRP)[None, :, :, :] * modulations[:, :, None, :]
    conv_w = conv_w.reshape(M, K, C)

    # Gather modulated weight of nearest kernel point per neighbor: (M, H, C)
    neighbors_weights = jnp.take_along_axis(conv_w, neighbors_1nn[:, :, None], axis=1)
    neighbors_weights = neighbors_weights * influence_weights[:, :, None]

    # merge_op = mul, aggr_op = sum over neighbors
    out = jnp.sum(neighbor_feats * neighbors_weights, axis=1)  # (M, C)
    return out

if __name__ == "__main__":
    import jax
    _d = setup_inputs()
    print(jax.jit(kernel)(*tuple(_d.values())))

</pallas_src>

<mosaic_0001>
#map = affine_map<(d0, d1) -> (0)>
#map1 = affine_map<(d0, d1) -> (0, 0)>
module attributes {stable_mosaic.version = 14 : i64} {
  func.func @_sc_body(%arg0: i32, %arg1: i32, %arg2: memref<320000xi32, #tpu.memory_space<hbm>>, %arg3: memref<40000xf32, #tpu.memory_space<hbm>>, %arg4: memref<30000xf32, #tpu.memory_space<hbm>>, %arg5: memref<10000x128xi32, #tpu.memory_space<hbm>>, %arg6: memref<960xi32, #tpu.memory_space<hbm>>, %arg7: memref<48xf32, #tpu.memory_space<hbm>>, %arg8: memref<2560000xf32, #tpu.memory_space<hbm>>, %arg9: memref<10000x128xf32, #tpu.memory_space<hbm>>, %arg10: memref<30000xf32, #tpu.memory_space<vmem>>, %arg11: memref<960xi32, #tpu.memory_space<vmem>>, %arg12: memref<48xf32, #tpu.memory_space<vmem>>, %arg13: memref<3x256xi32, #tpu.memory_space<vmem>>, %arg14: memref<3x32xf32, #tpu.memory_space<vmem>>, %arg15: memref<3x2048xf32, #tpu.memory_space<vmem>>, %arg16: memref<2x256x128xi32, #tpu.memory_space<vmem>>, %arg17: memref<8x128xf32, #tpu.memory_space<vmem>>, %arg18: memref<!tpu.dma_semaphore, #tpu.memory_space<semaphore_mem>>, %arg19: memref<!tpu.dma_semaphore, #tpu.memory_space<semaphore_mem>>, %arg20: memref<!tpu.dma_semaphore, #tpu.memory_space<semaphore_mem>>) attributes {dimension_semantics = [#tpu.dimension_semantics<core_parallel>, #tpu.dimension_semantics<subcore_parallel>], iteration_bounds = array<i64: 2, 16>, scalar_prefetch = 0 : i64, scratch_operands = 11 : i64, tpu.core_type = #tpu.core_type<sc_vector_subcore>, window_params = [{transform_indices = #map}, {transform_indices = #map}, {transform_indices = #map}, {transform_indices = #map1}, {transform_indices = #map}, {transform_indices = #map}, {transform_indices = #map}, {transform_indices = #map1}]} {
    %mul3A = arith.constant 16 : i32
    %mul3A_0 = arith.muli %arg0, %mul3A : i32
    %add3A = arith.addi %mul3A_0, %arg1 : i32
    "tpu.region"() ({
      %run_scoped3A = tpu.sem_alloc : memref<!tpu.dma_semaphore, #tpu.memory_space<semaphore_mem>>
      tpu.enqueue_dma source(%arg4 : memref<30000xf32, #tpu.memory_space<hbm>>) target(%arg10 : memref<30000xf32, #tpu.memory_space<vmem>>) target_semaphore(%run_scoped3A : memref<!tpu.dma_semaphore, #tpu.memory_space<semaphore_mem>>)
      tpu.wait_dma2 semaphore(%run_scoped3A : memref<!tpu.dma_semaphore, #tpu.memory_space<semaphore_mem>>) src(%arg4 : memref<30000xf32, #tpu.memory_space<hbm>>) dst(%arg10 : memref<30000xf32, #tpu.memory_space<vmem>>)
      tpu.yield
    }) : () -> ()
    "tpu.region"() ({
      %run_scoped3A = tpu.sem_alloc : memref<!tpu.dma_semaphore, #tpu.memory_space<semaphore_mem>>
      tpu.enqueue_dma source(%arg6 : memref<960xi32, #tpu.memory_space<hbm>>) target(%arg11 : memref<960xi32, #tpu.memory_space<vmem>>) target_semaphore(%run_scoped3A : memref<!tpu.dma_semaphore, #tpu.memory_space<semaphore_mem>>)
      tpu.wait_dma2 semaphore(%run_scoped3A : memref<!tpu.dma_semaphore, #tpu.memory_space<semaphore_mem>>) src(%arg6 : memref<960xi32, #tpu.memory_space<hbm>>) dst(%arg11 : memref<960xi32, #tpu.memory_space<vmem>>)
      tpu.yield
    }) : () -> ()
    "tpu.region"() ({
      %run_scoped3A = tpu.sem_alloc : memref<!tpu.dma_semaphore, #tpu.memory_space<semaphore_mem>>
      tpu.enqueue_dma source(%arg7 : memref<48xf32, #tpu.memory_space<hbm>>) target(%arg12 : memref<48xf32, #tpu.memory_space<vmem>>) target_semaphore(%run_scoped3A : memref<!tpu.dma_semaphore, #tpu.memory_space<semaphore_mem>>)
      tpu.wait_dma2 semaphore(%run_scoped3A : memref<!tpu.dma_semaphore, #tpu.memory_space<semaphore_mem>>) src(%arg7 : memref<48xf32, #tpu.memory_space<hbm>>) dst(%arg12 : memref<48xf32, #tpu.memory_space<vmem>>)
      tpu.yield
    }) : () -> ()
    %get3A = arith.constant 0 : index
    %get3A_1 = tpu.vector_load %arg12[%get3A] {strides = array<i32>} : memref<48xf32, #tpu.memory_space<vmem>>, vector<16xf32>,
    %get3A_2 = arith.constant 16 : index
    %get3A_3 = tpu.vector_load %arg12[%get3A_2] {strides = array<i32>} : memref<48xf32, #tpu.memory_space<vmem>>, vector<16xf32>,
    %get3A_4 = arith.constant 32 : index
    %get3A_5 = tpu.vector_load %arg12[%get3A_4] {strides = array<i32>} : memref<48xf32, #tpu.memory_space<vmem>>, vector<16xf32>,
    %slice3A = vector.extract_strided_slice %get3A_1 {offsets = [0], sizes = [1], strides = [1]} : vector<16xf32> to vector<1xf32>
    %squeeze3A = vector.extract %slice3A[0] : f32 from vector<1xf32>
    %slice3A_6 = vector.extract_strided_slice %get3A_1 {offsets = [1], sizes = [1], strides = [1]} : vector<16xf32> to vector<1xf32>
    %squeeze3A_7 = vector.extract %slice3A_6[0] : f32 from vector<1xf32>
    %slice3A_8 = vector.extract_strided_slice %get3A_1 {offsets = [2], sizes = [1], strides = [1]} : vector<16xf32> to vector<1xf32>
    %squeeze3A_9 = vector.extract %slice3A_8[0] : f32 from vector<1xf32>
    %slice3A_10 = vector.extract_strided_slice %get3A_1 {offsets = [3], sizes = [1], strides = [1]} : vector<16xf32> to vector<1xf32>
    %squeeze3A_11 = vector.extract %slice3A_10[0] : f32 from vector<1xf32>
    %slice3A_12 = vector.extract_strided_slice %get3A_1 {offsets = [4], sizes = [1], strides = [1]} : vector<16xf32> to vector<1xf32>
    %squeeze3A_13 = vector.extract %slice3A_12[0] : f32 from vector<1xf32>
    %slice3A_14 = vector.extract_strided_slice %get3A_1 {offsets = [5], sizes = [1], strides = [1]} : vector<16xf32> to vector<1xf32>
    %squeeze3A_15 = vector.extract %slice3A_14[0] : f32 from vector<1xf32>
    %slice3A_16 = vector.extract_strided_slice %get3A_1 {offsets = [6], sizes = [1], strides = [1]} : vector<16xf32> to vector<1xf32>
    %squeeze3A_17 = vector.extract %slice3A_16[0] : f32 from vector<1xf32>
    %slice3A_18 = vector.extract_strided_slice %get3A_1 {offsets = [7], sizes = [1], strides = [1]} : vector<16xf32> to vector<1xf32>
    %squeeze3A_19 = vector.extract %slice3A_18[0] : f32 from vector<1xf32>
    %slice3A_20 = vector.extract_strided_slice %get3A_1 {offsets = [8], sizes = [1], strides = [1]} : vector<16xf32> to vector<1xf32>
    %squeeze3A_21 = vector.extract %slice3A_20[0] : f32 from vector<1xf32>
    %slice3A_22 = vector.extract_strided_slice %get3A_1 {offsets = [9], sizes = [1], strides = [1]} : vector<16xf32> to vector<1xf32>
    %squeeze3A_23 = vector.extract %slice3A_22[0] : f32 from vector<1xf32>
    %slice3A_24 = vector.extract_strided_slice %get3A_1 {offsets = [10], sizes = [1], strides = [1]} : vector<16xf32> to vector<1xf32>
    %squeeze3A_25 = vector.extract %slice3A_24[0] : f32 from vector<1xf32>
    %slice3A_26 = vector.extract_strided_slice %get3A_1 {offsets = [11], sizes = [1], strides = [1]} : vector<16xf32> to vector<1xf32>
    %squeeze3A_27 = vector.extract %slice3A_26[0] : f32 from vector<1xf32>
    %slice3A_28 = vector.extract_strided_slice %get3A_1 {offsets = [12], sizes = [1], strides = [1]} : vector<16xf32> to vector<1xf32>
    %squeeze3A_29 = vector.extract %slice3A_28[0] : f32 from vector<1xf32>
    %slice3A_30 = vector.extract_strided_slice %get3A_1 {offsets = [13], sizes = [1], strides = [1]} : vector<16xf32> to vector<1xf32>
    %squeeze3A_31 = vector.extract %slice3A_30[0] : f32 from vector<1xf32>
    %slice3A_32 = vector.extract_strided_slice %get3A_1 {offsets = [14], sizes = [1], strides = [1]} : vector<16xf32> to vector<1xf32>
    %squeeze3A_33 = vector.extract %slice3A_32[0] : f32 from vector<1xf32>
    %slice3A_34 = vector.extract_strided_slice %get3A_3 {offsets = [0], sizes = [1], strides = [1]} : vector<16xf32> to vector<1xf32>
    %squeeze3A_35 = vector.extract %slice3A_34[0] : f32 from vector<1xf32>
    %slice3A_36 = vector.extract_strided_slice %get3A_3 {offsets = [1], sizes = [1], strides = [1]} : vector<16xf32> to vector<1xf32>
    %squeeze3A_37 = vector.extract %slice3A_36[0] : f32 from vector<1xf32>
    %slice3A_38 = vector.extract_strided_slice %get3A_3 {offsets = [2], sizes = [1], strides = [1]} : vector<16xf32> to vector<1xf32>
    %squeeze3A_39 = vector.extract %slice3A_38[0] : f32 from vector<1xf32>
    %slice3A_40 = vector.extract_strided_slice %get3A_3 {offsets = [3], sizes = [1], strides = [1]} : vector<16xf32> to vector<1xf32>
    %squeeze3A_41 = vector.extract %slice3A_40[0] : f32 from vector<1xf32>
    %slice3A_42 = vector.extract_strided_slice %get3A_3 {offsets = [4], sizes = [1], strides = [1]} : vector<16xf32> to vector<1xf32>
    %squeeze3A_43 = vector.extract %slice3A_42[0] : f32 from vector<1xf32>
    %slice3A_44 = vector.extract_strided_slice %get3A_3 {offsets = [5], sizes = [1], strides = [1]} : vector<16xf32> to vector<1xf32>
    %squeeze3A_45 = vector.extract %slice3A_44[0] : f32 from vector<1xf32>
    %slice3A_46 = vector.extract_strided_slice %get3A_3 {offsets = [6], sizes = [1], strides = [1]} : vector<16xf32> to vector<1xf32>
    %squeeze3A_47 = vector.extract %slice3A_46[0] : f32 from vector<1xf32>
    %slice3A_48 = vector.extract_strided_slice %get3A_3 {offsets = [7], sizes = [1], strides = [1]} : vector<16xf32> to vector<1xf32>
    %squeeze3A_49 = vector.extract %slice3A_48[0] : f32 from vector<1xf32>
    %slice3A_50 = vector.extract_strided_slice %get3A_3 {offsets = [8], sizes = [1], strides = [1]} : vector<16xf32> to vector<1xf32>
    %squeeze3A_51 = vector.extract %slice3A_50[0] : f32 from vector<1xf32>
    %slice3A_52 = vector.extract_strided_slice %get3A_3 {offsets = [9], sizes = [1], strides = [1]} : vector<16xf32> to vector<1xf32>
    %squeeze3A_53 = vector.extract %slice3A_52[0] : f32 from vector<1xf32>
    %slice3A_54 = vector.extract_strided_slice %get3A_3 {offsets = [10], sizes = [1], strides = [1]} : vector<16xf32> to vector<1xf32>
    %squeeze3A_55 = vector.extract %slice3A_54[0] : f32 from vector<1xf32>
    %slice3A_56 = vector.extract_strided_slice %get3A_3 {offsets = [11], sizes = [1], strides = [1]} : vector<16xf32> to vector<1xf32>
    %squeeze3A_57 = vector.extract %slice3A_56[0] : f32 from vector<1xf32>
    %slice3A_58 = vector.extract_strided_slice %get3A_3 {offsets = [12], sizes = [1], strides = [1]} : vector<16xf32> to vector<1xf32>
    %squeeze3A_59 = vector.extract %slice3A_58[0] : f32 from vector<1xf32>
    %slice3A_60 = vector.extract_strided_slice %get3A_3 {offsets = [13], sizes = [1], strides = [1]} : vector<16xf32> to vector<1xf32>
    %squeeze3A_61 = vector.extract %slice3A_60[0] : f32 from vector<1xf32>
    %slice3A_62 = vector.extract_strided_slice %get3A_3 {offsets = [14], sizes = [1], strides = [1]} : vector<16xf32> to vector<1xf32>
    %squeeze3A_63 = vector.extract %slice3A_62[0] : f32 from vector<1xf32>
    %slice3A_64 = vector.extract_strided_slice %get3A_5 {offsets = [0], sizes = [1], strides = [1]} : vector<16xf32> to vector<1xf32>
    %squeeze3A_65 = vector.extract %slice3A_64[0] : f32 from vector<1xf32>
    %slice3A_66 = vector.extract_strided_slice %get3A_5 {offsets = [1], sizes = [1], strides = [1]} : vector<16xf32> to vector<1xf32>
    %squeeze3A_67 = vector.extract %slice3A_66[0] : f32 from vector<1xf32>
    %slice3A_68 = vector.extract_strided_slice %get3A_5 {offsets = [2], sizes = [1], strides = [1]} : vector<16xf32> to vector<1xf32>
    %squeeze3A_69 = vector.extract %slice3A_68[0] : f32 from vector<1xf32>
    %slice3A_70 = vector.extract_strided_slice %get3A_5 {offsets = [3], sizes = [1], strides = [1]} : vector<16xf32> to vector<1xf32>
    %squeeze3A_71 = vector.extract %slice3A_70[0] : f32 from vector<1xf32>
    %slice3A_72 = vector.extract_strided_slice %get3A_5 {offsets = [4], sizes = [1], strides = [1]} : vector<16xf32> to vector<1xf32>
    %squeeze3A_73 = vector.extract %slice3A_72[0] : f32 from vector<1xf32>
    %slice3A_74 = vector.extract_strided_slice %get3A_5 {offsets = [5], sizes = [1], strides = [1]} : vector<16xf32> to vector<1xf32>
    %squeeze3A_75 = vector.extract %slice3A_74[0] : f32 from vector<1xf32>
    %slice3A_76 = vector.extract_strided_slice %get3A_5 {offsets = [6], sizes = [1], strides = [1]} : vector<16xf32> to vector<1xf32>
    %squeeze3A_77 = vector.extract %slice3A_76[0] : f32 from vector<1xf32>
    %slice3A_78 = vector.extract_strided_slice %get3A_5 {offsets = [7], sizes = [1], strides = [1]} : vector<16xf32> to vector<1xf32>
    %squeeze3A_79 = vector.extract %slice3A_78[0] : f32 from vector<1xf32>
    %slice3A_80 = vector.extract_strided_slice %get3A_5 {offsets = [8], sizes = [1], strides = [1]} : vector<16xf32> to vector<1xf32>
    %squeeze3A_81 = vector.extract %slice3A_80[0] : f32 from vector<1xf32>
    %slice3A_82 = vector.extract_strided_slice %get3A_5 {offsets = [9], sizes = [1], strides = [1]} : vector<16xf32> to vector<1xf32>
    %squeeze3A_83 = vector.extract %slice3A_82[0] : f32 from vector<1xf32>
    %slice3A_84 = vector.extract_strided_slice %get3A_5 {offsets = [10], sizes = [1], strides = [1]} : vector<16xf32> to vector<1xf32>
    %squeeze3A_85 = vector.extract %slice3A_84[0] : f32 from vector<1xf32>
    %slice3A_86 = vector.extract_strided_slice %get3A_5 {offsets = [11], sizes = [1], strides = [1]} : vector<16xf32> to vector<1xf32>
    %squeeze3A_87 = vector.extract %slice3A_86[0] : f32 from vector<1xf32>
    %slice3A_88 = vector.extract_strided_slice %get3A_5 {offsets = [12], sizes = [1], strides = [1]} : vector<16xf32> to vector<1xf32>
    %squeeze3A_89 = vector.extract %slice3A_88[0] : f32 from vector<1xf32>
    %slice3A_90 = vector.extract_strided_slice %get3A_5 {offsets = [13], sizes = [1], strides = [1]} : vector<16xf32> to vector<1xf32>
    %squeeze3A_91 = vector.extract %slice3A_90[0] : f32 from vector<1xf32>
    %slice3A_92 = vector.extract_strided_slice %get3A_5 {offsets = [14], sizes = [1], strides = [1]} : vector<16xf32> to vector<1xf32>
    %squeeze3A_93 = vector.extract %slice3A_92[0] : f32 from vector<1xf32>
    %sub3A = arith.constant 1250 : i32
    %sub3A_94 = arith.subi %sub3A, %add3A : i32
    %add3A_95 = arith.constant 32 : i32
    %add3A_96 = arith.addi %sub3A_94, %add3A_95 : i32
    %sub3A_97 = arith.constant 1 : i32
    %sub3A_98 = arith.subi %add3A_96, %sub3A_97 : i32
    %jit3A = arith.constant 32 : i32
    %div3A = arith.divsi %sub3A_98, %jit3A : i32
    %sign3A = arith.constant 0 : i32
    %sign3A_99 = arith.cmpi sgt, %sub3A_98, %sign3A : i32
    %sign3A_100 = arith.extui %sign3A_99 : i1 to i32
    %sign3A_101 = arith.constant 0 : i32
    %sign3A_102 = arith.cmpi slt, %sub3A_98, %sign3A_101 : i32
    %sign3A_103 = arith.extui %sign3A_102 : i1 to i32
    %sign3A_104 = arith.subi %sign3A_100, %sign3A_103 : i32
    %sign3A_105 = arith.constant 0 : i32
    %sign3A_106 = arith.cmpi sgt, %jit3A, %sign3A_105 : i32
    %sign3A_107 = arith.extui %sign3A_106 : i1 to i32
    %sign3A_108 = arith.constant 0 : i32
    %sign3A_109 = arith.cmpi slt, %jit3A, %sign3A_108 : i32
    %sign3A_110 = arith.extui %sign3A_109 : i1 to i32
    %sign3A_111 = arith.subi %sign3A_107, %sign3A_110 : i32
    %ne3A = arith.cmpi ne, %sign3A_104, %sign3A_111 : i32
    %rem3A = arith.remsi %sub3A_98, %jit3A : i32
    %ne3A_112 = arith.constant 0 : i32
    %ne3A_113 = arith.cmpi ne, %rem3A, %ne3A_112 : i32
    %and3A = arith.andi %ne3A, %ne3A_113 : i1
    %sub3A_114 = arith.constant 1 : i32
    %sub3A_115 = arith.subi %div3A, %sub3A_114 : i32
    %select_n3A = arith.select %and3A, %sub3A_115, %div3A : i32
    %add3A_116 = arith.constant 0 : i32
    %add3A_117 = arith.addi %add3A, %add3A_116 : i32
    %mul3A_118 = arith.constant 8 : i32
    %mul3A_119 = arith.muli %add3A_117, %mul3A_118 : i32
    %mul3A_120 = arith.constant 32 : i32
    %mul3A_121 = arith.muli %mul3A_119, %mul3A_120 : i32
    %dma_start3A = arith.constant 0 : i32
    %dma_start3A_122 = arith.constant 0 : i32
    %dma_start3A_123 = tpu.memref_slice %arg13[%dma_start3A, %dma_start3A_122] : memref<3x256xi32, #tpu.memory_space<vmem>> -> memref<1x256xi32, #tpu.memory_space<vmem>>
    %dma_start3A_124 = tpu.memref_squeeze %dma_start3A_123 : memref<1x256xi32, #tpu.memory_space<vmem>> -> memref<256xi32, #tpu.memory_space<vmem>>
    %dma_start3A_125 = tpu.memref_slice %arg2[%mul3A_121] : memref<320000xi32, #tpu.memory_space<hbm>> -> memref<256xi32, #tpu.memory_space<hbm>>
    %dma_start3A_126 = arith.constant 0 : i32
    %dma_start3A_127 = tpu.memref_slice %arg13[%dma_start3A, %dma_start3A_126] : memref<3x256xi32, #tpu.memory_space<vmem>> -> memref<1x256xi32, #tpu.memory_space<vmem>>
    %dma_start3A_128 = tpu.memref_squeeze %dma_start3A_127 : memref<1x256xi32, #tpu.memory_space<vmem>> -> memref<256xi32, #tpu.memory_space<vmem>>
    %dma_start3A_129 = tpu.memref_slice %arg2[%mul3A_121] : memref<320000xi32, #tpu.memory_space<hbm>> -> memref<256xi32, #tpu.memory_space<hbm>>
    tpu.enqueue_dma source(%dma_start3A_129 : memref<256xi32, #tpu.memory_space<hbm>>) target(%dma_start3A_128 : memref<256xi32, #tpu.memory_space<vmem>>) target_semaphore(%arg18 : memref<!tpu.dma_semaphore, #tpu.memory_space<semaphore_mem>>)
    %mul3A_130 = arith.constant 4 : i32
    %mul3A_131 = arith.muli %mul3A_119, %mul3A_130 : i32
    %dma_start3A_132 = arith.constant 0 : i32
    %dma_start3A_133 = arith.constant 0 : i32
    %dma_start3A_134 = tpu.memref_slice %arg14[%dma_start3A_132, %dma_start3A_133] : memref<3x32xf32, #tpu.memory_space<vmem>> -> memref<1x32xf32, #tpu.memory_space<vmem>>
    %dma_start3A_135 = tpu.memref_squeeze %dma_start3A_134 : memref<1x32xf32, #tpu.memory_space<vmem>> -> memref<32xf32, #tpu.memory_space<vmem>>
    %dma_start3A_136 = tpu.memref_slice %arg3[%mul3A_131] : memref<40000xf32, #tpu.memory_space<hbm>> -> memref<32xf32, #tpu.memory_space<hbm>>
    %dma_start3A_137 = arith.constant 0 : i32
    %dma_start3A_138 = tpu.memref_slice %arg14[%dma_start3A_132, %dma_start3A_137] : memref<3x32xf32, #tpu.memory_space<vmem>> -> memref<1x32xf32, #tpu.memory_space<vmem>>
    %dma_start3A_139 = tpu.memref_squeeze %dma_start3A_138 : memref<1x32xf32, #tpu.memory_space<vmem>> -> memref<32xf32, #tpu.memory_space<vmem>>
    %dma_start3A_140 = tpu.memref_slice %arg3[%mul3A_131] : memref<40000xf32, #tpu.memory_space<hbm>> -> memref<32xf32, #tpu.memory_space<hbm>>
    tpu.enqueue_dma source(%dma_start3A_140 : memref<32xf32, #tpu.memory_space<hbm>>) target(%dma_start3A_139 : memref<32xf32, #tpu.memory_space<vmem>>) target_semaphore(%arg18 : memref<!tpu.dma_semaphore, #tpu.memory_space<semaphore_mem>>)
    %mul3A_141 = arith.constant 256 : i32
    %mul3A_142 = arith.muli %mul3A_119, %mul3A_141 : i32
    %dma_start3A_143 = arith.constant 0 : i32
    %dma_start3A_144 = arith.constant 0 : i32
    %dma_start3A_145 = tpu.memref_slice %arg15[%dma_start3A_143, %dma_start3A_144] : memref<3x2048xf32, #tpu.memory_space<vmem>> -> memref<1x2048xf32, #tpu.memory_space<vmem>>
    %dma_start3A_146 = tpu.memref_squeeze %dma_start3A_145 : memref<1x2048xf32, #tpu.memory_space<vmem>> -> memref<2048xf32, #tpu.memory_space<vmem>>
    %dma_start3A_147 = tpu.memref_slice %arg8[%mul3A_142] : memref<2560000xf32, #tpu.memory_space<hbm>> -> memref<2048xf32, #tpu.memory_space<hbm>>
    %dma_start3A_148 = arith.constant 0 : i32
    %dma_start3A_149 = tpu.memref_slice %arg15[%dma_start3A_143, %dma_start3A_148] : memref<3x2048xf32, #tpu.memory_space<vmem>> -> memref<1x2048xf32, #tpu.memory_space<vmem>>
    %dma_start3A_150 = tpu.memref_squeeze %dma_start3A_149 : memref<1x2048xf32, #tpu.memory_space<vmem>> -> memref<2048xf32, #tpu.memory_space<vmem>>
    %dma_start3A_151 = tpu.memref_slice %arg8[%mul3A_142] : memref<2560000xf32, #tpu.memory_space<hbm>> -> memref<2048xf32, #tpu.memory_space<hbm>>
    tpu.enqueue_dma source(%dma_start3A_151 : memref<2048xf32, #tpu.memory_space<hbm>>) target(%dma_start3A_150 : memref<2048xf32, #tpu.memory_space<vmem>>) target_semaphore(%arg18 : memref<!tpu.dma_semaphore, #tpu.memory_space<semaphore_mem>>)
    %gt3A = arith.constant 1 : i32
    %gt3A_152 = arith.cmpi sgt, %select_n3A, %gt3A : i32
    %convert_element_type3A = arith.extui %gt3A_152 : i1 to i32
    %cond3A = arith.constant 0 : i32
    %cond3A_153 = arith.cmpi ne, %convert_element_type3A, %cond3A : i32
    scf.if %cond3A_153 {
      %add3A_230 = arith.constant 32 : i32
      %add3A_231 = arith.addi %add3A, %add3A_230 : i32
      %mul3A_232 = arith.constant 8 : i32
      %mul3A_233 = arith.muli %add3A_231, %mul3A_232 : i32
      %mul3A_234 = arith.constant 32 : i32
      %mul3A_235 = arith.muli %mul3A_233, %mul3A_234 : i32
      %dma_start3A_236 = arith.constant 1 : i32
      %dma_start3A_237 = arith.constant 0 : i32
      %dma_start3A_238 = tpu.memref_slice %arg13[%dma_start3A_236, %dma_start3A_237] : memref<3x256xi32, #tpu.memory_space<vmem>> -> memref<1x256xi32, #tpu.memory_space<vmem>>
      %dma_start3A_239 = tpu.memref_squeeze %dma_start3A_238 : memref<1x256xi32, #tpu.memory_space<vmem>> -> memref<256xi32, #tpu.memory_space<vmem>>
      %dma_start3A_240 = tpu.memref_slice %arg2[%mul3A_235] : memref<320000xi32, #tpu.memory_space<hbm>> -> memref<256xi32, #tpu.memory_space<hbm>>
      %dma_start3A_241 = arith.constant 0 : i32
      %dma_start3A_242 = tpu.memref_slice %arg13[%dma_start3A_236, %dma_start3A_241] : memref<3x256xi32, #tpu.memory_space<vmem>> -> memref<1x256xi32, #tpu.memory_space<vmem>>
      %dma_start3A_243 = tpu.memref_squeeze %dma_start3A_242 : memref<1x256xi32, #tpu.memory_space<vmem>> -> memref<256xi32, #tpu.memory_space<vmem>>
      %dma_start3A_244 = tpu.memref_slice %arg2[%mul3A_235] : memref<320000xi32, #tpu.memory_space<hbm>> -> memref<256xi32, #tpu.memory_space<hbm>>
      tpu.enqueue_dma source(%dma_start3A_244 : memref<256xi32, #tpu.memory_space<hbm>>) target(%dma_start3A_243 : memref<256xi32, #tpu.memory_space<vmem>>) target_semaphore(%arg18 : memref<!tpu.dma_semaphore, #tpu.memory_space<semaphore_mem>>)
      %mul3A_245 = arith.constant 4 : i32
      %mul3A_246 = arith.muli %mul3A_233, %mul3A_245 : i32
      %dma_start3A_247 = arith.constant 1 : i32
      %dma_start3A_248 = arith.constant 0 : i32
      %dma_start3A_249 = tpu.memref_slice %arg14[%dma_start3A_247, %dma_start3A_248] : memref<3x32xf32, #tpu.memory_space<vmem>> -> memref<1x32xf32, #tpu.memory_space<vmem>>
      %dma_start3A_250 = tpu.memref_squeeze %dma_start3A_249 : memref<1x32xf32, #tpu.memory_space<vmem>> -> memref<32xf32, #tpu.memory_space<vmem>>
      %dma_start3A_251 = tpu.memref_slice %arg3[%mul3A_246] : memref<40000xf32, #tpu.memory_space<hbm>> -> memref<32xf32, #tpu.memory_space<hbm>>
      %dma_start3A_252 = arith.constant 0 : i32
      %dma_start3A_253 = tpu.memref_slice %arg14[%dma_start3A_247, %dma_start3A_252] : memref<3x32xf32, #tpu.memory_space<vmem>> -> memref<1x32xf32, #tpu.memory_space<vmem>>
      %dma_start3A_254 = tpu.memref_squeeze %dma_start3A_253 : memref<1x32xf32, #tpu.memory_space<vmem>> -> memref<32xf32, #tpu.memory_space<vmem>>
      %dma_start3A_255 = tpu.memref_slice %arg3[%mul3A_246] : memref<40000xf32, #tpu.memory_space<hbm>> -> memref<32xf32, #tpu.memory_space<hbm>>
      tpu.enqueue_dma source(%dma_start3A_255 : memref<32xf32, #tpu.memory_space<hbm>>) target(%dma_start3A_254 : memref<32xf32, #tpu.memory_space<vmem>>) target_semaphore(%arg18 : memref<!tpu.dma_semaphore, #tpu.memory_space<semaphore_mem>>)
      %mul3A_256 = arith.constant 256 : i32
      %mul3A_257 = arith.muli %mul3A_233, %mul3A_256 : i32
      %dma_start3A_258 = arith.constant 1 : i32
      %dma_start3A_259 = arith.constant 0 : i32
      %dma_start3A_260 = tpu.memref_slice %arg15[%dma_start3A_258, %dma_start3A_259] : memref<3x2048xf32, #tpu.memory_space<vmem>> -> memref<1x2048xf32, #tpu.memory_space<vmem>>
      %dma_start3A_261 = tpu.memref_squeeze %dma_start3A_260 : memref<1x2048xf32, #tpu.memory_space<vmem>> -> memref<2048xf32, #tpu.memory_space<vmem>>
      %dma_start3A_262 = tpu.memref_slice %arg8[%mul3A_257] : memref<2560000xf32, #tpu.memory_space<hbm>> -> memref<2048xf32, #tpu.memory_space<hbm>>
      %dma_start3A_263 = arith.constant 0 : i32
      %dma_start3A_264 = tpu.memref_slice %arg15[%dma_start3A_258, %dma_start3A_263] : memref<3x2048xf32, #tpu.memory_space<vmem>> -> memref<1x2048xf32, #tpu.memory_space<vmem>>
      %dma_start3A_265 = tpu.memref_squeeze %dma_start3A_264 : memref<1x2048xf32, #tpu.memory_space<vmem>> -> memref<2048xf32, #tpu.memory_space<vmem>>
      %dma_start3A_266 = tpu.memref_slice %arg8[%mul3A_257] : memref<2560000xf32, #tpu.memory_space<hbm>> -> memref<2048xf32, #tpu.memory_space<hbm>>
      tpu.enqueue_dma source(%dma_start3A_266 : memref<2048xf32, #tpu.memory_space<hbm>>) target(%dma_start3A_265 : memref<2048xf32, #tpu.memory_space<vmem>>) target_semaphore(%arg18 : memref<!tpu.dma_semaphore, #tpu.memory_space<semaphore_mem>>)
    } else {
    }
    %dma_wait3A = arith.constant 0 : i32
    %dma_wait3A_154 = arith.constant 0 : i32
    %dma_wait3A_155 = tpu.memref_slice %arg13[%dma_wait3A, %dma_wait3A_154] : memref<3x256xi32, #tpu.memory_space<vmem>> -> memref<1x256xi32, #tpu.memory_space<vmem>>
    %dma_wait3A_156 = tpu.memref_squeeze %dma_wait3A_155 : memref<1x256xi32, #tpu.memory_space<vmem>> -> memref<256xi32, #tpu.memory_space<vmem>>
    %dma_wait3A_157 = arith.constant 0 : i32
    %dma_wait3A_158 = tpu.memref_slice %arg2[%dma_wait3A_157] : memref<320000xi32, #tpu.memory_space<hbm>> -> memref<256xi32, #tpu.memory_space<hbm>>
    %dma_wait3A_159 = arith.constant 0 : i32
    %dma_wait3A_160 = tpu.memref_slice %arg13[%dma_wait3A, %dma_wait3A_159] : memref<3x256xi32, #tpu.memory_space<vmem>> -> memref<1x256xi32, #tpu.memory_space<vmem>>
    %dma_wait3A_161 = tpu.memref_squeeze %dma_wait3A_160 : memref<1x256xi32, #tpu.memory_space<vmem>> -> memref<256xi32, #tpu.memory_space<vmem>>
    %dma_wait3A_162 = arith.constant 0 : i32
    %dma_wait3A_163 = tpu.memref_slice %arg2[%dma_wait3A_162] : memref<320000xi32, #tpu.memory_space<hbm>> -> memref<256xi32, #tpu.memory_space<hbm>>
    tpu.wait_dma2 semaphore(%arg18 : memref<!tpu.dma_semaphore, #tpu.memory_space<semaphore_mem>>) src(%dma_wait3A_163 : memref<256xi32, #tpu.memory_space<hbm>>) dst(%dma_wait3A_161 : memref<256xi32, #tpu.memory_space<vmem>>)
    %dma_wait3A_164 = arith.constant 0 : i32
    %dma_wait3A_165 = arith.constant 0 : i32
    %dma_wait3A_166 = tpu.memref_slice %arg14[%dma_wait3A_164, %dma_wait3A_165] : memref<3x32xf32, #tpu.memory_space<vmem>> -> memref<1x32xf32, #tpu.memory_space<vmem>>
    %dma_wait3A_167 = tpu.memref_squeeze %dma_wait3A_166 : memref<1x32xf32, #tpu.memory_space<vmem>> -> memref<32xf32, #tpu.memory_space<vmem>>
    %dma_wait3A_168 = arith.constant 0 : i32
    %dma_wait3A_169 = tpu.memref_slice %arg3[%dma_wait3A_168] : memref<40000xf32, #tpu.memory_space<hbm>> -> memref<32xf32, #tpu.memory_space<hbm>>
    %dma_wait3A_170 = arith.constant 0 : i32
    %dma_wait3A_171 = tpu.memref_slice %arg14[%dma_wait3A_164, %dma_wait3A_170] : memref<3x32xf32, #tpu.memory_space<vmem>> -> memref<1x32xf32, #tpu.memory_space<vmem>>
    %dma_wait3A_172 = tpu.memref_squeeze %dma_wait3A_171 : memref<1x32xf32, #tpu.memory_space<vmem>> -> memref<32xf32, #tpu.memory_space<vmem>>
    %dma_wait3A_173 = arith.constant 0 : i32
    %dma_wait3A_174 = tpu.memref_slice %arg3[%dma_wait3A_173] : memref<40000xf32, #tpu.memory_space<hbm>> -> memref<32xf32, #tpu.memory_space<hbm>>
    tpu.wait_dma2 semaphore(%arg18 : memref<!tpu.dma_semaphore, #tpu.memory_space<semaphore_mem>>) src(%dma_wait3A_174 : memref<32xf32, #tpu.memory_space<hbm>>) dst(%dma_wait3A_172 : memref<32xf32, #tpu.memory_space<vmem>>)
    %dma_wait3A_175 = arith.constant 0 : i32
    %dma_wait3A_176 = arith.constant 0 : i32
    %dma_wait3A_177 = tpu.memref_slice %arg15[%dma_wait3A_175, %dma_wait3A_176] : memref<3x2048xf32, #tpu.memory_space<vmem>> -> memref<1x2048xf32, #tpu.memory_space<vmem>>
    %dma_wait3A_178 = tpu.memref_squeeze %dma_wait3A_177 : memref<1x2048xf32, #tpu.memory_space<vmem>> -> memref<2048xf32, #tpu.memory_space<vmem>>
    %dma_wait3A_179 = arith.constant 0 : i32
    %dma_wait3A_180 = tpu.memref_slice %arg8[%dma_wait3A_179] : memref<2560000xf32, #tpu.memory_space<hbm>> -> memref<2048xf32, #tpu.memory_space<hbm>>
    %dma_wait3A_181 = arith.constant 0 : i32
    %dma_wait3A_182 = tpu.memref_slice %arg15[%dma_wait3A_175, %dma_wait3A_181] : memref<3x2048xf32, #tpu.memory_space<vmem>> -> memref<1x2048xf32, #tpu.memory_space<vmem>>
    %dma_wait3A_183 = tpu.memref_squeeze %dma_wait3A_182 : memref<1x2048xf32, #tpu.memory_space<vmem>> -> memref<2048xf32, #tpu.memory_space<vmem>>
    %dma_wait3A_184 = arith.constant 0 : i32
    %dma_wait3A_185 = tpu.memref_slice %arg8[%dma_wait3A_184] : memref<2560000xf32, #tpu.memory_space<hbm>> -> memref<2048xf32, #tpu.memory_space<hbm>>
    tpu.wait_dma2 semaphore(%arg18 : memref<!tpu.dma_semaphore, #tpu.memory_space<semaphore_mem>>) src(%dma_wait3A_185 : memref<2048xf32, #tpu.memory_space<hbm>>) dst(%dma_wait3A_183 : memref<2048xf32, #tpu.memory_space<vmem>>)
    %dma_start3A_186 = arith.constant 0 : i32
    %dma_start3A_187 = arith.constant 0 : i32
    %dma_start3A_188 = arith.constant 0 : i32
    %dma_start3A_189 = arith.constant 0 : i32
    %dma_start3A_190 = tpu.memref_slice %arg16[%dma_start3A_187, %dma_start3A_188, %dma_start3A_189] : memref<2x256x128xi32, #tpu.memory_space<vmem>> -> memref<1x128x128xi32, #tpu.memory_space<vmem>>
    %dma_start3A_191 = tpu.memref_squeeze %dma_start3A_190 : memref<1x128x128xi32, #tpu.memory_space<vmem>> -> memref<128x128xi32, #tpu.memory_space<vmem>>
    %dma_start3A_192 = arith.constant 0 : i32
    %dma_start3A_193 = tpu.memref_slice %arg13[%dma_start3A_186, %dma_start3A_192] : memref<3x256xi32, #tpu.memory_space<vmem>> -> memref<1x128xi32, #tpu.memory_space<vmem>>
    %dma_start3A_194 = tpu.memref_squeeze %dma_start3A_193 : memref<1x128xi32, #tpu.memory_space<vmem>> -> memref<128xi32, #tpu.memory_space<vmem>>
    %dma_start3A_195 = arith.constant 0 : i32
    %dma_start3A_196 = arith.constant 0 : i32
    %dma_start3A_197 = tpu.memref_slice %arg5[%dma_start3A_195, %dma_start3A_196] : memref<10000x128xi32, #tpu.memory_space<hbm>> -> memref<10000x128xi32, #tpu.memory_space<hbm>>
    tpu.enqueue_indirect_dma source(%dma_start3A_197 : memref<10000x128xi32, #tpu.memory_space<hbm>>) target(%dma_start3A_191 : memref<128x128xi32, #tpu.memory_space<vmem>>) offsets(%dma_start3A_194 : memref<128xi32, #tpu.memory_space<vmem>>) semaphore(%arg19 : memref<!tpu.dma_semaphore, #tpu.memory_space<semaphore_mem>>)
    %dma_start3A_198 = arith.constant 0 : i32
    %dma_start3A_199 = arith.constant 0 : i32
    %dma_start3A_200 = arith.constant 128 : i32
    %dma_start3A_201 = arith.constant 0 : i32
    %dma_start3A_202 = tpu.memref_slice %arg16[%dma_start3A_199, %dma_start3A_200, %dma_start3A_201] : memref<2x256x128xi32, #tpu.memory_space<vmem>> -> memref<1x128x128xi32, #tpu.memory_space<vmem>>
    %dma_start3A_203 = tpu.memref_squeeze %dma_start3A_202 : memref<1x128x128xi32, #tpu.memory_space<vmem>> -> memref<128x128xi32, #tpu.memory_space<vmem>>
    %dma_start3A_204 = arith.constant 128 : i32
    %dma_start3A_205 = tpu.memref_slice %arg13[%dma_start3A_198, %dma_start3A_204] : memref<3x256xi32, #tpu.memory_space<vmem>> -> memref<1x128xi32, #tpu.memory_space<vmem>>
    %dma_start3A_206 = tpu.memref_squeeze %dma_start3A_205 : memref<1x128xi32, #tpu.memory_space<vmem>> -> memref<128xi32, #tpu.memory_space<vmem>>
    %dma_start3A_207 = arith.constant 0 : i32
    %dma_start3A_208 = arith.constant 0 : i32
    %dma_start3A_209 = tpu.memref_slice %arg5[%dma_start3A_207, %dma_start3A_208] : memref<10000x128xi32, #tpu.memory_space<hbm>> -> memref<10000x128xi32, #tpu.memory_space<hbm>>
    tpu.enqueue_indirect_dma source(%dma_start3A_209 : memref<10000x128xi32, #tpu.memory_space<hbm>>) target(%dma_start3A_203 : memref<128x128xi32, #tpu.memory_space<vmem>>) offsets(%dma_start3A_206 : memref<128xi32, #tpu.memory_space<vmem>>) semaphore(%arg19 : memref<!tpu.dma_semaphore, #tpu.memory_space<semaphore_mem>>)
    %while3A = arith.constant 0 : i32
    %while3A_210 = arith.constant 0 : i32
    %while3A_211 = arith.subi %select_n3A, %while3A_210 : i32
    %while3A_212 = arith.addi %while3A_210, %while3A_211 : i32
    %while3A_213 = arith.constant 1 : i32
    %while3A_214 = arith.divsi %while3A_211, %while3A_213 : i32
    %while3A_215 = arith.muli %while3A_214, %while3A_213 : i32
    %while3A_216 = arith.addi %while3A_210, %while3A_215 : i32
    %while3A_217 = arith.constant 1 : i32
    scf.for %while3A_230 = %while3A_210 to %while3A_216 step %while3A_217  : i32 {
      %jit3A_231 = arith.constant 2 : i32
      %eq3A = arith.constant 0 : i32
      %eq3A_232 = arith.cmpi eq, %jit3A_231, %eq3A : i32
      %jit3A_233 = arith.constant 1 : i32
      %select_n3A_234 = arith.select %eq3A_232, %jit3A_233, %jit3A_231 : i32
      %rem3A_235 = arith.remsi %while3A_230, %select_n3A_234 : i32
      %ne3A_236 = arith.constant 0 : i32
      %ne3A_237 = arith.cmpi ne, %rem3A_235, %ne3A_236 : i32
      %lt3A = arith.constant 0 : i32
      %lt3A_238 = arith.cmpi slt, %rem3A_235, %lt3A : i32
      %lt3A_239 = arith.constant 0 : i32
      %lt3A_240 = arith.cmpi slt, %select_n3A_234, %lt3A_239 : i32
      %ne3A_241 = arith.xori %lt3A_238, %lt3A_240 : i1
      %and3A_242 = arith.andi %ne3A_241, %ne3A_237 : i1
      %add3A_243 = arith.addi %rem3A_235, %select_n3A_234 : i32
      %select_n3A_244 = arith.select %and3A_242, %add3A_243, %rem3A_235 : i32
      %jit3A_245 = arith.constant 3 : i32
      %eq3A_246 = arith.constant 0 : i32
      %eq3A_247 = arith.cmpi eq, %jit3A_245, %eq3A_246 : i32
      %jit3A_248 = arith.constant 1 : i32
      %select_n3A_249 = arith.select %eq3A_247, %jit3A_248, %jit3A_245 : i32
      %rem3A_250 = arith.remsi %while3A_230, %select_n3A_249 : i32
      %ne3A_251 = arith.constant 0 : i32
      %ne3A_252 = arith.cmpi ne, %rem3A_250, %ne3A_251 : i32
      %lt3A_253 = arith.constant 0 : i32
      %lt3A_254 = arith.cmpi slt, %rem3A_250, %lt3A_253 : i32
      %lt3A_255 = arith.constant 0 : i32
      %lt3A_256 = arith.cmpi slt, %select_n3A_249, %lt3A_255 : i32
      %ne3A_257 = arith.xori %lt3A_254, %lt3A_256 : i1
      %and3A_258 = arith.andi %ne3A_257, %ne3A_252 : i1
      %add3A_259 = arith.addi %rem3A_250, %select_n3A_249 : i32
      %select_n3A_260 = arith.select %and3A_258, %add3A_259, %rem3A_250 : i32
      %mul3A_261 = arith.constant 32 : i32
      %mul3A_262 = arith.muli %mul3A_261, %while3A_230 : i32
      %add3A_263 = arith.addi %add3A, %mul3A_262 : i32
      %mul3A_264 = arith.constant 8 : i32
      %mul3A_265 = arith.muli %add3A_263, %mul3A_264 : i32
      %jit3A_266 = arith.constant 3 : i32
      %eq3A_267 = arith.constant 0 : i32
      %eq3A_268 = arith.cmpi eq, %jit3A_266, %eq3A_267 : i32
      %jit3A_269 = arith.constant 1 : i32
      %select_n3A_270 = arith.select %eq3A_268, %jit3A_269, %jit3A_266 : i32
      %rem3A_271 = arith.remsi %while3A_230, %select_n3A_270 : i32
      %ne3A_272 = arith.constant 0 : i32
      %ne3A_273 = arith.cmpi ne, %rem3A_271, %ne3A_272 : i32
      %lt3A_274 = arith.constant 0 : i32
      %lt3A_275 = arith.cmpi slt, %rem3A_271, %lt3A_274 : i32
      %lt3A_276 = arith.constant 0 : i32
      %lt3A_277 = arith.cmpi slt, %select_n3A_270, %lt3A_276 : i32
      %ne3A_278 = arith.xori %lt3A_275, %lt3A_277 : i1
      %and3A_279 = arith.andi %ne3A_278, %ne3A_273 : i1
      %add3A_280 = arith.addi %rem3A_271, %select_n3A_270 : i32
      %select_n3A_281 = arith.select %and3A_279, %add3A_280, %rem3A_271 : i32
      %jit3A_282 = arith.constant 2 : i32
      %eq3A_283 = arith.constant 0 : i32
      %eq3A_284 = arith.cmpi eq, %jit3A_282, %eq3A_283 : i32
      %jit3A_285 = arith.constant 1 : i32
      %select_n3A_286 = arith.select %eq3A_284, %jit3A_285, %jit3A_282 : i32
      %rem3A_287 = arith.remsi %while3A_230, %select_n3A_286 : i32
      %ne3A_288 = arith.constant 0 : i32
      %ne3A_289 = arith.cmpi ne, %rem3A_287, %ne3A_288 : i32
      %lt3A_290 = arith.constant 0 : i32
      %lt3A_291 = arith.cmpi slt, %rem3A_287, %lt3A_290 : i32
      %lt3A_292 = arith.constant 0 : i32
      %lt3A_293 = arith.cmpi slt, %select_n3A_286, %lt3A_292 : i32
      %ne3A_294 = arith.xori %lt3A_291, %lt3A_293 : i1
      %and3A_295 = arith.andi %ne3A_294, %ne3A_289 : i1
      %add3A_296 = arith.addi %rem3A_287, %select_n3A_286 : i32
      %select_n3A_297 = arith.select %and3A_295, %add3A_296, %rem3A_287 : i32
      %dma_wait3A_298 = arith.constant 0 : i32
      %dma_wait3A_299 = arith.constant 0 : i32
      %dma_wait3A_300 = tpu.memref_slice %arg16[%select_n3A_297, %dma_wait3A_298, %dma_wait3A_299] : memref<2x256x128xi32, #tpu.memory_space<vmem>> -> memref<1x128x128xi32, #tpu.memory_space<vmem>>
      %dma_wait3A_301 = tpu.memref_squeeze %dma_wait3A_300 : memref<1x128x128xi32, #tpu.memory_space<vmem>> -> memref<128x128xi32, #tpu.memory_space<vmem>>
      %dma_wait3A_302 = arith.constant 0 : i32
      %dma_wait3A_303 = tpu.memref_slice %arg13[%select_n3A_281, %dma_wait3A_302] : memref<3x256xi32, #tpu.memory_space<vmem>> -> memref<1x128xi32, #tpu.memory_space<vmem>>
      %dma_wait3A_304 = tpu.memref_squeeze %dma_wait3A_303 : memref<1x128xi32, #tpu.memory_space<vmem>> -> memref<128xi32, #tpu.memory_space<vmem>>
      %dma_wait3A_305 = arith.constant 0 : i32
      %dma_wait3A_306 = arith.constant 0 : i32
      %dma_wait3A_307 = tpu.memref_slice %arg5[%dma_wait3A_305, %dma_wait3A_306] : memref<10000x128xi32, #tpu.memory_space<hbm>> -> memref<10000x128xi32, #tpu.memory_space<hbm>>
      tpu.wait_indirect_dma semaphore(%arg19 : memref<!tpu.dma_semaphore, #tpu.memory_space<semaphore_mem>>) src(%dma_wait3A_307 : memref<10000x128xi32, #tpu.memory_space<hbm>>) dst(%dma_wait3A_301 : memref<128x128xi32, #tpu.memory_space<vmem>>)
      %dma_wait3A_308 = arith.constant 128 : i32
      %dma_wait3A_309 = arith.constant 0 : i32
      %dma_wait3A_310 = tpu.memref_slice %arg16[%select_n3A_297, %dma_wait3A_308, %dma_wait3A_309] : memref<2x256x128xi32, #tpu.memory_space<vmem>> -> memref<1x128x128xi32, #tpu.memory_space<vmem>>
      %dma_wait3A_311 = tpu.memref_squeeze %dma_wait3A_310 : memref<1x128x128xi32, #tpu.memory_space<vmem>> -> memref<128x128xi32, #tpu.memory_space<vmem>>
      %dma_wait3A_312 = arith.constant 128 : i32
      %dma_wait3A_313 = tpu.memref_slice %arg13[%select_n3A_281, %dma_wait3A_312] : memref<3x256xi32, #tpu.memory_space<vmem>> -> memref<1x128xi32, #tpu.memory_space<vmem>>
      %dma_wait3A_314 = tpu.memref_squeeze %dma_wait3A_313 : memref<1x128xi32, #tpu.memory_space<vmem>> -> memref<128xi32, #tpu.memory_space<vmem>>
      %dma_wait3A_315 = arith.constant 0 : i32
      %dma_wait3A_316 = arith.constant 0 : i32
      %dma_wait3A_317 = tpu.memref_slice %arg5[%dma_wait3A_315, %dma_wait3A_316] : memref<10000x128xi32, #tpu.memory_space<hbm>> -> memref<10000x128xi32, #tpu.memory_space<hbm>>
      tpu.wait_indirect_dma semaphore(%arg19 : memref<!tpu.dma_semaphore, #tpu.memory_space<semaphore_mem>>) src(%dma_wait3A_317 : memref<10000x128xi32, #tpu.memory_space<hbm>>) dst(%dma_wait3A_311 : memref<128x128xi32, #tpu.memory_space<vmem>>)
      %add3A_318 = arith.constant 1 : i32
      %add3A_319 = arith.addi %while3A_230, %add3A_318 : i32
      %lt3A_320 = arith.cmpi slt, %add3A_319, %select_n3A : i32
      %convert_element_type3A_321 = arith.extui %lt3A_320 : i1 to i32
      %cond3A_322 = arith.constant 0 : i32
      %cond3A_323 = arith.cmpi ne, %convert_element_type3A_321, %cond3A_322 : i32
      scf.if %cond3A_323 {
        %add3A_356 = arith.constant 1 : i32
        %add3A_357 = arith.addi %while3A_230, %add3A_356 : i32
        %jit3A_358 = arith.constant 3 : i32
        %eq3A_359 = arith.constant 0 : i32
        %eq3A_360 = arith.cmpi eq, %jit3A_358, %eq3A_359 : i32
        %jit3A_361 = arith.constant 1 : i32
        %select_n3A_362 = arith.select %eq3A_360, %jit3A_361, %jit3A_358 : i32
        %rem3A_363 = arith.remsi %add3A_357, %select_n3A_362 : i32
        %ne3A_364 = arith.constant 0 : i32
        %ne3A_365 = arith.cmpi ne, %rem3A_363, %ne3A_364 : i32
        %lt3A_366 = arith.constant 0 : i32
        %lt3A_367 = arith.cmpi slt, %rem3A_363, %lt3A_366 : i32
        %lt3A_368 = arith.constant 0 : i32
        %lt3A_369 = arith.cmpi slt, %select_n3A_362, %lt3A_368 : i32
        %ne3A_370 = arith.xori %lt3A_367, %lt3A_369 : i1
        %and3A_371 = arith.andi %ne3A_370, %ne3A_365 : i1
        %add3A_372 = arith.addi %rem3A_363, %select_n3A_362 : i32
        %select_n3A_373 = arith.select %and3A_371, %add3A_372, %rem3A_363 : i32
        %dma_wait3A_374 = arith.constant 0 : i32
        %dma_wait3A_375 = tpu.memref_slice %arg13[%select_n3A_373, %dma_wait3A_374] : memref<3x256xi32, #tpu.memory_space<vmem>> -> memref<1x256xi32, #tpu.memory_space<vmem>>
        %dma_wait3A_376 = tpu.memref_squeeze %dma_wait3A_375 : memref<1x256xi32, #tpu.memory_space<vmem>> -> memref<256xi32, #tpu.memory_space<vmem>>
        %dma_wait3A_377 = arith.constant 0 : i32
        %dma_wait3A_378 = tpu.memref_slice %arg2[%dma_wait3A_377] : memref<320000xi32, #tpu.memory_space<hbm>> -> memref<256xi32, #tpu.memory_space<hbm>>
        %dma_wait3A_379 = arith.constant 0 : i32
        %dma_wait3A_380 = tpu.memref_slice %arg13[%select_n3A_373, %dma_wait3A_379] : memref<3x256xi32, #tpu.memory_space<vmem>> -> memref<1x256xi32, #tpu.memory_space<vmem>>
        %dma_wait3A_381 = tpu.memref_squeeze %dma_wait3A_380 : memref<1x256xi32, #tpu.memory_space<vmem>> -> memref<256xi32, #tpu.memory_space<vmem>>
        %dma_wait3A_382 = arith.constant 0 : i32
        %dma_wait3A_383 = tpu.memref_slice %arg2[%dma_wait3A_382] : memref<320000xi32, #tpu.memory_space<hbm>> -> memref<256xi32, #tpu.memory_space<hbm>>
        tpu.wait_dma2 semaphore(%arg18 : memref<!tpu.dma_semaphore, #tpu.memory_space<semaphore_mem>>) src(%dma_wait3A_383 : memref<256xi32, #tpu.memory_space<hbm>>) dst(%dma_wait3A_381 : memref<256xi32, #tpu.memory_space<vmem>>)
        %dma_wait3A_384 = arith.constant 0 : i32
        %dma_wait3A_385 = tpu.memref_slice %arg14[%select_n3A_373, %dma_wait3A_384] : memref<3x32xf32, #tpu.memory_space<vmem>> -> memref<1x32xf32, #tpu.memory_space<vmem>>
        %dma_wait3A_386 = tpu.memref_squeeze %dma_wait3A_385 : memref<1x32xf32, #tpu.memory_space<vmem>> -> memref<32xf32, #tpu.memory_space<vmem>>
        %dma_wait3A_387 = arith.constant 0 : i32
        %dma_wait3A_388 = tpu.memref_slice %arg3[%dma_wait3A_387] : memref<40000xf32, #tpu.memory_space<hbm>> -> memref<32xf32, #tpu.memory_space<hbm>>
        %dma_wait3A_389 = arith.constant 0 : i32
        %dma_wait3A_390 = tpu.memref_slice %arg14[%select_n3A_373, %dma_wait3A_389] : memref<3x32xf32, #tpu.memory_space<vmem>> -> memref<1x32xf32, #tpu.memory_space<vmem>>
        %dma_wait3A_391 = tpu.memref_squeeze %dma_wait3A_390 : memref<1x32xf32, #tpu.memory_space<vmem>> -> memref<32xf32, #tpu.memory_space<vmem>>
        %dma_wait3A_392 = arith.constant 0 : i32
        %dma_wait3A_393 = tpu.memref_slice %arg3[%dma_wait3A_392] : memref<40000xf32, #tpu.memory_space<hbm>> -> memref<32xf32, #tpu.memory_space<hbm>>
        tpu.wait_dma2 semaphore(%arg18 : memref<!tpu.dma_semaphore, #tpu.memory_space<semaphore_mem>>) src(%dma_wait3A_393 : memref<32xf32, #tpu.memory_space<hbm>>) dst(%dma_wait3A_391 : memref<32xf32, #tpu.memory_space<vmem>>)
        %dma_wait3A_394 = arith.constant 0 : i32
        %dma_wait3A_395 = tpu.memref_slice %arg15[%select_n3A_373, %dma_wait3A_394] : memref<3x2048xf32, #tpu.memory_space<vmem>> -> memref<1x2048xf32, #tpu.memory_space<vmem>>
        %dma_wait3A_396 = tpu.memref_squeeze %dma_wait3A_395 : memref<1x2048xf32, #tpu.memory_space<vmem>> -> memref<2048xf32, #tpu.memory_space<vmem>>
        %dma_wait3A_397 = arith.constant 0 : i32
        %dma_wait3A_398 = tpu.memref_slice %arg8[%dma_wait3A_397] : memref<2560000xf32, #tpu.memory_space<hbm>> -> memref<2048xf32, #tpu.memory_space<hbm>>
        %dma_wait3A_399 = arith.constant 0 : i32
        %dma_wait3A_400 = tpu.memref_slice %arg15[%select_n3A_373, %dma_wait3A_399] : memref<3x2048xf32, #tpu.memory_space<vmem>> -> memref<1x2048xf32, #tpu.memory_space<vmem>>
        %dma_wait3A_401 = tpu.memref_squeeze %dma_wait3A_400 : memref<1x2048xf32, #tpu.memory_space<vmem>> -> memref<2048xf32, #tpu.memory_space<vmem>>
        %dma_wait3A_402 = arith.constant 0 : i32
        %dma_wait3A_403 = tpu.memref_slice %arg8[%dma_wait3A_402] : memref<2560000xf32, #tpu.memory_space<hbm>> -> memref<2048xf32, #tpu.memory_space<hbm>>
        tpu.wait_dma2 semaphore(%arg18 : memref<!tpu.dma_semaphore, #tpu.memory_space<semaphore_mem>>) src(%dma_wait3A_403 : memref<2048xf32, #tpu.memory_space<hbm>>) dst(%dma_wait3A_401 : memref<2048xf32, #tpu.memory_space<vmem>>)
      } else {
      }
      %add3A_324 = arith.constant 2 : i32
      %add3A_325 = arith.addi %while3A_230, %add3A_324 : i32
      %lt3A_326 = arith.cmpi slt, %add3A_325, %select_n3A : i32
      %convert_element_type3A_327 = arith.extui %lt3A_326 : i1 to i32
      %cond3A_328 = arith.constant 0 : i32
      %cond3A_329 = arith.cmpi ne, %convert_element_type3A_327, %cond3A_328 : i32
      scf.if %cond3A_329 {
        %add3A_356 = arith.constant 2 : i32
        %add3A_357 = arith.addi %while3A_230, %add3A_356 : i32
        %jit3A_358 = arith.constant 3 : i32
        %eq3A_359 = arith.constant 0 : i32
        %eq3A_360 = arith.cmpi eq, %jit3A_358, %eq3A_359 : i32
        %jit3A_361 = arith.constant 1 : i32
        %select_n3A_362 = arith.select %eq3A_360, %jit3A_361, %jit3A_358 : i32
        %rem3A_363 = arith.remsi %add3A_357, %select_n3A_362 : i32
        %ne3A_364 = arith.constant 0 : i32
        %ne3A_365 = arith.cmpi ne, %rem3A_363, %ne3A_364 : i32
        %lt3A_366 = arith.constant 0 : i32
        %lt3A_367 = arith.cmpi slt, %rem3A_363, %lt3A_366 : i32
        %lt3A_368 = arith.constant 0 : i32
        %lt3A_369 = arith.cmpi slt, %select_n3A_362, %lt3A_368 : i32
        %ne3A_370 = arith.xori %lt3A_367, %lt3A_369 : i1
        %and3A_371 = arith.andi %ne3A_370, %ne3A_365 : i1
        %add3A_372 = arith.addi %rem3A_363, %select_n3A_362 : i32
        %select_n3A_373 = arith.select %and3A_371, %add3A_372, %rem3A_363 : i32
        %mul3A_374 = arith.constant 32 : i32
        %mul3A_375 = arith.muli %mul3A_374, %add3A_357 : i32
        %add3A_376 = arith.addi %add3A, %mul3A_375 : i32
        %mul3A_377 = arith.constant 8 : i32
        %mul3A_378 = arith.muli %add3A_376, %mul3A_377 : i32
        %mul3A_379 = arith.constant 32 : i32
        %mul3A_380 = arith.muli %mul3A_378, %mul3A_379 : i32
        %dma_start3A_381 = arith.constant 0 : i32
        %dma_start3A_382 = tpu.memref_slice %arg13[%select_n3A_373, %dma_start3A_381] : memref<3x256xi32, #tpu.memory_space<vmem>> -> memref<1x256xi32, #tpu.memory_space<vmem>>
        %dma_start3A_383 = tpu.memref_squeeze %dma_start3A_382 : memref<1x256xi32, #tpu.memory_space<vmem>> -> memref<256xi32, #tpu.memory_space<vmem>>
        %dma_start3A_384 = tpu.memref_slice %arg2[%mul3A_380] : memref<320000xi32, #tpu.memory_space<hbm>> -> memref<256xi32, #tpu.memory_space<hbm>>
        %dma_start3A_385 = arith.constant 0 : i32
        %dma_start3A_386 = tpu.memref_slice %arg13[%select_n3A_373, %dma_start3A_385] : memref<3x256xi32, #tpu.memory_space<vmem>> -> memref<1x256xi32, #tpu.memory_space<vmem>>
        %dma_start3A_387 = tpu.memref_squeeze %dma_start3A_386 : memref<1x256xi32, #tpu.memory_space<vmem>> -> memref<256xi32, #tpu.memory_space<vmem>>
        %dma_start3A_388 = tpu.memref_slice %arg2[%mul3A_380] : memref<320000xi32, #tpu.memory_space<hbm>> -> memref<256xi32, #tpu.memory_space<hbm>>
        tpu.enqueue_dma source(%dma_start3A_388 : memref<256xi32, #tpu.memory_space<hbm>>) target(%dma_start3A_387 : memref<256xi32, #tpu.memory_space<vmem>>) target_semaphore(%arg18 : memref<!tpu.dma_semaphore, #tpu.memory_space<semaphore_mem>>)
        %mul3A_389 = arith.constant 4 : i32
        %mul3A_390 = arith.muli %mul3A_378, %mul3A_389 : i32
        %dma_start3A_391 = arith.constant 0 : i32
        %dma_start3A_392 = tpu.memref_slice %arg14[%select_n3A_373, %dma_start3A_391] : memref<3x32xf32, #tpu.memory_space<vmem>> -> memref<1x32xf32, #tpu.memory_space<vmem>>
        %dma_start3A_393 = tpu.memref_squeeze %dma_start3A_392 : memref<1x32xf32, #tpu.memory_space<vmem>> -> memref<32xf32, #tpu.memory_space<vmem>>
        %dma_start3A_394 = tpu.memref_slice %arg3[%mul3A_390] : memref<40000xf32, #tpu.memory_space<hbm>> -> memref<32xf32, #tpu.memory_space<hbm>>
        %dma_start3A_395 = arith.constant 0 : i32
        %dma_start3A_396 = tpu.memref_slice %arg14[%select_n3A_373, %dma_start3A_395] : memref<3x32xf32, #tpu.memory_space<vmem>> -> memref<1x32xf32, #tpu.memory_space<vmem>>
        %dma_start3A_397 = tpu.memref_squeeze %dma_start3A_396 : memref<1x32xf32, #tpu.memory_space<vmem>> -> memref<32xf32, #tpu.memory_space<vmem>>
        %dma_start3A_398 = tpu.memref_slice %arg3[%mul3A_390] : memref<40000xf32, #tpu.memory_space<hbm>> -> memref<32xf32, #tpu.memory_space<hbm>>
        tpu.enqueue_dma source(%dma_start3A_398 : memref<32xf32, #tpu.memory_space<hbm>>) target(%dma_start3A_397 : memref<32xf32, #tpu.memory_space<vmem>>) target_semaphore(%arg18 : memref<!tpu.dma_semaphore, #tpu.memory_space<semaphore_mem>>)
        %mul3A_399 = arith.constant 256 : i32
        %mul3A_400 = arith.muli %mul3A_378, %mul3A_399 : i32
        %dma_start3A_401 = arith.constant 0 : i32
        %dma_start3A_402 = tpu.memref_slice %arg15[%select_n3A_373, %dma_start3A_401] : memref<3x2048xf32, #tpu.memory_space<vmem>> -> memref<1x2048xf32, #tpu.memory_space<vmem>>
        %dma_start3A_403 = tpu.memref_squeeze %dma_start3A_402 : memref<1x2048xf32, #tpu.memory_space<vmem>> -> memref<2048xf32, #tpu.memory_space<vmem>>
        %dma_start3A_404 = tpu.memref_slice %arg8[%mul3A_400] : memref<2560000xf32, #tpu.memory_space<hbm>> -> memref<2048xf32, #tpu.memory_space<hbm>>
        %dma_start3A_405 = arith.constant 0 : i32
        %dma_start3A_406 = tpu.memref_slice %arg15[%select_n3A_373, %dma_start3A_405] : memref<3x2048xf32, #tpu.memory_space<vmem>> -> memref<1x2048xf32, #tpu.memory_space<vmem>>
        %dma_start3A_407 = tpu.memref_squeeze %dma_start3A_406 : memref<1x2048xf32, #tpu.memory_space<vmem>> -> memref<2048xf32, #tpu.memory_space<vmem>>
        %dma_start3A_408 = tpu.memref_slice %arg8[%mul3A_400] : memref<2560000xf32, #tpu.memory_space<hbm>> -> memref<2048xf32, #tpu.memory_space<hbm>>
        tpu.enqueue_dma source(%dma_start3A_408 : memref<2048xf32, #tpu.memory_space<hbm>>) target(%dma_start3A_407 : memref<2048xf32, #tpu.memory_space<vmem>>) target_semaphore(%arg18 : memref<!tpu.dma_semaphore, #tpu.memory_space<semaphore_mem>>)
      } else {
      }
      %add3A_330 = arith.constant 1 : i32
      %add3A_331 = arith.addi %while3A_230, %add3A_330 : i32
      %lt3A_332 = arith.cmpi slt, %add3A_331, %select_n3A : i32
      %convert_element_type3A_333 = arith.extui %lt3A_332 : i1 to i32
      %cond3A_334 = arith.constant 0 : i32
      %cond3A_335 = arith.cmpi ne, %convert_element_type3A_333, %cond3A_334 : i32
      scf.if %cond3A_335 {
        %add3A_356 = arith.constant 1 : i32
        %add3A_357 = arith.addi %while3A_230, %add3A_356 : i32
        %jit3A_358 = arith.constant 3 : i32
        %eq3A_359 = arith.constant 0 : i32
        %eq3A_360 = arith.cmpi eq, %jit3A_358, %eq3A_359 : i32
        %jit3A_361 = arith.constant 1 : i32
        %select_n3A_362 = arith.select %eq3A_360, %jit3A_361, %jit3A_358 : i32
        %rem3A_363 = arith.remsi %add3A_357, %select_n3A_362 : i32
        %ne3A_364 = arith.constant 0 : i32
        %ne3A_365 = arith.cmpi ne, %rem3A_363, %ne3A_364 : i32
        %lt3A_366 = arith.constant 0 : i32
        %lt3A_367 = arith.cmpi slt, %rem3A_363, %lt3A_366 : i32
        %lt3A_368 = arith.constant 0 : i32
        %lt3A_369 = arith.cmpi slt, %select_n3A_362, %lt3A_368 : i32
        %ne3A_370 = arith.xori %lt3A_367, %lt3A_369 : i1
        %and3A_371 = arith.andi %ne3A_370, %ne3A_365 : i1
        %add3A_372 = arith.addi %rem3A_363, %select_n3A_362 : i32
        %select_n3A_373 = arith.select %and3A_371, %add3A_372, %rem3A_363 : i32
        %jit3A_374 = arith.constant 2 : i32
        %eq3A_375 = arith.constant 0 : i32
        %eq3A_376 = arith.cmpi eq, %jit3A_374, %eq3A_375 : i32
        %jit3A_377 = arith.constant 1 : i32
        %select_n3A_378 = arith.select %eq3A_376, %jit3A_377, %jit3A_374 : i32
        %rem3A_379 = arith.remsi %add3A_357, %select_n3A_378 : i32
        %ne3A_380 = arith.constant 0 : i32
        %ne3A_381 = arith.cmpi ne, %rem3A_379, %ne3A_380 : i32
        %lt3A_382 = arith.constant 0 : i32
        %lt3A_383 = arith.cmpi slt, %rem3A_379, %lt3A_382 : i32
        %lt3A_384 = arith.constant 0 : i32
        %lt3A_385 = arith.cmpi slt, %select_n3A_378, %lt3A_384 : i32
        %ne3A_386 = arith.xori %lt3A_383, %lt3A_385 : i1
        %and3A_387 = arith.andi %ne3A_386, %ne3A_381 : i1
        %add3A_388 = arith.addi %rem3A_379, %select_n3A_378 : i32
        %select_n3A_389 = arith.select %and3A_387, %add3A_388, %rem3A_379 : i32
        %dma_start3A_390 = arith.constant 0 : i32
        %dma_start3A_391 = arith.constant 0 : i32
        %dma_start3A_392 = tpu.memref_slice %arg16[%select_n3A_389, %dma_start3A_390, %dma_start3A_391] : memref<2x256x128xi32, #tpu.memory_space<vmem>> -> memref<1x128x128xi32, #tpu.memory_space<vmem>>
        %dma_start3A_393 = tpu.memref_squeeze %dma_start3A_392 : memref<1x128x128xi32, #tpu.memory_space<vmem>> -> memref<128x128xi32, #tpu.memory_space<vmem>>
        %dma_start3A_394 = arith.constant 0 : i32
        %dma_start3A_395 = tpu.memref_slice %arg13[%select_n3A_373, %dma_start3A_394] : memref<3x256xi32, #tpu.memory_space<vmem>> -> memref<1x128xi32, #tpu.memory_space<vmem>>
        %dma_start3A_396 = tpu.memref_squeeze %dma_start3A_395 : memref<1x128xi32, #tpu.memory_space<vmem>> -> memref<128xi32, #tpu.memory_space<vmem>>
        %dma_start3A_397 = arith.constant 0 : i32
        %dma_start3A_398 = arith.constant 0 : i32
        %dma_start3A_399 = tpu.memref_slice %arg5[%dma_start3A_397, %dma_start3A_398] : memref<10000x128xi32, #tpu.memory_space<hbm>> -> memref<10000x128xi32, #tpu.memory_space<hbm>>
        tpu.enqueue_indirect_dma source(%dma_start3A_399 : memref<10000x128xi32, #tpu.memory_space<hbm>>) target(%dma_start3A_393 : memref<128x128xi32, #tpu.memory_space<vmem>>) offsets(%dma_start3A_396 : memref<128xi32, #tpu.memory_space<vmem>>) semaphore(%arg19 : memref<!tpu.dma_semaphore, #tpu.memory_space<semaphore_mem>>)
        %dma_start3A_400 = arith.constant 128 : i32
        %dma_start3A_401 = arith.constant 0 : i32
        %dma_start3A_402 = tpu.memref_slice %arg16[%select_n3A_389, %dma_start3A_400, %dma_start3A_401] : memref<2x256x128xi32, #tpu.memory_space<vmem>> -> memref<1x128x128xi32, #tpu.memory_space<vmem>>
        %dma_start3A_403 = tpu.memref_squeeze %dma_start3A_402 : memref<1x128x128xi32, #tpu.memory_space<vmem>> -> memref<128x128xi32, #tpu.memory_space<vmem>>
        %dma_start3A_404 = arith.constant 128 : i32
        %dma_start3A_405 = tpu.memref_slice %arg13[%select_n3A_373, %dma_start3A_404] : memref<3x256xi32, #tpu.memory_space<vmem>> -> memref<1x128xi32, #tpu.memory_space<vmem>>
        %dma_start3A_406 = tpu.memref_squeeze %dma_start3A_405 : memref<1x128xi32, #tpu.memory_space<vmem>> -> memref<128xi32, #tpu.memory_space<vmem>>
        %dma_start3A_407 = arith.constant 0 : i32
        %dma_start3A_408 = arith.constant 0 : i32
        %dma_start3A_409 = tpu.memref_slice %arg5[%dma_start3A_407, %dma_start3A_408] : memref<10000x128xi32, #tpu.memory_space<hbm>> -> memref<10000x128xi32, #tpu.memory_space<hbm>>
        tpu.enqueue_indirect_dma source(%dma_start3A_409 : memref<10000x128xi32, #tpu.memory_space<hbm>>) target(%dma_start3A_403 : memref<128x128xi32, #tpu.memory_space<vmem>>) offsets(%dma_start3A_406 : memref<128xi32, #tpu.memory_space<vmem>>) semaphore(%arg19 : memref<!tpu.dma_semaphore, #tpu.memory_space<semaphore_mem>>)
      } else {
      }
      %gt3A_336 = arith.constant 0 : i32
      %gt3A_337 = arith.cmpi sgt, %while3A_230, %gt3A_336 : i32
      %convert_element_type3A_338 = arith.extui %gt3A_337 : i1 to i32
      %cond3A_339 = arith.constant 0 : i32
      %cond3A_340 = arith.cmpi ne, %convert_element_type3A_338, %cond3A_339 : i32
      scf.if %cond3A_340 {
        %sub3A_356 = arith.constant 1 : i32
        %sub3A_357 = arith.subi %while3A_230, %sub3A_356 : i32
        %mul3A_358 = arith.constant 32 : i32
        %mul3A_359 = arith.muli %mul3A_358, %sub3A_357 : i32
        %add3A_360 = arith.addi %add3A, %mul3A_359 : i32
        %mul3A_361 = arith.constant 8 : i32
        %mul3A_362 = arith.muli %add3A_360, %mul3A_361 : i32
        %dma_wait3A_363 = arith.constant 0 : i32
        %dma_wait3A_364 = tpu.memref_slice %arg9[%mul3A_362, %dma_wait3A_363] : memref<10000x128xf32, #tpu.memory_space<hbm>> -> memref<8x128xf32, #tpu.memory_space<hbm>>
        %dma_wait3A_365 = arith.constant 0 : i32
        %dma_wait3A_366 = tpu.memref_slice %arg9[%mul3A_362, %dma_wait3A_365] : memref<10000x128xf32, #tpu.memory_space<hbm>> -> memref<8x128xf32, #tpu.memory_space<hbm>>
        tpu.wait_dma2 semaphore(%arg20 : memref<!tpu.dma_semaphore, #tpu.memory_space<semaphore_mem>>) src(%arg17 : memref<8x128xf32, #tpu.memory_space<vmem>>) dst(%dma_wait3A_366 : memref<8x128xf32, #tpu.memory_space<hbm>>)
      } else {
      }
      %get3A_341 = arith.index_cast %select_n3A_260 : i32 to index
      %get3A_342 = arith.constant 0 : index
      %get3A_343 = tpu.vector_load %arg14[%get3A_341, %get3A_342] {strides = array<i32>} : memref<3x32xf32, #tpu.memory_space<vmem>>, vector<16xf32>,
      %get3A_344 = arith.index_cast %select_n3A_260 : i32 to index
      %get3A_345 = arith.constant 16 : index
      %get3A_346 = tpu.vector_load %arg14[%get3A_344, %get3A_345] {strides = array<i32>} : memref<3x32xf32, #tpu.memory_space<vmem>>, vector<16xf32>,
      %scan3A = arith.constant 0 : i32
      %scan3A_347 = arith.constant 0 : i32
      %scan3A_348 = arith.constant 8 : i32
      %scan3A_349 = arith.addi %scan3A_347, %scan3A_348 : i32
      %scan3A_350 = arith.constant 1 : i32
      scf.for %scan3A_356 = %scan3A_347 to %scan3A_349 step %scan3A_350  : i32 {
        %lt3A_357 = arith.constant 4 : i32
        %lt3A_358 = arith.cmpi slt, %scan3A_356, %lt3A_357 : i32
        %select_n3A_359 = arith.select %lt3A_358, %get3A_343, %get3A_346 : vector<16xf32>
        %jit3A_360 = arith.constant 4 : i32
        %eq3A_361 = arith.constant 0 : i32
        %eq3A_362 = arith.cmpi eq, %jit3A_360, %eq3A_361 : i32
        %jit3A_363 = arith.constant 1 : i32
        %select_n3A_364 = arith.select %eq3A_362, %jit3A_363, %jit3A_360 : i32
        %rem3A_365 = arith.remsi %scan3A_356, %select_n3A_364 : i32
        %ne3A_366 = arith.constant 0 : i32
        %ne3A_367 = arith.cmpi ne, %rem3A_365, %ne3A_366 : i32
        %lt3A_368 = arith.constant 0 : i32
        %lt3A_369 = arith.cmpi slt, %rem3A_365, %lt3A_368 : i32
        %lt3A_370 = arith.constant 0 : i32
        %lt3A_371 = arith.cmpi slt, %select_n3A_364, %lt3A_370 : i32
        %ne3A_372 = arith.xori %lt3A_369, %lt3A_371 : i1
        %and3A_373 = arith.andi %ne3A_372, %ne3A_367 : i1
        %add3A_374 = arith.addi %rem3A_365, %select_n3A_364 : i32
        %select_n3A_375 = arith.select %and3A_373, %add3A_374, %rem3A_365 : i32
        %mul3A_376 = arith.constant 4 : i32
        %mul3A_377 = arith.muli %select_n3A_375, %mul3A_376 : i32
        %broadcast_in_dim3A = arith.constant 0 : i32
        %broadcast_in_dim3A_378 = vector.broadcast %broadcast_in_dim3A : i32 to vector<16xi32>
        %add3A_379 = vector.broadcast %mul3A_377 : i32 to vector<16xi32>
        %add3A_380 = arith.addi %broadcast_in_dim3A_378, %add3A_379 : vector<16xi32>
        %lt3A_381 = arith.constant 0 : i32
        %lt3A_382 = vector.broadcast %lt3A_381 : i32 to vector<16xi32>
        %lt3A_383 = arith.cmpi slt, %add3A_380, %lt3A_382 : vector<16xi32>
        %add3A_384 = arith.constant 16 : i32
        %add3A_385 = vector.broadcast %add3A_384 : i32 to vector<16xi32>
        %add3A_386 = arith.addi %add3A_380, %add3A_385 : vector<16xi32>
        %select_n3A_387 = arith.select %lt3A_383, %add3A_386, %add3A_380 : vector<16xi1>, vector<16xi32>
        %broadcast_in_dim3A_388 = vector.shape_cast %select_n3A_387 : vector<16xi32> to vector<16x1xi32>
        %gather3A = vector.shape_cast %broadcast_in_dim3A_388 : vector<16x1xi32> to vector<16xi32>
        %gather3A_389 = tpu.dynamic_gather %select_n3A_359[%gather3A] in [0] : vector<16xf32>, vector<16xi32> -> vector<16xf32>
        %add3A_390 = arith.constant 1 : i32
        %add3A_391 = arith.addi %mul3A_377, %add3A_390 : i32
        %broadcast_in_dim3A_392 = arith.constant 0 : i32
        %broadcast_in_dim3A_393 = vector.broadcast %broadcast_in_dim3A_392 : i32 to vector<16xi32>
        %add3A_394 = vector.broadcast %add3A_391 : i32 to vector<16xi32>
        %add3A_395 = arith.addi %broadcast_in_dim3A_393, %add3A_394 : vector<16xi32>
        %lt3A_396 = arith.constant 0 : i32
        %lt3A_397 = vector.broadcast %lt3A_396 : i32 to vector<16xi32>
        %lt3A_398 = arith.cmpi slt, %add3A_395, %lt3A_397 : vector<16xi32>
        %add3A_399 = arith.constant 16 : i32
        %add3A_400 = vector.broadcast %add3A_399 : i32 to vector<16xi32>
        %add3A_401 = arith.addi %add3A_395, %add3A_400 : vector<16xi32>
        %select_n3A_402 = arith.select %lt3A_398, %add3A_401, %add3A_395 : vector<16xi1>, vector<16xi32>
        %broadcast_in_dim3A_403 = vector.shape_cast %select_n3A_402 : vector<16xi32> to vector<16x1xi32>
        %gather3A_404 = vector.shape_cast %broadcast_in_dim3A_403 : vector<16x1xi32> to vector<16xi32>
        %gather3A_405 = tpu.dynamic_gather %select_n3A_359[%gather3A_404] in [0] : vector<16xf32>, vector<16xi32> -> vector<16xf32>
        %add3A_406 = arith.constant 2 : i32
        %add3A_407 = arith.addi %mul3A_377, %add3A_406 : i32
        %broadcast_in_dim3A_408 = arith.constant 0 : i32
        %broadcast_in_dim3A_409 = vector.broadcast %broadcast_in_dim3A_408 : i32 to vector<16xi32>
        %add3A_410 = vector.broadcast %add3A_407 : i32 to vector<16xi32>
        %add3A_411 = arith.addi %broadcast_in_dim3A_409, %add3A_410 : vector<16xi32>
        %lt3A_412 = arith.constant 0 : i32
        %lt3A_413 = vector.broadcast %lt3A_412 : i32 to vector<16xi32>
        %lt3A_414 = arith.cmpi slt, %add3A_411, %lt3A_413 : vector<16xi32>
        %add3A_415 = arith.constant 16 : i32
        %add3A_416 = vector.broadcast %add3A_415 : i32 to vector<16xi32>
        %add3A_417 = arith.addi %add3A_411, %add3A_416 : vector<16xi32>
        %select_n3A_418 = arith.select %lt3A_414, %add3A_417, %add3A_411 : vector<16xi1>, vector<16xi32>
        %broadcast_in_dim3A_419 = vector.shape_cast %select_n3A_418 : vector<16xi32> to vector<16x1xi32>
        %gather3A_420 = vector.shape_cast %broadcast_in_dim3A_419 : vector<16x1xi32> to vector<16xi32>
        %gather3A_421 = tpu.dynamic_gather %select_n3A_359[%gather3A_420] in [0] : vector<16xf32>, vector<16xi32> -> vector<16xf32>
        %broadcast_in_dim3A_422 = arith.constant 0.000000e+00 : f32
        %broadcast_in_dim3A_423 = vector.broadcast %broadcast_in_dim3A_422 : f32 to vector<16xf32>
        %broadcast_in_dim3A_424 = arith.constant 0.000000e+00 : f32
        %broadcast_in_dim3A_425 = vector.broadcast %broadcast_in_dim3A_424 : f32 to vector<16xf32>
        %broadcast_in_dim3A_426 = arith.constant 0.000000e+00 : f32
        %broadcast_in_dim3A_427 = vector.broadcast %broadcast_in_dim3A_426 : f32 to vector<16xf32>
        %broadcast_in_dim3A_428 = arith.constant 0.000000e+00 : f32
        %broadcast_in_dim3A_429 = vector.broadcast %broadcast_in_dim3A_428 : f32 to vector<16xf32>
        %broadcast_in_dim3A_430 = arith.constant 0.000000e+00 : f32
        %broadcast_in_dim3A_431 = vector.broadcast %broadcast_in_dim3A_430 : f32 to vector<16xf32>
        %broadcast_in_dim3A_432 = arith.constant 0.000000e+00 : f32
        %broadcast_in_dim3A_433 = vector.broadcast %broadcast_in_dim3A_432 : f32 to vector<16xf32>
        %broadcast_in_dim3A_434 = arith.constant 0.000000e+00 : f32
        %broadcast_in_dim3A_435 = vector.broadcast %broadcast_in_dim3A_434 : f32 to vector<16xf32>
        %broadcast_in_dim3A_436 = arith.constant 0.000000e+00 : f32
        %broadcast_in_dim3A_437 = vector.broadcast %broadcast_in_dim3A_436 : f32 to vector<16xf32>
        %scan3A_438 = arith.constant 0 : i32
        %scan3A_439 = arith.constant 2 : i32
        %scan3A_440 = arith.addi %scan3A_438, %scan3A_439 : i32
        %scan3A_441 = arith.constant 1 : i32
        %scan3A_442:8 = scf.for %scan3A_467 = %scan3A_438 to %scan3A_440 step %scan3A_441 iter_args(%scan3A_468 = %broadcast_in_dim3A_423, %scan3A_469 = %broadcast_in_dim3A_425, %scan3A_470 = %broadcast_in_dim3A_427, %scan3A_471 = %broadcast_in_dim3A_429, %scan3A_472 = %broadcast_in_dim3A_431, %scan3A_473 = %broadcast_in_dim3A_433, %scan3A_474 = %broadcast_in_dim3A_435, %scan3A_475 = %broadcast_in_dim3A_437) -> (vector<16xf32>, vector<16xf32>, vector<16xf32>, vector<16xf32>, vector<16xf32>, vector<16xf32>, vector<16xf32>, vector<16xf32>)  : i32 {
          %mul3A_476 = arith.constant 32 : i32
          %mul3A_477 = arith.muli %scan3A_356, %mul3A_476 : i32
          %mul3A_478 = arith.constant 16 : i32
          %mul3A_479 = arith.muli %scan3A_467, %mul3A_478 : i32
          %add3A_480 = arith.addi %mul3A_477, %mul3A_479 : i32
          %get3A_481 = arith.index_cast %select_n3A_260 : i32 to index
          %get3A_482 = arith.index_cast %add3A_480 : i32 to index
          %get3A_483 = tpu.vector_load %arg13[%get3A_481, %get3A_482] {strides = array<i32>} : memref<3x256xi32, #tpu.memory_space<vmem>>, vector<16xi32>,
          %gather3A_484 = tpu.vector_load_idx %arg10[%get3A_483] : memref<30000xf32, #tpu.memory_space<vmem>>[vector<16xi32>], vector<16xf32>,
          %add3A_485 = arith.constant 10000 : i32
          %add3A_486 = vector.broadcast %add3A_485 : i32 to vector<16xi32>
          %add3A_487 = arith.addi %get3A_483, %add3A_486 : vector<16xi32>
          %gather3A_488 = tpu.vector_load_idx %arg10[%add3A_487] : memref<30000xf32, #tpu.memory_space<vmem>>[vector<16xi32>], vector<16xf32>,
          %add3A_489 = arith.constant 20000 : i32
          %add3A_490 = vector.broadcast %add3A_489 : i32 to vector<16xi32>
          %add3A_491 = arith.addi %get3A_483, %add3A_490 : vector<16xi32>
          %gather3A_492 = tpu.vector_load_idx %arg10[%add3A_491] : memref<30000xf32, #tpu.memory_space<vmem>>[vector<16xi32>], vector<16xf32>,
          %sub3A_493 = arith.subf %gather3A_484, %gather3A_389 : vector<16xf32>
          %sub3A_494 = arith.subf %gather3A_488, %gather3A_405 : vector<16xf32>
          %sub3A_495 = arith.subf %gather3A_492, %gather3A_421 : vector<16xf32>
          %broadcast_in_dim3A_496 = arith.constant 1.000000e+30 : f32
          %broadcast_in_dim3A_497 = vector.broadcast %broadcast_in_dim3A_496 : f32 to vector<16xf32>
          %broadcast_in_dim3A_498 = arith.constant 0 : i32
          %broadcast_in_dim3A_499 = vector.broadcast %broadcast_in_dim3A_498 : i32 to vector<16xi32>
          %sub3A_500 = vector.broadcast %squeeze3A : f32 to vector<16xf32>
          %sub3A_501 = arith.subf %sub3A_493, %sub3A_500 : vector<16xf32>
          %sub3A_502 = vector.broadcast %squeeze3A_35 : f32 to vector<16xf32>
          %sub3A_503 = arith.subf %sub3A_494, %sub3A_502 : vector<16xf32>
          %sub3A_504 = vector.broadcast %squeeze3A_65 : f32 to vector<16xf32>
          %sub3A_505 = arith.subf %sub3A_495, %sub3A_504 : vector<16xf32>
          %mul3A_506 = arith.mulf %sub3A_501, %sub3A_501 : vector<16xf32>
          %mul3A_507 = arith.mulf %sub3A_503, %sub3A_503 : vector<16xf32>
          %add3A_508 = arith.addf %mul3A_506, %mul3A_507 : vector<16xf32>
          %mul3A_509 = arith.mulf %sub3A_505, %sub3A_505 : vector<16xf32>
          %add3A_510 = arith.addf %add3A_508, %mul3A_509 : vector<16xf32>
          %lt3A_511 = arith.cmpf olt, %add3A_510, %broadcast_in_dim3A_497 : vector<16xf32>
          %select_n3A_512 = arith.select %lt3A_511, %add3A_510, %broadcast_in_dim3A_497 : vector<16xi1>, vector<16xf32>
          %jit3A_513 = arith.constant 0 : i32
          %broadcast_in_dim3A_514 = vector.broadcast %jit3A_513 : i32 to vector<16xi32>
          %select_n3A_515 = arith.select %lt3A_511, %broadcast_in_dim3A_514, %broadcast_in_dim3A_499 : vector<16xi1>, vector<16xi32>
          %sub3A_516 = vector.broadcast %squeeze3A_7 : f32 to vector<16xf32>
          %sub3A_517 = arith.subf %sub3A_493, %sub3A_516 : vector<16xf32>
          %sub3A_518 = vector.broadcast %squeeze3A_37 : f32 to vector<16xf32>
          %sub3A_519 = arith.subf %sub3A_494, %sub3A_518 : vector<16xf32>
          %sub3A_520 = vector.broadcast %squeeze3A_67 : f32 to vector<16xf32>
          %sub3A_521 = arith.subf %sub3A_495, %sub3A_520 : vector<16xf32>
          %mul3A_522 = arith.mulf %sub3A_517, %sub3A_517 : vector<16xf32>
          %mul3A_523 = arith.mulf %sub3A_519, %sub3A_519 : vector<16xf32>
          %add3A_524 = arith.addf %mul3A_522, %mul3A_523 : vector<16xf32>
          %mul3A_525 = arith.mulf %sub3A_521, %sub3A_521 : vector<16xf32>
          %add3A_526 = arith.addf %add3A_524, %mul3A_525 : vector<16xf32>
          %lt3A_527 = arith.cmpf olt, %add3A_526, %select_n3A_512 : vector<16xf32>
          %select_n3A_528 = arith.select %lt3A_527, %add3A_526, %select_n3A_512 : vector<16xi1>, vector<16xf32>
          %jit3A_529 = arith.constant 1 : i32
          %broadcast_in_dim3A_530 = vector.broadcast %jit3A_529 : i32 to vector<16xi32>
          %select_n3A_531 = arith.select %lt3A_527, %broadcast_in_dim3A_530, %select_n3A_515 : vector<16xi1>, vector<16xi32>
          %sub3A_532 = vector.broadcast %squeeze3A_9 : f32 to vector<16xf32>
          %sub3A_533 = arith.subf %sub3A_493, %sub3A_532 : vector<16xf32>
          %sub3A_534 = vector.broadcast %squeeze3A_39 : f32 to vector<16xf32>
          %sub3A_535 = arith.subf %sub3A_494, %sub3A_534 : vector<16xf32>
          %sub3A_536 = vector.broadcast %squeeze3A_69 : f32 to vector<16xf32>
          %sub3A_537 = arith.subf %sub3A_495, %sub3A_536 : vector<16xf32>
          %mul3A_538 = arith.mulf %sub3A_533, %sub3A_533 : vector<16xf32>
          %mul3A_539 = arith.mulf %sub3A_535, %sub3A_535 : vector<16xf32>
          %add3A_540 = arith.addf %mul3A_538, %mul3A_539 : vector<16xf32>
          %mul3A_541 = arith.mulf %sub3A_537, %sub3A_537 : vector<16xf32>
          %add3A_542 = arith.addf %add3A_540, %mul3A_541 : vector<16xf32>
          %lt3A_543 = arith.cmpf olt, %add3A_542, %select_n3A_528 : vector<16xf32>
          %select_n3A_544 = arith.select %lt3A_543, %add3A_542, %select_n3A_528 : vector<16xi1>, vector<16xf32>
          %jit3A_545 = arith.constant 2 : i32
          %broadcast_in_dim3A_546 = vector.broadcast %jit3A_545 : i32 to vector<16xi32>
          %select_n3A_547 = arith.select %lt3A_543, %broadcast_in_dim3A_546, %select_n3A_531 : vector<16xi1>, vector<16xi32>
          %sub3A_548 = vector.broadcast %squeeze3A_11 : f32 to vector<16xf32>
          %sub3A_549 = arith.subf %sub3A_493, %sub3A_548 : vector<16xf32>
          %sub3A_550 = vector.broadcast %squeeze3A_41 : f32 to vector<16xf32>
          %sub3A_551 = arith.subf %sub3A_494, %sub3A_550 : vector<16xf32>
          %sub3A_552 = vector.broadcast %squeeze3A_71 : f32 to vector<16xf32>
          %sub3A_553 = arith.subf %sub3A_495, %sub3A_552 : vector<16xf32>
          %mul3A_554 = arith.mulf %sub3A_549, %sub3A_549 : vector<16xf32>
          %mul3A_555 = arith.mulf %sub3A_551, %sub3A_551 : vector<16xf32>
          %add3A_556 = arith.addf %mul3A_554, %mul3A_555 : vector<16xf32>
          %mul3A_557 = arith.mulf %sub3A_553, %sub3A_553 : vector<16xf32>
          %add3A_558 = arith.addf %add3A_556, %mul3A_557 : vector<16xf32>
          %lt3A_559 = arith.cmpf olt, %add3A_558, %select_n3A_544 : vector<16xf32>
          %select_n3A_560 = arith.select %lt3A_559, %add3A_558, %select_n3A_544 : vector<16xi1>, vector<16xf32>
          %jit3A_561 = arith.constant 3 : i32
          %broadcast_in_dim3A_562 = vector.broadcast %jit3A_561 : i32 to vector<16xi32>
          %select_n3A_563 = arith.select %lt3A_559, %broadcast_in_dim3A_562, %select_n3A_547 : vector<16xi1>, vector<16xi32>
          %sub3A_564 = vector.broadcast %squeeze3A_13 : f32 to vector<16xf32>
          %sub3A_565 = arith.subf %sub3A_493, %sub3A_564 : vector<16xf32>
          %sub3A_566 = vector.broadcast %squeeze3A_43 : f32 to vector<16xf32>
          %sub3A_567 = arith.subf %sub3A_494, %sub3A_566 : vector<16xf32>
          %sub3A_568 = vector.broadcast %squeeze3A_73 : f32 to vector<16xf32>
          %sub3A_569 = arith.subf %sub3A_495, %sub3A_568 : vector<16xf32>
          %mul3A_570 = arith.mulf %sub3A_565, %sub3A_565 : vector<16xf32>
          %mul3A_571 = arith.mulf %sub3A_567, %sub3A_567 : vector<16xf32>
          %add3A_572 = arith.addf %mul3A_570, %mul3A_571 : vector<16xf32>
          %mul3A_573 = arith.mulf %sub3A_569, %sub3A_569 : vector<16xf32>
          %add3A_574 = arith.addf %add3A_572, %mul3A_573 : vector<16xf32>
          %lt3A_575 = arith.cmpf olt, %add3A_574, %select_n3A_560 : vector<16xf32>
          %select_n3A_576 = arith.select %lt3A_575, %add3A_574, %select_n3A_560 : vector<16xi1>, vector<16xf32>
          %jit3A_577 = arith.constant 4 : i32
          %broadcast_in_dim3A_578 = vector.broadcast %jit3A_577 : i32 to vector<16xi32>
          %select_n3A_579 = arith.select %lt3A_575, %broadcast_in_dim3A_578, %select_n3A_563 : vector<16xi1>, vector<16xi32>
          %sub3A_580 = vector.broadcast %squeeze3A_15 : f32 to vector<16xf32>
          %sub3A_581 = arith.subf %sub3A_493, %sub3A_580 : vector<16xf32>
          %sub3A_582 = vector.broadcast %squeeze3A_45 : f32 to vector<16xf32>
          %sub3A_583 = arith.subf %sub3A_494, %sub3A_582 : vector<16xf32>
          %sub3A_584 = vector.broadcast %squeeze3A_75 : f32 to vector<16xf32>
          %sub3A_585 = arith.subf %sub3A_495, %sub3A_584 : vector<16xf32>
          %mul3A_586 = arith.mulf %sub3A_581, %sub3A_581 : vector<16xf32>
          %mul3A_587 = arith.mulf %sub3A_583, %sub3A_583 : vector<16xf32>
          %add3A_588 = arith.addf %mul3A_586, %mul3A_587 : vector<16xf32>
          %mul3A_589 = arith.mulf %sub3A_585, %sub3A_585 : vector<16xf32>
          %add3A_590 = arith.addf %add3A_588, %mul3A_589 : vector<16xf32>
          %lt3A_591 = arith.cmpf olt, %add3A_590, %select_n3A_576 : vector<16xf32>
          %select_n3A_592 = arith.select %lt3A_591, %add3A_590, %select_n3A_576 : vector<16xi1>, vector<16xf32>
          %jit3A_593 = arith.constant 5 : i32
          %broadcast_in_dim3A_594 = vector.broadcast %jit3A_593 : i32 to vector<16xi32>
          %select_n3A_595 = arith.select %lt3A_591, %broadcast_in_dim3A_594, %select_n3A_579 : vector<16xi1>, vector<16xi32>
          %sub3A_596 = vector.broadcast %squeeze3A_17 : f32 to vector<16xf32>
          %sub3A_597 = arith.subf %sub3A_493, %sub3A_596 : vector<16xf32>
          %sub3A_598 = vector.broadcast %squeeze3A_47 : f32 to vector<16xf32>
          %sub3A_599 = arith.subf %sub3A_494, %sub3A_598 : vector<16xf32>
          %sub3A_600 = vector.broadcast %squeeze3A_77 : f32 to vector<16xf32>
          %sub3A_601 = arith.subf %sub3A_495, %sub3A_600 : vector<16xf32>
          %mul3A_602 = arith.mulf %sub3A_597, %sub3A_597 : vector<16xf32>
          %mul3A_603 = arith.mulf %sub3A_599, %sub3A_599 : vector<16xf32>
          %add3A_604 = arith.addf %mul3A_602, %mul3A_603 : vector<16xf32>
          %mul3A_605 = arith.mulf %sub3A_601, %sub3A_601 : vector<16xf32>
          %add3A_606 = arith.addf %add3A_604, %mul3A_605 : vector<16xf32>
          %lt3A_607 = arith.cmpf olt, %add3A_606, %select_n3A_592 : vector<16xf32>
          %select_n3A_608 = arith.select %lt3A_607, %add3A_606, %select_n3A_592 : vector<16xi1>, vector<16xf32>
          %jit3A_609 = arith.constant 6 : i32
          %broadcast_in_dim3A_610 = vector.broadcast %jit3A_609 : i32 to vector<16xi32>
          %select_n3A_611 = arith.select %lt3A_607, %broadcast_in_dim3A_610, %select_n3A_595 : vector<16xi1>, vector<16xi32>
          %sub3A_612 = vector.broadcast %squeeze3A_19 : f32 to vector<16xf32>
          %sub3A_613 = arith.subf %sub3A_493, %sub3A_612 : vector<16xf32>
          %sub3A_614 = vector.broadcast %squeeze3A_49 : f32 to vector<16xf32>
          %sub3A_615 = arith.subf %sub3A_494, %sub3A_614 : vector<16xf32>
          %sub3A_616 = vector.broadcast %squeeze3A_79 : f32 to vector<16xf32>
          %sub3A_617 = arith.subf %sub3A_495, %sub3A_616 : vector<16xf32>
          %mul3A_618 = arith.mulf %sub3A_613, %sub3A_613 : vector<16xf32>
          %mul3A_619 = arith.mulf %sub3A_615, %sub3A_615 : vector<16xf32>
          %add3A_620 = arith.addf %mul3A_618, %mul3A_619 : vector<16xf32>
          %mul3A_621 = arith.mulf %sub3A_617, %sub3A_617 : vector<16xf32>
          %add3A_622 = arith.addf %add3A_620, %mul3A_621 : vector<16xf32>
          %lt3A_623 = arith.cmpf olt, %add3A_622, %select_n3A_608 : vector<16xf32>
          %select_n3A_624 = arith.select %lt3A_623, %add3A_622, %select_n3A_608 : vector<16xi1>, vector<16xf32>
          %jit3A_625 = arith.constant 7 : i32
          %broadcast_in_dim3A_626 = vector.broadcast %jit3A_625 : i32 to vector<16xi32>
          %select_n3A_627 = arith.select %lt3A_623, %broadcast_in_dim3A_626, %select_n3A_611 : vector<16xi1>, vector<16xi32>
          %sub3A_628 = vector.broadcast %squeeze3A_21 : f32 to vector<16xf32>
          %sub3A_629 = arith.subf %sub3A_493, %sub3A_628 : vector<16xf32>
          %sub3A_630 = vector.broadcast %squeeze3A_51 : f32 to vector<16xf32>
          %sub3A_631 = arith.subf %sub3A_494, %sub3A_630 : vector<16xf32>
          %sub3A_632 = vector.broadcast %squeeze3A_81 : f32 to vector<16xf32>
          %sub3A_633 = arith.subf %sub3A_495, %sub3A_632 : vector<16xf32>
          %mul3A_634 = arith.mulf %sub3A_629, %sub3A_629 : vector<16xf32>
          %mul3A_635 = arith.mulf %sub3A_631, %sub3A_631 : vector<16xf32>
          %add3A_636 = arith.addf %mul3A_634, %mul3A_635 : vector<16xf32>
          %mul3A_637 = arith.mulf %sub3A_633, %sub3A_633 : vector<16xf32>
          %add3A_638 = arith.addf %add3A_636, %mul3A_637 : vector<16xf32>
          %lt3A_639 = arith.cmpf olt, %add3A_638, %select_n3A_624 : vector<16xf32>
          %select_n3A_640 = arith.select %lt3A_639, %add3A_638, %select_n3A_624 : vector<16xi1>, vector<16xf32>
          %jit3A_641 = arith.constant 8 : i32
          %broadcast_in_dim3A_642 = vector.broadcast %jit3A_641 : i32 to vector<16xi32>
          %select_n3A_643 = arith.select %lt3A_639, %broadcast_in_dim3A_642, %select_n3A_627 : vector<16xi1>, vector<16xi32>
          %sub3A_644 = vector.broadcast %squeeze3A_23 : f32 to vector<16xf32>
          %sub3A_645 = arith.subf %sub3A_493, %sub3A_644 : vector<16xf32>
          %sub3A_646 = vector.broadcast %squeeze3A_53 : f32 to vector<16xf32>
          %sub3A_647 = arith.subf %sub3A_494, %sub3A_646 : vector<16xf32>
          %sub3A_648 = vector.broadcast %squeeze3A_83 : f32 to vector<16xf32>
          %sub3A_649 = arith.subf %sub3A_495, %sub3A_648 : vector<16xf32>
          %mul3A_650 = arith.mulf %sub3A_645, %sub3A_645 : vector<16xf32>
          %mul3A_651 = arith.mulf %sub3A_647, %sub3A_647 : vector<16xf32>
          %add3A_652 = arith.addf %mul3A_650, %mul3A_651 : vector<16xf32>
          %mul3A_653 = arith.mulf %sub3A_649, %sub3A_649 : vector<16xf32>
          %add3A_654 = arith.addf %add3A_652, %mul3A_653 : vector<16xf32>
          %lt3A_655 = arith.cmpf olt, %add3A_654, %select_n3A_640 : vector<16xf32>
          %select_n3A_656 = arith.select %lt3A_655, %add3A_654, %select_n3A_640 : vector<16xi1>, vector<16xf32>
          %jit3A_657 = arith.constant 9 : i32
          %broadcast_in_dim3A_658 = vector.broadcast %jit3A_657 : i32 to vector<16xi32>
          %select_n3A_659 = arith.select %lt3A_655, %broadcast_in_dim3A_658, %select_n3A_643 : vector<16xi1>, vector<16xi32>
          %sub3A_660 = vector.broadcast %squeeze3A_25 : f32 to vector<16xf32>
          %sub3A_661 = arith.subf %sub3A_493, %sub3A_660 : vector<16xf32>
          %sub3A_662 = vector.broadcast %squeeze3A_55 : f32 to vector<16xf32>
          %sub3A_663 = arith.subf %sub3A_494, %sub3A_662 : vector<16xf32>
          %sub3A_664 = vector.broadcast %squeeze3A_85 : f32 to vector<16xf32>
          %sub3A_665 = arith.subf %sub3A_495, %sub3A_664 : vector<16xf32>
          %mul3A_666 = arith.mulf %sub3A_661, %sub3A_661 : vector<16xf32>
          %mul3A_667 = arith.mulf %sub3A_663, %sub3A_663 : vector<16xf32>
          %add3A_668 = arith.addf %mul3A_666, %mul3A_667 : vector<16xf32>
          %mul3A_669 = arith.mulf %sub3A_665, %sub3A_665 : vector<16xf32>
          %add3A_670 = arith.addf %add3A_668, %mul3A_669 : vector<16xf32>
          %lt3A_671 = arith.cmpf olt, %add3A_670, %select_n3A_656 : vector<16xf32>
          %select_n3A_672 = arith.select %lt3A_671, %add3A_670, %select_n3A_656 : vector<16xi1>, vector<16xf32>
          %jit3A_673 = arith.constant 10 : i32
          %broadcast_in_dim3A_674 = vector.broadcast %jit3A_673 : i32 to vector<16xi32>
          %select_n3A_675 = arith.select %lt3A_671, %broadcast_in_dim3A_674, %select_n3A_659 : vector<16xi1>, vector<16xi32>
          %sub3A_676 = vector.broadcast %squeeze3A_27 : f32 to vector<16xf32>
          %sub3A_677 = arith.subf %sub3A_493, %sub3A_676 : vector<16xf32>
          %sub3A_678 = vector.broadcast %squeeze3A_57 : f32 to vector<16xf32>
          %sub3A_679 = arith.subf %sub3A_494, %sub3A_678 : vector<16xf32>
          %sub3A_680 = vector.broadcast %squeeze3A_87 : f32 to vector<16xf32>
          %sub3A_681 = arith.subf %sub3A_495, %sub3A_680 : vector<16xf32>
          %mul3A_682 = arith.mulf %sub3A_677, %sub3A_677 : vector<16xf32>
          %mul3A_683 = arith.mulf %sub3A_679, %sub3A_679 : vector<16xf32>
          %add3A_684 = arith.addf %mul3A_682, %mul3A_683 : vector<16xf32>
          %mul3A_685 = arith.mulf %sub3A_681, %sub3A_681 : vector<16xf32>
          %add3A_686 = arith.addf %add3A_684, %mul3A_685 : vector<16xf32>
          %lt3A_687 = arith.cmpf olt, %add3A_686, %select_n3A_672 : vector<16xf32>
          %select_n3A_688 = arith.select %lt3A_687, %add3A_686, %select_n3A_672 : vector<16xi1>, vector<16xf32>
          %jit3A_689 = arith.constant 11 : i32
          %broadcast_in_dim3A_690 = vector.broadcast %jit3A_689 : i32 to vector<16xi32>
          %select_n3A_691 = arith.select %lt3A_687, %broadcast_in_dim3A_690, %select_n3A_675 : vector<16xi1>, vector<16xi32>
          %sub3A_692 = vector.broadcast %squeeze3A_29 : f32 to vector<16xf32>
          %sub3A_693 = arith.subf %sub3A_493, %sub3A_692 : vector<16xf32>
          %sub3A_694 = vector.broadcast %squeeze3A_59 : f32 to vector<16xf32>
          %sub3A_695 = arith.subf %sub3A_494, %sub3A_694 : vector<16xf32>
          %sub3A_696 = vector.broadcast %squeeze3A_89 : f32 to vector<16xf32>
          %sub3A_697 = arith.subf %sub3A_495, %sub3A_696 : vector<16xf32>
          %mul3A_698 = arith.mulf %sub3A_693, %sub3A_693 : vector<16xf32>
          %mul3A_699 = arith.mulf %sub3A_695, %sub3A_695 : vector<16xf32>
          %add3A_700 = arith.addf %mul3A_698, %mul3A_699 : vector<16xf32>
          %mul3A_701 = arith.mulf %sub3A_697, %sub3A_697 : vector<16xf32>
          %add3A_702 = arith.addf %add3A_700, %mul3A_701 : vector<16xf32>
          %lt3A_703 = arith.cmpf olt, %add3A_702, %select_n3A_688 : vector<16xf32>
          %select_n3A_704 = arith.select %lt3A_703, %add3A_702, %select_n3A_688 : vector<16xi1>, vector<16xf32>
          %jit3A_705 = arith.constant 12 : i32
          %broadcast_in_dim3A_706 = vector.broadcast %jit3A_705 : i32 to vector<16xi32>
          %select_n3A_707 = arith.select %lt3A_703, %broadcast_in_dim3A_706, %select_n3A_691 : vector<16xi1>, vector<16xi32>
          %sub3A_708 = vector.broadcast %squeeze3A_31 : f32 to vector<16xf32>
          %sub3A_709 = arith.subf %sub3A_493, %sub3A_708 : vector<16xf32>
          %sub3A_710 = vector.broadcast %squeeze3A_61 : f32 to vector<16xf32>
          %sub3A_711 = arith.subf %sub3A_494, %sub3A_710 : vector<16xf32>
          %sub3A_712 = vector.broadcast %squeeze3A_91 : f32 to vector<16xf32>
          %sub3A_713 = arith.subf %sub3A_495, %sub3A_712 : vector<16xf32>
          %mul3A_714 = arith.mulf %sub3A_709, %sub3A_709 : vector<16xf32>
          %mul3A_715 = arith.mulf %sub3A_711, %sub3A_711 : vector<16xf32>
          %add3A_716 = arith.addf %mul3A_714, %mul3A_715 : vector<16xf32>
          %mul3A_717 = arith.mulf %sub3A_713, %sub3A_713 : vector<16xf32>
          %add3A_718 = arith.addf %add3A_716, %mul3A_717 : vector<16xf32>
          %lt3A_719 = arith.cmpf olt, %add3A_718, %select_n3A_704 : vector<16xf32>
          %select_n3A_720 = arith.select %lt3A_719, %add3A_718, %select_n3A_704 : vector<16xi1>, vector<16xf32>
          %jit3A_721 = arith.constant 13 : i32
          %broadcast_in_dim3A_722 = vector.broadcast %jit3A_721 : i32 to vector<16xi32>
          %select_n3A_723 = arith.select %lt3A_719, %broadcast_in_dim3A_722, %select_n3A_707 : vector<16xi1>, vector<16xi32>
          %sub3A_724 = vector.broadcast %squeeze3A_33 : f32 to vector<16xf32>
          %sub3A_725 = arith.subf %sub3A_493, %sub3A_724 : vector<16xf32>
          %sub3A_726 = vector.broadcast %squeeze3A_63 : f32 to vector<16xf32>
          %sub3A_727 = arith.subf %sub3A_494, %sub3A_726 : vector<16xf32>
          %sub3A_728 = vector.broadcast %squeeze3A_93 : f32 to vector<16xf32>
          %sub3A_729 = arith.subf %sub3A_495, %sub3A_728 : vector<16xf32>
          %mul3A_730 = arith.mulf %sub3A_725, %sub3A_725 : vector<16xf32>
          %mul3A_731 = arith.mulf %sub3A_727, %sub3A_727 : vector<16xf32>
          %add3A_732 = arith.addf %mul3A_730, %mul3A_731 : vector<16xf32>
          %mul3A_733 = arith.mulf %sub3A_729, %sub3A_729 : vector<16xf32>
          %add3A_734 = arith.addf %add3A_732, %mul3A_733 : vector<16xf32>
          %lt3A_735 = arith.cmpf olt, %add3A_734, %select_n3A_720 : vector<16xf32>
          %select_n3A_736 = arith.select %lt3A_735, %add3A_734, %select_n3A_720 : vector<16xi1>, vector<16xf32>
          %jit3A_737 = arith.constant 14 : i32
          %broadcast_in_dim3A_738 = vector.broadcast %jit3A_737 : i32 to vector<16xi32>
          %select_n3A_739 = arith.select %lt3A_735, %broadcast_in_dim3A_738, %select_n3A_723 : vector<16xi1>, vector<16xi32>
          %max3A = arith.constant 1.000000e-24 : f32
          %max3A_740 = vector.broadcast %max3A : f32 to vector<16xf32>
          %max3A_741 = arith.maximumf %select_n3A_736, %max3A_740 : vector<16xf32>
          %bitcast3A = vector.bitcast %max3A_741 : vector<16xf32> to vector<16xi32>
          %shift_right_arithmetic3A = arith.constant 1 : i32
          %shift_right_arithmetic3A_742 = vector.broadcast %shift_right_arithmetic3A : i32 to vector<16xi32>
          %shift_right_arithmetic3A_743 = arith.shrsi %bitcast3A, %shift_right_arithmetic3A_742 : vector<16xi32>
          %sub3A_744 = arith.constant 1597463007 : i32
          %sub3A_745 = vector.broadcast %sub3A_744 : i32 to vector<16xi32>
          %sub3A_746 = arith.subi %sub3A_745, %shift_right_arithmetic3A_743 : vector<16xi32>
          %bitcast3A_747 = vector.bitcast %sub3A_746 : vector<16xi32> to vector<16xf32>
          %mul3A_748 = arith.constant 5.000000e-01 : f32
          %mul3A_749 = vector.broadcast %mul3A_748 : f32 to vector<16xf32>
          %mul3A_750 = arith.mulf %mul3A_749, %max3A_741 : vector<16xf32>
          %mul3A_751 = arith.mulf %mul3A_750, %bitcast3A_747 : vector<16xf32>
          %mul3A_752 = arith.mulf %mul3A_751, %bitcast3A_747 : vector<16xf32>
          %sub3A_753 = arith.constant 1.500000e+00 : f32
          %sub3A_754 = vector.broadcast %sub3A_753 : f32 to vector<16xf32>
          %sub3A_755 = arith.subf %sub3A_754, %mul3A_752 : vector<16xf32>
          %mul3A_756 = arith.mulf %bitcast3A_747, %sub3A_755 : vector<16xf32>
          %mul3A_757 = arith.constant 5.000000e-01 : f32
          %mul3A_758 = vector.broadcast %mul3A_757 : f32 to vector<16xf32>
          %mul3A_759 = arith.mulf %mul3A_758, %max3A_741 : vector<16xf32>
          %mul3A_760 = arith.mulf %mul3A_759, %mul3A_756 : vector<16xf32>
          %mul3A_761 = arith.mulf %mul3A_760, %mul3A_756 : vector<16xf32>
          %sub3A_762 = arith.constant 1.500000e+00 : f32
          %sub3A_763 = vector.broadcast %sub3A_762 : f32 to vector<16xf32>
          %sub3A_764 = arith.subf %sub3A_763, %mul3A_761 : vector<16xf32>
          %mul3A_765 = arith.mulf %mul3A_756, %sub3A_764 : vector<16xf32>
          %mul3A_766 = arith.constant 5.000000e-01 : f32
          %mul3A_767 = vector.broadcast %mul3A_766 : f32 to vector<16xf32>
          %mul3A_768 = arith.mulf %mul3A_767, %max3A_741 : vector<16xf32>
          %mul3A_769 = arith.mulf %mul3A_768, %mul3A_765 : vector<16xf32>
          %mul3A_770 = arith.mulf %mul3A_769, %mul3A_765 : vector<16xf32>
          %sub3A_771 = arith.constant 1.500000e+00 : f32
          %sub3A_772 = vector.broadcast %sub3A_771 : f32 to vector<16xf32>
          %sub3A_773 = arith.subf %sub3A_772, %mul3A_770 : vector<16xf32>
          %mul3A_774 = arith.mulf %mul3A_765, %sub3A_773 : vector<16xf32>
          %mul3A_775 = arith.mulf %max3A_741, %mul3A_774 : vector<16xf32>
          %mul3A_776 = arith.constant 5.000000e-01 : f32
          %mul3A_777 = vector.broadcast %mul3A_776 : f32 to vector<16xf32>
          %mul3A_778 = arith.mulf %mul3A_775, %mul3A_777 : vector<16xf32>
          %sub3A_779 = arith.constant 1.000000e+00 : f32
          %sub3A_780 = vector.broadcast %sub3A_779 : f32 to vector<16xf32>
          %sub3A_781 = arith.subf %sub3A_780, %mul3A_778 : vector<16xf32>
          %max3A_782 = arith.constant 0.000000e+00 : f32
          %max3A_783 = vector.broadcast %max3A_782 : f32 to vector<16xf32>
          %max3A_784 = arith.maximumf %sub3A_781, %max3A_783 : vector<16xf32>
          %slice3A_785 = vector.extract_strided_slice %select_n3A_739 {offsets = [0], sizes = [1], strides = [1]} : vector<16xi32> to vector<1xi32>
          %squeeze3A_786 = vector.extract %slice3A_785[0] : i32 from vector<1xi32>
          %slice3A_787 = vector.extract_strided_slice %max3A_784 {offsets = [0], sizes = [1], strides = [1]} : vector<16xf32> to vector<1xf32>
          %squeeze3A_788 = vector.extract %slice3A_787[0] : f32 from vector<1xf32>
          %mul3A_789 = arith.constant 256 : i32
          %mul3A_790 = arith.muli %scan3A_356, %mul3A_789 : i32
          %mul3A_791 = arith.constant 16 : i32
          %mul3A_792 = arith.muli %squeeze3A_786, %mul3A_791 : i32
          %add3A_793 = arith.addi %mul3A_790, %mul3A_792 : i32
          %get3A_794 = arith.index_cast %select_n3A_260 : i32 to index
          %get3A_795 = arith.index_cast %add3A_793 : i32 to index
          %get3A_796 = tpu.vector_load %arg15[%get3A_794, %get3A_795] {strides = array<i32>} : memref<3x2048xf32, #tpu.memory_space<vmem>>, vector<16xf32>,
          %mul3A_797 = vector.broadcast %squeeze3A_788 : f32 to vector<16xf32>
          %mul3A_798 = arith.mulf %get3A_796, %mul3A_797 : vector<16xf32>
          %add3A_799 = arith.constant 0 : i32
          %add3A_800 = arith.addi %add3A_480, %add3A_799 : i32
          %get3A_801 = arith.index_cast %select_n3A_244 : i32 to index
          %get3A_802 = arith.index_cast %add3A_800 : i32 to index
          %get3A_803 = arith.constant 0 : index
          %get3A_804 = tpu.vector_load %arg16[%get3A_801, %get3A_802, %get3A_803] {strides = array<i32>} : memref<2x256x128xi32, #tpu.memory_space<vmem>>, vector<16xi32>,
          %bitcast3A_805 = vector.bitcast %get3A_804 : vector<16xi32> to vector<32xbf16>
          %mul3A_806 = arith.constant 64 : i32
          %mul3A_807 = arith.muli %squeeze3A_786, %mul3A_806 : i32
          %add3A_808 = arith.constant 0 : i32
          %add3A_809 = arith.addi %mul3A_807, %add3A_808 : i32
          %get3A_810 = arith.index_cast %add3A_809 : i32 to index
          %get3A_811 = tpu.vector_load %arg11[%get3A_810] {strides = array<i32>} : memref<960xi32, #tpu.memory_space<vmem>>, vector<16xi32>,
          %bitcast3A_812 = vector.bitcast %get3A_811 : vector<16xi32> to vector<32xbf16>
          %mul3A_813 = arith.mulf %bitcast3A_805, %bitcast3A_812 : vector<32xbf16>
          %unpack3A = tpu.unpack_subelements %mul3A_813, 0 {pack_format = #tpu.pack_format<interleaved>} : vector<32xbf16> -> vector<16xf32>
          %unpack3A_814 = tpu.unpack_subelements %mul3A_813, 1 {pack_format = #tpu.pack_format<interleaved>} : vector<32xbf16> -> vector<16xf32>
          %mul3A_815 = arith.mulf %unpack3A, %mul3A_798 : vector<16xf32>
          %add3A_816 = arith.addf %scan3A_468, %mul3A_815 : vector<16xf32>
          %mul3A_817 = arith.mulf %unpack3A_814, %mul3A_798 : vector<16xf32>
          %add3A_818 = arith.addf %scan3A_469, %mul3A_817 : vector<16xf32>
          %get3A_819 = arith.index_cast %select_n3A_244 : i32 to index
          %get3A_820 = arith.index_cast %add3A_800 : i32 to index
          %get3A_821 = arith.constant 16 : index
          %get3A_822 = tpu.vector_load %arg16[%get3A_819, %get3A_820, %get3A_821] {strides = array<i32>} : memref<2x256x128xi32, #tpu.memory_space<vmem>>, vector<16xi32>,
          %bitcast3A_823 = vector.bitcast %get3A_822 : vector<16xi32> to vector<32xbf16>
          %mul3A_824 = arith.constant 64 : i32
          %mul3A_825 = arith.muli %squeeze3A_786, %mul3A_824 : i32
          %add3A_826 = arith.constant 16 : i32
          %add3A_827 = arith.addi %mul3A_825, %add3A_826 : i32
          %get3A_828 = arith.index_cast %add3A_827 : i32 to index
          %get3A_829 = tpu.vector_load %arg11[%get3A_828] {strides = array<i32>} : memref<960xi32, #tpu.memory_space<vmem>>, vector<16xi32>,
          %bitcast3A_830 = vector.bitcast %get3A_829 : vector<16xi32> to vector<32xbf16>
          %mul3A_831 = arith.mulf %bitcast3A_823, %bitcast3A_830 : vector<32xbf16>
          %unpack3A_832 = tpu.unpack_subelements %mul3A_831, 0 {pack_format = #tpu.pack_format<interleaved>} : vector<32xbf16> -> vector<16xf32>
          %unpack3A_833 = tpu.unpack_subelements %mul3A_831, 1 {pack_format = #tpu.pack_format<interleaved>} : vector<32xbf16> -> vector<16xf32>
          %mul3A_834 = arith.mulf %unpack3A_832, %mul3A_798 : vector<16xf32>
          %add3A_835 = arith.addf %scan3A_470, %mul3A_834 : vector<16xf32>
          %mul3A_836 = arith.mulf %unpack3A_833, %mul3A_798 : vector<16xf32>
          %add3A_837 = arith.addf %scan3A_471, %mul3A_836 : vector<16xf32>
          %get3A_838 = arith.index_cast %select_n3A_244 : i32 to index
          %get3A_839 = arith.index_cast %add3A_800 : i32 to index
          %get3A_840 = arith.constant 32 : index
          %get3A_841 = tpu.vector_load %arg16[%get3A_838, %get3A_839, %get3A_840] {strides = array<i32>} : memref<2x256x128xi32, #tpu.memory_space<vmem>>, vector<16xi32>,
          %bitcast3A_842 = vector.bitcast %get3A_841 : vector<16xi32> to vector<32xbf16>
          %mul3A_843 = arith.constant 64 : i32
          %mul3A_844 = arith.muli %squeeze3A_786, %mul3A_843 : i32
          %add3A_845 = arith.constant 32 : i32
          %add3A_846 = arith.addi %mul3A_844, %add3A_845 : i32
          %get3A_847 = arith.index_cast %add3A_846 : i32 to index
          %get3A_848 = tpu.vector_load %arg11[%get3A_847] {strides = array<i32>} : memref<960xi32, #tpu.memory_space<vmem>>, vector<16xi32>,
          %bitcast3A_849 = vector.bitcast %get3A_848 : vector<16xi32> to vector<32xbf16>
          %mul3A_850 = arith.mulf %bitcast3A_842, %bitcast3A_849 : vector<32xbf16>
          %unpack3A_851 = tpu.unpack_subelements %mul3A_850, 0 {pack_format = #tpu.pack_format<interleaved>} : vector<32xbf16> -> vector<16xf32>
          %unpack3A_852 = tpu.unpack_subelements %mul3A_850, 1 {pack_format = #tpu.pack_format<interleaved>} : vector<32xbf16> -> vector<16xf32>
          %mul3A_853 = arith.mulf %unpack3A_851, %mul3A_798 : vector<16xf32>
          %add3A_854 = arith.addf %scan3A_472, %mul3A_853 : vector<16xf32>
          %mul3A_855 = arith.mulf %unpack3A_852, %mul3A_798 : vector<16xf32>
          %add3A_856 = arith.addf %scan3A_473, %mul3A_855 : vector<16xf32>
          %get3A_857 = arith.index_cast %select_n3A_244 : i32 to index
          %get3A_858 = arith.index_cast %add3A_800 : i32 to index
          %get3A_859 = arith.constant 48 : index
          %get3A_860 = tpu.vector_load %arg16[%get3A_857, %get3A_858, %get3A_859] {strides = array<i32>} : memref<2x256x128xi32, #tpu.memory_space<vmem>>, vector<16xi32>,
          %bitcast3A_861 = vector.bitcast %get3A_860 : vector<16xi32> to vector<32xbf16>
          %mul3A_862 = arith.constant 64 : i32
          %mul3A_863 = arith.muli %squeeze3A_786, %mul3A_862 : i32
          %add3A_864 = arith.constant 48 : i32
          %add3A_865 = arith.addi %mul3A_863, %add3A_864 : i32
          %get3A_866 = arith.index_cast %add3A_865 : i32 to index
          %get3A_867 = tpu.vector_load %arg11[%get3A_866] {strides = array<i32>} : memref<960xi32, #tpu.memory_space<vmem>>, vector<16xi32>,
          %bitcast3A_868 = vector.bitcast %get3A_867 : vector<16xi32> to vector<32xbf16>
          %mul3A_869 = arith.mulf %bitcast3A_861, %bitcast3A_868 : vector<32xbf16>
          %unpack3A_870 = tpu.unpack_subelements %mul3A_869, 0 {pack_format = #tpu.pack_format<interleaved>} : vector<32xbf16> -> vector<16xf32>
          %unpack3A_871 = tpu.unpack_subelements %mul3A_869, 1 {pack_format = #tpu.pack_format<interleaved>} : vector<32xbf16> -> vector<16xf32>
          %mul3A_872 = arith.mulf %unpack3A_870, %mul3A_798 : vector<16xf32>
          %add3A_873 = arith.addf %scan3A_474, %mul3A_872 : vector<16xf32>
          %mul3A_874 = arith.mulf %unpack3A_871, %mul3A_798 : vector<16xf32>
          %add3A_875 = arith.addf %scan3A_475, %mul3A_874 : vector<16xf32>
          %slice3A_876 = vector.extract_strided_slice %select_n3A_739 {offsets = [1], sizes = [1], strides = [1]} : vector<16xi32> to vector<1xi32>
          %squeeze3A_877 = vector.extract %slice3A_876[0] : i32 from vector<1xi32>
          %slice3A_878 = vector.extract_strided_slice %max3A_784 {offsets = [1], sizes = [1], strides = [1]} : vector<16xf32> to vector<1xf32>
          %squeeze3A_879 = vector.extract %slice3A_878[0] : f32 from vector<1xf32>
          %mul3A_880 = arith.constant 256 : i32
          %mul3A_881 = arith.muli %scan3A_356, %mul3A_880 : i32
          %mul3A_882 = arith.constant 16 : i32
          %mul3A_883 = arith.muli %squeeze3A_877, %mul3A_882 : i32
          %add3A_884 = arith.addi %mul3A_881, %mul3A_883 : i32
          %get3A_885 = arith.index_cast %select_n3A_260 : i32 to index
          %get3A_886 = arith.index_cast %add3A_884 : i32 to index
          %get3A_887 = tpu.vector_load %arg15[%get3A_885, %get3A_886] {strides = array<i32>} : memref<3x2048xf32, #tpu.memory_space<vmem>>, vector<16xf32>,
          %mul3A_888 = vector.broadcast %squeeze3A_879 : f32 to vector<16xf32>
          %mul3A_889 = arith.mulf %get3A_887, %mul3A_888 : vector<16xf32>
          %add3A_890 = arith.constant 1 : i32
          %add3A_891 = arith.addi %add3A_480, %add3A_890 : i32
          %get3A_892 = arith.index_cast %select_n3A_244 : i32 to index
          %get3A_893 = arith.index_cast %add3A_891 : i32 to index
          %get3A_894 = arith.constant 0 : index
          %get3A_895 = tpu.vector_load %arg16[%get3A_892, %get3A_893, %get3A_894] {strides = array<i32>} : memref<2x256x128xi32, #tpu.memory_space<vmem>>, vector<16xi32>,
          %bitcast3A_896 = vector.bitcast %get3A_895 : vector<16xi32> to vector<32xbf16>
          %mul3A_897 = arith.constant 64 : i32
          %mul3A_898 = arith.muli %squeeze3A_877, %mul3A_897 : i32
          %add3A_899 = arith.constant 0 : i32
          %add3A_900 = arith.addi %mul3A_898, %add3A_899 : i32
          %get3A_901 = arith.index_cast %add3A_900 : i32 to index
          %get3A_902 = tpu.vector_load %arg11[%get3A_901] {strides = array<i32>} : memref<960xi32, #tpu.memory_space<vmem>>, vector<16xi32>,
          %bitcast3A_903 = vector.bitcast %get3A_902 : vector<16xi32> to vector<32xbf16>
          %mul3A_904 = arith.mulf %bitcast3A_896, %bitcast3A_903 : vector<32xbf16>
          %unpack3A_905 = tpu.unpack_subelements %mul3A_904, 0 {pack_format = #tpu.pack_format<interleaved>} : vector<32xbf16> -> vector<16xf32>
          %unpack3A_906 = tpu.unpack_subelements %mul3A_904, 1 {pack_format = #tpu.pack_format<interleaved>} : vector<32xbf16> -> vector<16xf32>
          %mul3A_907 = arith.mulf %unpack3A_905, %mul3A_889 : vector<16xf32>
          %add3A_908 = arith.addf %add3A_816, %mul3A_907 : vector<16xf32>
          %mul3A_909 = arith.mulf %unpack3A_906, %mul3A_889 : vector<16xf32>
          %add3A_910 = arith.addf %add3A_818, %mul3A_909 : vector<16xf32>
          %get3A_911 = arith.index_cast %select_n3A_244 : i32 to index
          %get3A_912 = arith.index_cast %add3A_891 : i32 to index
          %get3A_913 = arith.constant 16 : index
          %get3A_914 = tpu.vector_load %arg16[%get3A_911, %get3A_912, %get3A_913] {strides = array<i32>} : memref<2x256x128xi32, #tpu.memory_space<vmem>>, vector<16xi32>,
          %bitcast3A_915 = vector.bitcast %get3A_914 : vector<16xi32> to vector<32xbf16>
          %mul3A_916 = arith.constant 64 : i32
          %mul3A_917 = arith.muli %squeeze3A_877, %mul3A_916 : i32
          %add3A_918 = arith.constant 16 : i32
          %add3A_919 = arith.addi %mul3A_917, %add3A_918 : i32
          %get3A_920 = arith.index_cast %add3A_919 : i32 to index
          %get3A_921 = tpu.vector_load %arg11[%get3A_920] {strides = array<i32>} : memref<960xi32, #tpu.memory_space<vmem>>, vector<16xi32>,
          %bitcast3A_922 = vector.bitcast %get3A_921 : vector<16xi32> to vector<32xbf16>
          %mul3A_923 = arith.mulf %bitcast3A_915, %bitcast3A_922 : vector<32xbf16>
          %unpack3A_924 = tpu.unpack_subelements %mul3A_923, 0 {pack_format = #tpu.pack_format<interleaved>} : vector<32xbf16> -> vector<16xf32>
          %unpack3A_925 = tpu.unpack_subelements %mul3A_923, 1 {pack_format = #tpu.pack_format<interleaved>} : vector<32xbf16> -> vector<16xf32>
          %mul3A_926 = arith.mulf %unpack3A_924, %mul3A_889 : vector<16xf32>
          %add3A_927 = arith.addf %add3A_835, %mul3A_926 : vector<16xf32>
          %mul3A_928 = arith.mulf %unpack3A_925, %mul3A_889 : vector<16xf32>
          %add3A_929 = arith.addf %add3A_837, %mul3A_928 : vector<16xf32>
          %get3A_930 = arith.index_cast %select_n3A_244 : i32 to index
          %get3A_931 = arith.index_cast %add3A_891 : i32 to index
          %get3A_932 = arith.constant 32 : index
          %get3A_933 = tpu.vector_load %arg16[%get3A_930, %get3A_931, %get3A_932] {strides = array<i32>} : memref<2x256x128xi32, #tpu.memory_space<vmem>>, vector<16xi32>,
          %bitcast3A_934 = vector.bitcast %get3A_933 : vector<16xi32> to vector<32xbf16>
          %mul3A_935 = arith.constant 64 : i32
          %mul3A_936 = arith.muli %squeeze3A_877, %mul3A_935 : i32
          %add3A_937 = arith.constant 32 : i32
          %add3A_938 = arith.addi %mul3A_936, %add3A_937 : i32
          %get3A_939 = arith.index_cast %add3A_938 : i32 to index
          %get3A_940 = tpu.vector_load %arg11[%get3A_939] {strides = array<i32>} : memref<960xi32, #tpu.memory_space<vmem>>, vector<16xi32>,
          %bitcast3A_941 = vector.bitcast %get3A_940 : vector<16xi32> to vector<32xbf16>
          %mul3A_942 = arith.mulf %bitcast3A_934, %bitcast3A_941 : vector<32xbf16>
          %unpack3A_943 = tpu.unpack_subelements %mul3A_942, 0 {pack_format = #tpu.pack_format<interleaved>} : vector<32xbf16> -> vector<16xf32>
          %unpack3A_944 = tpu.unpack_subelements %mul3A_942, 1 {pack_format = #tpu.pack_format<interleaved>} : vector<32xbf16> -> vector<16xf32>
          %mul3A_945 = arith.mulf %unpack3A_943, %mul3A_889 : vector<16xf32>
          %add3A_946 = arith.addf %add3A_854, %mul3A_945 : vector<16xf32>
          %mul3A_947 = arith.mulf %unpack3A_944, %mul3A_889 : vector<16xf32>
          %add3A_948 = arith.addf %add3A_856, %mul3A_947 : vector<16xf32>
          %get3A_949 = arith.index_cast %select_n3A_244 : i32 to index
          %get3A_950 = arith.index_cast %add3A_891 : i32 to index
          %get3A_951 = arith.constant 48 : index
          %get3A_952 = tpu.vector_load %arg16[%get3A_949, %get3A_950, %get3A_951] {strides = array<i32>} : memref<2x256x128xi32, #tpu.memory_space<vmem>>, vector<16xi32>,
          %bitcast3A_953 = vector.bitcast %get3A_952 : vector<16xi32> to vector<32xbf16>
          %mul3A_954 = arith.constant 64 : i32
          %mul3A_955 = arith.muli %squeeze3A_877, %mul3A_954 : i32
          %add3A_956 = arith.constant 48 : i32
          %add3A_957 = arith.addi %mul3A_955, %add3A_956 : i32
          %get3A_958 = arith.index_cast %add3A_957 : i32 to index
          %get3A_959 = tpu.vector_load %arg11[%get3A_958] {strides = array<i32>} : memref<960xi32, #tpu.memory_space<vmem>>, vector<16xi32>,
          %bitcast3A_960 = vector.bitcast %get3A_959 : vector<16xi32> to vector<32xbf16>
          %mul3A_961 = arith.mulf %bitcast3A_953, %bitcast3A_960 : vector<32xbf16>
          %unpack3A_962 = tpu.unpack_subelements %mul3A_961, 0 {pack_format = #tpu.pack_format<interleaved>} : vector<32xbf16> -> vector<16xf32>
          %unpack3A_963 = tpu.unpack_subelements %mul3A_961, 1 {pack_format = #tpu.pack_format<interleaved>} : vector<32xbf16> -> vector<16xf32>
          %mul3A_964 = arith.mulf %unpack3A_962, %mul3A_889 : vector<16xf32>
          %add3A_965 = arith.addf %add3A_873, %mul3A_964 : vector<16xf32>
          %mul3A_966 = arith.mulf %unpack3A_963, %mul3A_889 : vector<16xf32>
          %add3A_967 = arith.addf %add3A_875, %mul3A_966 : vector<16xf32>
          %slice3A_968 = vector.extract_strided_slice %select_n3A_739 {offsets = [2], sizes = [1], strides = [1]} : vector<16xi32> to vector<1xi32>
          %squeeze3A_969 = vector.extract %slice3A_968[0] : i32 from vector<1xi32>
          %slice3A_970 = vector.extract_strided_slice %max3A_784 {offsets = [2], sizes = [1], strides = [1]} : vector<16xf32> to vector<1xf32>
          %squeeze3A_971 = vector.extract %slice3A_970[0] : f32 from vector<1xf32>
          %mul3A_972 = arith.constant 256 : i32
          %mul3A_973 = arith.muli %scan3A_356, %mul3A_972 : i32
          %mul3A_974 = arith.constant 16 : i32
          %mul3A_975 = arith.muli %squeeze3A_969, %mul3A_974 : i32
          %add3A_976 = arith.addi %mul3A_973, %mul3A_975 : i32
          %get3A_977 = arith.index_cast %select_n3A_260 : i32 to index
          %get3A_978 = arith.index_cast %add3A_976 : i32 to index
          %get3A_979 = tpu.vector_load %arg15[%get3A_977, %get3A_978] {strides = array<i32>} : memref<3x2048xf32, #tpu.memory_space<vmem>>, vector<16xf32>,
          %mul3A_980 = vector.broadcast %squeeze3A_971 : f32 to vector<16xf32>
          %mul3A_981 = arith.mulf %get3A_979, %mul3A_980 : vector<16xf32>
          %add3A_982 = arith.constant 2 : i32
          %add3A_983 = arith.addi %add3A_480, %add3A_982 : i32
          %get3A_984 = arith.index_cast %select_n3A_244 : i32 to index
          %get3A_985 = arith.index_cast %add3A_983 : i32 to index
          %get3A_986 = arith.constant 0 : index
          %get3A_987 = tpu.vector_load %arg16[%get3A_984, %get3A_985, %get3A_986] {strides = array<i32>} : memref<2x256x128xi32, #tpu.memory_space<vmem>>, vector<16xi32>,
          %bitcast3A_988 = vector.bitcast %get3A_987 : vector<16xi32> to vector<32xbf16>
          %mul3A_989 = arith.constant 64 : i32
          %mul3A_990 = arith.muli %squeeze3A_969, %mul3A_989 : i32
          %add3A_991 = arith.constant 0 : i32
          %add3A_992 = arith.addi %mul3A_990, %add3A_991 : i32
          %get3A_993 = arith.index_cast %add3A_992 : i32 to index
          %get3A_994 = tpu.vector_load %arg11[%get3A_993] {strides = array<i32>} : memref<960xi32, #tpu.memory_space<vmem>>, vector<16xi32>,
          %bitcast3A_995 = vector.bitcast %get3A_994 : vector<16xi32> to vector<32xbf16>
          %mul3A_996 = arith.mulf %bitcast3A_988, %bitcast3A_995 : vector<32xbf16>
          %unpack3A_997 = tpu.unpack_subelements %mul3A_996, 0 {pack_format = #tpu.pack_format<interleaved>} : vector<32xbf16> -> vector<16xf32>
          %unpack3A_998 = tpu.unpack_subelements %mul3A_996, 1 {pack_format = #tpu.pack_format<interleaved>} : vector<32xbf16> -> vector<16xf32>
          %mul3A_999 = arith.mulf %unpack3A_997, %mul3A_981 : vector<16xf32>
          %add3A_1000 = arith.addf %add3A_908, %mul3A_999 : vector<16xf32>
          %mul3A_1001 = arith.mulf %unpack3A_998, %mul3A_981 : vector<16xf32>
          %add3A_1002 = arith.addf %add3A_910, %mul3A_1001 : vector<16xf32>
          %get3A_1003 = arith.index_cast %select_n3A_244 : i32 to index
          %get3A_1004 = arith.index_cast %add3A_983 : i32 to index
          %get3A_1005 = arith.constant 16 : index
          %get3A_1006 = tpu.vector_load %arg16[%get3A_1003, %get3A_1004, %get3A_1005] {strides = array<i32>} : memref<2x256x128xi32, #tpu.memory_space<vmem>>, vector<16xi32>,
          %bitcast3A_1007 = vector.bitcast %get3A_1006 : vector<16xi32> to vector<32xbf16>
          %mul3A_1008 = arith.constant 64 : i32
          %mul3A_1009 = arith.muli %squeeze3A_969, %mul3A_1008 : i32
          %add3A_1010 = arith.constant 16 : i32
          %add3A_1011 = arith.addi %mul3A_1009, %add3A_1010 : i32
          %get3A_1012 = arith.index_cast %add3A_1011 : i32 to index
          %get3A_1013 = tpu.vector_load %arg11[%get3A_1012] {strides = array<i32>} : memref<960xi32, #tpu.memory_space<vmem>>, vector<16xi32>,
          %bitcast3A_1014 = vector.bitcast %get3A_1013 : vector<16xi32> to vector<32xbf16>
          %mul3A_1015 = arith.mulf %bitcast3A_1007, %bitcast3A_1014 : vector<32xbf16>
          %unpack3A_1016 = tpu.unpack_subelements %mul3A_1015, 0 {pack_format = #tpu.pack_format<interleaved>} : vector<32xbf16> -> vector<16xf32>
          %unpack3A_1017 = tpu.unpack_subelements %mul3A_1015, 1 {pack_format = #tpu.pack_format<interleaved>} : vector<32xbf16> -> vector<16xf32>
          %mul3A_1018 = arith.mulf %unpack3A_1016, %mul3A_981 : vector<16xf32>
          %add3A_1019 = arith.addf %add3A_927, %mul3A_1018 : vector<16xf32>
          %mul3A_1020 = arith.mulf %unpack3A_1017, %mul3A_981 : vector<16xf32>
          %add3A_1021 = arith.addf %add3A_929, %mul3A_1020 : vector<16xf32>
          %get3A_1022 = arith.index_cast %select_n3A_244 : i32 to index
          %get3A_1023 = arith.index_cast %add3A_983 : i32 to index
          %get3A_1024 = arith.constant 32 : index
          %get3A_1025 = tpu.vector_load %arg16[%get3A_1022, %get3A_1023, %get3A_1024] {strides = array<i32>} : memref<2x256x128xi32, #tpu.memory_space<vmem>>, vector<16xi32>,
          %bitcast3A_1026 = vector.bitcast %get3A_1025 : vector<16xi32> to vector<32xbf16>
          %mul3A_1027 = arith.constant 64 : i32
          %mul3A_1028 = arith.muli %squeeze3A_969, %mul3A_1027 : i32
          %add3A_1029 = arith.constant 32 : i32
          %add3A_1030 = arith.addi %mul3A_1028, %add3A_1029 : i32
          %get3A_1031 = arith.index_cast %add3A_1030 : i32 to index
          %get3A_1032 = tpu.vector_load %arg11[%get3A_1031] {strides = array<i32>} : memref<960xi32, #tpu.memory_space<vmem>>, vector<16xi32>,
          %bitcast3A_1033 = vector.bitcast %get3A_1032 : vector<16xi32> to vector<32xbf16>
          %mul3A_1034 = arith.mulf %bitcast3A_1026, %bitcast3A_1033 : vector<32xbf16>
          %unpack3A_1035 = tpu.unpack_subelements %mul3A_1034, 0 {pack_format = #tpu.pack_format<interleaved>} : vector<32xbf16> -> vector<16xf32>
          %unpack3A_1036 = tpu.unpack_subelements %mul3A_1034, 1 {pack_format = #tpu.pack_format<interleaved>} : vector<32xbf16> -> vector<16xf32>
          %mul3A_1037 = arith.mulf %unpack3A_1035, %mul3A_981 : vector<16xf32>
          %add3A_1038 = arith.addf %add3A_946, %mul3A_1037 : vector<16xf32>
          %mul3A_1039 = arith.mulf %unpack3A_1036, %mul3A_981 : vector<16xf32>
          %add3A_1040 = arith.addf %add3A_948, %mul3A_1039 : vector<16xf32>
          %get3A_1041 = arith.index_cast %select_n3A_244 : i32 to index
          %get3A_1042 = arith.index_cast %add3A_983 : i32 to index
          %get3A_1043 = arith.constant 48 : index
          %get3A_1044 = tpu.vector_load %arg16[%get3A_1041, %get3A_1042, %get3A_1043] {strides = array<i32>} : memref<2x256x128xi32, #tpu.memory_space<vmem>>, vector<16xi32>,
          %bitcast3A_1045 = vector.bitcast %get3A_1044 : vector<16xi32> to vector<32xbf16>
          %mul3A_1046 = arith.constant 64 : i32
          %mul3A_1047 = arith.muli %squeeze3A_969, %mul3A_1046 : i32
          %add3A_1048 = arith.constant 48 : i32
          %add3A_1049 = arith.addi %mul3A_1047, %add3A_1048 : i32
          %get3A_1050 = arith.index_cast %add3A_1049 : i32 to index
          %get3A_1051 = tpu.vector_load %arg11[%get3A_1050] {strides = array<i32>} : memref<960xi32, #tpu.memory_space<vmem>>, vector<16xi32>,
          %bitcast3A_1052 = vector.bitcast %get3A_1051 : vector<16xi32> to vector<32xbf16>
          %mul3A_1053 = arith.mulf %bitcast3A_1045, %bitcast3A_1052 : vector<32xbf16>
          %unpack3A_1054 = tpu.unpack_subelements %mul3A_1053, 0 {pack_format = #tpu.pack_format<interleaved>} : vector<32xbf16> -> vector<16xf32>
          %unpack3A_1055 = tpu.unpack_subelements %mul3A_1053, 1 {pack_format = #tpu.pack_format<interleaved>} : vector<32xbf16> -> vector<16xf32>
          %mul3A_1056 = arith.mulf %unpack3A_1054, %mul3A_981 : vector<16xf32>
          %add3A_1057 = arith.addf %add3A_965, %mul3A_1056 : vector<16xf32>
          %mul3A_1058 = arith.mulf %unpack3A_1055, %mul3A_981 : vector<16xf32>
          %add3A_1059 = arith.addf %add3A_967, %mul3A_1058 : vector<16xf32>
          %slice3A_1060 = vector.extract_strided_slice %select_n3A_739 {offsets = [3], sizes = [1], strides = [1]} : vector<16xi32> to vector<1xi32>
          %squeeze3A_1061 = vector.extract %slice3A_1060[0] : i32 from vector<1xi32>
          %slice3A_1062 = vector.extract_strided_slice %max3A_784 {offsets = [3], sizes = [1], strides = [1]} : vector<16xf32> to vector<1xf32>
          %squeeze3A_1063 = vector.extract %slice3A_1062[0] : f32 from vector<1xf32>
          %mul3A_1064 = arith.constant 256 : i32
          %mul3A_1065 = arith.muli %scan3A_356, %mul3A_1064 : i32
          %mul3A_1066 = arith.constant 16 : i32
          %mul3A_1067 = arith.muli %squeeze3A_1061, %mul3A_1066 : i32
          %add3A_1068 = arith.addi %mul3A_1065, %mul3A_1067 : i32
          %get3A_1069 = arith.index_cast %select_n3A_260 : i32 to index
          %get3A_1070 = arith.index_cast %add3A_1068 : i32 to index
          %get3A_1071 = tpu.vector_load %arg15[%get3A_1069, %get3A_1070] {strides = array<i32>} : memref<3x2048xf32, #tpu.memory_space<vmem>>, vector<16xf32>,
          %mul3A_1072 = vector.broadcast %squeeze3A_1063 : f32 to vector<16xf32>
          %mul3A_1073 = arith.mulf %get3A_1071, %mul3A_1072 : vector<16xf32>
          %add3A_1074 = arith.constant 3 : i32
          %add3A_1075 = arith.addi %add3A_480, %add3A_1074 : i32
          %get3A_1076 = arith.index_cast %select_n3A_244 : i32 to index
          %get3A_1077 = arith.index_cast %add3A_1075 : i32 to index
          %get3A_1078 = arith.constant 0 : index
          %get3A_1079 = tpu.vector_load %arg16[%get3A_1076, %get3A_1077, %get3A_1078] {strides = array<i32>} : memref<2x256x128xi32, #tpu.memory_space<vmem>>, vector<16xi32>,
          %bitcast3A_1080 = vector.bitcast %get3A_1079 : vector<16xi32> to vector<32xbf16>
          %mul3A_1081 = arith.constant 64 : i32
          %mul3A_1082 = arith.muli %squeeze3A_1061, %mul3A_1081 : i32
          %add3A_1083 = arith.constant 0 : i32
          %add3A_1084 = arith.addi %mul3A_1082, %add3A_1083 : i32
          %get3A_1085 = arith.index_cast %add3A_1084 : i32 to index
          %get3A_1086 = tpu.vector_load %arg11[%get3A_1085] {strides = array<i32>} : memref<960xi32, #tpu.memory_space<vmem>>, vector<16xi32>,
          %bitcast3A_1087 = vector.bitcast %get3A_1086 : vector<16xi32> to vector<32xbf16>
          %mul3A_1088 = arith.mulf %bitcast3A_1080, %bitcast3A_1087 : vector<32xbf16>
          %unpack3A_1089 = tpu.unpack_subelements %mul3A_1088, 0 {pack_format = #tpu.pack_format<interleaved>} : vector<32xbf16> -> vector<16xf32>
          %unpack3A_1090 = tpu.unpack_subelements %mul3A_1088, 1 {pack_format = #tpu.pack_format<interleaved>} : vector<32xbf16> -> vector<16xf32>
          %mul3A_1091 = arith.mulf %unpack3A_1089, %mul3A_1073 : vector<16xf32>
          %add3A_1092 = arith.addf %add3A_1000, %mul3A_1091 : vector<16xf32>
          %mul3A_1093 = arith.mulf %unpack3A_1090, %mul3A_1073 : vector<16xf32>
          %add3A_1094 = arith.addf %add3A_1002, %mul3A_1093 : vector<16xf32>
          %get3A_1095 = arith.index_cast %select_n3A_244 : i32 to index
          %get3A_1096 = arith.index_cast %add3A_1075 : i32 to index
          %get3A_1097 = arith.constant 16 : index
          %get3A_1098 = tpu.vector_load %arg16[%get3A_1095, %get3A_1096, %get3A_1097] {strides = array<i32>} : memref<2x256x128xi32, #tpu.memory_space<vmem>>, vector<16xi32>,
          %bitcast3A_1099 = vector.bitcast %get3A_1098 : vector<16xi32> to vector<32xbf16>
          %mul3A_1100 = arith.constant 64 : i32
          %mul3A_1101 = arith.muli %squeeze3A_1061, %mul3A_1100 : i32
          %add3A_1102 = arith.constant 16 : i32
          %add3A_1103 = arith.addi %mul3A_1101, %add3A_1102 : i32
          %get3A_1104 = arith.index_cast %add3A_1103 : i32 to index
          %get3A_1105 = tpu.vector_load %arg11[%get3A_1104] {strides = array<i32>} : memref<960xi32, #tpu.memory_space<vmem>>, vector<16xi32>,
          %bitcast3A_1106 = vector.bitcast %get3A_1105 : vector<16xi32> to vector<32xbf16>
          %mul3A_1107 = arith.mulf %bitcast3A_1099, %bitcast3A_1106 : vector<32xbf16>
          %unpack3A_1108 = tpu.unpack_subelements %mul3A_1107, 0 {pack_format = #tpu.pack_format<interleaved>} : vector<32xbf16> -> vector<16xf32>
          %unpack3A_1109 = tpu.unpack_subelements %mul3A_1107, 1 {pack_format = #tpu.pack_format<interleaved>} : vector<32xbf16> -> vector<16xf32>
          %mul3A_1110 = arith.mulf %unpack3A_1108, %mul3A_1073 : vector<16xf32>
          %add3A_1111 = arith.addf %add3A_1019, %mul3A_1110 : vector<16xf32>
          %mul3A_1112 = arith.mulf %unpack3A_1109, %mul3A_1073 : vector<16xf32>
          %add3A_1113 = arith.addf %add3A_1021, %mul3A_1112 : vector<16xf32>
          %get3A_1114 = arith.index_cast %select_n3A_244 : i32 to index
          %get3A_1115 = arith.index_cast %add3A_1075 : i32 to index
          %get3A_1116 = arith.constant 32 : index
          %get3A_1117 = tpu.vector_load %arg16[%get3A_1114, %get3A_1115, %get3A_1116] {strides = array<i32>} : memref<2x256x128xi32, #tpu.memory_space<vmem>>, vector<16xi32>,
          %bitcast3A_1118 = vector.bitcast %get3A_1117 : vector<16xi32> to vector<32xbf16>
          %mul3A_1119 = arith.constant 64 : i32
          %mul3A_1120 = arith.muli %squeeze3A_1061, %mul3A_1119 : i32
          %add3A_1121 = arith.constant 32 : i32
          %add3A_1122 = arith.addi %mul3A_1120, %add3A_1121 : i32
          %get3A_1123 = arith.index_cast %add3A_1122 : i32 to index
          %get3A_1124 = tpu.vector_load %arg11[%get3A_1123] {strides = array<i32>} : memref<960xi32, #tpu.memory_space<vmem>>, vector<16xi32>,
          %bitcast3A_1125 = vector.bitcast %get3A_1124 : vector<16xi32> to vector<32xbf16>
          %mul3A_1126 = arith.mulf %bitcast3A_1118, %bitcast3A_1125 : vector<32xbf16>
          %unpack3A_1127 = tpu.unpack_subelements %mul3A_1126, 0 {pack_format = #tpu.pack_format<interleaved>} : vector<32xbf16> -> vector<16xf32>
          %unpack3A_1128 = tpu.unpack_subelements %mul3A_1126, 1 {pack_format = #tpu.pack_format<interleaved>} : vector<32xbf16> -> vector<16xf32>
          %mul3A_1129 = arith.mulf %unpack3A_1127, %mul3A_1073 : vector<16xf32>
          %add3A_1130 = arith.addf %add3A_1038, %mul3A_1129 : vector<16xf32>
          %mul3A_1131 = arith.mulf %unpack3A_1128, %mul3A_1073 : vector<16xf32>
          %add3A_1132 = arith.addf %add3A_1040, %mul3A_1131 : vector<16xf32>
          %get3A_1133 = arith.index_cast %select_n3A_244 : i32 to index
          %get3A_1134 = arith.index_cast %add3A_1075 : i32 to index
          %get3A_1135 = arith.constant 48 : index
          %get3A_1136 = tpu.vector_load %arg16[%get3A_1133, %get3A_1134, %get3A_1135] {strides = array<i32>} : memref<2x256x128xi32, #tpu.memory_space<vmem>>, vector<16xi32>,
          %bitcast3A_1137 = vector.bitcast %get3A_1136 : vector<16xi32> to vector<32xbf16>
          %mul3A_1138 = arith.constant 64 : i32
          %mul3A_1139 = arith.muli %squeeze3A_1061, %mul3A_1138 : i32
          %add3A_1140 = arith.constant 48 : i32
          %add3A_1141 = arith.addi %mul3A_1139, %add3A_1140 : i32
          %get3A_1142 = arith.index_cast %add3A_1141 : i32 to index
          %get3A_1143 = tpu.vector_load %arg11[%get3A_1142] {strides = array<i32>} : memref<960xi32, #tpu.memory_space<vmem>>, vector<16xi32>,
          %bitcast3A_1144 = vector.bitcast %get3A_1143 : vector<16xi32> to vector<32xbf16>
          %mul3A_1145 = arith.mulf %bitcast3A_1137, %bitcast3A_1144 : vector<32xbf16>
          %unpack3A_1146 = tpu.unpack_subelements %mul3A_1145, 0 {pack_format = #tpu.pack_format<interleaved>} : vector<32xbf16> -> vector<16xf32>
          %unpack3A_1147 = tpu.unpack_subelements %mul3A_1145, 1 {pack_format = #tpu.pack_format<interleaved>} : vector<32xbf16> -> vector<16xf32>
          %mul3A_1148 = arith.mulf %unpack3A_1146, %mul3A_1073 : vector<16xf32>
          %add3A_1149 = arith.addf %add3A_1057, %mul3A_1148 : vector<16xf32>
          %mul3A_1150 = arith.mulf %unpack3A_1147, %mul3A_1073 : vector<16xf32>
          %add3A_1151 = arith.addf %add3A_1059, %mul3A_1150 : vector<16xf32>
          %slice3A_1152 = vector.extract_strided_slice %select_n3A_739 {offsets = [4], sizes = [1], strides = [1]} : vector<16xi32> to vector<1xi32>
          %squeeze3A_1153 = vector.extract %slice3A_1152[0] : i32 from vector<1xi32>
          %slice3A_1154 = vector.extract_strided_slice %max3A_784 {offsets = [4], sizes = [1], strides = [1]} : vector<16xf32> to vector<1xf32>
          %squeeze3A_1155 = vector.extract %slice3A_1154[0] : f32 from vector<1xf32>
          %mul3A_1156 = arith.constant 256 : i32
          %mul3A_1157 = arith.muli %scan3A_356, %mul3A_1156 : i32
          %mul3A_1158 = arith.constant 16 : i32
          %mul3A_1159 = arith.muli %squeeze3A_1153, %mul3A_1158 : i32
          %add3A_1160 = arith.addi %mul3A_1157, %mul3A_1159 : i32
          %get3A_1161 = arith.index_cast %select_n3A_260 : i32 to index
          %get3A_1162 = arith.index_cast %add3A_1160 : i32 to index
          %get3A_1163 = tpu.vector_load %arg15[%get3A_1161, %get3A_1162] {strides = array<i32>} : memref<3x2048xf32, #tpu.memory_space<vmem>>, vector<16xf32>,
          %mul3A_1164 = vector.broadcast %squeeze3A_1155 : f32 to vector<16xf32>
          %mul3A_1165 = arith.mulf %get3A_1163, %mul3A_1164 : vector<16xf32>
          %add3A_1166 = arith.constant 4 : i32
          %add3A_1167 = arith.addi %add3A_480, %add3A_1166 : i32
          %get3A_1168 = arith.index_cast %select_n3A_244 : i32 to index
          %get3A_1169 = arith.index_cast %add3A_1167 : i32 to index
          %get3A_1170 = arith.constant 0 : index
          %get3A_1171 = tpu.vector_load %arg16[%get3A_1168, %get3A_1169, %get3A_1170] {strides = array<i32>} : memref<2x256x128xi32, #tpu.memory_space<vmem>>, vector<16xi32>,
          %bitcast3A_1172 = vector.bitcast %get3A_1171 : vector<16xi32> to vector<32xbf16>
          %mul3A_1173 = arith.constant 64 : i32
          %mul3A_1174 = arith.muli %squeeze3A_1153, %mul3A_1173 : i32
          %add3A_1175 = arith.constant 0 : i32
          %add3A_1176 = arith.addi %mul3A_1174, %add3A_1175 : i32
          %get3A_1177 = arith.index_cast %add3A_1176 : i32 to index
          %get3A_1178 = tpu.vector_load %arg11[%get3A_1177] {strides = array<i32>} : memref<960xi32, #tpu.memory_space<vmem>>, vector<16xi32>,
          %bitcast3A_1179 = vector.bitcast %get3A_1178 : vector<16xi32> to vector<32xbf16>
          %mul3A_1180 = arith.mulf %bitcast3A_1172, %bitcast3A_1179 : vector<32xbf16>
          %unpack3A_1181 = tpu.unpack_subelements %mul3A_1180, 0 {pack_format = #tpu.pack_format<interleaved>} : vector<32xbf16> -> vector<16xf32>
          %unpack3A_1182 = tpu.unpack_subelements %mul3A_1180, 1 {pack_format = #tpu.pack_format<interleaved>} : vector<32xbf16> -> vector<16xf32>
          %mul3A_1183 = arith.mulf %unpack3A_1181, %mul3A_1165 : vector<16xf32>
          %add3A_1184 = arith.addf %add3A_1092, %mul3A_1183 : vector<16xf32>
          %mul3A_1185 = arith.mulf %unpack3A_1182, %mul3A_1165 : vector<16xf32>
          %add3A_1186 = arith.addf %add3A_1094, %mul3A_1185 : vector<16xf32>
          %get3A_1187 = arith.index_cast %select_n3A_244 : i32 to index
          %get3A_1188 = arith.index_cast %add3A_1167 : i32 to index
          %get3A_1189 = arith.constant 16 : index
          %get3A_1190 = tpu.vector_load %arg16[%get3A_1187, %get3A_1188, %get3A_1189] {strides = array<i32>} : memref<2x256x128xi32, #tpu.memory_space<vmem>>, vector<16xi32>,
          %bitcast3A_1191 = vector.bitcast %get3A_1190 : vector<16xi32> to vector<32xbf16>
          %mul3A_1192 = arith.constant 64 : i32
          %mul3A_1193 = arith.muli %squeeze3A_1153, %mul3A_1192 : i32
          %add3A_1194 = arith.constant 16 : i32
          %add3A_1195 = arith.addi %mul3A_1193, %add3A_1194 : i32
          %get3A_1196 = arith.index_cast %add3A_1195 : i32 to index
          %get3A_1197 = tpu.vector_load %arg11[%get3A_1196] {strides = array<i32>} : memref<960xi32, #tpu.memory_space<vmem>>, vector<16xi32>,
          %bitcast3A_1198 = vector.bitcast %get3A_1197 : vector<16xi32> to vector<32xbf16>
          %mul3A_1199 = arith.mulf %bitcast3A_1191, %bitcast3A_1198 : vector<32xbf16>
          %unpack3A_1200 = tpu.unpack_subelements %mul3A_1199, 0 {pack_format = #tpu.pack_format<interleaved>} : vector<32xbf16> -> vector<16xf32>
          %unpack3A_1201 = tpu.unpack_subelements %mul3A_1199, 1 {pack_format = #tpu.pack_format<interleaved>} : vector<32xbf16> -> vector<16xf32>
          %mul3A_1202 = arith.mulf %unpack3A_1200, %mul3A_1165 : vector<16xf32>
          %add3A_1203 = arith.addf %add3A_1111, %mul3A_1202 : vector<16xf32>
          %mul3A_1204 = arith.mulf %unpack3A_1201, %mul3A_1165 : vector<16xf32>
          %add3A_1205 = arith.addf %add3A_1113, %mul3A_1204 : vector<16xf32>
          %get3A_1206 = arith.index_cast %select_n3A_244 : i32 to index
          %get3A_1207 = arith.index_cast %add3A_1167 : i32 to index
          %get3A_1208 = arith.constant 32 : index
          %get3A_1209 = tpu.vector_load %arg16[%get3A_1206, %get3A_1207, %get3A_1208] {strides = array<i32>} : memref<2x256x128xi32, #tpu.memory_space<vmem>>, vector<16xi32>,
          %bitcast3A_1210 = vector.bitcast %get3A_1209 : vector<16xi32> to vector<32xbf16>
          %mul3A_1211 = arith.constant 64 : i32
          %mul3A_1212 = arith.muli %squeeze3A_1153, %mul3A_1211 : i32
          %add3A_1213 = arith.constant 32 : i32
          %add3A_1214 = arith.addi %mul3A_1212, %add3A_1213 : i32
          %get3A_1215 = arith.index_cast %add3A_1214 : i32 to index
          %get3A_1216 = tpu.vector_load %arg11[%get3A_1215] {strides = array<i32>} : memref<960xi32, #tpu.memory_space<vmem>>, vector<16xi32>,
          %bitcast3A_1217 = vector.bitcast %get3A_1216 : vector<16xi32> to vector<32xbf16>
          %mul3A_1218 = arith.mulf %bitcast3A_1210, %bitcast3A_1217 : vector<32xbf16>
          %unpack3A_1219 = tpu.unpack_subelements %mul3A_1218, 0 {pack_format = #tpu.pack_format<interleaved>} : vector<32xbf16> -> vector<16xf32>
          %unpack3A_1220 = tpu.unpack_subelements %mul3A_1218, 1 {pack_format = #tpu.pack_format<interleaved>} : vector<32xbf16> -> vector<16xf32>
          %mul3A_1221 = arith.mulf %unpack3A_1219, %mul3A_1165 : vector<16xf32>
          %add3A_1222 = arith.addf %add3A_1130, %mul3A_1221 : vector<16xf32>
          %mul3A_1223 = arith.mulf %unpack3A_1220, %mul3A_1165 : vector<16xf32>
          %add3A_1224 = arith.addf %add3A_1132, %mul3A_1223 : vector<16xf32>
          %get3A_1225 = arith.index_cast %select_n3A_244 : i32 to index
          %get3A_1226 = arith.index_cast %add3A_1167 : i32 to index
          %get3A_1227 = arith.constant 48 : index
          %get3A_1228 = tpu.vector_load %arg16[%get3A_1225, %get3A_1226, %get3A_1227] {strides = array<i32>} : memref<2x256x128xi32, #tpu.memory_space<vmem>>, vector<16xi32>,
          %bitcast3A_1229 = vector.bitcast %get3A_1228 : vector<16xi32> to vector<32xbf16>
          %mul3A_1230 = arith.constant 64 : i32
          %mul3A_1231 = arith.muli %squeeze3A_1153, %mul3A_1230 : i32
          %add3A_1232 = arith.constant 48 : i32
          %add3A_1233 = arith.addi %mul3A_1231, %add3A_1232 : i32
          %get3A_1234 = arith.index_cast %add3A_1233 : i32 to index
          %get3A_1235 = tpu.vector_load %arg11[%get3A_1234] {strides = array<i32>} : memref<960xi32, #tpu.memory_space<vmem>>, vector<16xi32>,
          %bitcast3A_1236 = vector.bitcast %get3A_1235 : vector<16xi32> to vector<32xbf16>
          %mul3A_1237 = arith.mulf %bitcast3A_1229, %bitcast3A_1236 : vector<32xbf16>
          %unpack3A_1238 = tpu.unpack_subelements %mul3A_1237, 0 {pack_format = #tpu.pack_format<interleaved>} : vector<32xbf16> -> vector<16xf32>
          %unpack3A_1239 = tpu.unpack_subelements %mul3A_1237, 1 {pack_format = #tpu.pack_format<interleaved>} : vector<32xbf16> -> vector<16xf32>
          %mul3A_1240 = arith.mulf %unpack3A_1238, %mul3A_1165 : vector<16xf32>
          %add3A_1241 = arith.addf %add3A_1149, %mul3A_1240 : vector<16xf32>
          %mul3A_1242 = arith.mulf %unpack3A_1239, %mul3A_1165 : vector<16xf32>
          %add3A_1243 = arith.addf %add3A_1151, %mul3A_1242 : vector<16xf32>
          %slice3A_1244 = vector.extract_strided_slice %select_n3A_739 {offsets = [5], sizes = [1], strides = [1]} : vector<16xi32> to vector<1xi32>
          %squeeze3A_1245 = vector.extract %slice3A_1244[0] : i32 from vector<1xi32>
          %slice3A_1246 = vector.extract_strided_slice %max3A_784 {offsets = [5], sizes = [1], strides = [1]} : vector<16xf32> to vector<1xf32>
          %squeeze3A_1247 = vector.extract %slice3A_1246[0] : f32 from vector<1xf32>
          %mul3A_1248 = arith.constant 256 : i32
          %mul3A_1249 = arith.muli %scan3A_356, %mul3A_1248 : i32
          %mul3A_1250 = arith.constant 16 : i32
          %mul3A_1251 = arith.muli %squeeze3A_1245, %mul3A_1250 : i32
          %add3A_1252 = arith.addi %mul3A_1249, %mul3A_1251 : i32
          %get3A_1253 = arith.index_cast %select_n3A_260 : i32 to index
          %get3A_1254 = arith.index_cast %add3A_1252 : i32 to index
          %get3A_1255 = tpu.vector_load %arg15[%get3A_1253, %get3A_1254] {strides = array<i32>} : memref<3x2048xf32, #tpu.memory_space<vmem>>, vector<16xf32>,
          %mul3A_1256 = vector.broadcast %squeeze3A_1247 : f32 to vector<16xf32>
          %mul3A_1257 = arith.mulf %get3A_1255, %mul3A_1256 : vector<16xf32>
          %add3A_1258 = arith.constant 5 : i32
          %add3A_1259 = arith.addi %add3A_480, %add3A_1258 : i32
          %get3A_1260 = arith.index_cast %select_n3A_244 : i32 to index
          %get3A_1261 = arith.index_cast %add3A_1259 : i32 to index
          %get3A_1262 = arith.constant 0 : index
          %get3A_1263 = tpu.vector_load %arg16[%get3A_1260, %get3A_1261, %get3A_1262] {strides = array<i32>} : memref<2x256x128xi32, #tpu.memory_space<vmem>>, vector<16xi32>,
          %bitcast3A_1264 = vector.bitcast %get3A_1263 : vector<16xi32> to vector<32xbf16>
          %mul3A_1265 = arith.constant 64 : i32
          %mul3A_1266 = arith.muli %squeeze3A_1245, %mul3A_1265 : i32
          %add3A_1267 = arith.constant 0 : i32
          %add3A_1268 = arith.addi %mul3A_1266, %add3A_1267 : i32
          %get3A_1269 = arith.index_cast %add3A_1268 : i32 to index
          %get3A_1270 = tpu.vector_load %arg11[%get3A_1269] {strides = array<i32>} : memref<960xi32, #tpu.memory_space<vmem>>, vector<16xi32>,
          %bitcast3A_1271 = vector.bitcast %get3A_1270 : vector<16xi32> to vector<32xbf16>
          %mul3A_1272 = arith.mulf %bitcast3A_1264, %bitcast3A_1271 : vector<32xbf16>
          %unpack3A_1273 = tpu.unpack_subelements %mul3A_1272, 0 {pack_format = #tpu.pack_format<interleaved>} : vector<32xbf16> -> vector<16xf32>
          %unpack3A_1274 = tpu.unpack_subelements %mul3A_1272, 1 {pack_format = #tpu.pack_format<interleaved>} : vector<32xbf16> -> vector<16xf32>
          %mul3A_1275 = arith.mulf %unpack3A_1273, %mul3A_1257 : vector<16xf32>
          %add3A_1276 = arith.addf %add3A_1184, %mul3A_1275 : vector<16xf32>
          %mul3A_1277 = arith.mulf %unpack3A_1274, %mul3A_1257 : vector<16xf32>
          %add3A_1278 = arith.addf %add3A_1186, %mul3A_1277 : vector<16xf32>
          %get3A_1279 = arith.index_cast %select_n3A_244 : i32 to index
          %get3A_1280 = arith.index_cast %add3A_1259 : i32 to index
          %get3A_1281 = arith.constant 16 : index
          %get3A_1282 = tpu.vector_load %arg16[%get3A_1279, %get3A_1280, %get3A_1281] {strides = array<i32>} : memref<2x256x128xi32, #tpu.memory_space<vmem>>, vector<16xi32>,
          %bitcast3A_1283 = vector.bitcast %get3A_1282 : vector<16xi32> to vector<32xbf16>
          %mul3A_1284 = arith.constant 64 : i32
          %mul3A_1285 = arith.muli %squeeze3A_1245, %mul3A_1284 : i32
          %add3A_1286 = arith.constant 16 : i32
          %add3A_1287 = arith.addi %mul3A_1285, %add3A_1286 : i32
          %get3A_1288 = arith.index_cast %add3A_1287 : i32 to index
          %get3A_1289 = tpu.vector_load %arg11[%get3A_1288] {strides = array<i32>} : memref<960xi32, #tpu.memory_space<vmem>>, vector<16xi32>,
          %bitcast3A_1290 = vector.bitcast %get3A_1289 : vector<16xi32> to vector<32xbf16>
          %mul3A_1291 = arith.mulf %bitcast3A_1283, %bitcast3A_1290 : vector<32xbf16>
          %unpack3A_1292 = tpu.unpack_subelements %mul3A_1291, 0 {pack_format = #tpu.pack_format<interleaved>} : vector<32xbf16> -> vector<16xf32>
          %unpack3A_1293 = tpu.unpack_subelements %mul3A_1291, 1 {pack_format = #tpu.pack_format<interleaved>} : vector<32xbf16> -> vector<16xf32>
          %mul3A_1294 = arith.mulf %unpack3A_1292, %mul3A_1257 : vector<16xf32>
          %add3A_1295 = arith.addf %add3A_1203, %mul3A_1294 : vector<16xf32>
          %mul3A_1296 = arith.mulf %unpack3A_1293, %mul3A_1257 : vector<16xf32>
          %add3A_1297 = arith.addf %add3A_1205, %mul3A_1296 : vector<16xf32>
          %get3A_1298 = arith.index_cast %select_n3A_244 : i32 to index
          %get3A_1299 = arith.index_cast %add3A_1259 : i32 to index
          %get3A_1300 = arith.constant 32 : index
          %get3A_1301 = tpu.vector_load %arg16[%get3A_1298, %get3A_1299, %get3A_1300] {strides = array<i32>} : memref<2x256x128xi32, #tpu.memory_space<vmem>>, vector<16xi32>,
          %bitcast3A_1302 = vector.bitcast %get3A_1301 : vector<16xi32> to vector<32xbf16>
          %mul3A_1303 = arith.constant 64 : i32
          %mul3A_1304 = arith.muli %squeeze3A_1245, %mul3A_1303 : i32
          %add3A_1305 = arith.constant 32 : i32
          %add3A_1306 = arith.addi %mul3A_1304, %add3A_1305 : i32
          %get3A_1307 = arith.index_cast %add3A_1306 : i32 to index
          %get3A_1308 = tpu.vector_load %arg11[%get3A_1307] {strides = array<i32>} : memref<960xi32, #tpu.memory_space<vmem>>, vector<16xi32>,
          %bitcast3A_1309 = vector.bitcast %get3A_1308 : vector<16xi32> to vector<32xbf16>
          %mul3A_1310 = arith.mulf %bitcast3A_1302, %bitcast3A_1309 : vector<32xbf16>
          %unpack3A_1311 = tpu.unpack_subelements %mul3A_1310, 0 {pack_format = #tpu.pack_format<interleaved>} : vector<32xbf16> -> vector<16xf32>
          %unpack3A_1312 = tpu.unpack_subelements %mul3A_1310, 1 {pack_format = #tpu.pack_format<interleaved>} : vector<32xbf16> -> vector<16xf32>
          %mul3A_1313 = arith.mulf %unpack3A_1311, %mul3A_1257 : vector<16xf32>
          %add3A_1314 = arith.addf %add3A_1222, %mul3A_1313 : vector<16xf32>
          %mul3A_1315 = arith.mulf %unpack3A_1312, %mul3A_1257 : vector<16xf32>
          %add3A_1316 = arith.addf %add3A_1224, %mul3A_1315 : vector<16xf32>
          %get3A_1317 = arith.index_cast %select_n3A_244 : i32 to index
          %get3A_1318 = arith.index_cast %add3A_1259 : i32 to index
          %get3A_1319 = arith.constant 48 : index
          %get3A_1320 = tpu.vector_load %arg16[%get3A_1317, %get3A_1318, %get3A_1319] {strides = array<i32>} : memref<2x256x128xi32, #tpu.memory_space<vmem>>, vector<16xi32>,
          %bitcast3A_1321 = vector.bitcast %get3A_1320 : vector<16xi32> to vector<32xbf16>
          %mul3A_1322 = arith.constant 64 : i32
          %mul3A_1323 = arith.muli %squeeze3A_1245, %mul3A_1322 : i32
          %add3A_1324 = arith.constant 48 : i32
          %add3A_1325 = arith.addi %mul3A_1323, %add3A_1324 : i32
          %get3A_1326 = arith.index_cast %add3A_1325 : i32 to index
          %get3A_1327 = tpu.vector_load %arg11[%get3A_1326] {strides = array<i32>} : memref<960xi32, #tpu.memory_space<vmem>>, vector<16xi32>,
          %bitcast3A_1328 = vector.bitcast %get3A_1327 : vector<16xi32> to vector<32xbf16>
          %mul3A_1329 = arith.mulf %bitcast3A_1321, %bitcast3A_1328 : vector<32xbf16>
          %unpack3A_1330 = tpu.unpack_subelements %mul3A_1329, 0 {pack_format = #tpu.pack_format<interleaved>} : vector<32xbf16> -> vector<16xf32>
          %unpack3A_1331 = tpu.unpack_subelements %mul3A_1329, 1 {pack_format = #tpu.pack_format<interleaved>} : vector<32xbf16> -> vector<16xf32>
          %mul3A_1332 = arith.mulf %unpack3A_1330, %mul3A_1257 : vector<16xf32>
          %add3A_1333 = arith.addf %add3A_1241, %mul3A_1332 : vector<16xf32>
          %mul3A_1334 = arith.mulf %unpack3A_1331, %mul3A_1257 : vector<16xf32>
          %add3A_1335 = arith.addf %add3A_1243, %mul3A_1334 : vector<16xf32>
          %slice3A_1336 = vector.extract_strided_slice %select_n3A_739 {offsets = [6], sizes = [1], strides = [1]} : vector<16xi32> to vector<1xi32>
          %squeeze3A_1337 = vector.extract %slice3A_1336[0] : i32 from vector<1xi32>
          %slice3A_1338 = vector.extract_strided_slice %max3A_784 {offsets = [6], sizes = [1], strides = [1]} : vector<16xf32> to vector<1xf32>
          %squeeze3A_1339 = vector.extract %slice3A_1338[0] : f32 from vector<1xf32>
          %mul3A_1340 = arith.constant 256 : i32
          %mul3A_1341 = arith.muli %scan3A_356, %mul3A_1340 : i32
          %mul3A_1342 = arith.constant 16 : i32
          %mul3A_1343 = arith.muli %squeeze3A_1337, %mul3A_1342 : i32
          %add3A_1344 = arith.addi %mul3A_1341, %mul3A_1343 : i32
          %get3A_1345 = arith.index_cast %select_n3A_260 : i32 to index
          %get3A_1346 = arith.index_cast %add3A_1344 : i32 to index
          %get3A_1347 = tpu.vector_load %arg15[%get3A_1345, %get3A_1346] {strides = array<i32>} : memref<3x2048xf32, #tpu.memory_space<vmem>>, vector<16xf32>,
          %mul3A_1348 = vector.broadcast %squeeze3A_1339 : f32 to vector<16xf32>
          %mul3A_1349 = arith.mulf %get3A_1347, %mul3A_1348 : vector<16xf32>
          %add3A_1350 = arith.constant 6 : i32
          %add3A_1351 = arith.addi %add3A_480, %add3A_1350 : i32
          %get3A_1352 = arith.index_cast %select_n3A_244 : i32 to index
          %get3A_1353 = arith.index_cast %add3A_1351 : i32 to index
          %get3A_1354 = arith.constant 0 : index
          %get3A_1355 = tpu.vector_load %arg16[%get3A_1352, %get3A_1353, %get3A_1354] {strides = array<i32>} : memref<2x256x128xi32, #tpu.memory_space<vmem>>, vector<16xi32>,
          %bitcast3A_1356 = vector.bitcast %get3A_1355 : vector<16xi32> to vector<32xbf16>
          %mul3A_1357 = arith.constant 64 : i32
          %mul3A_1358 = arith.muli %squeeze3A_1337, %mul3A_1357 : i32
          %add3A_1359 = arith.constant 0 : i32
          %add3A_1360 = arith.addi %mul3A_1358, %add3A_1359 : i32
          %get3A_1361 = arith.index_cast %add3A_1360 : i32 to index
          %get3A_1362 = tpu.vector_load %arg11[%get3A_1361] {strides = array<i32>} : memref<960xi32, #tpu.memory_space<vmem>>, vector<16xi32>,
          %bitcast3A_1363 = vector.bitcast %get3A_1362 : vector<16xi32> to vector<32xbf16>
          %mul3A_1364 = arith.mulf %bitcast3A_1356, %bitcast3A_1363 : vector<32xbf16>
          %unpack3A_1365 = tpu.unpack_subelements %mul3A_1364, 0 {pack_format = #tpu.pack_format<interleaved>} : vector<32xbf16> -> vector<16xf32>
          %unpack3A_1366 = tpu.unpack_subelements %mul3A_1364, 1 {pack_format = #tpu.pack_format<interleaved>} : vector<32xbf16> -> vector<16xf32>
          %mul3A_1367 = arith.mulf %unpack3A_1365, %mul3A_1349 : vector<16xf32>
          %add3A_1368 = arith.addf %add3A_1276, %mul3A_1367 : vector<16xf32>
          %mul3A_1369 = arith.mulf %unpack3A_1366, %mul3A_1349 : vector<16xf32>
          %add3A_1370 = arith.addf %add3A_1278, %mul3A_1369 : vector<16xf32>
          %get3A_1371 = arith.index_cast %select_n3A_244 : i32 to index
          %get3A_1372 = arith.index_cast %add3A_1351 : i32 to index
          %get3A_1373 = arith.constant 16 : index
          %get3A_1374 = tpu.vector_load %arg16[%get3A_1371, %get3A_1372, %get3A_1373] {strides = array<i32>} : memref<2x256x128xi32, #tpu.memory_space<vmem>>, vector<16xi32>,
          %bitcast3A_1375 = vector.bitcast %get3A_1374 : vector<16xi32> to vector<32xbf16>
          %mul3A_1376 = arith.constant 64 : i32
          %mul3A_1377 = arith.muli %squeeze3A_1337, %mul3A_1376 : i32
          %add3A_1378 = arith.constant 16 : i32
          %add3A_1379 = arith.addi %mul3A_1377, %add3A_1378 : i32
          %get3A_1380 = arith.index_cast %add3A_1379 : i32 to index
          %get3A_1381 = tpu.vector_load %arg11[%get3A_1380] {strides = array<i32>} : memref<960xi32, #tpu.memory_space<vmem>>, vector<16xi32>,
          %bitcast3A_1382 = vector.bitcast %get3A_1381 : vector<16xi32> to vector<32xbf16>
          %mul3A_1383 = arith.mulf %bitcast3A_1375, %bitcast3A_1382 : vector<32xbf16>
          %unpack3A_1384 = tpu.unpack_subelements %mul3A_1383, 0 {pack_format = #tpu.pack_format<interleaved>} : vector<32xbf16> -> vector<16xf32>
          %unpack3A_1385 = tpu.unpack_subelements %mul3A_1383, 1 {pack_format = #tpu.pack_format<interleaved>} : vector<32xbf16> -> vector<16xf32>
          %mul3A_1386 = arith.mulf %unpack3A_1384, %mul3A_1349 : vector<16xf32>
          %add3A_1387 = arith.addf %add3A_1295, %mul3A_1386 : vector<16xf32>
          %mul3A_1388 = arith.mulf %unpack3A_1385, %mul3A_1349 : vector<16xf32>
          %add3A_1389 = arith.addf %add3A_1297, %mul3A_1388 : vector<16xf32>
          %get3A_1390 = arith.index_cast %select_n3A_244 : i32 to index
          %get3A_1391 = arith.index_cast %add3A_1351 : i32 to index
          %get3A_1392 = arith.constant 32 : index
          %get3A_1393 = tpu.vector_load %arg16[%get3A_1390, %get3A_1391, %get3A_1392] {strides = array<i32>} : memref<2x256x128xi32, #tpu.memory_space<vmem>>, vector<16xi32>,
          %bitcast3A_1394 = vector.bitcast %get3A_1393 : vector<16xi32> to vector<32xbf16>
          %mul3A_1395 = arith.constant 64 : i32
          %mul3A_1396 = arith.muli %squeeze3A_1337, %mul3A_1395 : i32
          %add3A_1397 = arith.constant 32 : i32
          %add3A_1398 = arith.addi %mul3A_1396, %add3A_1397 : i32
          %get3A_1399 = arith.index_cast %add3A_1398 : i32 to index
          %get3A_1400 = tpu.vector_load %arg11[%get3A_1399] {strides = array<i32>} : memref<960xi32, #tpu.memory_space<vmem>>, vector<16xi32>,
          %bitcast3A_1401 = vector.bitcast %get3A_1400 : vector<16xi32> to vector<32xbf16>
          %mul3A_1402 = arith.mulf %bitcast3A_1394, %bitcast3A_1401 : vector<32xbf16>
          %unpack3A_1403 = tpu.unpack_subelements %mul3A_1402, 0 {pack_format = #tpu.pack_format<interleaved>} : vector<32xbf16> -> vector<16xf32>
          %unpack3A_1404 = tpu.unpack_subelements %mul3A_1402, 1 {pack_format = #tpu.pack_format<interleaved>} : vector<32xbf16> -> vector<16xf32>
          %mul3A_1405 = arith.mulf %unpack3A_1403, %mul3A_1349 : vector<16xf32>
          %add3A_1406 = arith.addf %add3A_1314, %mul3A_1405 : vector<16xf32>
          %mul3A_1407 = arith.mulf %unpack3A_1404, %mul3A_1349 : vector<16xf32>
          %add3A_1408 = arith.addf %add3A_1316, %mul3A_1407 : vector<16xf32>
          %get3A_1409 = arith.index_cast %select_n3A_244 : i32 to index
          %get3A_1410 = arith.index_cast %add3A_1351 : i32 to index
          %get3A_1411 = arith.constant 48 : index
          %get3A_1412 = tpu.vector_load %arg16[%get3A_1409, %get3A_1410, %get3A_1411] {strides = array<i32>} : memref<2x256x128xi32, #tpu.memory_space<vmem>>, vector<16xi32>,
          %bitcast3A_1413 = vector.bitcast %get3A_1412 : vector<16xi32> to vector<32xbf16>
          %mul3A_1414 = arith.constant 64 : i32
          %mul3A_1415 = arith.muli %squeeze3A_1337, %mul3A_1414 : i32
          %add3A_1416 = arith.constant 48 : i32
          %add3A_1417 = arith.addi %mul3A_1415, %add3A_1416 : i32
          %get3A_1418 = arith.index_cast %add3A_1417 : i32 to index
          %get3A_1419 = tpu.vector_load %arg11[%get3A_1418] {strides = array<i32>} : memref<960xi32, #tpu.memory_space<vmem>>, vector<16xi32>,
          %bitcast3A_1420 = vector.bitcast %get3A_1419 : vector<16xi32> to vector<32xbf16>
          %mul3A_1421 = arith.mulf %bitcast3A_1413, %bitcast3A_1420 : vector<32xbf16>
          %unpack3A_1422 = tpu.unpack_subelements %mul3A_1421, 0 {pack_format = #tpu.pack_format<interleaved>} : vector<32xbf16> -> vector<16xf32>
          %unpack3A_1423 = tpu.unpack_subelements %mul3A_1421, 1 {pack_format = #tpu.pack_format<interleaved>} : vector<32xbf16> -> vector<16xf32>
          %mul3A_1424 = arith.mulf %unpack3A_1422, %mul3A_1349 : vector<16xf32>
          %add3A_1425 = arith.addf %add3A_1333, %mul3A_1424 : vector<16xf32>
          %mul3A_1426 = arith.mulf %unpack3A_1423, %mul3A_1349 : vector<16xf32>
          %add3A_1427 = arith.addf %add3A_1335, %mul3A_1426 : vector<16xf32>
          %slice3A_1428 = vector.extract_strided_slice %select_n3A_739 {offsets = [7], sizes = [1], strides = [1]} : vector<16xi32> to vector<1xi32>
          %squeeze3A_1429 = vector.extract %slice3A_1428[0] : i32 from vector<1xi32>
          %slice3A_1430 = vector.extract_strided_slice %max3A_784 {offsets = [7], sizes = [1], strides = [1]} : vector<16xf32> to vector<1xf32>
          %squeeze3A_1431 = vector.extract %slice3A_1430[0] : f32 from vector<1xf32>
          %mul3A_1432 = arith.constant 256 : i32
          %mul3A_1433 = arith.muli %scan3A_356, %mul3A_1432 : i32
          %mul3A_1434 = arith.constant 16 : i32
          %mul3A_1435 = arith.muli %squeeze3A_1429, %mul3A_1434 : i32
          %add3A_1436 = arith.addi %mul3A_1433, %mul3A_1435 : i32
          %get3A_1437 = arith.index_cast %select_n3A_260 : i32 to index
          %get3A_1438 = arith.index_cast %add3A_1436 : i32 to index
          %get3A_1439 = tpu.vector_load %arg15[%get3A_1437, %get3A_1438] {strides = array<i32>} : memref<3x2048xf32, #tpu.memory_space<vmem>>, vector<16xf32>,
          %mul3A_1440 = vector.broadcast %squeeze3A_1431 : f32 to vector<16xf32>
          %mul3A_1441 = arith.mulf %get3A_1439, %mul3A_1440 : vector<16xf32>
          %add3A_1442 = arith.constant 7 : i32
          %add3A_1443 = arith.addi %add3A_480, %add3A_1442 : i32
          %get3A_1444 = arith.index_cast %select_n3A_244 : i32 to index
          %get3A_1445 = arith.index_cast %add3A_1443 : i32 to index
          %get3A_1446 = arith.constant 0 : index
          %get3A_1447 = tpu.vector_load %arg16[%get3A_1444, %get3A_1445, %get3A_1446] {strides = array<i32>} : memref<2x256x128xi32, #tpu.memory_space<vmem>>, vector<16xi32>,
          %bitcast3A_1448 = vector.bitcast %get3A_1447 : vector<16xi32> to vector<32xbf16>
          %mul3A_1449 = arith.constant 64 : i32
          %mul3A_1450 = arith.muli %squeeze3A_1429, %mul3A_1449 : i32
          %add3A_1451 = arith.constant 0 : i32
          %add3A_1452 = arith.addi %mul3A_1450, %add3A_1451 : i32
          %get3A_1453 = arith.index_cast %add3A_1452 : i32 to index
          %get3A_1454 = tpu.vector_load %arg11[%get3A_1453] {strides = array<i32>} : memref<960xi32, #tpu.memory_space<vmem>>, vector<16xi32>,
          %bitcast3A_1455 = vector.bitcast %get3A_1454 : vector<16xi32> to vector<32xbf16>
          %mul3A_1456 = arith.mulf %bitcast3A_1448, %bitcast3A_1455 : vector<32xbf16>
          %unpack3A_1457 = tpu.unpack_subelements %mul3A_1456, 0 {pack_format = #tpu.pack_format<interleaved>} : vector<32xbf16> -> vector<16xf32>
          %unpack3A_1458 = tpu.unpack_subelements %mul3A_1456, 1 {pack_format = #tpu.pack_format<interleaved>} : vector<32xbf16> -> vector<16xf32>
          %mul3A_1459 = arith.mulf %unpack3A_1457, %mul3A_1441 : vector<16xf32>
          %add3A_1460 = arith.addf %add3A_1368, %mul3A_1459 : vector<16xf32>
          %mul3A_1461 = arith.mulf %unpack3A_1458, %mul3A_1441 : vector<16xf32>
          %add3A_1462 = arith.addf %add3A_1370, %mul3A_1461 : vector<16xf32>
          %get3A_1463 = arith.index_cast %select_n3A_244 : i32 to index
          %get3A_1464 = arith.index_cast %add3A_1443 : i32 to index
          %get3A_1465 = arith.constant 16 : index
          %get3A_1466 = tpu.vector_load %arg16[%get3A_1463, %get3A_1464, %get3A_1465] {strides = array<i32>} : memref<2x256x128xi32, #tpu.memory_space<vmem>>, vector<16xi32>,
          %bitcast3A_1467 = vector.bitcast %get3A_1466 : vector<16xi32> to vector<32xbf16>
          %mul3A_1468 = arith.constant 64 : i32
          %mul3A_1469 = arith.muli %squeeze3A_1429, %mul3A_1468 : i32
          %add3A_1470 = arith.constant 16 : i32
          %add3A_1471 = arith.addi %mul3A_1469, %add3A_1470 : i32
          %get3A_1472 = arith.index_cast %add3A_1471 : i32 to index
          %get3A_1473 = tpu.vector_load %arg11[%get3A_1472] {strides = array<i32>} : memref<960xi32, #tpu.memory_space<vmem>>, vector<16xi32>,
          %bitcast3A_1474 = vector.bitcast %get3A_1473 : vector<16xi32> to vector<32xbf16>
          %mul3A_1475 = arith.mulf %bitcast3A_1467, %bitcast3A_1474 : vector<32xbf16>
          %unpack3A_1476 = tpu.unpack_subelements %mul3A_1475, 0 {pack_format = #tpu.pack_format<interleaved>} : vector<32xbf16> -> vector<16xf32>
          %unpack3A_1477 = tpu.unpack_subelements %mul3A_1475, 1 {pack_format = #tpu.pack_format<interleaved>} : vector<32xbf16> -> vector<16xf32>
          %mul3A_1478 = arith.mulf %unpack3A_1476, %mul3A_1441 : vector<16xf32>
          %add3A_1479 = arith.addf %add3A_1387, %mul3A_1478 : vector<16xf32>
          %mul3A_1480 = arith.mulf %unpack3A_1477, %mul3A_1441 : vector<16xf32>
          %add3A_1481 = arith.addf %add3A_1389, %mul3A_1480 : vector<16xf32>
          %get3A_1482 = arith.index_cast %select_n3A_244 : i32 to index
          %get3A_1483 = arith.index_cast %add3A_1443 : i32 to index
          %get3A_1484 = arith.constant 32 : index
          %get3A_1485 = tpu.vector_load %arg16[%get3A_1482, %get3A_1483, %get3A_1484] {strides = array<i32>} : memref<2x256x128xi32, #tpu.memory_space<vmem>>, vector<16xi32>,
          %bitcast3A_1486 = vector.bitcast %get3A_1485 : vector<16xi32> to vector<32xbf16>
          %mul3A_1487 = arith.constant 64 : i32
          %mul3A_1488 = arith.muli %squeeze3A_1429, %mul3A_1487 : i32
          %add3A_1489 = arith.constant 32 : i32
          %add3A_1490 = arith.addi %mul3A_1488, %add3A_1489 : i32
          %get3A_1491 = arith.index_cast %add3A_1490 : i32 to index
          %get3A_1492 = tpu.vector_load %arg11[%get3A_1491] {strides = array<i32>} : memref<960xi32, #tpu.memory_space<vmem>>, vector<16xi32>,
          %bitcast3A_1493 = vector.bitcast %get3A_1492 : vector<16xi32> to vector<32xbf16>
          %mul3A_1494 = arith.mulf %bitcast3A_1486, %bitcast3A_1493 : vector<32xbf16>
          %unpack3A_1495 = tpu.unpack_subelements %mul3A_1494, 0 {pack_format = #tpu.pack_format<interleaved>} : vector<32xbf16> -> vector<16xf32>
          %unpack3A_1496 = tpu.unpack_subelements %mul3A_1494, 1 {pack_format = #tpu.pack_format<interleaved>} : vector<32xbf16> -> vector<16xf32>
          %mul3A_1497 = arith.mulf %unpack3A_1495, %mul3A_1441 : vector<16xf32>
          %add3A_1498 = arith.addf %add3A_1406, %mul3A_1497 : vector<16xf32>
          %mul3A_1499 = arith.mulf %unpack3A_1496, %mul3A_1441 : vector<16xf32>
          %add3A_1500 = arith.addf %add3A_1408, %mul3A_1499 : vector<16xf32>
          %get3A_1501 = arith.index_cast %select_n3A_244 : i32 to index
          %get3A_1502 = arith.index_cast %add3A_1443 : i32 to index
          %get3A_1503 = arith.constant 48 : index
          %get3A_1504 = tpu.vector_load %arg16[%get3A_1501, %get3A_1502, %get3A_1503] {strides = array<i32>} : memref<2x256x128xi32, #tpu.memory_space<vmem>>, vector<16xi32>,
          %bitcast3A_1505 = vector.bitcast %get3A_1504 : vector<16xi32> to vector<32xbf16>
          %mul3A_1506 = arith.constant 64 : i32
          %mul3A_1507 = arith.muli %squeeze3A_1429, %mul3A_1506 : i32
          %add3A_1508 = arith.constant 48 : i32
          %add3A_1509 = arith.addi %mul3A_1507, %add3A_1508 : i32
          %get3A_1510 = arith.index_cast %add3A_1509 : i32 to index
          %get3A_1511 = tpu.vector_load %arg11[%get3A_1510] {strides = array<i32>} : memref<960xi32, #tpu.memory_space<vmem>>, vector<16xi32>,
          %bitcast3A_1512 = vector.bitcast %get3A_1511 : vector<16xi32> to vector<32xbf16>
          %mul3A_1513 = arith.mulf %bitcast3A_1505, %bitcast3A_1512 : vector<32xbf16>
          %unpack3A_1514 = tpu.unpack_subelements %mul3A_1513, 0 {pack_format = #tpu.pack_format<interleaved>} : vector<32xbf16> -> vector<16xf32>
          %unpack3A_1515 = tpu.unpack_subelements %mul3A_1513, 1 {pack_format = #tpu.pack_format<interleaved>} : vector<32xbf16> -> vector<16xf32>
          %mul3A_1516 = arith.mulf %unpack3A_1514, %mul3A_1441 : vector<16xf32>
          %add3A_1517 = arith.addf %add3A_1425, %mul3A_1516 : vector<16xf32>
          %mul3A_1518 = arith.mulf %unpack3A_1515, %mul3A_1441 : vector<16xf32>
          %add3A_1519 = arith.addf %add3A_1427, %mul3A_1518 : vector<16xf32>
          %slice3A_1520 = vector.extract_strided_slice %select_n3A_739 {offsets = [8], sizes = [1], strides = [1]} : vector<16xi32> to vector<1xi32>
          %squeeze3A_1521 = vector.extract %slice3A_1520[0] : i32 from vector<1xi32>
          %slice3A_1522 = vector.extract_strided_slice %max3A_784 {offsets = [8], sizes = [1], strides = [1]} : vector<16xf32> to vector<1xf32>
          %squeeze3A_1523 = vector.extract %slice3A_1522[0] : f32 from vector<1xf32>
          %mul3A_1524 = arith.constant 256 : i32
          %mul3A_1525 = arith.muli %scan3A_356, %mul3A_1524 : i32
          %mul3A_1526 = arith.constant 16 : i32
          %mul3A_1527 = arith.muli %squeeze3A_1521, %mul3A_1526 : i32
          %add3A_1528 = arith.addi %mul3A_1525, %mul3A_1527 : i32
          %get3A_1529 = arith.index_cast %select_n3A_260 : i32 to index
          %get3A_1530 = arith.index_cast %add3A_1528 : i32 to index
          %get3A_1531 = tpu.vector_load %arg15[%get3A_1529, %get3A_1530] {strides = array<i32>} : memref<3x2048xf32, #tpu.memory_space<vmem>>, vector<16xf32>,
          %mul3A_1532 = vector.broadcast %squeeze3A_1523 : f32 to vector<16xf32>
          %mul3A_1533 = arith.mulf %get3A_1531, %mul3A_1532 : vector<16xf32>
          %add3A_1534 = arith.constant 8 : i32
          %add3A_1535 = arith.addi %add3A_480, %add3A_1534 : i32
          %get3A_1536 = arith.index_cast %select_n3A_244 : i32 to index
          %get3A_1537 = arith.index_cast %add3A_1535 : i32 to index
          %get3A_1538 = arith.constant 0 : index
          %get3A_1539 = tpu.vector_load %arg16[%get3A_1536, %get3A_1537, %get3A_1538] {strides = array<i32>} : memref<2x256x128xi32, #tpu.memory_space<vmem>>, vector<16xi32>,
          %bitcast3A_1540 = vector.bitcast %get3A_1539 : vector<16xi32> to vector<32xbf16>
          %mul3A_1541 = arith.constant 64 : i32
          %mul3A_1542 = arith.muli %squeeze3A_1521, %mul3A_1541 : i32
          %add3A_1543 = arith.constant 0 : i32
          %add3A_1544 = arith.addi %mul3A_1542, %add3A_1543 : i32
          %get3A_1545 = arith.index_cast %add3A_1544 : i32 to index
          %get3A_1546 = tpu.vector_load %arg11[%get3A_1545] {strides = array<i32>} : memref<960xi32, #tpu.memory_space<vmem>>, vector<16xi32>,
          %bitcast3A_1547 = vector.bitcast %get3A_1546 : vector<16xi32> to vector<32xbf16>
          %mul3A_1548 = arith.mulf %bitcast3A_1540, %bitcast3A_1547 : vector<32xbf16>
          %unpack3A_1549 = tpu.unpack_subelements %mul3A_1548, 0 {pack_format = #tpu.pack_format<interleaved>} : vector<32xbf16> -> vector<16xf32>
          %unpack3A_1550 = tpu.unpack_subelements %mul3A_1548, 1 {pack_format = #tpu.pack_format<interleaved>} : vector<32xbf16> -> vector<16xf32>
          %mul3A_1551 = arith.mulf %unpack3A_1549, %mul3A_1533 : vector<16xf32>
          %add3A_1552 = arith.addf %add3A_1460, %mul3A_1551 : vector<16xf32>
          %mul3A_1553 = arith.mulf %unpack3A_1550, %mul3A_1533 : vector<16xf32>
          %add3A_1554 = arith.addf %add3A_1462, %mul3A_1553 : vector<16xf32>
          %get3A_1555 = arith.index_cast %select_n3A_244 : i32 to index
          %get3A_1556 = arith.index_cast %add3A_1535 : i32 to index
          %get3A_1557 = arith.constant 16 : index
          %get3A_1558 = tpu.vector_load %arg16[%get3A_1555, %get3A_1556, %get3A_1557] {strides = array<i32>} : memref<2x256x128xi32, #tpu.memory_space<vmem>>, vector<16xi32>,
          %bitcast3A_1559 = vector.bitcast %get3A_1558 : vector<16xi32> to vector<32xbf16>
          %mul3A_1560 = arith.constant 64 : i32
          %mul3A_1561 = arith.muli %squeeze3A_1521, %mul3A_1560 : i32
          %add3A_1562 = arith.constant 16 : i32
          %add3A_1563 = arith.addi %mul3A_1561, %add3A_1562 : i32
          %get3A_1564 = arith.index_cast %add3A_1563 : i32 to index
          %get3A_1565 = tpu.vector_load %arg11[%get3A_1564] {strides = array<i32>} : memref<960xi32, #tpu.memory_space<vmem>>, vector<16xi32>,
          %bitcast3A_1566 = vector.bitcast %get3A_1565 : vector<16xi32> to vector<32xbf16>
          %mul3A_1567 = arith.mulf %bitcast3A_1559, %bitcast3A_1566 : vector<32xbf16>
          %unpack3A_1568 = tpu.unpack_subelements %mul3A_1567, 0 {pack_format = #tpu.pack_format<interleaved>} : vector<32xbf16> -> vector<16xf32>
          %unpack3A_1569 = tpu.unpack_subelements %mul3A_1567, 1 {pack_format = #tpu.pack_format<interleaved>} : vector<32xbf16> -> vector<16xf32>
          %mul3A_1570 = arith.mulf %unpack3A_1568, %mul3A_1533 : vector<16xf32>
          %add3A_1571 = arith.addf %add3A_1479, %mul3A_1570 : vector<16xf32>
          %mul3A_1572 = arith.mulf %unpack3A_1569, %mul3A_1533 : vector<16xf32>
          %add3A_1573 = arith.addf %add3A_1481, %mul3A_1572 : vector<16xf32>
          %get3A_1574 = arith.index_cast %select_n3A_244 : i32 to index
          %get3A_1575 = arith.index_cast %add3A_1535 : i32 to index
          %get3A_1576 = arith.constant 32 : index
          %get3A_1577 = tpu.vector_load %arg16[%get3A_1574, %get3A_1575, %get3A_1576] {strides = array<i32>} : memref<2x256x128xi32, #tpu.memory_space<vmem>>, vector<16xi32>,
          %bitcast3A_1578 = vector.bitcast %get3A_1577 : vector<16xi32> to vector<32xbf16>
          %mul3A_1579 = arith.constant 64 : i32
          %mul3A_1580 = arith.muli %squeeze3A_1521, %mul3A_1579 : i32
          %add3A_1581 = arith.constant 32 : i32
          %add3A_1582 = arith.addi %mul3A_1580, %add3A_1581 : i32
          %get3A_1583 = arith.index_cast %add3A_1582 : i32 to index
          %get3A_1584 = tpu.vector_load %arg11[%get3A_1583] {strides = array<i32>} : memref<960xi32, #tpu.memory_space<vmem>>, vector<16xi32>,
          %bitcast3A_1585 = vector.bitcast %get3A_1584 : vector<16xi32> to vector<32xbf16>
          %mul3A_1586 = arith.mulf %bitcast3A_1578, %bitcast3A_1585 : vector<32xbf16>
          %unpack3A_1587 = tpu.unpack_subelements %mul3A_1586, 0 {pack_format = #tpu.pack_format<interleaved>} : vector<32xbf16> -> vector<16xf32>
          %unpack3A_1588 = tpu.unpack_subelements %mul3A_1586, 1 {pack_format = #tpu.pack_format<interleaved>} : vector<32xbf16> -> vector<16xf32>
          %mul3A_1589 = arith.mulf %unpack3A_1587, %mul3A_1533 : vector<16xf32>
          %add3A_1590 = arith.addf %add3A_1498, %mul3A_1589 : vector<16xf32>
          %mul3A_1591 = arith.mulf %unpack3A_1588, %mul3A_1533 : vector<16xf32>
          %add3A_1592 = arith.addf %add3A_1500, %mul3A_1591 : vector<16xf32>
          %get3A_1593 = arith.index_cast %select_n3A_244 : i32 to index
          %get3A_1594 = arith.index_cast %add3A_1535 : i32 to index
          %get3A_1595 = arith.constant 48 : index
          %get3A_1596 = tpu.vector_load %arg16[%get3A_1593, %get3A_1594, %get3A_1595] {strides = array<i32>} : memref<2x256x128xi32, #tpu.memory_space<vmem>>, vector<16xi32>,
          %bitcast3A_1597 = vector.bitcast %get3A_1596 : vector<16xi32> to vector<32xbf16>
          %mul3A_1598 = arith.constant 64 : i32
          %mul3A_1599 = arith.muli %squeeze3A_1521, %mul3A_1598 : i32
          %add3A_1600 = arith.constant 48 : i32
          %add3A_1601 = arith.addi %mul3A_1599, %add3A_1600 : i32
          %get3A_1602 = arith.index_cast %add3A_1601 : i32 to index
          %get3A_1603 = tpu.vector_load %arg11[%get3A_1602] {strides = array<i32>} : memref<960xi32, #tpu.memory_space<vmem>>, vector<16xi32>,
          %bitcast3A_1604 = vector.bitcast %get3A_1603 : vector<16xi32> to vector<32xbf16>
          %mul3A_1605 = arith.mulf %bitcast3A_1597, %bitcast3A_1604 : vector<32xbf16>
          %unpack3A_1606 = tpu.unpack_subelements %mul3A_1605, 0 {pack_format = #tpu.pack_format<interleaved>} : vector<32xbf16> -> vector<16xf32>
          %unpack3A_1607 = tpu.unpack_subelements %mul3A_1605, 1 {pack_format = #tpu.pack_format<interleaved>} : vector<32xbf16> -> vector<16xf32>
          %mul3A_1608 = arith.mulf %unpack3A_1606, %mul3A_1533 : vector<16xf32>
          %add3A_1609 = arith.addf %add3A_1517, %mul3A_1608 : vector<16xf32>
          %mul3A_1610 = arith.mulf %unpack3A_1607, %mul3A_1533 : vector<16xf32>
          %add3A_1611 = arith.addf %add3A_1519, %mul3A_1610 : vector<16xf32>
          %slice3A_1612 = vector.extract_strided_slice %select_n3A_739 {offsets = [9], sizes = [1], strides = [1]} : vector<16xi32> to vector<1xi32>
          %squeeze3A_1613 = vector.extract %slice3A_1612[0] : i32 from vector<1xi32>
          %slice3A_1614 = vector.extract_strided_slice %max3A_784 {offsets = [9], sizes = [1], strides = [1]} : vector<16xf32> to vector<1xf32>
          %squeeze3A_1615 = vector.extract %slice3A_1614[0] : f32 from vector<1xf32>
          %mul3A_1616 = arith.constant 256 : i32
          %mul3A_1617 = arith.muli %scan3A_356, %mul3A_1616 : i32
          %mul3A_1618 = arith.constant 16 : i32
          %mul3A_1619 = arith.muli %squeeze3A_1613, %mul3A_1618 : i32
          %add3A_1620 = arith.addi %mul3A_1617, %mul3A_1619 : i32
          %get3A_1621 = arith.index_cast %select_n3A_260 : i32 to index
          %get3A_1622 = arith.index_cast %add3A_1620 : i32 to index
          %get3A_1623 = tpu.vector_load %arg15[%get3A_1621, %get3A_1622] {strides = array<i32>} : memref<3x2048xf32, #tpu.memory_space<vmem>>, vector<16xf32>,
          %mul3A_1624 = vector.broadcast %squeeze3A_1615 : f32 to vector<16xf32>
          %mul3A_1625 = arith.mulf %get3A_1623, %mul3A_1624 : vector<16xf32>
          %add3A_1626 = arith.constant 9 : i32
          %add3A_1627 = arith.addi %add3A_480, %add3A_1626 : i32
          %get3A_1628 = arith.index_cast %select_n3A_244 : i32 to index
          %get3A_1629 = arith.index_cast %add3A_1627 : i32 to index
          %get3A_1630 = arith.constant 0 : index
          %get3A_1631 = tpu.vector_load %arg16[%get3A_1628, %get3A_1629, %get3A_1630] {strides = array<i32>} : memref<2x256x128xi32, #tpu.memory_space<vmem>>, vector<16xi32>,
          %bitcast3A_1632 = vector.bitcast %get3A_1631 : vector<16xi32> to vector<32xbf16>
          %mul3A_1633 = arith.constant 64 : i32
          %mul3A_1634 = arith.muli %squeeze3A_1613, %mul3A_1633 : i32
          %add3A_1635 = arith.constant 0 : i32
          %add3A_1636 = arith.addi %mul3A_1634, %add3A_1635 : i32
          %get3A_1637 = arith.index_cast %add3A_1636 : i32 to index
          %get3A_1638 = tpu.vector_load %arg11[%get3A_1637] {strides = array<i32>} : memref<960xi32, #tpu.memory_space<vmem>>, vector<16xi32>,
          %bitcast3A_1639 = vector.bitcast %get3A_1638 : vector<16xi32> to vector<32xbf16>
          %mul3A_1640 = arith.mulf %bitcast3A_1632, %bitcast3A_1639 : vector<32xbf16>
          %unpack3A_1641 = tpu.unpack_subelements %mul3A_1640, 0 {pack_format = #tpu.pack_format<interleaved>} : vector<32xbf16> -> vector<16xf32>
          %unpack3A_1642 = tpu.unpack_subelements %mul3A_1640, 1 {pack_format = #tpu.pack_format<interleaved>} : vector<32xbf16> -> vector<16xf32>
          %mul3A_1643 = arith.mulf %unpack3A_1641, %mul3A_1625 : vector<16xf32>
          %add3A_1644 = arith.addf %add3A_1552, %mul3A_1643 : vector<16xf32>
          %mul3A_1645 = arith.mulf %unpack3A_1642, %mul3A_1625 : vector<16xf32>
          %add3A_1646 = arith.addf %add3A_1554, %mul3A_1645 : vector<16xf32>
          %get3A_1647 = arith.index_cast %select_n3A_244 : i32 to index
          %get3A_1648 = arith.index_cast %add3A_1627 : i32 to index
          %get3A_1649 = arith.constant 16 : index
          %get3A_1650 = tpu.vector_load %arg16[%get3A_1647, %get3A_1648, %get3A_1649] {strides = array<i32>} : memref<2x256x128xi32, #tpu.memory_space<vmem>>, vector<16xi32>,
          %bitcast3A_1651 = vector.bitcast %get3A_1650 : vector<16xi32> to vector<32xbf16>
          %mul3A_1652 = arith.constant 64 : i32
          %mul3A_1653 = arith.muli %squeeze3A_1613, %mul3A_1652 : i32
          %add3A_1654 = arith.constant 16 : i32
          %add3A_1655 = arith.addi %mul3A_1653, %add3A_1654 : i32
          %get3A_1656 = arith.index_cast %add3A_1655 : i32 to index
          %get3A_1657 = tpu.vector_load %arg11[%get3A_1656] {strides = array<i32>} : memref<960xi32, #tpu.memory_space<vmem>>, vector<16xi32>,
          %bitcast3A_1658 = vector.bitcast %get3A_1657 : vector<16xi32> to vector<32xbf16>
          %mul3A_1659 = arith.mulf %bitcast3A_1651, %bitcast3A_1658 : vector<32xbf16>
          %unpack3A_1660 = tpu.unpack_subelements %mul3A_1659, 0 {pack_format = #tpu.pack_format<interleaved>} : vector<32xbf16> -> vector<16xf32>
          %unpack3A_1661 = tpu.unpack_subelements %mul3A_1659, 1 {pack_format = #tpu.pack_format<interleaved>} : vector<32xbf16> -> vector<16xf32>
          %mul3A_1662 = arith.mulf %unpack3A_1660, %mul3A_1625 : vector<16xf32>
          %add3A_1663 = arith.addf %add3A_1571, %mul3A_1662 : vector<16xf32>
          %mul3A_1664 = arith.mulf %unpack3A_1661, %mul3A_1625 : vector<16xf32>
          %add3A_1665 = arith.addf %add3A_1573, %mul3A_1664 : vector<16xf32>
          %get3A_1666 = arith.index_cast %select_n3A_244 : i32 to index
          %get3A_1667 = arith.index_cast %add3A_1627 : i32 to index
          %get3A_1668 = arith.constant 32 : index
          %get3A_1669 = tpu.vector_load %arg16[%get3A_1666, %get3A_1667, %get3A_1668] {strides = array<i32>} : memref<2x256x128xi32, #tpu.memory_space<vmem>>, vector<16xi32>,
          %bitcast3A_1670 = vector.bitcast %get3A_1669 : vector<16xi32> to vector<32xbf16>
          %mul3A_1671 = arith.constant 64 : i32
          %mul3A_1672 = arith.muli %squeeze3A_1613, %mul3A_1671 : i32
          %add3A_1673 = arith.constant 32 : i32
          %add3A_1674 = arith.addi %mul3A_1672, %add3A_1673 : i32
          %get3A_1675 = arith.index_cast %add3A_1674 : i32 to index
          %get3A_1676 = tpu.vector_load %arg11[%get3A_1675] {strides = array<i32>} : memref<960xi32, #tpu.memory_space<vmem>>, vector<16xi32>,
          %bitcast3A_1677 = vector.bitcast %get3A_1676 : vector<16xi32> to vector<32xbf16>
          %mul3A_1678 = arith.mulf %bitcast3A_1670, %bitcast3A_1677 : vector<32xbf16>
          %unpack3A_1679 = tpu.unpack_subelements %mul3A_1678, 0 {pack_format = #tpu.pack_format<interleaved>} : vector<32xbf16> -> vector<16xf32>
          %unpack3A_1680 = tpu.unpack_subelements %mul3A_1678, 1 {pack_format = #tpu.pack_format<interleaved>} : vector<32xbf16> -> vector<16xf32>
          %mul3A_1681 = arith.mulf %unpack3A_1679, %mul3A_1625 : vector<16xf32>
          %add3A_1682 = arith.addf %add3A_1590, %mul3A_1681 : vector<16xf32>
          %mul3A_1683 = arith.mulf %unpack3A_1680, %mul3A_1625 : vector<16xf32>
          %add3A_1684 = arith.addf %add3A_1592, %mul3A_1683 : vector<16xf32>
          %get3A_1685 = arith.index_cast %select_n3A_244 : i32 to index
          %get3A_1686 = arith.index_cast %add3A_1627 : i32 to index
          %get3A_1687 = arith.constant 48 : index
          %get3A_1688 = tpu.vector_load %arg16[%get3A_1685, %get3A_1686, %get3A_1687] {strides = array<i32>} : memref<2x256x128xi32, #tpu.memory_space<vmem>>, vector<16xi32>,
          %bitcast3A_1689 = vector.bitcast %get3A_1688 : vector<16xi32> to vector<32xbf16>
          %mul3A_1690 = arith.constant 64 : i32
          %mul3A_1691 = arith.muli %squeeze3A_1613, %mul3A_1690 : i32
          %add3A_1692 = arith.constant 48 : i32
          %add3A_1693 = arith.addi %mul3A_1691, %add3A_1692 : i32
          %get3A_1694 = arith.index_cast %add3A_1693 : i32 to index
          %get3A_1695 = tpu.vector_load %arg11[%get3A_1694] {strides = array<i32>} : memref<960xi32, #tpu.memory_space<vmem>>, vector<16xi32>,
          %bitcast3A_1696 = vector.bitcast %get3A_1695 : vector<16xi32> to vector<32xbf16>
          %mul3A_1697 = arith.mulf %bitcast3A_1689, %bitcast3A_1696 : vector<32xbf16>
          %unpack3A_1698 = tpu.unpack_subelements %mul3A_1697, 0 {pack_format = #tpu.pack_format<interleaved>} : vector<32xbf16> -> vector<16xf32>
          %unpack3A_1699 = tpu.unpack_subelements %mul3A_1697, 1 {pack_format = #tpu.pack_format<interleaved>} : vector<32xbf16> -> vector<16xf32>
          %mul3A_1700 = arith.mulf %unpack3A_1698, %mul3A_1625 : vector<16xf32>
          %add3A_1701 = arith.addf %add3A_1609, %mul3A_1700 : vector<16xf32>
          %mul3A_1702 = arith.mulf %unpack3A_1699, %mul3A_1625 : vector<16xf32>
          %add3A_1703 = arith.addf %add3A_1611, %mul3A_1702 : vector<16xf32>
          %slice3A_1704 = vector.extract_strided_slice %select_n3A_739 {offsets = [10], sizes = [1], strides = [1]} : vector<16xi32> to vector<1xi32>
          %squeeze3A_1705 = vector.extract %slice3A_1704[0] : i32 from vector<1xi32>
          %slice3A_1706 = vector.extract_strided_slice %max3A_784 {offsets = [10], sizes = [1], strides = [1]} : vector<16xf32> to vector<1xf32>
          %squeeze3A_1707 = vector.extract %slice3A_1706[0] : f32 from vector<1xf32>
          %mul3A_1708 = arith.constant 256 : i32
          %mul3A_1709 = arith.muli %scan3A_356, %mul3A_1708 : i32
          %mul3A_1710 = arith.constant 16 : i32
          %mul3A_1711 = arith.muli %squeeze3A_1705, %mul3A_1710 : i32
          %add3A_1712 = arith.addi %mul3A_1709, %mul3A_1711 : i32
          %get3A_1713 = arith.index_cast %select_n3A_260 : i32 to index
          %get3A_1714 = arith.index_cast %add3A_1712 : i32 to index
          %get3A_1715 = tpu.vector_load %arg15[%get3A_1713, %get3A_1714] {strides = array<i32>} : memref<3x2048xf32, #tpu.memory_space<vmem>>, vector<16xf32>,
          %mul3A_1716 = vector.broadcast %squeeze3A_1707 : f32 to vector<16xf32>
          %mul3A_1717 = arith.mulf %get3A_1715, %mul3A_1716 : vector<16xf32>
          %add3A_1718 = arith.constant 10 : i32
          %add3A_1719 = arith.addi %add3A_480, %add3A_1718 : i32
          %get3A_1720 = arith.index_cast %select_n3A_244 : i32 to index
          %get3A_1721 = arith.index_cast %add3A_1719 : i32 to index
          %get3A_1722 = arith.constant 0 : index
          %get3A_1723 = tpu.vector_load %arg16[%get3A_1720, %get3A_1721, %get3A_1722] {strides = array<i32>} : memref<2x256x128xi32, #tpu.memory_space<vmem>>, vector<16xi32>,
          %bitcast3A_1724 = vector.bitcast %get3A_1723 : vector<16xi32> to vector<32xbf16>
          %mul3A_1725 = arith.constant 64 : i32
          %mul3A_1726 = arith.muli %squeeze3A_1705, %mul3A_1725 : i32
          %add3A_1727 = arith.constant 0 : i32
          %add3A_1728 = arith.addi %mul3A_1726, %add3A_1727 : i32
          %get3A_1729 = arith.index_cast %add3A_1728 : i32 to index
          %get3A_1730 = tpu.vector_load %arg11[%get3A_1729] {strides = array<i32>} : memref<960xi32, #tpu.memory_space<vmem>>, vector<16xi32>,
          %bitcast3A_1731 = vector.bitcast %get3A_1730 : vector<16xi32> to vector<32xbf16>
          %mul3A_1732 = arith.mulf %bitcast3A_1724, %bitcast3A_1731 : vector<32xbf16>
          %unpack3A_1733 = tpu.unpack_subelements %mul3A_1732, 0 {pack_format = #tpu.pack_format<interleaved>} : vector<32xbf16> -> vector<16xf32>
          %unpack3A_1734 = tpu.unpack_subelements %mul3A_1732, 1 {pack_format = #tpu.pack_format<interleaved>} : vector<32xbf16> -> vector<16xf32>
          %mul3A_1735 = arith.mulf %unpack3A_1733, %mul3A_1717 : vector<16xf32>
          %add3A_1736 = arith.addf %add3A_1644, %mul3A_1735 : vector<16xf32>
          %mul3A_1737 = arith.mulf %unpack3A_1734, %mul3A_1717 : vector<16xf32>
          %add3A_1738 = arith.addf %add3A_1646, %mul3A_1737 : vector<16xf32>
          %get3A_1739 = arith.index_cast %select_n3A_244 : i32 to index
          %get3A_1740 = arith.index_cast %add3A_1719 : i32 to index
          %get3A_1741 = arith.constant 16 : index
          %get3A_1742 = tpu.vector_load %arg16[%get3A_1739, %get3A_1740, %get3A_1741] {strides = array<i32>} : memref<2x256x128xi32, #tpu.memory_space<vmem>>, vector<16xi32>,
          %bitcast3A_1743 = vector.bitcast %get3A_1742 : vector<16xi32> to vector<32xbf16>
          %mul3A_1744 = arith.constant 64 : i32
          %mul3A_1745 = arith.muli %squeeze3A_1705, %mul3A_1744 : i32
          %add3A_1746 = arith.constant 16 : i32
          %add3A_1747 = arith.addi %mul3A_1745, %add3A_1746 : i32
          %get3A_1748 = arith.index_cast %add3A_1747 : i32 to index
          %get3A_1749 = tpu.vector_load %arg11[%get3A_1748] {strides = array<i32>} : memref<960xi32, #tpu.memory_space<vmem>>, vector<16xi32>,
          %bitcast3A_1750 = vector.bitcast %get3A_1749 : vector<16xi32> to vector<32xbf16>
          %mul3A_1751 = arith.mulf %bitcast3A_1743, %bitcast3A_1750 : vector<32xbf16>
          %unpack3A_1752 = tpu.unpack_subelements %mul3A_1751, 0 {pack_format = #tpu.pack_format<interleaved>} : vector<32xbf16> -> vector<16xf32>
          %unpack3A_1753 = tpu.unpack_subelements %mul3A_1751, 1 {pack_format = #tpu.pack_format<interleaved>} : vector<32xbf16> -> vector<16xf32>
          %mul3A_1754 = arith.mulf %unpack3A_1752, %mul3A_1717 : vector<16xf32>
          %add3A_1755 = arith.addf %add3A_1663, %mul3A_1754 : vector<16xf32>
          %mul3A_1756 = arith.mulf %unpack3A_1753, %mul3A_1717 : vector<16xf32>
          %add3A_1757 = arith.addf %add3A_1665, %mul3A_1756 : vector<16xf32>
          %get3A_1758 = arith.index_cast %select_n3A_244 : i32 to index
          %get3A_1759 = arith.index_cast %add3A_1719 : i32 to index
          %get3A_1760 = arith.constant 32 : index
          %get3A_1761 = tpu.vector_load %arg16[%get3A_1758, %get3A_1759, %get3A_1760] {strides = array<i32>} : memref<2x256x128xi32, #tpu.memory_space<vmem>>, vector<16xi32>,
          %bitcast3A_1762 = vector.bitcast %get3A_1761 : vector<16xi32> to vector<32xbf16>
          %mul3A_1763 = arith.constant 64 : i32
          %mul3A_1764 = arith.muli %squeeze3A_1705, %mul3A_1763 : i32
          %add3A_1765 = arith.constant 32 : i32
          %add3A_1766 = arith.addi %mul3A_1764, %add3A_1765 : i32
          %get3A_1767 = arith.index_cast %add3A_1766 : i32 to index
          %get3A_1768 = tpu.vector_load %arg11[%get3A_1767] {strides = array<i32>} : memref<960xi32, #tpu.memory_space<vmem>>, vector<16xi32>,
          %bitcast3A_1769 = vector.bitcast %get3A_1768 : vector<16xi32> to vector<32xbf16>
          %mul3A_1770 = arith.mulf %bitcast3A_1762, %bitcast3A_1769 : vector<32xbf16>
          %unpack3A_1771 = tpu.unpack_subelements %mul3A_1770, 0 {pack_format = #tpu.pack_format<interleaved>} : vector<32xbf16> -> vector<16xf32>
          %unpack3A_1772 = tpu.unpack_subelements %mul3A_1770, 1 {pack_format = #tpu.pack_format<interleaved>} : vector<32xbf16> -> vector<16xf32>
          %mul3A_1773 = arith.mulf %unpack3A_1771, %mul3A_1717 : vector<16xf32>
          %add3A_1774 = arith.addf %add3A_1682, %mul3A_1773 : vector<16xf32>
          %mul3A_1775 = arith.mulf %unpack3A_1772, %mul3A_1717 : vector<16xf32>
          %add3A_1776 = arith.addf %add3A_1684, %mul3A_1775 : vector<16xf32>
          %get3A_1777 = arith.index_cast %select_n3A_244 : i32 to index
          %get3A_1778 = arith.index_cast %add3A_1719 : i32 to index
          %get3A_1779 = arith.constant 48 : index
          %get3A_1780 = tpu.vector_load %arg16[%get3A_1777, %get3A_1778, %get3A_1779] {strides = array<i32>} : memref<2x256x128xi32, #tpu.memory_space<vmem>>, vector<16xi32>,
          %bitcast3A_1781 = vector.bitcast %get3A_1780 : vector<16xi32> to vector<32xbf16>
          %mul3A_1782 = arith.constant 64 : i32
          %mul3A_1783 = arith.muli %squeeze3A_1705, %mul3A_1782 : i32
          %add3A_1784 = arith.constant 48 : i32
          %add3A_1785 = arith.addi %mul3A_1783, %add3A_1784 : i32
          %get3A_1786 = arith.index_cast %add3A_1785 : i32 to index
          %get3A_1787 = tpu.vector_load %arg11[%get3A_1786] {strides = array<i32>} : memref<960xi32, #tpu.memory_space<vmem>>, vector<16xi32>,
          %bitcast3A_1788 = vector.bitcast %get3A_1787 : vector<16xi32> to vector<32xbf16>
          %mul3A_1789 = arith.mulf %bitcast3A_1781, %bitcast3A_1788 : vector<32xbf16>
          %unpack3A_1790 = tpu.unpack_subelements %mul3A_1789, 0 {pack_format = #tpu.pack_format<interleaved>} : vector<32xbf16> -> vector<16xf32>
          %unpack3A_1791 = tpu.unpack_subelements %mul3A_1789, 1 {pack_format = #tpu.pack_format<interleaved>} : vector<32xbf16> -> vector<16xf32>
          %mul3A_1792 = arith.mulf %unpack3A_1790, %mul3A_1717 : vector<16xf32>
          %add3A_1793 = arith.addf %add3A_1701, %mul3A_1792 : vector<16xf32>
          %mul3A_1794 = arith.mulf %unpack3A_1791, %mul3A_1717 : vector<16xf32>
          %add3A_1795 = arith.addf %add3A_1703, %mul3A_1794 : vector<16xf32>
          %slice3A_1796 = vector.extract_strided_slice %select_n3A_739 {offsets = [11], sizes = [1], strides = [1]} : vector<16xi32> to vector<1xi32>
          %squeeze3A_1797 = vector.extract %slice3A_1796[0] : i32 from vector<1xi32>
          %slice3A_1798 = vector.extract_strided_slice %max3A_784 {offsets = [11], sizes = [1], strides = [1]} : vector<16xf32> to vector<1xf32>
          %squeeze3A_1799 = vector.extract %slice3A_1798[0] : f32 from vector<1xf32>
          %mul3A_1800 = arith.constant 256 : i32
          %mul3A_1801 = arith.muli %scan3A_356, %mul3A_1800 : i32
          %mul3A_1802 = arith.constant 16 : i32
          %mul3A_1803 = arith.muli %squeeze3A_1797, %mul3A_1802 : i32
          %add3A_1804 = arith.addi %mul3A_1801, %mul3A_1803 : i32
          %get3A_1805 = arith.index_cast %select_n3A_260 : i32 to index
          %get3A_1806 = arith.index_cast %add3A_1804 : i32 to index
          %get3A_1807 = tpu.vector_load %arg15[%get3A_1805, %get3A_1806] {strides = array<i32>} : memref<3x2048xf32, #tpu.memory_space<vmem>>, vector<16xf32>,
          %mul3A_1808 = vector.broadcast %squeeze3A_1799 : f32 to vector<16xf32>
          %mul3A_1809 = arith.mulf %get3A_1807, %mul3A_1808 : vector<16xf32>
          %add3A_1810 = arith.constant 11 : i32
          %add3A_1811 = arith.addi %add3A_480, %add3A_1810 : i32
          %get3A_1812 = arith.index_cast %select_n3A_244 : i32 to index
          %get3A_1813 = arith.index_cast %add3A_1811 : i32 to index
          %get3A_1814 = arith.constant 0 : index
          %get3A_1815 = tpu.vector_load %arg16[%get3A_1812, %get3A_1813, %get3A_1814] {strides = array<i32>} : memref<2x256x128xi32, #tpu.memory_space<vmem>>, vector<16xi32>,
          %bitcast3A_1816 = vector.bitcast %get3A_1815 : vector<16xi32> to vector<32xbf16>
          %mul3A_1817 = arith.constant 64 : i32
          %mul3A_1818 = arith.muli %squeeze3A_1797, %mul3A_1817 : i32
          %add3A_1819 = arith.constant 0 : i32
          %add3A_1820 = arith.addi %mul3A_1818, %add3A_1819 : i32
          %get3A_1821 = arith.index_cast %add3A_1820 : i32 to index
          %get3A_1822 = tpu.vector_load %arg11[%get3A_1821] {strides = array<i32>} : memref<960xi32, #tpu.memory_space<vmem>>, vector<16xi32>,
          %bitcast3A_1823 = vector.bitcast %get3A_1822 : vector<16xi32> to vector<32xbf16>
          %mul3A_1824 = arith.mulf %bitcast3A_1816, %bitcast3A_1823 : vector<32xbf16>
          %unpack3A_1825 = tpu.unpack_subelements %mul3A_1824, 0 {pack_format = #tpu.pack_format<interleaved>} : vector<32xbf16> -> vector<16xf32>
          %unpack3A_1826 = tpu.unpack_subelements %mul3A_1824, 1 {pack_format = #tpu.pack_format<interleaved>} : vector<32xbf16> -> vector<16xf32>
          %mul3A_1827 = arith.mulf %unpack3A_1825, %mul3A_1809 : vector<16xf32>
          %add3A_1828 = arith.addf %add3A_1736, %mul3A_1827 : vector<16xf32>
          %mul3A_1829 = arith.mulf %unpack3A_1826, %mul3A_1809 : vector<16xf32>
          %add3A_1830 = arith.addf %add3A_1738, %mul3A_1829 : vector<16xf32>
          %get3A_1831 = arith.index_cast %select_n3A_244 : i32 to index
          %get3A_1832 = arith.index_cast %add3A_1811 : i32 to index
          %get3A_1833 = arith.constant 16 : index
          %get3A_1834 = tpu.vector_load %arg16[%get3A_1831, %get3A_1832, %get3A_1833] {strides = array<i32>} : memref<2x256x128xi32, #tpu.memory_space<vmem>>, vector<16xi32>,
          %bitcast3A_1835 = vector.bitcast %get3A_1834 : vector<16xi32> to vector<32xbf16>
          %mul3A_1836 = arith.constant 64 : i32
          %mul3A_1837 = arith.muli %squeeze3A_1797, %mul3A_1836 : i32
          %add3A_1838 = arith.constant 16 : i32
          %add3A_1839 = arith.addi %mul3A_1837, %add3A_1838 : i32
          %get3A_1840 = arith.index_cast %add3A_1839 : i32 to index
          %get3A_1841 = tpu.vector_load %arg11[%get3A_1840] {strides = array<i32>} : memref<960xi32, #tpu.memory_space<vmem>>, vector<16xi32>,
          %bitcast3A_1842 = vector.bitcast %get3A_1841 : vector<16xi32> to vector<32xbf16>
          %mul3A_1843 = arith.mulf %bitcast3A_1835, %bitcast3A_1842 : vector<32xbf16>
          %unpack3A_1844 = tpu.unpack_subelements %mul3A_1843, 0 {pack_format = #tpu.pack_format<interleaved>} : vector<32xbf16> -> vector<16xf32>
          %unpack3A_1845 = tpu.unpack_subelements %mul3A_1843, 1 {pack_format = #tpu.pack_format<interleaved>} : vector<32xbf16> -> vector<16xf32>
          %mul3A_1846 = arith.mulf %unpack3A_1844, %mul3A_1809 : vector<16xf32>
          %add3A_1847 = arith.addf %add3A_1755, %mul3A_1846 : vector<16xf32>
          %mul3A_1848 = arith.mulf %unpack3A_1845, %mul3A_1809 : vector<16xf32>
          %add3A_1849 = arith.addf %add3A_1757, %mul3A_1848 : vector<16xf32>
          %get3A_1850 = arith.index_cast %select_n3A_244 : i32 to index
          %get3A_1851 = arith.index_cast %add3A_1811 : i32 to index
          %get3A_1852 = arith.constant 32 : index
          %get3A_1853 = tpu.vector_load %arg16[%get3A_1850, %get3A_1851, %get3A_1852] {strides = array<i32>} : memref<2x256x128xi32, #tpu.memory_space<vmem>>, vector<16xi32>,
          %bitcast3A_1854 = vector.bitcast %get3A_1853 : vector<16xi32> to vector<32xbf16>
          %mul3A_1855 = arith.constant 64 : i32
          %mul3A_1856 = arith.muli %squeeze3A_1797, %mul3A_1855 : i32
          %add3A_1857 = arith.constant 32 : i32
          %add3A_1858 = arith.addi %mul3A_1856, %add3A_1857 : i32
          %get3A_1859 = arith.index_cast %add3A_1858 : i32 to index
          %get3A_1860 = tpu.vector_load %arg11[%get3A_1859] {strides = array<i32>} : memref<960xi32, #tpu.memory_space<vmem>>, vector<16xi32>,
          %bitcast3A_1861 = vector.bitcast %get3A_1860 : vector<16xi32> to vector<32xbf16>
          %mul3A_1862 = arith.mulf %bitcast3A_1854, %bitcast3A_1861 : vector<32xbf16>
          %unpack3A_1863 = tpu.unpack_subelements %mul3A_1862, 0 {pack_format = #tpu.pack_format<interleaved>} : vector<32xbf16> -> vector<16xf32>
          %unpack3A_1864 = tpu.unpack_subelements %mul3A_1862, 1 {pack_format = #tpu.pack_format<interleaved>} : vector<32xbf16> -> vector<16xf32>
          %mul3A_1865 = arith.mulf %unpack3A_1863, %mul3A_1809 : vector<16xf32>
          %add3A_1866 = arith.addf %add3A_1774, %mul3A_1865 : vector<16xf32>
          %mul3A_1867 = arith.mulf %unpack3A_1864, %mul3A_1809 : vector<16xf32>
          %add3A_1868 = arith.addf %add3A_1776, %mul3A_1867 : vector<16xf32>
          %get3A_1869 = arith.index_cast %select_n3A_244 : i32 to index
          %get3A_1870 = arith.index_cast %add3A_1811 : i32 to index
          %get3A_1871 = arith.constant 48 : index
          %get3A_1872 = tpu.vector_load %arg16[%get3A_1869, %get3A_1870, %get3A_1871] {strides = array<i32>} : memref<2x256x128xi32, #tpu.memory_space<vmem>>, vector<16xi32>,
          %bitcast3A_1873 = vector.bitcast %get3A_1872 : vector<16xi32> to vector<32xbf16>
          %mul3A_1874 = arith.constant 64 : i32
          %mul3A_1875 = arith.muli %squeeze3A_1797, %mul3A_1874 : i32
          %add3A_1876 = arith.constant 48 : i32
          %add3A_1877 = arith.addi %mul3A_1875, %add3A_1876 : i32
          %get3A_1878 = arith.index_cast %add3A_1877 : i32 to index
          %get3A_1879 = tpu.vector_load %arg11[%get3A_1878] {strides = array<i32>} : memref<960xi32, #tpu.memory_space<vmem>>, vector<16xi32>,
          %bitcast3A_1880 = vector.bitcast %get3A_1879 : vector<16xi32> to vector<32xbf16>
          %mul3A_1881 = arith.mulf %bitcast3A_1873, %bitcast3A_1880 : vector<32xbf16>
          %unpack3A_1882 = tpu.unpack_subelements %mul3A_1881, 0 {pack_format = #tpu.pack_format<interleaved>} : vector<32xbf16> -> vector<16xf32>
          %unpack3A_1883 = tpu.unpack_subelements %mul3A_1881, 1 {pack_format = #tpu.pack_format<interleaved>} : vector<32xbf16> -> vector<16xf32>
          %mul3A_1884 = arith.mulf %unpack3A_1882, %mul3A_1809 : vector<16xf32>
          %add3A_1885 = arith.addf %add3A_1793, %mul3A_1884 : vector<16xf32>
          %mul3A_1886 = arith.mulf %unpack3A_1883, %mul3A_1809 : vector<16xf32>
          %add3A_1887 = arith.addf %add3A_1795, %mul3A_1886 : vector<16xf32>
          %slice3A_1888 = vector.extract_strided_slice %select_n3A_739 {offsets = [12], sizes = [1], strides = [1]} : vector<16xi32> to vector<1xi32>
          %squeeze3A_1889 = vector.extract %slice3A_1888[0] : i32 from vector<1xi32>
          %slice3A_1890 = vector.extract_strided_slice %max3A_784 {offsets = [12], sizes = [1], strides = [1]} : vector<16xf32> to vector<1xf32>
          %squeeze3A_1891 = vector.extract %slice3A_1890[0] : f32 from vector<1xf32>
          %mul3A_1892 = arith.constant 256 : i32
          %mul3A_1893 = arith.muli %scan3A_356, %mul3A_1892 : i32
          %mul3A_1894 = arith.constant 16 : i32
          %mul3A_1895 = arith.muli %squeeze3A_1889, %mul3A_1894 : i32
          %add3A_1896 = arith.addi %mul3A_1893, %mul3A_1895 : i32
          %get3A_1897 = arith.index_cast %select_n3A_260 : i32 to index
          %get3A_1898 = arith.index_cast %add3A_1896 : i32 to index
          %get3A_1899 = tpu.vector_load %arg15[%get3A_1897, %get3A_1898] {strides = array<i32>} : memref<3x2048xf32, #tpu.memory_space<vmem>>, vector<16xf32>,
          %mul3A_1900 = vector.broadcast %squeeze3A_1891 : f32 to vector<16xf32>
          %mul3A_1901 = arith.mulf %get3A_1899, %mul3A_1900 : vector<16xf32>
          %add3A_1902 = arith.constant 12 : i32
          %add3A_1903 = arith.addi %add3A_480, %add3A_1902 : i32
          %get3A_1904 = arith.index_cast %select_n3A_244 : i32 to index
          %get3A_1905 = arith.index_cast %add3A_1903 : i32 to index
          %get3A_1906 = arith.constant 0 : index
          %get3A_1907 = tpu.vector_load %arg16[%get3A_1904, %get3A_1905, %get3A_1906] {strides = array<i32>} : memref<2x256x128xi32, #tpu.memory_space<vmem>>, vector<16xi32>,
          %bitcast3A_1908 = vector.bitcast %get3A_1907 : vector<16xi32> to vector<32xbf16>
          %mul3A_1909 = arith.constant 64 : i32
          %mul3A_1910 = arith.muli %squeeze3A_1889, %mul3A_1909 : i32
          %add3A_1911 = arith.constant 0 : i32
          %add3A_1912 = arith.addi %mul3A_1910, %add3A_1911 : i32
          %get3A_1913 = arith.index_cast %add3A_1912 : i32 to index
          %get3A_1914 = tpu.vector_load %arg11[%get3A_1913] {strides = array<i32>} : memref<960xi32, #tpu.memory_space<vmem>>, vector<16xi32>,
          %bitcast3A_1915 = vector.bitcast %get3A_1914 : vector<16xi32> to vector<32xbf16>
          %mul3A_1916 = arith.mulf %bitcast3A_1908, %bitcast3A_1915 : vector<32xbf16>
          %unpack3A_1917 = tpu.unpack_subelements %mul3A_1916, 0 {pack_format = #tpu.pack_format<interleaved>} : vector<32xbf16> -> vector<16xf32>
          %unpack3A_1918 = tpu.unpack_subelements %mul3A_1916, 1 {pack_format = #tpu.pack_format<interleaved>} : vector<32xbf16> -> vector<16xf32>
          %mul3A_1919 = arith.mulf %unpack3A_1917, %mul3A_1901 : vector<16xf32>
          %add3A_1920 = arith.addf %add3A_1828, %mul3A_1919 : vector<16xf32>
          %mul3A_1921 = arith.mulf %unpack3A_1918, %mul3A_1901 : vector<16xf32>
          %add3A_1922 = arith.addf %add3A_1830, %mul3A_1921 : vector<16xf32>
          %get3A_1923 = arith.index_cast %select_n3A_244 : i32 to index
          %get3A_1924 = arith.index_cast %add3A_1903 : i32 to index
          %get3A_1925 = arith.constant 16 : index
          %get3A_1926 = tpu.vector_load %arg16[%get3A_1923, %get3A_1924, %get3A_1925] {strides = array<i32>} : memref<2x256x128xi32, #tpu.memory_space<vmem>>, vector<16xi32>,
          %bitcast3A_1927 = vector.bitcast %get3A_1926 : vector<16xi32> to vector<32xbf16>
          %mul3A_1928 = arith.constant 64 : i32
          %mul3A_1929 = arith.muli %squeeze3A_1889, %mul3A_1928 : i32
          %add3A_1930 = arith.constant 16 : i32
          %add3A_1931 = arith.addi %mul3A_1929, %add3A_1930 : i32
          %get3A_1932 = arith.index_cast %add3A_1931 : i32 to index
          %get3A_1933 = tpu.vector_load %arg11[%get3A_1932] {strides = array<i32>} : memref<960xi32, #tpu.memory_space<vmem>>, vector<16xi32>,
          %bitcast3A_1934 = vector.bitcast %get3A_1933 : vector<16xi32> to vector<32xbf16>
          %mul3A_1935 = arith.mulf %bitcast3A_1927, %bitcast3A_1934 : vector<32xbf16>
          %unpack3A_1936 = tpu.unpack_subelements %mul3A_1935, 0 {pack_format = #tpu.pack_format<interleaved>} : vector<32xbf16> -> vector<16xf32>
          %unpack3A_1937 = tpu.unpack_subelements %mul3A_1935, 1 {pack_format = #tpu.pack_format<interleaved>} : vector<32xbf16> -> vector<16xf32>
          %mul3A_1938 = arith.mulf %unpack3A_1936, %mul3A_1901 : vector<16xf32>
          %add3A_1939 = arith.addf %add3A_1847, %mul3A_1938 : vector<16xf32>
          %mul3A_1940 = arith.mulf %unpack3A_1937, %mul3A_1901 : vector<16xf32>
          %add3A_1941 = arith.addf %add3A_1849, %mul3A_1940 : vector<16xf32>
          %get3A_1942 = arith.index_cast %select_n3A_244 : i32 to index
          %get3A_1943 = arith.index_cast %add3A_1903 : i32 to index
          %get3A_1944 = arith.constant 32 : index
          %get3A_1945 = tpu.vector_load %arg16[%get3A_1942, %get3A_1943, %get3A_1944] {strides = array<i32>} : memref<2x256x128xi32, #tpu.memory_space<vmem>>, vector<16xi32>,
          %bitcast3A_1946 = vector.bitcast %get3A_1945 : vector<16xi32> to vector<32xbf16>
          %mul3A_1947 = arith.constant 64 : i32
          %mul3A_1948 = arith.muli %squeeze3A_1889, %mul3A_1947 : i32
          %add3A_1949 = arith.constant 32 : i32
          %add3A_1950 = arith.addi %mul3A_1948, %add3A_1949 : i32
          %get3A_1951 = arith.index_cast %add3A_1950 : i32 to index
          %get3A_1952 = tpu.vector_load %arg11[%get3A_1951] {strides = array<i32>} : memref<960xi32, #tpu.memory_space<vmem>>, vector<16xi32>,
          %bitcast3A_1953 = vector.bitcast %get3A_1952 : vector<16xi32> to vector<32xbf16>
          %mul3A_1954 = arith.mulf %bitcast3A_1946, %bitcast3A_1953 : vector<32xbf16>
          %unpack3A_1955 = tpu.unpack_subelements %mul3A_1954, 0 {pack_format = #tpu.pack_format<interleaved>} : vector<32xbf16> -> vector<16xf32>
          %unpack3A_1956 = tpu.unpack_subelements %mul3A_1954, 1 {pack_format = #tpu.pack_format<interleaved>} : vector<32xbf16> -> vector<16xf32>
          %mul3A_1957 = arith.mulf %unpack3A_1955, %mul3A_1901 : vector<16xf32>
          %add3A_1958 = arith.addf %add3A_1866, %mul3A_1957 : vector<16xf32>
          %mul3A_1959 = arith.mulf %unpack3A_1956, %mul3A_1901 : vector<16xf32>
          %add3A_1960 = arith.addf %add3A_1868, %mul3A_1959 : vector<16xf32>
          %get3A_1961 = arith.index_cast %select_n3A_244 : i32 to index
          %get3A_1962 = arith.index_cast %add3A_1903 : i32 to index
          %get3A_1963 = arith.constant 48 : index
          %get3A_1964 = tpu.vector_load %arg16[%get3A_1961, %get3A_1962, %get3A_1963] {strides = array<i32>} : memref<2x256x128xi32, #tpu.memory_space<vmem>>, vector<16xi32>,
          %bitcast3A_1965 = vector.bitcast %get3A_1964 : vector<16xi32> to vector<32xbf16>
          %mul3A_1966 = arith.constant 64 : i32
          %mul3A_1967 = arith.muli %squeeze3A_1889, %mul3A_1966 : i32
          %add3A_1968 = arith.constant 48 : i32
          %add3A_1969 = arith.addi %mul3A_1967, %add3A_1968 : i32
          %get3A_1970 = arith.index_cast %add3A_1969 : i32 to index
          %get3A_1971 = tpu.vector_load %arg11[%get3A_1970] {strides = array<i32>} : memref<960xi32, #tpu.memory_space<vmem>>, vector<16xi32>,
          %bitcast3A_1972 = vector.bitcast %get3A_1971 : vector<16xi32> to vector<32xbf16>
          %mul3A_1973 = arith.mulf %bitcast3A_1965, %bitcast3A_1972 : vector<32xbf16>
          %unpack3A_1974 = tpu.unpack_subelements %mul3A_1973, 0 {pack_format = #tpu.pack_format<interleaved>} : vector<32xbf16> -> vector<16xf32>
          %unpack3A_1975 = tpu.unpack_subelements %mul3A_1973, 1 {pack_format = #tpu.pack_format<interleaved>} : vector<32xbf16> -> vector<16xf32>
          %mul3A_1976 = arith.mulf %unpack3A_1974, %mul3A_1901 : vector<16xf32>
          %add3A_1977 = arith.addf %add3A_1885, %mul3A_1976 : vector<16xf32>
          %mul3A_1978 = arith.mulf %unpack3A_1975, %mul3A_1901 : vector<16xf32>
          %add3A_1979 = arith.addf %add3A_1887, %mul3A_1978 : vector<16xf32>
          %slice3A_1980 = vector.extract_strided_slice %select_n3A_739 {offsets = [13], sizes = [1], strides = [1]} : vector<16xi32> to vector<1xi32>
          %squeeze3A_1981 = vector.extract %slice3A_1980[0] : i32 from vector<1xi32>
          %slice3A_1982 = vector.extract_strided_slice %max3A_784 {offsets = [13], sizes = [1], strides = [1]} : vector<16xf32> to vector<1xf32>
          %squeeze3A_1983 = vector.extract %slice3A_1982[0] : f32 from vector<1xf32>
          %mul3A_1984 = arith.constant 256 : i32
          %mul3A_1985 = arith.muli %scan3A_356, %mul3A_1984 : i32
          %mul3A_1986 = arith.constant 16 : i32
          %mul3A_1987 = arith.muli %squeeze3A_1981, %mul3A_1986 : i32
          %add3A_1988 = arith.addi %mul3A_1985, %mul3A_1987 : i32
          %get3A_1989 = arith.index_cast %select_n3A_260 : i32 to index
          %get3A_1990 = arith.index_cast %add3A_1988 : i32 to index
          %get3A_1991 = tpu.vector_load %arg15[%get3A_1989, %get3A_1990] {strides = array<i32>} : memref<3x2048xf32, #tpu.memory_space<vmem>>, vector<16xf32>,
          %mul3A_1992 = vector.broadcast %squeeze3A_1983 : f32 to vector<16xf32>
          %mul3A_1993 = arith.mulf %get3A_1991, %mul3A_1992 : vector<16xf32>
          %add3A_1994 = arith.constant 13 : i32
          %add3A_1995 = arith.addi %add3A_480, %add3A_1994 : i32
          %get3A_1996 = arith.index_cast %select_n3A_244 : i32 to index
          %get3A_1997 = arith.index_cast %add3A_1995 : i32 to index
          %get3A_1998 = arith.constant 0 : index
          %get3A_1999 = tpu.vector_load %arg16[%get3A_1996, %get3A_1997, %get3A_1998] {strides = array<i32>} : memref<2x256x128xi32, #tpu.memory_space<vmem>>, vector<16xi32>,
          %bitcast3A_2000 = vector.bitcast %get3A_1999 : vector<16xi32> to vector<32xbf16>
          %mul3A_2001 = arith.constant 64 : i32
          %mul3A_2002 = arith.muli %squeeze3A_1981, %mul3A_2001 : i32
          %add3A_2003 = arith.constant 0 : i32
          %add3A_2004 = arith.addi %mul3A_2002, %add3A_2003 : i32
          %get3A_2005 = arith.index_cast %add3A_2004 : i32 to index
          %get3A_2006 = tpu.vector_load %arg11[%get3A_2005] {strides = array<i32>} : memref<960xi32, #tpu.memory_space<vmem>>, vector<16xi32>,
          %bitcast3A_2007 = vector.bitcast %get3A_2006 : vector<16xi32> to vector<32xbf16>
          %mul3A_2008 = arith.mulf %bitcast3A_2000, %bitcast3A_2007 : vector<32xbf16>
          %unpack3A_2009 = tpu.unpack_subelements %mul3A_2008, 0 {pack_format = #tpu.pack_format<interleaved>} : vector<32xbf16> -> vector<16xf32>
          %unpack3A_2010 = tpu.unpack_subelements %mul3A_2008, 1 {pack_format = #tpu.pack_format<interleaved>} : vector<32xbf16> -> vector<16xf32>
          %mul3A_2011 = arith.mulf %unpack3A_2009, %mul3A_1993 : vector<16xf32>
          %add3A_2012 = arith.addf %add3A_1920, %mul3A_2011 : vector<16xf32>
          %mul3A_2013 = arith.mulf %unpack3A_2010, %mul3A_1993 : vector<16xf32>
          %add3A_2014 = arith.addf %add3A_1922, %mul3A_2013 : vector<16xf32>
          %get3A_2015 = arith.index_cast %select_n3A_244 : i32 to index
          %get3A_2016 = arith.index_cast %add3A_1995 : i32 to index
          %get3A_2017 = arith.constant 16 : index
          %get3A_2018 = tpu.vector_load %arg16[%get3A_2015, %get3A_2016, %get3A_2017] {strides = array<i32>} : memref<2x256x128xi32, #tpu.memory_space<vmem>>, vector<16xi32>,
          %bitcast3A_2019 = vector.bitcast %get3A_2018 : vector<16xi32> to vector<32xbf16>
          %mul3A_2020 = arith.constant 64 : i32
          %mul3A_2021 = arith.muli %squeeze3A_1981, %mul3A_2020 : i32
          %add3A_2022 = arith.constant 16 : i32
          %add3A_2023 = arith.addi %mul3A_2021, %add3A_2022 : i32
          %get3A_2024 = arith.index_cast %add3A_2023 : i32 to index
          %get3A_2025 = tpu.vector_load %arg11[%get3A_2024] {strides = array<i32>} : memref<960xi32, #tpu.memory_space<vmem>>, vector<16xi32>,
          %bitcast3A_2026 = vector.bitcast %get3A_2025 : vector<16xi32> to vector<32xbf16>
          %mul3A_2027 = arith.mulf %bitcast3A_2019, %bitcast3A_2026 : vector<32xbf16>
          %unpack3A_2028 = tpu.unpack_subelements %mul3A_2027, 0 {pack_format = #tpu.pack_format<interleaved>} : vector<32xbf16> -> vector<16xf32>
          %unpack3A_2029 = tpu.unpack_subelements %mul3A_2027, 1 {pack_format = #tpu.pack_format<interleaved>} : vector<32xbf16> -> vector<16xf32>
          %mul3A_2030 = arith.mulf %unpack3A_2028, %mul3A_1993 : vector<16xf32>
          %add3A_2031 = arith.addf %add3A_1939, %mul3A_2030 : vector<16xf32>
          %mul3A_2032 = arith.mulf %unpack3A_2029, %mul3A_1993 : vector<16xf32>
          %add3A_2033 = arith.addf %add3A_1941, %mul3A_2032 : vector<16xf32>
          %get3A_2034 = arith.index_cast %select_n3A_244 : i32 to index
          %get3A_2035 = arith.index_cast %add3A_1995 : i32 to index
          %get3A_2036 = arith.constant 32 : index
          %get3A_2037 = tpu.vector_load %arg16[%get3A_2034, %get3A_2035, %get3A_2036] {strides = array<i32>} : memref<2x256x128xi32, #tpu.memory_space<vmem>>, vector<16xi32>,
          %bitcast3A_2038 = vector.bitcast %get3A_2037 : vector<16xi32> to vector<32xbf16>
          %mul3A_2039 = arith.constant 64 : i32
          %mul3A_2040 = arith.muli %squeeze3A_1981, %mul3A_2039 : i32
          %add3A_2041 = arith.constant 32 : i32
          %add3A_2042 = arith.addi %mul3A_2040, %add3A_2041 : i32
          %get3A_2043 = arith.index_cast %add3A_2042 : i32 to index
          %get3A_2044 = tpu.vector_load %arg11[%get3A_2043] {strides = array<i32>} : memref<960xi32, #tpu.memory_space<vmem>>, vector<16xi32>,
          %bitcast3A_2045 = vector.bitcast %get3A_2044 : vector<16xi32> to vector<32xbf16>
          %mul3A_2046 = arith.mulf %bitcast3A_2038, %bitcast3A_2045 : vector<32xbf16>
          %unpack3A_2047 = tpu.unpack_subelements %mul3A_2046, 0 {pack_format = #tpu.pack_format<interleaved>} : vector<32xbf16> -> vector<16xf32>
          %unpack3A_2048 = tpu.unpack_subelements %mul3A_2046, 1 {pack_format = #tpu.pack_format<interleaved>} : vector<32xbf16> -> vector<16xf32>
          %mul3A_2049 = arith.mulf %unpack3A_2047, %mul3A_1993 : vector<16xf32>
          %add3A_2050 = arith.addf %add3A_1958, %mul3A_2049 : vector<16xf32>
          %mul3A_2051 = arith.mulf %unpack3A_2048, %mul3A_1993 : vector<16xf32>
          %add3A_2052 = arith.addf %add3A_1960, %mul3A_2051 : vector<16xf32>
          %get3A_2053 = arith.index_cast %select_n3A_244 : i32 to index
          %get3A_2054 = arith.index_cast %add3A_1995 : i32 to index
          %get3A_2055 = arith.constant 48 : index
          %get3A_2056 = tpu.vector_load %arg16[%get3A_2053, %get3A_2054, %get3A_2055] {strides = array<i32>} : memref<2x256x128xi32, #tpu.memory_space<vmem>>, vector<16xi32>,
          %bitcast3A_2057 = vector.bitcast %get3A_2056 : vector<16xi32> to vector<32xbf16>
          %mul3A_2058 = arith.constant 64 : i32
          %mul3A_2059 = arith.muli %squeeze3A_1981, %mul3A_2058 : i32
          %add3A_2060 = arith.constant 48 : i32
          %add3A_2061 = arith.addi %mul3A_2059, %add3A_2060 : i32
          %get3A_2062 = arith.index_cast %add3A_2061 : i32 to index
          %get3A_2063 = tpu.vector_load %arg11[%get3A_2062] {strides = array<i32>} : memref<960xi32, #tpu.memory_space<vmem>>, vector<16xi32>,
          %bitcast3A_2064 = vector.bitcast %get3A_2063 : vector<16xi32> to vector<32xbf16>
          %mul3A_2065 = arith.mulf %bitcast3A_2057, %bitcast3A_2064 : vector<32xbf16>
          %unpack3A_2066 = tpu.unpack_subelements %mul3A_2065, 0 {pack_format = #tpu.pack_format<interleaved>} : vector<32xbf16> -> vector<16xf32>
          %unpack3A_2067 = tpu.unpack_subelements %mul3A_2065, 1 {pack_format = #tpu.pack_format<interleaved>} : vector<32xbf16> -> vector<16xf32>
          %mul3A_2068 = arith.mulf %unpack3A_2066, %mul3A_1993 : vector<16xf32>
          %add3A_2069 = arith.addf %add3A_1977, %mul3A_2068 : vector<16xf32>
          %mul3A_2070 = arith.mulf %unpack3A_2067, %mul3A_1993 : vector<16xf32>
          %add3A_2071 = arith.addf %add3A_1979, %mul3A_2070 : vector<16xf32>
          %slice3A_2072 = vector.extract_strided_slice %select_n3A_739 {offsets = [14], sizes = [1], strides = [1]} : vector<16xi32> to vector<1xi32>
          %squeeze3A_2073 = vector.extract %slice3A_2072[0] : i32 from vector<1xi32>
          %slice3A_2074 = vector.extract_strided_slice %max3A_784 {offsets = [14], sizes = [1], strides = [1]} : vector<16xf32> to vector<1xf32>
          %squeeze3A_2075 = vector.extract %slice3A_2074[0] : f32 from vector<1xf32>
          %mul3A_2076 = arith.constant 256 : i32
          %mul3A_2077 = arith.muli %scan3A_356, %mul3A_2076 : i32
          %mul3A_2078 = arith.constant 16 : i32
          %mul3A_2079 = arith.muli %squeeze3A_2073, %mul3A_2078 : i32
          %add3A_2080 = arith.addi %mul3A_2077, %mul3A_2079 : i32
          %get3A_2081 = arith.index_cast %select_n3A_260 : i32 to index
          %get3A_2082 = arith.index_cast %add3A_2080 : i32 to index
          %get3A_2083 = tpu.vector_load %arg15[%get3A_2081, %get3A_2082] {strides = array<i32>} : memref<3x2048xf32, #tpu.memory_space<vmem>>, vector<16xf32>,
          %mul3A_2084 = vector.broadcast %squeeze3A_2075 : f32 to vector<16xf32>
          %mul3A_2085 = arith.mulf %get3A_2083, %mul3A_2084 : vector<16xf32>
          %add3A_2086 = arith.constant 14 : i32
          %add3A_2087 = arith.addi %add3A_480, %add3A_2086 : i32
          %get3A_2088 = arith.index_cast %select_n3A_244 : i32 to index
          %get3A_2089 = arith.index_cast %add3A_2087 : i32 to index
          %get3A_2090 = arith.constant 0 : index
          %get3A_2091 = tpu.vector_load %arg16[%get3A_2088, %get3A_2089, %get3A_2090] {strides = array<i32>} : memref<2x256x128xi32, #tpu.memory_space<vmem>>, vector<16xi32>,
          %bitcast3A_2092 = vector.bitcast %get3A_2091 : vector<16xi32> to vector<32xbf16>
          %mul3A_2093 = arith.constant 64 : i32
          %mul3A_2094 = arith.muli %squeeze3A_2073, %mul3A_2093 : i32
          %add3A_2095 = arith.constant 0 : i32
          %add3A_2096 = arith.addi %mul3A_2094, %add3A_2095 : i32
          %get3A_2097 = arith.index_cast %add3A_2096 : i32 to index
          %get3A_2098 = tpu.vector_load %arg11[%get3A_2097] {strides = array<i32>} : memref<960xi32, #tpu.memory_space<vmem>>, vector<16xi32>,
          %bitcast3A_2099 = vector.bitcast %get3A_2098 : vector<16xi32> to vector<32xbf16>
          %mul3A_2100 = arith.mulf %bitcast3A_2092, %bitcast3A_2099 : vector<32xbf16>
          %unpack3A_2101 = tpu.unpack_subelements %mul3A_2100, 0 {pack_format = #tpu.pack_format<interleaved>} : vector<32xbf16> -> vector<16xf32>
          %unpack3A_2102 = tpu.unpack_subelements %mul3A_2100, 1 {pack_format = #tpu.pack_format<interleaved>} : vector<32xbf16> -> vector<16xf32>
          %mul3A_2103 = arith.mulf %unpack3A_2101, %mul3A_2085 : vector<16xf32>
          %add3A_2104 = arith.addf %add3A_2012, %mul3A_2103 : vector<16xf32>
          %mul3A_2105 = arith.mulf %unpack3A_2102, %mul3A_2085 : vector<16xf32>
          %add3A_2106 = arith.addf %add3A_2014, %mul3A_2105 : vector<16xf32>
          %get3A_2107 = arith.index_cast %select_n3A_244 : i32 to index
          %get3A_2108 = arith.index_cast %add3A_2087 : i32 to index
          %get3A_2109 = arith.constant 16 : index
          %get3A_2110 = tpu.vector_load %arg16[%get3A_2107, %get3A_2108, %get3A_2109] {strides = array<i32>} : memref<2x256x128xi32, #tpu.memory_space<vmem>>, vector<16xi32>,
          %bitcast3A_2111 = vector.bitcast %get3A_2110 : vector<16xi32> to vector<32xbf16>
          %mul3A_2112 = arith.constant 64 : i32
          %mul3A_2113 = arith.muli %squeeze3A_2073, %mul3A_2112 : i32
          %add3A_2114 = arith.constant 16 : i32
          %add3A_2115 = arith.addi %mul3A_2113, %add3A_2114 : i32
          %get3A_2116 = arith.index_cast %add3A_2115 : i32 to index
          %get3A_2117 = tpu.vector_load %arg11[%get3A_2116] {strides = array<i32>} : memref<960xi32, #tpu.memory_space<vmem>>, vector<16xi32>,
          %bitcast3A_2118 = vector.bitcast %get3A_2117 : vector<16xi32> to vector<32xbf16>
          %mul3A_2119 = arith.mulf %bitcast3A_2111, %bitcast3A_2118 : vector<32xbf16>
          %unpack3A_2120 = tpu.unpack_subelements %mul3A_2119, 0 {pack_format = #tpu.pack_format<interleaved>} : vector<32xbf16> -> vector<16xf32>
          %unpack3A_2121 = tpu.unpack_subelements %mul3A_2119, 1 {pack_format = #tpu.pack_format<interleaved>} : vector<32xbf16> -> vector<16xf32>
          %mul3A_2122 = arith.mulf %unpack3A_2120, %mul3A_2085 : vector<16xf32>
          %add3A_2123 = arith.addf %add3A_2031, %mul3A_2122 : vector<16xf32>
          %mul3A_2124 = arith.mulf %unpack3A_2121, %mul3A_2085 : vector<16xf32>
          %add3A_2125 = arith.addf %add3A_2033, %mul3A_2124 : vector<16xf32>
          %get3A_2126 = arith.index_cast %select_n3A_244 : i32 to index
          %get3A_2127 = arith.index_cast %add3A_2087 : i32 to index
          %get3A_2128 = arith.constant 32 : index
          %get3A_2129 = tpu.vector_load %arg16[%get3A_2126, %get3A_2127, %get3A_2128] {strides = array<i32>} : memref<2x256x128xi32, #tpu.memory_space<vmem>>, vector<16xi32>,
          %bitcast3A_2130 = vector.bitcast %get3A_2129 : vector<16xi32> to vector<32xbf16>
          %mul3A_2131 = arith.constant 64 : i32
          %mul3A_2132 = arith.muli %squeeze3A_2073, %mul3A_2131 : i32
          %add3A_2133 = arith.constant 32 : i32
          %add3A_2134 = arith.addi %mul3A_2132, %add3A_2133 : i32
          %get3A_2135 = arith.index_cast %add3A_2134 : i32 to index
          %get3A_2136 = tpu.vector_load %arg11[%get3A_2135] {strides = array<i32>} : memref<960xi32, #tpu.memory_space<vmem>>, vector<16xi32>,
          %bitcast3A_2137 = vector.bitcast %get3A_2136 : vector<16xi32> to vector<32xbf16>
          %mul3A_2138 = arith.mulf %bitcast3A_2130, %bitcast3A_2137 : vector<32xbf16>
          %unpack3A_2139 = tpu.unpack_subelements %mul3A_2138, 0 {pack_format = #tpu.pack_format<interleaved>} : vector<32xbf16> -> vector<16xf32>
          %unpack3A_2140 = tpu.unpack_subelements %mul3A_2138, 1 {pack_format = #tpu.pack_format<interleaved>} : vector<32xbf16> -> vector<16xf32>
          %mul3A_2141 = arith.mulf %unpack3A_2139, %mul3A_2085 : vector<16xf32>
          %add3A_2142 = arith.addf %add3A_2050, %mul3A_2141 : vector<16xf32>
          %mul3A_2143 = arith.mulf %unpack3A_2140, %mul3A_2085 : vector<16xf32>
          %add3A_2144 = arith.addf %add3A_2052, %mul3A_2143 : vector<16xf32>
          %get3A_2145 = arith.index_cast %select_n3A_244 : i32 to index
          %get3A_2146 = arith.index_cast %add3A_2087 : i32 to index
          %get3A_2147 = arith.constant 48 : index
          %get3A_2148 = tpu.vector_load %arg16[%get3A_2145, %get3A_2146, %get3A_2147] {strides = array<i32>} : memref<2x256x128xi32, #tpu.memory_space<vmem>>, vector<16xi32>,
          %bitcast3A_2149 = vector.bitcast %get3A_2148 : vector<16xi32> to vector<32xbf16>
          %mul3A_2150 = arith.constant 64 : i32
          %mul3A_2151 = arith.muli %squeeze3A_2073, %mul3A_2150 : i32
          %add3A_2152 = arith.constant 48 : i32
          %add3A_2153 = arith.addi %mul3A_2151, %add3A_2152 : i32
          %get3A_2154 = arith.index_cast %add3A_2153 : i32 to index
          %get3A_2155 = tpu.vector_load %arg11[%get3A_2154] {strides = array<i32>} : memref<960xi32, #tpu.memory_space<vmem>>, vector<16xi32>,
          %bitcast3A_2156 = vector.bitcast %get3A_2155 : vector<16xi32> to vector<32xbf16>
          %mul3A_2157 = arith.mulf %bitcast3A_2149, %bitcast3A_2156 : vector<32xbf16>
          %unpack3A_2158 = tpu.unpack_subelements %mul3A_2157, 0 {pack_format = #tpu.pack_format<interleaved>} : vector<32xbf16> -> vector<16xf32>
          %unpack3A_2159 = tpu.unpack_subelements %mul3A_2157, 1 {pack_format = #tpu.pack_format<interleaved>} : vector<32xbf16> -> vector<16xf32>
          %mul3A_2160 = arith.mulf %unpack3A_2158, %mul3A_2085 : vector<16xf32>
          %add3A_2161 = arith.addf %add3A_2069, %mul3A_2160 : vector<16xf32>
          %mul3A_2162 = arith.mulf %unpack3A_2159, %mul3A_2085 : vector<16xf32>
          %add3A_2163 = arith.addf %add3A_2071, %mul3A_2162 : vector<16xf32>
          %slice3A_2164 = vector.extract_strided_slice %select_n3A_739 {offsets = [15], sizes = [1], strides = [1]} : vector<16xi32> to vector<1xi32>
          %squeeze3A_2165 = vector.extract %slice3A_2164[0] : i32 from vector<1xi32>
          %slice3A_2166 = vector.extract_strided_slice %max3A_784 {offsets = [15], sizes = [1], strides = [1]} : vector<16xf32> to vector<1xf32>
          %squeeze3A_2167 = vector.extract %slice3A_2166[0] : f32 from vector<1xf32>
          %mul3A_2168 = arith.constant 256 : i32
          %mul3A_2169 = arith.muli %scan3A_356, %mul3A_2168 : i32
          %mul3A_2170 = arith.constant 16 : i32
          %mul3A_2171 = arith.muli %squeeze3A_2165, %mul3A_2170 : i32
          %add3A_2172 = arith.addi %mul3A_2169, %mul3A_2171 : i32
          %get3A_2173 = arith.index_cast %select_n3A_260 : i32 to index
          %get3A_2174 = arith.index_cast %add3A_2172 : i32 to index
          %get3A_2175 = tpu.vector_load %arg15[%get3A_2173, %get3A_2174] {strides = array<i32>} : memref<3x2048xf32, #tpu.memory_space<vmem>>, vector<16xf32>,
          %mul3A_2176 = vector.broadcast %squeeze3A_2167 : f32 to vector<16xf32>
          %mul3A_2177 = arith.mulf %get3A_2175, %mul3A_2176 : vector<16xf32>
          %add3A_2178 = arith.constant 15 : i32
          %add3A_2179 = arith.addi %add3A_480, %add3A_2178 : i32
          %get3A_2180 = arith.index_cast %select_n3A_244 : i32 to index
          %get3A_2181 = arith.index_cast %add3A_2179 : i32 to index
          %get3A_2182 = arith.constant 0 : index
          %get3A_2183 = tpu.vector_load %arg16[%get3A_2180, %get3A_2181, %get3A_2182] {strides = array<i32>} : memref<2x256x128xi32, #tpu.memory_space<vmem>>, vector<16xi32>,
          %bitcast3A_2184 = vector.bitcast %get3A_2183 : vector<16xi32> to vector<32xbf16>
          %mul3A_2185 = arith.constant 64 : i32
          %mul3A_2186 = arith.muli %squeeze3A_2165, %mul3A_2185 : i32
          %add3A_2187 = arith.constant 0 : i32
          %add3A_2188 = arith.addi %mul3A_2186, %add3A_2187 : i32
          %get3A_2189 = arith.index_cast %add3A_2188 : i32 to index
          %get3A_2190 = tpu.vector_load %arg11[%get3A_2189] {strides = array<i32>} : memref<960xi32, #tpu.memory_space<vmem>>, vector<16xi32>,
          %bitcast3A_2191 = vector.bitcast %get3A_2190 : vector<16xi32> to vector<32xbf16>
          %mul3A_2192 = arith.mulf %bitcast3A_2184, %bitcast3A_2191 : vector<32xbf16>
          %unpack3A_2193 = tpu.unpack_subelements %mul3A_2192, 0 {pack_format = #tpu.pack_format<interleaved>} : vector<32xbf16> -> vector<16xf32>
          %unpack3A_2194 = tpu.unpack_subelements %mul3A_2192, 1 {pack_format = #tpu.pack_format<interleaved>} : vector<32xbf16> -> vector<16xf32>
          %mul3A_2195 = arith.mulf %unpack3A_2193, %mul3A_2177 : vector<16xf32>
          %add3A_2196 = arith.addf %add3A_2104, %mul3A_2195 : vector<16xf32>
          %mul3A_2197 = arith.mulf %unpack3A_2194, %mul3A_2177 : vector<16xf32>
          %add3A_2198 = arith.addf %add3A_2106, %mul3A_2197 : vector<16xf32>
          %get3A_2199 = arith.index_cast %select_n3A_244 : i32 to index
          %get3A_2200 = arith.index_cast %add3A_2179 : i32 to index
          %get3A_2201 = arith.constant 16 : index
          %get3A_2202 = tpu.vector_load %arg16[%get3A_2199, %get3A_2200, %get3A_2201] {strides = array<i32>} : memref<2x256x128xi32, #tpu.memory_space<vmem>>, vector<16xi32>,
          %bitcast3A_2203 = vector.bitcast %get3A_2202 : vector<16xi32> to vector<32xbf16>
          %mul3A_2204 = arith.constant 64 : i32
          %mul3A_2205 = arith.muli %squeeze3A_2165, %mul3A_2204 : i32
          %add3A_2206 = arith.constant 16 : i32
          %add3A_2207 = arith.addi %mul3A_2205, %add3A_2206 : i32
          %get3A_2208 = arith.index_cast %add3A_2207 : i32 to index
          %get3A_2209 = tpu.vector_load %arg11[%get3A_2208] {strides = array<i32>} : memref<960xi32, #tpu.memory_space<vmem>>, vector<16xi32>,
          %bitcast3A_2210 = vector.bitcast %get3A_2209 : vector<16xi32> to vector<32xbf16>
          %mul3A_2211 = arith.mulf %bitcast3A_2203, %bitcast3A_2210 : vector<32xbf16>
          %unpack3A_2212 = tpu.unpack_subelements %mul3A_2211, 0 {pack_format = #tpu.pack_format<interleaved>} : vector<32xbf16> -> vector<16xf32>
          %unpack3A_2213 = tpu.unpack_subelements %mul3A_2211, 1 {pack_format = #tpu.pack_format<interleaved>} : vector<32xbf16> -> vector<16xf32>
          %mul3A_2214 = arith.mulf %unpack3A_2212, %mul3A_2177 : vector<16xf32>
          %add3A_2215 = arith.addf %add3A_2123, %mul3A_2214 : vector<16xf32>
          %mul3A_2216 = arith.mulf %unpack3A_2213, %mul3A_2177 : vector<16xf32>
          %add3A_2217 = arith.addf %add3A_2125, %mul3A_2216 : vector<16xf32>
          %get3A_2218 = arith.index_cast %select_n3A_244 : i32 to index
          %get3A_2219 = arith.index_cast %add3A_2179 : i32 to index
          %get3A_2220 = arith.constant 32 : index
          %get3A_2221 = tpu.vector_load %arg16[%get3A_2218, %get3A_2219, %get3A_2220] {strides = array<i32>} : memref<2x256x128xi32, #tpu.memory_space<vmem>>, vector<16xi32>,
          %bitcast3A_2222 = vector.bitcast %get3A_2221 : vector<16xi32> to vector<32xbf16>
          %mul3A_2223 = arith.constant 64 : i32
          %mul3A_2224 = arith.muli %squeeze3A_2165, %mul3A_2223 : i32
          %add3A_2225 = arith.constant 32 : i32
          %add3A_2226 = arith.addi %mul3A_2224, %add3A_2225 : i32
          %get3A_2227 = arith.index_cast %add3A_2226 : i32 to index
          %get3A_2228 = tpu.vector_load %arg11[%get3A_2227] {strides = array<i32>} : memref<960xi32, #tpu.memory_space<vmem>>, vector<16xi32>,
          %bitcast3A_2229 = vector.bitcast %get3A_2228 : vector<16xi32> to vector<32xbf16>
          %mul3A_2230 = arith.mulf %bitcast3A_2222, %bitcast3A_2229 : vector<32xbf16>
          %unpack3A_2231 = tpu.unpack_subelements %mul3A_2230, 0 {pack_format = #tpu.pack_format<interleaved>} : vector<32xbf16> -> vector<16xf32>
          %unpack3A_2232 = tpu.unpack_subelements %mul3A_2230, 1 {pack_format = #tpu.pack_format<interleaved>} : vector<32xbf16> -> vector<16xf32>
          %mul3A_2233 = arith.mulf %unpack3A_2231, %mul3A_2177 : vector<16xf32>
          %add3A_2234 = arith.addf %add3A_2142, %mul3A_2233 : vector<16xf32>
          %mul3A_2235 = arith.mulf %unpack3A_2232, %mul3A_2177 : vector<16xf32>
          %add3A_2236 = arith.addf %add3A_2144, %mul3A_2235 : vector<16xf32>
          %get3A_2237 = arith.index_cast %select_n3A_244 : i32 to index
          %get3A_2238 = arith.index_cast %add3A_2179 : i32 to index
          %get3A_2239 = arith.constant 48 : index
          %get3A_2240 = tpu.vector_load %arg16[%get3A_2237, %get3A_2238, %get3A_2239] {strides = array<i32>} : memref<2x256x128xi32, #tpu.memory_space<vmem>>, vector<16xi32>,
          %bitcast3A_2241 = vector.bitcast %get3A_2240 : vector<16xi32> to vector<32xbf16>
          %mul3A_2242 = arith.constant 64 : i32
          %mul3A_2243 = arith.muli %squeeze3A_2165, %mul3A_2242 : i32
          %add3A_2244 = arith.constant 48 : i32
          %add3A_2245 = arith.addi %mul3A_2243, %add3A_2244 : i32
          %get3A_2246 = arith.index_cast %add3A_2245 : i32 to index
          %get3A_2247 = tpu.vector_load %arg11[%get3A_2246] {strides = array<i32>} : memref<960xi32, #tpu.memory_space<vmem>>, vector<16xi32>,
          %bitcast3A_2248 = vector.bitcast %get3A_2247 : vector<16xi32> to vector<32xbf16>
          %mul3A_2249 = arith.mulf %bitcast3A_2241, %bitcast3A_2248 : vector<32xbf16>
          %unpack3A_2250 = tpu.unpack_subelements %mul3A_2249, 0 {pack_format = #tpu.pack_format<interleaved>} : vector<32xbf16> -> vector<16xf32>
          %unpack3A_2251 = tpu.unpack_subelements %mul3A_2249, 1 {pack_format = #tpu.pack_format<interleaved>} : vector<32xbf16> -> vector<16xf32>
          %mul3A_2252 = arith.mulf %unpack3A_2250, %mul3A_2177 : vector<16xf32>
          %add3A_2253 = arith.addf %add3A_2161, %mul3A_2252 : vector<16xf32>
          %mul3A_2254 = arith.mulf %unpack3A_2251, %mul3A_2177 : vector<16xf32>
          %add3A_2255 = arith.addf %add3A_2163, %mul3A_2254 : vector<16xf32>
          scf.yield %add3A_2196, %add3A_2198, %add3A_2215, %add3A_2217, %add3A_2234, %add3A_2236, %add3A_2253, %add3A_2255 : vector<16xf32>, vector<16xf32>, vector<16xf32>, vector<16xf32>, vector<16xf32>, vector<16xf32>, vector<16xf32>, vector<16xf32>
        }
        %scan3A_443 = arith.constant 2 : i32
        %swap3A = arith.index_cast %scan3A_356 : i32 to index
        %swap3A_444 = arith.constant 0 : index
        %swap3A_445 = tpu.vector_load %arg17[%swap3A, %swap3A_444] {strides = array<i32>} : memref<8x128xf32, #tpu.memory_space<vmem>>, vector<16xf32>,
        tpu.vector_store %arg17[%swap3A, %swap3A_444], %scan3A_442#0 {strides = array<i32>} : memref<8x128xf32, #tpu.memory_space<vmem>>, vector<16xf32>,
        %swap3A_446 = arith.index_cast %scan3A_356 : i32 to index
        %swap3A_447 = arith.constant 16 : index
        %swap3A_448 = tpu.vector_load %arg17[%swap3A_446, %swap3A_447] {strides = array<i32>} : memref<8x128xf32, #tpu.memory_space<vmem>>, vector<16xf32>,
        tpu.vector_store %arg17[%swap3A_446, %swap3A_447], %scan3A_442#1 {strides = array<i32>} : memref<8x128xf32, #tpu.memory_space<vmem>>, vector<16xf32>,
        %swap3A_449 = arith.index_cast %scan3A_356 : i32 to index
        %swap3A_450 = arith.constant 32 : index
        %swap3A_451 = tpu.vector_load %arg17[%swap3A_449, %swap3A_450] {strides = array<i32>} : memref<8x128xf32, #tpu.memory_space<vmem>>, vector<16xf32>,
        tpu.vector_store %arg17[%swap3A_449, %swap3A_450], %scan3A_442#2 {strides = array<i32>} : memref<8x128xf32, #tpu.memory_space<vmem>>, vector<16xf32>,
        %swap3A_452 = arith.index_cast %scan3A_356 : i32 to index
        %swap3A_453 = arith.constant 48 : index
        %swap3A_454 = tpu.vector_load %arg17[%swap3A_452, %swap3A_453] {strides = array<i32>} : memref<8x128xf32, #tpu.memory_space<vmem>>, vector<16xf32>,
        tpu.vector_store %arg17[%swap3A_452, %swap3A_453], %scan3A_442#3 {strides = array<i32>} : memref<8x128xf32, #tpu.memory_space<vmem>>, vector<16xf32>,
        %swap3A_455 = arith.index_cast %scan3A_356 : i32 to index
        %swap3A_456 = arith.constant 64 : index
        %swap3A_457 = tpu.vector_load %arg17[%swap3A_455, %swap3A_456] {strides = array<i32>} : memref<8x128xf32, #tpu.memory_space<vmem>>, vector<16xf32>,
        tpu.vector_store %arg17[%swap3A_455, %swap3A_456], %scan3A_442#4 {strides = array<i32>} : memref<8x128xf32, #tpu.memory_space<vmem>>, vector<16xf32>,
        %swap3A_458 = arith.index_cast %scan3A_356 : i32 to index
        %swap3A_459 = arith.constant 80 : index
        %swap3A_460 = tpu.vector_load %arg17[%swap3A_458, %swap3A_459] {strides = array<i32>} : memref<8x128xf32, #tpu.memory_space<vmem>>, vector<16xf32>,
        tpu.vector_store %arg17[%swap3A_458, %swap3A_459], %scan3A_442#5 {strides = array<i32>} : memref<8x128xf32, #tpu.memory_space<vmem>>, vector<16xf32>,
        %swap3A_461 = arith.index_cast %scan3A_356 : i32 to index
        %swap3A_462 = arith.constant 96 : index
        %swap3A_463 = tpu.vector_load %arg17[%swap3A_461, %swap3A_462] {strides = array<i32>} : memref<8x128xf32, #tpu.memory_space<vmem>>, vector<16xf32>,
        tpu.vector_store %arg17[%swap3A_461, %swap3A_462], %scan3A_442#6 {strides = array<i32>} : memref<8x128xf32, #tpu.memory_space<vmem>>, vector<16xf32>,
        %swap3A_464 = arith.index_cast %scan3A_356 : i32 to index
        %swap3A_465 = arith.constant 112 : index
        %swap3A_466 = tpu.vector_load %arg17[%swap3A_464, %swap3A_465] {strides = array<i32>} : memref<8x128xf32, #tpu.memory_space<vmem>>, vector<16xf32>,
        tpu.vector_store %arg17[%swap3A_464, %swap3A_465], %scan3A_442#7 {strides = array<i32>} : memref<8x128xf32, #tpu.memory_space<vmem>>, vector<16xf32>,
      }
      %scan3A_351 = arith.constant 8 : i32
      %dma_start3A_352 = arith.constant 0 : i32
      %dma_start3A_353 = tpu.memref_slice %arg9[%mul3A_265, %dma_start3A_352] : memref<10000x128xf32, #tpu.memory_space<hbm>> -> memref<8x128xf32, #tpu.memory_space<hbm>>
      %dma_start3A_354 = arith.constant 0 : i32
      %dma_start3A_355 = tpu.memref_slice %arg9[%mul3A_265, %dma_start3A_354] : memref<10000x128xf32, #tpu.memory_space<hbm>> -> memref<8x128xf32, #tpu.memory_space<hbm>>
      tpu.enqueue_dma source(%arg17 : memref<8x128xf32, #tpu.memory_space<vmem>>) target(%dma_start3A_355 : memref<8x128xf32, #tpu.memory_space<hbm>>) target_semaphore(%arg20 : memref<!tpu.dma_semaphore, #tpu.memory_space<semaphore_mem>>)
    }
    %while3A_218 = arith.constant 1 : i32
    scf.for %while3A_230 = %while3A_216 to %while3A_212 step %while3A_218  : i32 {
      %jit3A_231 = arith.constant 2 : i32
      %eq3A = arith.constant 0 : i32
      %eq3A_232 = arith.cmpi eq, %jit3A_231, %eq3A : i32
      %jit3A_233 = arith.constant 1 : i32
      %select_n3A_234 = arith.select %eq3A_232, %jit3A_233, %jit3A_231 : i32
      %rem3A_235 = arith.remsi %while3A_230, %select_n3A_234 : i32
      %ne3A_236 = arith.constant 0 : i32
      %ne3A_237 = arith.cmpi ne, %rem3A_235, %ne3A_236 : i32
      %lt3A = arith.constant 0 : i32
      %lt3A_238 = arith.cmpi slt, %rem3A_235, %lt3A : i32
      %lt3A_239 = arith.constant 0 : i32
      %lt3A_240 = arith.cmpi slt, %select_n3A_234, %lt3A_239 : i32
      %ne3A_241 = arith.xori %lt3A_238, %lt3A_240 : i1
      %and3A_242 = arith.andi %ne3A_241, %ne3A_237 : i1
      %add3A_243 = arith.addi %rem3A_235, %select_n3A_234 : i32
      %select_n3A_244 = arith.select %and3A_242, %add3A_243, %rem3A_235 : i32
      %jit3A_245 = arith.constant 3 : i32
      %eq3A_246 = arith.constant 0 : i32
      %eq3A_247 = arith.cmpi eq, %jit3A_245, %eq3A_246 : i32
      %jit3A_248 = arith.constant 1 : i32
      %select_n3A_249 = arith.select %eq3A_247, %jit3A_248, %jit3A_245 : i32
      %rem3A_250 = arith.remsi %while3A_230, %select_n3A_249 : i32
      %ne3A_251 = arith.constant 0 : i32
      %ne3A_252 = arith.cmpi ne, %rem3A_250, %ne3A_251 : i32
      %lt3A_253 = arith.constant 0 : i32
      %lt3A_254 = arith.cmpi slt, %rem3A_250, %lt3A_253 : i32
      %lt3A_255 = arith.constant 0 : i32
      %lt3A_256 = arith.cmpi slt, %select_n3A_249, %lt3A_255 : i32
      %ne3A_257 = arith.xori %lt3A_254, %lt3A_256 : i1
      %and3A_258 = arith.andi %ne3A_257, %ne3A_252 : i1
      %add3A_259 = arith.addi %rem3A_250, %select_n3A_249 : i32
      %select_n3A_260 = arith.select %and3A_258, %add3A_259, %rem3A_250 : i32
      %mul3A_261 = arith.constant 32 : i32
      %mul3A_262 = arith.muli %mul3A_261, %while3A_230 : i32
      %add3A_263 = arith.addi %add3A, %mul3A_262 : i32
      %mul3A_264 = arith.constant 8 : i32
      %mul3A_265 = arith.muli %add3A_263, %mul3A_264 : i32
      %jit3A_266 = arith.constant 3 : i32
      %eq3A_267 = arith.constant 0 : i32
      %eq3A_268 = arith.cmpi eq, %jit3A_266, %eq3A_267 : i32
      %jit3A_269 = arith.constant 1 : i32
      %select_n3A_270 = arith.select %eq3A_268, %jit3A_269, %jit3A_266 : i32
      %rem3A_271 = arith.remsi %while3A_230, %select_n3A_270 : i32
      %ne3A_272 = arith.constant 0 : i32
      %ne3A_273 = arith.cmpi ne, %rem3A_271, %ne3A_272 : i32
      %lt3A_274 = arith.constant 0 : i32
      %lt3A_275 = arith.cmpi slt, %rem3A_271, %lt3A_274 : i32
      %lt3A_276 = arith.constant 0 : i32
      %lt3A_277 = arith.cmpi slt, %select_n3A_270, %lt3A_276 : i32
      %ne3A_278 = arith.xori %lt3A_275, %lt3A_277 : i1
      %and3A_279 = arith.andi %ne3A_278, %ne3A_273 : i1
      %add3A_280 = arith.addi %rem3A_271, %select_n3A_270 : i32
      %select_n3A_281 = arith.select %and3A_279, %add3A_280, %rem3A_271 : i32
      %jit3A_282 = arith.constant 2 : i32
      %eq3A_283 = arith.constant 0 : i32
      %eq3A_284 = arith.cmpi eq, %jit3A_282, %eq3A_283 : i32
      %jit3A_285 = arith.constant 1 : i32
      %select_n3A_286 = arith.select %eq3A_284, %jit3A_285, %jit3A_282 : i32
      %rem3A_287 = arith.remsi %while3A_230, %select_n3A_286 : i32
      %ne3A_288 = arith.constant 0 : i32
      %ne3A_289 = arith.cmpi ne, %rem3A_287, %ne3A_288 : i32
      %lt3A_290 = arith.constant 0 : i32
      %lt3A_291 = arith.cmpi slt, %rem3A_287, %lt3A_290 : i32
      %lt3A_292 = arith.constant 0 : i32
      %lt3A_293 = arith.cmpi slt, %select_n3A_286, %lt3A_292 : i32
      %ne3A_294 = arith.xori %lt3A_291, %lt3A_293 : i1
      %and3A_295 = arith.andi %ne3A_294, %ne3A_289 : i1
      %add3A_296 = arith.addi %rem3A_287, %select_n3A_286 : i32
      %select_n3A_297 = arith.select %and3A_295, %add3A_296, %rem3A_287 : i32
      %dma_wait3A_298 = arith.constant 0 : i32
      %dma_wait3A_299 = arith.constant 0 : i32
      %dma_wait3A_300 = tpu.memref_slice %arg16[%select_n3A_297, %dma_wait3A_298, %dma_wait3A_299] : memref<2x256x128xi32, #tpu.memory_space<vmem>> -> memref<1x128x128xi32, #tpu.memory_space<vmem>>
      %dma_wait3A_301 = tpu.memref_squeeze %dma_wait3A_300 : memref<1x128x128xi32, #tpu.memory_space<vmem>> -> memref<128x128xi32, #tpu.memory_space<vmem>>
      %dma_wait3A_302 = arith.constant 0 : i32
      %dma_wait3A_303 = tpu.memref_slice %arg13[%select_n3A_281, %dma_wait3A_302] : memref<3x256xi32, #tpu.memory_space<vmem>> -> memref<1x128xi32, #tpu.memory_space<vmem>>
      %dma_wait3A_304 = tpu.memref_squeeze %dma_wait3A_303 : memref<1x128xi32, #tpu.memory_space<vmem>> -> memref<128xi32, #tpu.memory_space<vmem>>
      %dma_wait3A_305 = arith.constant 0 : i32
      %dma_wait3A_306 = arith.constant 0 : i32
      %dma_wait3A_307 = tpu.memref_slice %arg5[%dma_wait3A_305, %dma_wait3A_306] : memref<10000x128xi32, #tpu.memory_space<hbm>> -> memref<10000x128xi32, #tpu.memory_space<hbm>>
      tpu.wait_indirect_dma semaphore(%arg19 : memref<!tpu.dma_semaphore, #tpu.memory_space<semaphore_mem>>) src(%dma_wait3A_307 : memref<10000x128xi32, #tpu.memory_space<hbm>>) dst(%dma_wait3A_301 : memref<128x128xi32, #tpu.memory_space<vmem>>)
      %dma_wait3A_308 = arith.constant 128 : i32
      %dma_wait3A_309 = arith.constant 0 : i32
      %dma_wait3A_310 = tpu.memref_slice %arg16[%select_n3A_297, %dma_wait3A_308, %dma_wait3A_309] : memref<2x256x128xi32, #tpu.memory_space<vmem>> -> memref<1x128x128xi32, #tpu.memory_space<vmem>>
      %dma_wait3A_311 = tpu.memref_squeeze %dma_wait3A_310 : memref<1x128x128xi32, #tpu.memory_space<vmem>> -> memref<128x128xi32, #tpu.memory_space<vmem>>
      %dma_wait3A_312 = arith.constant 128 : i32
      %dma_wait3A_313 = tpu.memref_slice %arg13[%select_n3A_281, %dma_wait3A_312] : memref<3x256xi32, #tpu.memory_space<vmem>> -> memref<1x128xi32, #tpu.memory_space<vmem>>
      %dma_wait3A_314 = tpu.memref_squeeze %dma_wait3A_313 : memref<1x128xi32, #tpu.memory_space<vmem>> -> memref<128xi32, #tpu.memory_space<vmem>>
      %dma_wait3A_315 = arith.constant 0 : i32
      %dma_wait3A_316 = arith.constant 0 : i32
      %dma_wait3A_317 = tpu.memref_slice %arg5[%dma_wait3A_315, %dma_wait3A_316] : memref<10000x128xi32, #tpu.memory_space<hbm>> -> memref<10000x128xi32, #tpu.memory_space<hbm>>
      tpu.wait_indirect_dma semaphore(%arg19 : memref<!tpu.dma_semaphore, #tpu.memory_space<semaphore_mem>>) src(%dma_wait3A_317 : memref<10000x128xi32, #tpu.memory_space<hbm>>) dst(%dma_wait3A_311 : memref<128x128xi32, #tpu.memory_space<vmem>>)
      %add3A_318 = arith.constant 1 : i32
      %add3A_319 = arith.addi %while3A_230, %add3A_318 : i32
      %lt3A_320 = arith.cmpi slt, %add3A_319, %select_n3A : i32
      %convert_element_type3A_321 = arith.extui %lt3A_320 : i1 to i32
      %cond3A_322 = arith.constant 0 : i32
      %cond3A_323 = arith.cmpi ne, %convert_element_type3A_321, %cond3A_322 : i32
      scf.if %cond3A_323 {
        %add3A_356 = arith.constant 1 : i32
        %add3A_357 = arith.addi %while3A_230, %add3A_356 : i32
        %jit3A_358 = arith.constant 3 : i32
        %eq3A_359 = arith.constant 0 : i32
        %eq3A_360 = arith.cmpi eq, %jit3A_358, %eq3A_359 : i32
        %jit3A_361 = arith.constant 1 : i32
        %select_n3A_362 = arith.select %eq3A_360, %jit3A_361, %jit3A_358 : i32
        %rem3A_363 = arith.remsi %add3A_357, %select_n3A_362 : i32
        %ne3A_364 = arith.constant 0 : i32
        %ne3A_365 = arith.cmpi ne, %rem3A_363, %ne3A_364 : i32
        %lt3A_366 = arith.constant 0 : i32
        %lt3A_367 = arith.cmpi slt, %rem3A_363, %lt3A_366 : i32
        %lt3A_368 = arith.constant 0 : i32
        %lt3A_369 = arith.cmpi slt, %select_n3A_362, %lt3A_368 : i32
        %ne3A_370 = arith.xori %lt3A_367, %lt3A_369 : i1
        %and3A_371 = arith.andi %ne3A_370, %ne3A_365 : i1
        %add3A_372 = arith.addi %rem3A_363, %select_n3A_362 : i32
        %select_n3A_373 = arith.select %and3A_371, %add3A_372, %rem3A_363 : i32
        %dma_wait3A_374 = arith.constant 0 : i32
        %dma_wait3A_375 = tpu.memref_slice %arg13[%select_n3A_373, %dma_wait3A_374] : memref<3x256xi32, #tpu.memory_space<vmem>> -> memref<1x256xi32, #tpu.memory_space<vmem>>
        %dma_wait3A_376 = tpu.memref_squeeze %dma_wait3A_375 : memref<1x256xi32, #tpu.memory_space<vmem>> -> memref<256xi32, #tpu.memory_space<vmem>>
        %dma_wait3A_377 = arith.constant 0 : i32
        %dma_wait3A_378 = tpu.memref_slice %arg2[%dma_wait3A_377] : memref<320000xi32, #tpu.memory_space<hbm>> -> memref<256xi32, #tpu.memory_space<hbm>>
        %dma_wait3A_379 = arith.constant 0 : i32
        %dma_wait3A_380 = tpu.memref_slice %arg13[%select_n3A_373, %dma_wait3A_379] : memref<3x256xi32, #tpu.memory_space<vmem>> -> memref<1x256xi32, #tpu.memory_space<vmem>>
        %dma_wait3A_381 = tpu.memref_squeeze %dma_wait3A_380 : memref<1x256xi32, #tpu.memory_space<vmem>> -> memref<256xi32, #tpu.memory_space<vmem>>
        %dma_wait3A_382 = arith.constant 0 : i32
        %dma_wait3A_383 = tpu.memref_slice %arg2[%dma_wait3A_382] : memref<320000xi32, #tpu.memory_space<hbm>> -> memref<256xi32, #tpu.memory_space<hbm>>
        tpu.wait_dma2 semaphore(%arg18 : memref<!tpu.dma_semaphore, #tpu.memory_space<semaphore_mem>>) src(%dma_wait3A_383 : memref<256xi32, #tpu.memory_space<hbm>>) dst(%dma_wait3A_381 : memref<256xi32, #tpu.memory_space<vmem>>)
        %dma_wait3A_384 = arith.constant 0 : i32
        %dma_wait3A_385 = tpu.memref_slice %arg14[%select_n3A_373, %dma_wait3A_384] : memref<3x32xf32, #tpu.memory_space<vmem>> -> memref<1x32xf32, #tpu.memory_space<vmem>>
        %dma_wait3A_386 = tpu.memref_squeeze %dma_wait3A_385 : memref<1x32xf32, #tpu.memory_space<vmem>> -> memref<32xf32, #tpu.memory_space<vmem>>
        %dma_wait3A_387 = arith.constant 0 : i32
        %dma_wait3A_388 = tpu.memref_slice %arg3[%dma_wait3A_387] : memref<40000xf32, #tpu.memory_space<hbm>> -> memref<32xf32, #tpu.memory_space<hbm>>
        %dma_wait3A_389 = arith.constant 0 : i32
        %dma_wait3A_390 = tpu.memref_slice %arg14[%select_n3A_373, %dma_wait3A_389] : memref<3x32xf32, #tpu.memory_space<vmem>> -> memref<1x32xf32, #tpu.memory_space<vmem>>
        %dma_wait3A_391 = tpu.memref_squeeze %dma_wait3A_390 : memref<1x32xf32, #tpu.memory_space<vmem>> -> memref<32xf32, #tpu.memory_space<vmem>>
        %dma_wait3A_392 = arith.constant 0 : i32
        %dma_wait3A_393 = tpu.memref_slice %arg3[%dma_wait3A_392] : memref<40000xf32, #tpu.memory_space<hbm>> -> memref<32xf32, #tpu.memory_space<hbm>>
        tpu.wait_dma2 semaphore(%arg18 : memref<!tpu.dma_semaphore, #tpu.memory_space<semaphore_mem>>) src(%dma_wait3A_393 : memref<32xf32, #tpu.memory_space<hbm>>) dst(%dma_wait3A_391 : memref<32xf32, #tpu.memory_space<vmem>>)
        %dma_wait3A_394 = arith.constant 0 : i32
        %dma_wait3A_395 = tpu.memref_slice %arg15[%select_n3A_373, %dma_wait3A_394] : memref<3x2048xf32, #tpu.memory_space<vmem>> -> memref<1x2048xf32, #tpu.memory_space<vmem>>
        %dma_wait3A_396 = tpu.memref_squeeze %dma_wait3A_395 : memref<1x2048xf32, #tpu.memory_space<vmem>> -> memref<2048xf32, #tpu.memory_space<vmem>>
        %dma_wait3A_397 = arith.constant 0 : i32
        %dma_wait3A_398 = tpu.memref_slice %arg8[%dma_wait3A_397] : memref<2560000xf32, #tpu.memory_space<hbm>> -> memref<2048xf32, #tpu.memory_space<hbm>>
        %dma_wait3A_399 = arith.constant 0 : i32
        %dma_wait3A_400 = tpu.memref_slice %arg15[%select_n3A_373, %dma_wait3A_399] : memref<3x2048xf32, #tpu.memory_space<vmem>> -> memref<1x2048xf32, #tpu.memory_space<vmem>>
        %dma_wait3A_401 = tpu.memref_squeeze %dma_wait3A_400 : memref<1x2048xf32, #tpu.memory_space<vmem>> -> memref<2048xf32, #tpu.memory_space<vmem>>
        %dma_wait3A_402 = arith.constant 0 : i32
        %dma_wait3A_403 = tpu.memref_slice %arg8[%dma_wait3A_402] : memref<2560000xf32, #tpu.memory_space<hbm>> -> memref<2048xf32, #tpu.memory_space<hbm>>
        tpu.wait_dma2 semaphore(%arg18 : memref<!tpu.dma_semaphore, #tpu.memory_space<semaphore_mem>>) src(%dma_wait3A_403 : memref<2048xf32, #tpu.memory_space<hbm>>) dst(%dma_wait3A_401 : memref<2048xf32, #tpu.memory_space<vmem>>)
      } else {
      }
      %add3A_324 = arith.constant 2 : i32
      %add3A_325 = arith.addi %while3A_230, %add3A_324 : i32
      %lt3A_326 = arith.cmpi slt, %add3A_325, %select_n3A : i32
      %convert_element_type3A_327 = arith.extui %lt3A_326 : i1 to i32
      %cond3A_328 = arith.constant 0 : i32
      %cond3A_329 = arith.cmpi ne, %convert_element_type3A_327, %cond3A_328 : i32
      scf.if %cond3A_329 {
        %add3A_356 = arith.constant 2 : i32
        %add3A_357 = arith.addi %while3A_230, %add3A_356 : i32
        %jit3A_358 = arith.constant 3 : i32
        %eq3A_359 = arith.constant 0 : i32
        %eq3A_360 = arith.cmpi eq, %jit3A_358, %eq3A_359 : i32
        %jit3A_361 = arith.constant 1 : i32
        %select_n3A_362 = arith.select %eq3A_360, %jit3A_361, %jit3A_358 : i32
        %rem3A_363 = arith.remsi %add3A_357, %select_n3A_362 : i32
        %ne3A_364 = arith.constant 0 : i32
        %ne3A_365 = arith.cmpi ne, %rem3A_363, %ne3A_364 : i32
        %lt3A_366 = arith.constant 0 : i32
        %lt3A_367 = arith.cmpi slt, %rem3A_363, %lt3A_366 : i32
        %lt3A_368 = arith.constant 0 : i32
        %lt3A_369 = arith.cmpi slt, %select_n3A_362, %lt3A_368 : i32
        %ne3A_370 = arith.xori %lt3A_367, %lt3A_369 : i1
        %and3A_371 = arith.andi %ne3A_370, %ne3A_365 : i1
        %add3A_372 = arith.addi %rem3A_363, %select_n3A_362 : i32
        %select_n3A_373 = arith.select %and3A_371, %add3A_372, %rem3A_363 : i32
        %mul3A_374 = arith.constant 32 : i32
        %mul3A_375 = arith.muli %mul3A_374, %add3A_357 : i32
        %add3A_376 = arith.addi %add3A, %mul3A_375 : i32
        %mul3A_377 = arith.constant 8 : i32
        %mul3A_378 = arith.muli %add3A_376, %mul3A_377 : i32
        %mul3A_379 = arith.constant 32 : i32
        %mul3A_380 = arith.muli %mul3A_378, %mul3A_379 : i32
        %dma_start3A_381 = arith.constant 0 : i32
        %dma_start3A_382 = tpu.memref_slice %arg13[%select_n3A_373, %dma_start3A_381] : memref<3x256xi32, #tpu.memory_space<vmem>> -> memref<1x256xi32, #tpu.memory_space<vmem>>
        %dma_start3A_383 = tpu.memref_squeeze %dma_start3A_382 : memref<1x256xi32, #tpu.memory_space<vmem>> -> memref<256xi32, #tpu.memory_space<vmem>>
        %dma_start3A_384 = tpu.memref_slice %arg2[%mul3A_380] : memref<320000xi32, #tpu.memory_space<hbm>> -> memref<256xi32, #tpu.memory_space<hbm>>
        %dma_start3A_385 = arith.constant 0 : i32
        %dma_start3A_386 = tpu.memref_slice %arg13[%select_n3A_373, %dma_start3A_385] : memref<3x256xi32, #tpu.memory_space<vmem>> -> memref<1x256xi32, #tpu.memory_space<vmem>>
        %dma_start3A_387 = tpu.memref_squeeze %dma_start3A_386 : memref<1x256xi32, #tpu.memory_space<vmem>> -> memref<256xi32, #tpu.memory_space<vmem>>
        %dma_start3A_388 = tpu.memref_slice %arg2[%mul3A_380] : memref<320000xi32, #tpu.memory_space<hbm>> -> memref<256xi32, #tpu.memory_space<hbm>>
        tpu.enqueue_dma source(%dma_start3A_388 : memref<256xi32, #tpu.memory_space<hbm>>) target(%dma_start3A_387 : memref<256xi32, #tpu.memory_space<vmem>>) target_semaphore(%arg18 : memref<!tpu.dma_semaphore, #tpu.memory_space<semaphore_mem>>)
        %mul3A_389 = arith.constant 4 : i32
        %mul3A_390 = arith.muli %mul3A_378, %mul3A_389 : i32
        %dma_start3A_391 = arith.constant 0 : i32
        %dma_start3A_392 = tpu.memref_slice %arg14[%select_n3A_373, %dma_start3A_391] : memref<3x32xf32, #tpu.memory_space<vmem>> -> memref<1x32xf32, #tpu.memory_space<vmem>>
        %dma_start3A_393 = tpu.memref_squeeze %dma_start3A_392 : memref<1x32xf32, #tpu.memory_space<vmem>> -> memref<32xf32, #tpu.memory_space<vmem>>
        %dma_start3A_394 = tpu.memref_slice %arg3[%mul3A_390] : memref<40000xf32, #tpu.memory_space<hbm>> -> memref<32xf32, #tpu.memory_space<hbm>>
        %dma_start3A_395 = arith.constant 0 : i32
        %dma_start3A_396 = tpu.memref_slice %arg14[%select_n3A_373, %dma_start3A_395] : memref<3x32xf32, #tpu.memory_space<vmem>> -> memref<1x32xf32, #tpu.memory_space<vmem>>
        %dma_start3A_397 = tpu.memref_squeeze %dma_start3A_396 : memref<1x32xf32, #tpu.memory_space<vmem>> -> memref<32xf32, #tpu.memory_space<vmem>>
        %dma_start3A_398 = tpu.memref_slice %arg3[%mul3A_390] : memref<40000xf32, #tpu.memory_space<hbm>> -> memref<32xf32, #tpu.memory_space<hbm>>
        tpu.enqueue_dma source(%dma_start3A_398 : memref<32xf32, #tpu.memory_space<hbm>>) target(%dma_start3A_397 : memref<32xf32, #tpu.memory_space<vmem>>) target_semaphore(%arg18 : memref<!tpu.dma_semaphore, #tpu.memory_space<semaphore_mem>>)
        %mul3A_399 = arith.constant 256 : i32
        %mul3A_400 = arith.muli %mul3A_378, %mul3A_399 : i32
        %dma_start3A_401 = arith.constant 0 : i32
        %dma_start3A_402 = tpu.memref_slice %arg15[%select_n3A_373, %dma_start3A_401] : memref<3x2048xf32, #tpu.memory_space<vmem>> -> memref<1x2048xf32, #tpu.memory_space<vmem>>
        %dma_start3A_403 = tpu.memref_squeeze %dma_start3A_402 : memref<1x2048xf32, #tpu.memory_space<vmem>> -> memref<2048xf32, #tpu.memory_space<vmem>>
        %dma_start3A_404 = tpu.memref_slice %arg8[%mul3A_400] : memref<2560000xf32, #tpu.memory_space<hbm>> -> memref<2048xf32, #tpu.memory_space<hbm>>
        %dma_start3A_405 = arith.constant 0 : i32
        %dma_start3A_406 = tpu.memref_slice %arg15[%select_n3A_373, %dma_start3A_405] : memref<3x2048xf32, #tpu.memory_space<vmem>> -> memref<1x2048xf32, #tpu.memory_space<vmem>>
        %dma_start3A_407 = tpu.memref_squeeze %dma_start3A_406 : memref<1x2048xf32, #tpu.memory_space<vmem>> -> memref<2048xf32, #tpu.memory_space<vmem>>
        %dma_start3A_408 = tpu.memref_slice %arg8[%mul3A_400] : memref<2560000xf32, #tpu.memory_space<hbm>> -> memref<2048xf32, #tpu.memory_space<hbm>>
        tpu.enqueue_dma source(%dma_start3A_408 : memref<2048xf32, #tpu.memory_space<hbm>>) target(%dma_start3A_407 : memref<2048xf32, #tpu.memory_space<vmem>>) target_semaphore(%arg18 : memref<!tpu.dma_semaphore, #tpu.memory_space<semaphore_mem>>)
      } else {
      }
      %add3A_330 = arith.constant 1 : i32
      %add3A_331 = arith.addi %while3A_230, %add3A_330 : i32
      %lt3A_332 = arith.cmpi slt, %add3A_331, %select_n3A : i32
      %convert_element_type3A_333 = arith.extui %lt3A_332 : i1 to i32
      %cond3A_334 = arith.constant 0 : i32
      %cond3A_335 = arith.cmpi ne, %convert_element_type3A_333, %cond3A_334 : i32
      scf.if %cond3A_335 {
        %add3A_356 = arith.constant 1 : i32
        %add3A_357 = arith.addi %while3A_230, %add3A_356 : i32
        %jit3A_358 = arith.constant 3 : i32
        %eq3A_359 = arith.constant 0 : i32
        %eq3A_360 = arith.cmpi eq, %jit3A_358, %eq3A_359 : i32
        %jit3A_361 = arith.constant 1 : i32
        %select_n3A_362 = arith.select %eq3A_360, %jit3A_361, %jit3A_358 : i32
        %rem3A_363 = arith.remsi %add3A_357, %select_n3A_362 : i32
        %ne3A_364 = arith.constant 0 : i32
        %ne3A_365 = arith.cmpi ne, %rem3A_363, %ne3A_364 : i32
        %lt3A_366 = arith.constant 0 : i32
        %lt3A_367 = arith.cmpi slt, %rem3A_363, %lt3A_366 : i32
        %lt3A_368 = arith.constant 0 : i32
        %lt3A_369 = arith.cmpi slt, %select_n3A_362, %lt3A_368 : i32
        %ne3A_370 = arith.xori %lt3A_367, %lt3A_369 : i1
        %and3A_371 = arith.andi %ne3A_370, %ne3A_365 : i1
        %add3A_372 = arith.addi %rem3A_363, %select_n3A_362 : i32
        %select_n3A_373 = arith.select %and3A_371, %add3A_372, %rem3A_363 : i32
        %jit3A_374 = arith.constant 2 : i32
        %eq3A_375 = arith.constant 0 : i32
        %eq3A_376 = arith.cmpi eq, %jit3A_374, %eq3A_375 : i32
        %jit3A_377 = arith.constant 1 : i32
        %select_n3A_378 = arith.select %eq3A_376, %jit3A_377, %jit3A_374 : i32
        %rem3A_379 = arith.remsi %add3A_357, %select_n3A_378 : i32
        %ne3A_380 = arith.constant 0 : i32
        %ne3A_381 = arith.cmpi ne, %rem3A_379, %ne3A_380 : i32
        %lt3A_382 = arith.constant 0 : i32
        %lt3A_383 = arith.cmpi slt, %rem3A_379, %lt3A_382 : i32
        %lt3A_384 = arith.constant 0 : i32
        %lt3A_385 = arith.cmpi slt, %select_n3A_378, %lt3A_384 : i32
        %ne3A_386 = arith.xori %lt3A_383, %lt3A_385 : i1
        %and3A_387 = arith.andi %ne3A_386, %ne3A_381 : i1
        %add3A_388 = arith.addi %rem3A_379, %select_n3A_378 : i32
        %select_n3A_389 = arith.select %and3A_387, %add3A_388, %rem3A_379 : i32
        %dma_start3A_390 = arith.constant 0 : i32
        %dma_start3A_391 = arith.constant 0 : i32
        %dma_start3A_392 = tpu.memref_slice %arg16[%select_n3A_389, %dma_start3A_390, %dma_start3A_391] : memref<2x256x128xi32, #tpu.memory_space<vmem>> -> memref<1x128x128xi32, #tpu.memory_space<vmem>>
        %dma_start3A_393 = tpu.memref_squeeze %dma_start3A_392 : memref<1x128x128xi32, #tpu.memory_space<vmem>> -> memref<128x128xi32, #tpu.memory_space<vmem>>
        %dma_start3A_394 = arith.constant 0 : i32
        %dma_start3A_395 = tpu.memref_slice %arg13[%select_n3A_373, %dma_start3A_394] : memref<3x256xi32, #tpu.memory_space<vmem>> -> memref<1x128xi32, #tpu.memory_space<vmem>>
        %dma_start3A_396 = tpu.memref_squeeze %dma_start3A_395 : memref<1x128xi32, #tpu.memory_space<vmem>> -> memref<128xi32, #tpu.memory_space<vmem>>
        %dma_start3A_397 = arith.constant 0 : i32
        %dma_start3A_398 = arith.constant 0 : i32
        %dma_start3A_399 = tpu.memref_slice %arg5[%dma_start3A_397, %dma_start3A_398] : memref<10000x128xi32, #tpu.memory_space<hbm>> -> memref<10000x128xi32, #tpu.memory_space<hbm>>
        tpu.enqueue_indirect_dma source(%dma_start3A_399 : memref<10000x128xi32, #tpu.memory_space<hbm>>) target(%dma_start3A_393 : memref<128x128xi32, #tpu.memory_space<vmem>>) offsets(%dma_start3A_396 : memref<128xi32, #tpu.memory_space<vmem>>) semaphore(%arg19 : memref<!tpu.dma_semaphore, #tpu.memory_space<semaphore_mem>>)
        %dma_start3A_400 = arith.constant 128 : i32
        %dma_start3A_401 = arith.constant 0 : i32
        %dma_start3A_402 = tpu.memref_slice %arg16[%select_n3A_389, %dma_start3A_400, %dma_start3A_401] : memref<2x256x128xi32, #tpu.memory_space<vmem>> -> memref<1x128x128xi32, #tpu.memory_space<vmem>>
        %dma_start3A_403 = tpu.memref_squeeze %dma_start3A_402 : memref<1x128x128xi32, #tpu.memory_space<vmem>> -> memref<128x128xi32, #tpu.memory_space<vmem>>
        %dma_start3A_404 = arith.constant 128 : i32
        %dma_start3A_405 = tpu.memref_slice %arg13[%select_n3A_373, %dma_start3A_404] : memref<3x256xi32, #tpu.memory_space<vmem>> -> memref<1x128xi32, #tpu.memory_space<vmem>>
        %dma_start3A_406 = tpu.memref_squeeze %dma_start3A_405 : memref<1x128xi32, #tpu.memory_space<vmem>> -> memref<128xi32, #tpu.memory_space<vmem>>
        %dma_start3A_407 = arith.constant 0 : i32
        %dma_start3A_408 = arith.constant 0 : i32
        %dma_start3A_409 = tpu.memref_slice %arg5[%dma_start3A_407, %dma_start3A_408] : memref<10000x128xi32, #tpu.memory_space<hbm>> -> memref<10000x128xi32, #tpu.memory_space<hbm>>
        tpu.enqueue_indirect_dma source(%dma_start3A_409 : memref<10000x128xi32, #tpu.memory_space<hbm>>) target(%dma_start3A_403 : memref<128x128xi32, #tpu.memory_space<vmem>>) offsets(%dma_start3A_406 : memref<128xi32, #tpu.memory_space<vmem>>) semaphore(%arg19 : memref<!tpu.dma_semaphore, #tpu.memory_space<semaphore_mem>>)
      } else {
      }
      %gt3A_336 = arith.constant 0 : i32
      %gt3A_337 = arith.cmpi sgt, %while3A_230, %gt3A_336 : i32
      %convert_element_type3A_338 = arith.extui %gt3A_337 : i1 to i32
      %cond3A_339 = arith.constant 0 : i32
      %cond3A_340 = arith.cmpi ne, %convert_element_type3A_338, %cond3A_339 : i32
      scf.if %cond3A_340 {
        %sub3A_356 = arith.constant 1 : i32
        %sub3A_357 = arith.subi %while3A_230, %sub3A_356 : i32
        %mul3A_358 = arith.constant 32 : i32
        %mul3A_359 = arith.muli %mul3A_358, %sub3A_357 : i32
        %add3A_360 = arith.addi %add3A, %mul3A_359 : i32
        %mul3A_361 = arith.constant 8 : i32
        %mul3A_362 = arith.muli %add3A_360, %mul3A_361 : i32
        %dma_wait3A_363 = arith.constant 0 : i32
        %dma_wait3A_364 = tpu.memref_slice %arg9[%mul3A_362, %dma_wait3A_363] : memref<10000x128xf32, #tpu.memory_space<hbm>> -> memref<8x128xf32, #tpu.memory_space<hbm>>
        %dma_wait3A_365 = arith.constant 0 : i32
        %dma_wait3A_366 = tpu.memref_slice %arg9[%mul3A_362, %dma_wait3A_365] : memref<10000x128xf32, #tpu.memory_space<hbm>> -> memref<8x128xf32, #tpu.memory_space<hbm>>
        tpu.wait_dma2 semaphore(%arg20 : memref<!tpu.dma_semaphore, #tpu.memory_space<semaphore_mem>>) src(%arg17 : memref<8x128xf32, #tpu.memory_space<vmem>>) dst(%dma_wait3A_366 : memref<8x128xf32, #tpu.memory_space<hbm>>)
      } else {
      }
      %get3A_341 = arith.index_cast %select_n3A_260 : i32 to index
      %get3A_342 = arith.constant 0 : index
      %get3A_343 = tpu.vector_load %arg14[%get3A_341, %get3A_342] {strides = array<i32>} : memref<3x32xf32, #tpu.memory_space<vmem>>, vector<16xf32>,
      %get3A_344 = arith.index_cast %select_n3A_260 : i32 to index
      %get3A_345 = arith.constant 16 : index
      %get3A_346 = tpu.vector_load %arg14[%get3A_344, %get3A_345] {strides = array<i32>} : memref<3x32xf32, #tpu.memory_space<vmem>>, vector<16xf32>,
      %scan3A = arith.constant 0 : i32
      %scan3A_347 = arith.constant 0 : i32
      %scan3A_348 = arith.constant 8 : i32
      %scan3A_349 = arith.addi %scan3A_347, %scan3A_348 : i32
      %scan3A_350 = arith.constant 1 : i32
      scf.for %scan3A_356 = %scan3A_347 to %scan3A_349 step %scan3A_350  : i32 {
        %lt3A_357 = arith.constant 4 : i32
        %lt3A_358 = arith.cmpi slt, %scan3A_356, %lt3A_357 : i32
        %select_n3A_359 = arith.select %lt3A_358, %get3A_343, %get3A_346 : vector<16xf32>
        %jit3A_360 = arith.constant 4 : i32
        %eq3A_361 = arith.constant 0 : i32
        %eq3A_362 = arith.cmpi eq, %jit3A_360, %eq3A_361 : i32
        %jit3A_363 = arith.constant 1 : i32
        %select_n3A_364 = arith.select %eq3A_362, %jit3A_363, %jit3A_360 : i32
        %rem3A_365 = arith.remsi %scan3A_356, %select_n3A_364 : i32
        %ne3A_366 = arith.constant 0 : i32
        %ne3A_367 = arith.cmpi ne, %rem3A_365, %ne3A_366 : i32
        %lt3A_368 = arith.constant 0 : i32
        %lt3A_369 = arith.cmpi slt, %rem3A_365, %lt3A_368 : i32
        %lt3A_370 = arith.constant 0 : i32
        %lt3A_371 = arith.cmpi slt, %select_n3A_364, %lt3A_370 : i32
        %ne3A_372 = arith.xori %lt3A_369, %lt3A_371 : i1
        %and3A_373 = arith.andi %ne3A_372, %ne3A_367 : i1
        %add3A_374 = arith.addi %rem3A_365, %select_n3A_364 : i32
        %select_n3A_375 = arith.select %and3A_373, %add3A_374, %rem3A_365 : i32
        %mul3A_376 = arith.constant 4 : i32
        %mul3A_377 = arith.muli %select_n3A_375, %mul3A_376 : i32
        %broadcast_in_dim3A = arith.constant 0 : i32
        %broadcast_in_dim3A_378 = vector.broadcast %broadcast_in_dim3A : i32 to vector<16xi32>
        %add3A_379 = vector.broadcast %mul3A_377 : i32 to vector<16xi32>
        %add3A_380 = arith.addi %broadcast_in_dim3A_378, %add3A_379 : vector<16xi32>
        %lt3A_381 = arith.constant 0 : i32
        %lt3A_382 = vector.broadcast %lt3A_381 : i32 to vector<16xi32>
        %lt3A_383 = arith.cmpi slt, %add3A_380, %lt3A_382 : vector<16xi32>
        %add3A_384 = arith.constant 16 : i32
        %add3A_385 = vector.broadcast %add3A_384 : i32 to vector<16xi32>
        %add3A_386 = arith.addi %add3A_380, %add3A_385 : vector<16xi32>
        %select_n3A_387 = arith.select %lt3A_383, %add3A_386, %add3A_380 : vector<16xi1>, vector<16xi32>
        %broadcast_in_dim3A_388 = vector.shape_cast %select_n3A_387 : vector<16xi32> to vector<16x1xi32>
        %gather3A = vector.shape_cast %broadcast_in_dim3A_388 : vector<16x1xi32> to vector<16xi32>
        %gather3A_389 = tpu.dynamic_gather %select_n3A_359[%gather3A] in [0] : vector<16xf32>, vector<16xi32> -> vector<16xf32>
        %add3A_390 = arith.constant 1 : i32
        %add3A_391 = arith.addi %mul3A_377, %add3A_390 : i32
        %broadcast_in_dim3A_392 = arith.constant 0 : i32
        %broadcast_in_dim3A_393 = vector.broadcast %broadcast_in_dim3A_392 : i32 to vector<16xi32>
        %add3A_394 = vector.broadcast %add3A_391 : i32 to vector<16xi32>
        %add3A_395 = arith.addi %broadcast_in_dim3A_393, %add3A_394 : vector<16xi32>
        %lt3A_396 = arith.constant 0 : i32
        %lt3A_397 = vector.broadcast %lt3A_396 : i32 to vector<16xi32>
        %lt3A_398 = arith.cmpi slt, %add3A_395, %lt3A_397 : vector<16xi32>
        %add3A_399 = arith.constant 16 : i32
        %add3A_400 = vector.broadcast %add3A_399 : i32 to vector<16xi32>
        %add3A_401 = arith.addi %add3A_395, %add3A_400 : vector<16xi32>
        %select_n3A_402 = arith.select %lt3A_398, %add3A_401, %add3A_395 : vector<16xi1>, vector<16xi32>
        %broadcast_in_dim3A_403 = vector.shape_cast %select_n3A_402 : vector<16xi32> to vector<16x1xi32>
        %gather3A_404 = vector.shape_cast %broadcast_in_dim3A_403 : vector<16x1xi32> to vector<16xi32>
        %gather3A_405 = tpu.dynamic_gather %select_n3A_359[%gather3A_404] in [0] : vector<16xf32>, vector<16xi32> -> vector<16xf32>
        %add3A_406 = arith.constant 2 : i32
        %add3A_407 = arith.addi %mul3A_377, %add3A_406 : i32
        %broadcast_in_dim3A_408 = arith.constant 0 : i32
        %broadcast_in_dim3A_409 = vector.broadcast %broadcast_in_dim3A_408 : i32 to vector<16xi32>
        %add3A_410 = vector.broadcast %add3A_407 : i32 to vector<16xi32>
        %add3A_411 = arith.addi %broadcast_in_dim3A_409, %add3A_410 : vector<16xi32>
        %lt3A_412 = arith.constant 0 : i32
        %lt3A_413 = vector.broadcast %lt3A_412 : i32 to vector<16xi32>
        %lt3A_414 = arith.cmpi slt, %add3A_411, %lt3A_413 : vector<16xi32>
        %add3A_415 = arith.constant 16 : i32
        %add3A_416 = vector.broadcast %add3A_415 : i32 to vector<16xi32>
        %add3A_417 = arith.addi %add3A_411, %add3A_416 : vector<16xi32>
        %select_n3A_418 = arith.select %lt3A_414, %add3A_417, %add3A_411 : vector<16xi1>, vector<16xi32>
        %broadcast_in_dim3A_419 = vector.shape_cast %select_n3A_418 : vector<16xi32> to vector<16x1xi32>
        %gather3A_420 = vector.shape_cast %broadcast_in_dim3A_419 : vector<16x1xi32> to vector<16xi32>
        %gather3A_421 = tpu.dynamic_gather %select_n3A_359[%gather3A_420] in [0] : vector<16xf32>, vector<16xi32> -> vector<16xf32>
        %broadcast_in_dim3A_422 = arith.constant 0.000000e+00 : f32
        %broadcast_in_dim3A_423 = vector.broadcast %broadcast_in_dim3A_422 : f32 to vector<16xf32>
        %broadcast_in_dim3A_424 = arith.constant 0.000000e+00 : f32
        %broadcast_in_dim3A_425 = vector.broadcast %broadcast_in_dim3A_424 : f32 to vector<16xf32>
        %broadcast_in_dim3A_426 = arith.constant 0.000000e+00 : f32
        %broadcast_in_dim3A_427 = vector.broadcast %broadcast_in_dim3A_426 : f32 to vector<16xf32>
        %broadcast_in_dim3A_428 = arith.constant 0.000000e+00 : f32
        %broadcast_in_dim3A_429 = vector.broadcast %broadcast_in_dim3A_428 : f32 to vector<16xf32>
        %broadcast_in_dim3A_430 = arith.constant 0.000000e+00 : f32
        %broadcast_in_dim3A_431 = vector.broadcast %broadcast_in_dim3A_430 : f32 to vector<16xf32>
        %broadcast_in_dim3A_432 = arith.constant 0.000000e+00 : f32
        %broadcast_in_dim3A_433 = vector.broadcast %broadcast_in_dim3A_432 : f32 to vector<16xf32>
        %broadcast_in_dim3A_434 = arith.constant 0.000000e+00 : f32
        %broadcast_in_dim3A_435 = vector.broadcast %broadcast_in_dim3A_434 : f32 to vector<16xf32>
        %broadcast_in_dim3A_436 = arith.constant 0.000000e+00 : f32
        %broadcast_in_dim3A_437 = vector.broadcast %broadcast_in_dim3A_436 : f32 to vector<16xf32>
        %scan3A_438 = arith.constant 0 : i32
        %scan3A_439 = arith.constant 2 : i32
        %scan3A_440 = arith.addi %scan3A_438, %scan3A_439 : i32
        %scan3A_441 = arith.constant 1 : i32
        %scan3A_442:8 = scf.for %scan3A_467 = %scan3A_438 to %scan3A_440 step %scan3A_441 iter_args(%scan3A_468 = %broadcast_in_dim3A_423, %scan3A_469 = %broadcast_in_dim3A_425, %scan3A_470 = %broadcast_in_dim3A_427, %scan3A_471 = %broadcast_in_dim3A_429, %scan3A_472 = %broadcast_in_dim3A_431, %scan3A_473 = %broadcast_in_dim3A_433, %scan3A_474 = %broadcast_in_dim3A_435, %scan3A_475 = %broadcast_in_dim3A_437) -> (vector<16xf32>, vector<16xf32>, vector<16xf32>, vector<16xf32>, vector<16xf32>, vector<16xf32>, vector<16xf32>, vector<16xf32>)  : i32 {
          %mul3A_476 = arith.constant 32 : i32
          %mul3A_477 = arith.muli %scan3A_356, %mul3A_476 : i32
          %mul3A_478 = arith.constant 16 : i32
          %mul3A_479 = arith.muli %scan3A_467, %mul3A_478 : i32
          %add3A_480 = arith.addi %mul3A_477, %mul3A_479 : i32
          %get3A_481 = arith.index_cast %select_n3A_260 : i32 to index
          %get3A_482 = arith.index_cast %add3A_480 : i32 to index
          %get3A_483 = tpu.vector_load %arg13[%get3A_481, %get3A_482] {strides = array<i32>} : memref<3x256xi32, #tpu.memory_space<vmem>>, vector<16xi32>,
          %gather3A_484 = tpu.vector_load_idx %arg10[%get3A_483] : memref<30000xf32, #tpu.memory_space<vmem>>[vector<16xi32>], vector<16xf32>,
          %add3A_485 = arith.constant 10000 : i32
          %add3A_486 = vector.broadcast %add3A_485 : i32 to vector<16xi32>
          %add3A_487 = arith.addi %get3A_483, %add3A_486 : vector<16xi32>
          %gather3A_488 = tpu.vector_load_idx %arg10[%add3A_487] : memref<30000xf32, #tpu.memory_space<vmem>>[vector<16xi32>], vector<16xf32>,
          %add3A_489 = arith.constant 20000 : i32
          %add3A_490 = vector.broadcast %add3A_489 : i32 to vector<16xi32>
          %add3A_491 = arith.addi %get3A_483, %add3A_490 : vector<16xi32>
          %gather3A_492 = tpu.vector_load_idx %arg10[%add3A_491] : memref<30000xf32, #tpu.memory_space<vmem>>[vector<16xi32>], vector<16xf32>,
          %sub3A_493 = arith.subf %gather3A_484, %gather3A_389 : vector<16xf32>
          %sub3A_494 = arith.subf %gather3A_488, %gather3A_405 : vector<16xf32>
          %sub3A_495 = arith.subf %gather3A_492, %gather3A_421 : vector<16xf32>
          %broadcast_in_dim3A_496 = arith.constant 1.000000e+30 : f32
          %broadcast_in_dim3A_497 = vector.broadcast %broadcast_in_dim3A_496 : f32 to vector<16xf32>
          %broadcast_in_dim3A_498 = arith.constant 0 : i32
          %broadcast_in_dim3A_499 = vector.broadcast %broadcast_in_dim3A_498 : i32 to vector<16xi32>
          %sub3A_500 = vector.broadcast %squeeze3A : f32 to vector<16xf32>
          %sub3A_501 = arith.subf %sub3A_493, %sub3A_500 : vector<16xf32>
          %sub3A_502 = vector.broadcast %squeeze3A_35 : f32 to vector<16xf32>
          %sub3A_503 = arith.subf %sub3A_494, %sub3A_502 : vector<16xf32>
          %sub3A_504 = vector.broadcast %squeeze3A_65 : f32 to vector<16xf32>
          %sub3A_505 = arith.subf %sub3A_495, %sub3A_504 : vector<16xf32>
          %mul3A_506 = arith.mulf %sub3A_501, %sub3A_501 : vector<16xf32>
          %mul3A_507 = arith.mulf %sub3A_503, %sub3A_503 : vector<16xf32>
          %add3A_508 = arith.addf %mul3A_506, %mul3A_507 : vector<16xf32>
          %mul3A_509 = arith.mulf %sub3A_505, %sub3A_505 : vector<16xf32>
          %add3A_510 = arith.addf %add3A_508, %mul3A_509 : vector<16xf32>
          %lt3A_511 = arith.cmpf olt, %add3A_510, %broadcast_in_dim3A_497 : vector<16xf32>
          %select_n3A_512 = arith.select %lt3A_511, %add3A_510, %broadcast_in_dim3A_497 : vector<16xi1>, vector<16xf32>
          %jit3A_513 = arith.constant 0 : i32
          %broadcast_in_dim3A_514 = vector.broadcast %jit3A_513 : i32 to vector<16xi32>
          %select_n3A_515 = arith.select %lt3A_511, %broadcast_in_dim3A_514, %broadcast_in_dim3A_499 : vector<16xi1>, vector<16xi32>
          %sub3A_516 = vector.broadcast %squeeze3A_7 : f32 to vector<16xf32>
          %sub3A_517 = arith.subf %sub3A_493, %sub3A_516 : vector<16xf32>
          %sub3A_518 = vector.broadcast %squeeze3A_37 : f32 to vector<16xf32>
          %sub3A_519 = arith.subf %sub3A_494, %sub3A_518 : vector<16xf32>
          %sub3A_520 = vector.broadcast %squeeze3A_67 : f32 to vector<16xf32>
          %sub3A_521 = arith.subf %sub3A_495, %sub3A_520 : vector<16xf32>
          %mul3A_522 = arith.mulf %sub3A_517, %sub3A_517 : vector<16xf32>
          %mul3A_523 = arith.mulf %sub3A_519, %sub3A_519 : vector<16xf32>
          %add3A_524 = arith.addf %mul3A_522, %mul3A_523 : vector<16xf32>
          %mul3A_525 = arith.mulf %sub3A_521, %sub3A_521 : vector<16xf32>
          %add3A_526 = arith.addf %add3A_524, %mul3A_525 : vector<16xf32>
          %lt3A_527 = arith.cmpf olt, %add3A_526, %select_n3A_512 : vector<16xf32>
          %select_n3A_528 = arith.select %lt3A_527, %add3A_526, %select_n3A_512 : vector<16xi1>, vector<16xf32>
          %jit3A_529 = arith.constant 1 : i32
          %broadcast_in_dim3A_530 = vector.broadcast %jit3A_529 : i32 to vector<16xi32>
          %select_n3A_531 = arith.select %lt3A_527, %broadcast_in_dim3A_530, %select_n3A_515 : vector<16xi1>, vector<16xi32>
          %sub3A_532 = vector.broadcast %squeeze3A_9 : f32 to vector<16xf32>
          %sub3A_533 = arith.subf %sub3A_493, %sub3A_532 : vector<16xf32>
          %sub3A_534 = vector.broadcast %squeeze3A_39 : f32 to vector<16xf32>
          %sub3A_535 = arith.subf %sub3A_494, %sub3A_534 : vector<16xf32>
          %sub3A_536 = vector.broadcast %squeeze3A_69 : f32 to vector<16xf32>
          %sub3A_537 = arith.subf %sub3A_495, %sub3A_536 : vector<16xf32>
          %mul3A_538 = arith.mulf %sub3A_533, %sub3A_533 : vector<16xf32>
          %mul3A_539 = arith.mulf %sub3A_535, %sub3A_535 : vector<16xf32>
          %add3A_540 = arith.addf %mul3A_538, %mul3A_539 : vector<16xf32>
          %mul3A_541 = arith.mulf %sub3A_537, %sub3A_537 : vector<16xf32>
          %add3A_542 = arith.addf %add3A_540, %mul3A_541 : vector<16xf32>
          %lt3A_543 = arith.cmpf olt, %add3A_542, %select_n3A_528 : vector<16xf32>
          %select_n3A_544 = arith.select %lt3A_543, %add3A_542, %select_n3A_528 : vector<16xi1>, vector<16xf32>
          %jit3A_545 = arith.constant 2 : i32
          %broadcast_in_dim3A_546 = vector.broadcast %jit3A_545 : i32 to vector<16xi32>
          %select_n3A_547 = arith.select %lt3A_543, %broadcast_in_dim3A_546, %select_n3A_531 : vector<16xi1>, vector<16xi32>
          %sub3A_548 = vector.broadcast %squeeze3A_11 : f32 to vector<16xf32>
          %sub3A_549 = arith.subf %sub3A_493, %sub3A_548 : vector<16xf32>
          %sub3A_550 = vector.broadcast %squeeze3A_41 : f32 to vector<16xf32>
          %sub3A_551 = arith.subf %sub3A_494, %sub3A_550 : vector<16xf32>
          %sub3A_552 = vector.broadcast %squeeze3A_71 : f32 to vector<16xf32>
          %sub3A_553 = arith.subf %sub3A_495, %sub3A_552 : vector<16xf32>
          %mul3A_554 = arith.mulf %sub3A_549, %sub3A_549 : vector<16xf32>
          %mul3A_555 = arith.mulf %sub3A_551, %sub3A_551 : vector<16xf32>
          %add3A_556 = arith.addf %mul3A_554, %mul3A_555 : vector<16xf32>
          %mul3A_557 = arith.mulf %sub3A_553, %sub3A_553 : vector<16xf32>
          %add3A_558 = arith.addf %add3A_556, %mul3A_557 : vector<16xf32>
          %lt3A_559 = arith.cmpf olt, %add3A_558, %select_n3A_544 : vector<16xf32>
          %select_n3A_560 = arith.select %lt3A_559, %add3A_558, %select_n3A_544 : vector<16xi1>, vector<16xf32>
          %jit3A_561 = arith.constant 3 : i32
          %broadcast_in_dim3A_562 = vector.broadcast %jit3A_561 : i32 to vector<16xi32>
          %select_n3A_563 = arith.select %lt3A_559, %broadcast_in_dim3A_562, %select_n3A_547 : vector<16xi1>, vector<16xi32>
          %sub3A_564 = vector.broadcast %squeeze3A_13 : f32 to vector<16xf32>
          %sub3A_565 = arith.subf %sub3A_493, %sub3A_564 : vector<16xf32>
          %sub3A_566 = vector.broadcast %squeeze3A_43 : f32 to vector<16xf32>
          %sub3A_567 = arith.subf %sub3A_494, %sub3A_566 : vector<16xf32>
          %sub3A_568 = vector.broadcast %squeeze3A_73 : f32 to vector<16xf32>
          %sub3A_569 = arith.subf %sub3A_495, %sub3A_568 : vector<16xf32>
          %mul3A_570 = arith.mulf %sub3A_565, %sub3A_565 : vector<16xf32>
          %mul3A_571 = arith.mulf %sub3A_567, %sub3A_567 : vector<16xf32>
          %add3A_572 = arith.addf %mul3A_570, %mul3A_571 : vector<16xf32>
          %mul3A_573 = arith.mulf %sub3A_569, %sub3A_569 : vector<16xf32>
          %add3A_574 = arith.addf %add3A_572, %mul3A_573 : vector<16xf32>
          %lt3A_575 = arith.cmpf olt, %add3A_574, %select_n3A_560 : vector<16xf32>
          %select_n3A_576 = arith.select %lt3A_575, %add3A_574, %select_n3A_560 : vector<16xi1>, vector<16xf32>
          %jit3A_577 = arith.constant 4 : i32
          %broadcast_in_dim3A_578 = vector.broadcast %jit3A_577 : i32 to vector<16xi32>
          %select_n3A_579 = arith.select %lt3A_575, %broadcast_in_dim3A_578, %select_n3A_563 : vector<16xi1>, vector<16xi32>
          %sub3A_580 = vector.broadcast %squeeze3A_15 : f32 to vector<16xf32>
          %sub3A_581 = arith.subf %sub3A_493, %sub3A_580 : vector<16xf32>
          %sub3A_582 = vector.broadcast %squeeze3A_45 : f32 to vector<16xf32>
          %sub3A_583 = arith.subf %sub3A_494, %sub3A_582 : vector<16xf32>
          %sub3A_584 = vector.broadcast %squeeze3A_75 : f32 to vector<16xf32>
          %sub3A_585 = arith.subf %sub3A_495, %sub3A_584 : vector<16xf32>
          %mul3A_586 = arith.mulf %sub3A_581, %sub3A_581 : vector<16xf32>
          %mul3A_587 = arith.mulf %sub3A_583, %sub3A_583 : vector<16xf32>
          %add3A_588 = arith.addf %mul3A_586, %mul3A_587 : vector<16xf32>
          %mul3A_589 = arith.mulf %sub3A_585, %sub3A_585 : vector<16xf32>
          %add3A_590 = arith.addf %add3A_588, %mul3A_589 : vector<16xf32>
          %lt3A_591 = arith.cmpf olt, %add3A_590, %select_n3A_576 : vector<16xf32>
          %select_n3A_592 = arith.select %lt3A_591, %add3A_590, %select_n3A_576 : vector<16xi1>, vector<16xf32>
          %jit3A_593 = arith.constant 5 : i32
          %broadcast_in_dim3A_594 = vector.broadcast %jit3A_593 : i32 to vector<16xi32>
          %select_n3A_595 = arith.select %lt3A_591, %broadcast_in_dim3A_594, %select_n3A_579 : vector<16xi1>, vector<16xi32>
          %sub3A_596 = vector.broadcast %squeeze3A_17 : f32 to vector<16xf32>
          %sub3A_597 = arith.subf %sub3A_493, %sub3A_596 : vector<16xf32>
          %sub3A_598 = vector.broadcast %squeeze3A_47 : f32 to vector<16xf32>
          %sub3A_599 = arith.subf %sub3A_494, %sub3A_598 : vector<16xf32>
          %sub3A_600 = vector.broadcast %squeeze3A_77 : f32 to vector<16xf32>
          %sub3A_601 = arith.subf %sub3A_495, %sub3A_600 : vector<16xf32>
          %mul3A_602 = arith.mulf %sub3A_597, %sub3A_597 : vector<16xf32>
          %mul3A_603 = arith.mulf %sub3A_599, %sub3A_599 : vector<16xf32>
          %add3A_604 = arith.addf %mul3A_602, %mul3A_603 : vector<16xf32>
          %mul3A_605 = arith.mulf %sub3A_601, %sub3A_601 : vector<16xf32>
          %add3A_606 = arith.addf %add3A_604, %mul3A_605 : vector<16xf32>
          %lt3A_607 = arith.cmpf olt, %add3A_606, %select_n3A_592 : vector<16xf32>
          %select_n3A_608 = arith.select %lt3A_607, %add3A_606, %select_n3A_592 : vector<16xi1>, vector<16xf32>
          %jit3A_609 = arith.constant 6 : i32
          %broadcast_in_dim3A_610 = vector.broadcast %jit3A_609 : i32 to vector<16xi32>
          %select_n3A_611 = arith.select %lt3A_607, %broadcast_in_dim3A_610, %select_n3A_595 : vector<16xi1>, vector<16xi32>
          %sub3A_612 = vector.broadcast %squeeze3A_19 : f32 to vector<16xf32>
          %sub3A_613 = arith.subf %sub3A_493, %sub3A_612 : vector<16xf32>
          %sub3A_614 = vector.broadcast %squeeze3A_49 : f32 to vector<16xf32>
          %sub3A_615 = arith.subf %sub3A_494, %sub3A_614 : vector<16xf32>
          %sub3A_616 = vector.broadcast %squeeze3A_79 : f32 to vector<16xf32>
          %sub3A_617 = arith.subf %sub3A_495, %sub3A_616 : vector<16xf32>
          %mul3A_618 = arith.mulf %sub3A_613, %sub3A_613 : vector<16xf32>
          %mul3A_619 = arith.mulf %sub3A_615, %sub3A_615 : vector<16xf32>
          %add3A_620 = arith.addf %mul3A_618, %mul3A_619 : vector<16xf32>
          %mul3A_621 = arith.mulf %sub3A_617, %sub3A_617 : vector<16xf32>
          %add3A_622 = arith.addf %add3A_620, %mul3A_621 : vector<16xf32>
          %lt3A_623 = arith.cmpf olt, %add3A_622, %select_n3A_608 : vector<16xf32>
          %select_n3A_624 = arith.select %lt3A_623, %add3A_622, %select_n3A_608 : vector<16xi1>, vector<16xf32>
          %jit3A_625 = arith.constant 7 : i32
          %broadcast_in_dim3A_626 = vector.broadcast %jit3A_625 : i32 to vector<16xi32>
          %select_n3A_627 = arith.select %lt3A_623, %broadcast_in_dim3A_626, %select_n3A_611 : vector<16xi1>, vector<16xi32>
          %sub3A_628 = vector.broadcast %squeeze3A_21 : f32 to vector<16xf32>
          %sub3A_629 = arith.subf %sub3A_493, %sub3A_628 : vector<16xf32>
          %sub3A_630 = vector.broadcast %squeeze3A_51 : f32 to vector<16xf32>
          %sub3A_631 = arith.subf %sub3A_494, %sub3A_630 : vector<16xf32>
          %sub3A_632 = vector.broadcast %squeeze3A_81 : f32 to vector<16xf32>
          %sub3A_633 = arith.subf %sub3A_495, %sub3A_632 : vector<16xf32>
          %mul3A_634 = arith.mulf %sub3A_629, %sub3A_629 : vector<16xf32>
          %mul3A_635 = arith.mulf %sub3A_631, %sub3A_631 : vector<16xf32>
          %add3A_636 = arith.addf %mul3A_634, %mul3A_635 : vector<16xf32>
          %mul3A_637 = arith.mulf %sub3A_633, %sub3A_633 : vector<16xf32>
          %add3A_638 = arith.addf %add3A_636, %mul3A_637 : vector<16xf32>
          %lt3A_639 = arith.cmpf olt, %add3A_638, %select_n3A_624 : vector<16xf32>
          %select_n3A_640 = arith.select %lt3A_639, %add3A_638, %select_n3A_624 : vector<16xi1>, vector<16xf32>
          %jit3A_641 = arith.constant 8 : i32
          %broadcast_in_dim3A_642 = vector.broadcast %jit3A_641 : i32 to vector<16xi32>
          %select_n3A_643 = arith.select %lt3A_639, %broadcast_in_dim3A_642, %select_n3A_627 : vector<16xi1>, vector<16xi32>
          %sub3A_644 = vector.broadcast %squeeze3A_23 : f32 to vector<16xf32>
          %sub3A_645 = arith.subf %sub3A_493, %sub3A_644 : vector<16xf32>
          %sub3A_646 = vector.broadcast %squeeze3A_53 : f32 to vector<16xf32>
          %sub3A_647 = arith.subf %sub3A_494, %sub3A_646 : vector<16xf32>
          %sub3A_648 = vector.broadcast %squeeze3A_83 : f32 to vector<16xf32>
          %sub3A_649 = arith.subf %sub3A_495, %sub3A_648 : vector<16xf32>
          %mul3A_650 = arith.mulf %sub3A_645, %sub3A_645 : vector<16xf32>
          %mul3A_651 = arith.mulf %sub3A_647, %sub3A_647 : vector<16xf32>
          %add3A_652 = arith.addf %mul3A_650, %mul3A_651 : vector<16xf32>
          %mul3A_653 = arith.mulf %sub3A_649, %sub3A_649 : vector<16xf32>
          %add3A_654 = arith.addf %add3A_652, %mul3A_653 : vector<16xf32>
          %lt3A_655 = arith.cmpf olt, %add3A_654, %select_n3A_640 : vector<16xf32>
          %select_n3A_656 = arith.select %lt3A_655, %add3A_654, %select_n3A_640 : vector<16xi1>, vector<16xf32>
          %jit3A_657 = arith.constant 9 : i32
          %broadcast_in_dim3A_658 = vector.broadcast %jit3A_657 : i32 to vector<16xi32>
          %select_n3A_659 = arith.select %lt3A_655, %broadcast_in_dim3A_658, %select_n3A_643 : vector<16xi1>, vector<16xi32>
          %sub3A_660 = vector.broadcast %squeeze3A_25 : f32 to vector<16xf32>
          %sub3A_661 = arith.subf %sub3A_493, %sub3A_660 : vector<16xf32>
          %sub3A_662 = vector.broadcast %squeeze3A_55 : f32 to vector<16xf32>
          %sub3A_663 = arith.subf %sub3A_494, %sub3A_662 : vector<16xf32>
          %sub3A_664 = vector.broadcast %squeeze3A_85 : f32 to vector<16xf32>
          %sub3A_665 = arith.subf %sub3A_495, %sub3A_664 : vector<16xf32>
          %mul3A_666 = arith.mulf %sub3A_661, %sub3A_661 : vector<16xf32>
          %mul3A_667 = arith.mulf %sub3A_663, %sub3A_663 : vector<16xf32>
          %add3A_668 = arith.addf %mul3A_666, %mul3A_667 : vector<16xf32>
          %mul3A_669 = arith.mulf %sub3A_665, %sub3A_665 : vector<16xf32>
          %add3A_670 = arith.addf %add3A_668, %mul3A_669 : vector<16xf32>
          %lt3A_671 = arith.cmpf olt, %add3A_670, %select_n3A_656 : vector<16xf32>
          %select_n3A_672 = arith.select %lt3A_671, %add3A_670, %select_n3A_656 : vector<16xi1>, vector<16xf32>
          %jit3A_673 = arith.constant 10 : i32
          %broadcast_in_dim3A_674 = vector.broadcast %jit3A_673 : i32 to vector<16xi32>
          %select_n3A_675 = arith.select %lt3A_671, %broadcast_in_dim3A_674, %select_n3A_659 : vector<16xi1>, vector<16xi32>
          %sub3A_676 = vector.broadcast %squeeze3A_27 : f32 to vector<16xf32>
          %sub3A_677 = arith.subf %sub3A_493, %sub3A_676 : vector<16xf32>
          %sub3A_678 = vector.broadcast %squeeze3A_57 : f32 to vector<16xf32>
          %sub3A_679 = arith.subf %sub3A_494, %sub3A_678 : vector<16xf32>
          %sub3A_680 = vector.broadcast %squeeze3A_87 : f32 to vector<16xf32>
          %sub3A_681 = arith.subf %sub3A_495, %sub3A_680 : vector<16xf32>
          %mul3A_682 = arith.mulf %sub3A_677, %sub3A_677 : vector<16xf32>
          %mul3A_683 = arith.mulf %sub3A_679, %sub3A_679 : vector<16xf32>
          %add3A_684 = arith.addf %mul3A_682, %mul3A_683 : vector<16xf32>
          %mul3A_685 = arith.mulf %sub3A_681, %sub3A_681 : vector<16xf32>
          %add3A_686 = arith.addf %add3A_684, %mul3A_685 : vector<16xf32>
          %lt3A_687 = arith.cmpf olt, %add3A_686, %select_n3A_672 : vector<16xf32>
          %select_n3A_688 = arith.select %lt3A_687, %add3A_686, %select_n3A_672 : vector<16xi1>, vector<16xf32>
          %jit3A_689 = arith.constant 11 : i32
          %broadcast_in_dim3A_690 = vector.broadcast %jit3A_689 : i32 to vector<16xi32>
          %select_n3A_691 = arith.select %lt3A_687, %broadcast_in_dim3A_690, %select_n3A_675 : vector<16xi1>, vector<16xi32>
          %sub3A_692 = vector.broadcast %squeeze3A_29 : f32 to vector<16xf32>
          %sub3A_693 = arith.subf %sub3A_493, %sub3A_692 : vector<16xf32>
          %sub3A_694 = vector.broadcast %squeeze3A_59 : f32 to vector<16xf32>
          %sub3A_695 = arith.subf %sub3A_494, %sub3A_694 : vector<16xf32>
          %sub3A_696 = vector.broadcast %squeeze3A_89 : f32 to vector<16xf32>
          %sub3A_697 = arith.subf %sub3A_495, %sub3A_696 : vector<16xf32>
          %mul3A_698 = arith.mulf %sub3A_693, %sub3A_693 : vector<16xf32>
          %mul3A_699 = arith.mulf %sub3A_695, %sub3A_695 : vector<16xf32>
          %add3A_700 = arith.addf %mul3A_698, %mul3A_699 : vector<16xf32>
          %mul3A_701 = arith.mulf %sub3A_697, %sub3A_697 : vector<16xf32>
          %add3A_702 = arith.addf %add3A_700, %mul3A_701 : vector<16xf32>
          %lt3A_703 = arith.cmpf olt, %add3A_702, %select_n3A_688 : vector<16xf32>
          %select_n3A_704 = arith.select %lt3A_703, %add3A_702, %select_n3A_688 : vector<16xi1>, vector<16xf32>
          %jit3A_705 = arith.constant 12 : i32
          %broadcast_in_dim3A_706 = vector.broadcast %jit3A_705 : i32 to vector<16xi32>
          %select_n3A_707 = arith.select %lt3A_703, %broadcast_in_dim3A_706, %select_n3A_691 : vector<16xi1>, vector<16xi32>
          %sub3A_708 = vector.broadcast %squeeze3A_31 : f32 to vector<16xf32>
          %sub3A_709 = arith.subf %sub3A_493, %sub3A_708 : vector<16xf32>
          %sub3A_710 = vector.broadcast %squeeze3A_61 : f32 to vector<16xf32>
          %sub3A_711 = arith.subf %sub3A_494, %sub3A_710 : vector<16xf32>
          %sub3A_712 = vector.broadcast %squeeze3A_91 : f32 to vector<16xf32>
          %sub3A_713 = arith.subf %sub3A_495, %sub3A_712 : vector<16xf32>
          %mul3A_714 = arith.mulf %sub3A_709, %sub3A_709 : vector<16xf32>
          %mul3A_715 = arith.mulf %sub3A_711, %sub3A_711 : vector<16xf32>
          %add3A_716 = arith.addf %mul3A_714, %mul3A_715 : vector<16xf32>
          %mul3A_717 = arith.mulf %sub3A_713, %sub3A_713 : vector<16xf32>
          %add3A_718 = arith.addf %add3A_716, %mul3A_717 : vector<16xf32>
          %lt3A_719 = arith.cmpf olt, %add3A_718, %select_n3A_704 : vector<16xf32>
          %select_n3A_720 = arith.select %lt3A_719, %add3A_718, %select_n3A_704 : vector<16xi1>, vector<16xf32>
          %jit3A_721 = arith.constant 13 : i32
          %broadcast_in_dim3A_722 = vector.broadcast %jit3A_721 : i32 to vector<16xi32>
          %select_n3A_723 = arith.select %lt3A_719, %broadcast_in_dim3A_722, %select_n3A_707 : vector<16xi1>, vector<16xi32>
          %sub3A_724 = vector.broadcast %squeeze3A_33 : f32 to vector<16xf32>
          %sub3A_725 = arith.subf %sub3A_493, %sub3A_724 : vector<16xf32>
          %sub3A_726 = vector.broadcast %squeeze3A_63 : f32 to vector<16xf32>
          %sub3A_727 = arith.subf %sub3A_494, %sub3A_726 : vector<16xf32>
          %sub3A_728 = vector.broadcast %squeeze3A_93 : f32 to vector<16xf32>
          %sub3A_729 = arith.subf %sub3A_495, %sub3A_728 : vector<16xf32>
          %mul3A_730 = arith.mulf %sub3A_725, %sub3A_725 : vector<16xf32>
          %mul3A_731 = arith.mulf %sub3A_727, %sub3A_727 : vector<16xf32>
          %add3A_732 = arith.addf %mul3A_730, %mul3A_731 : vector<16xf32>
          %mul3A_733 = arith.mulf %sub3A_729, %sub3A_729 : vector<16xf32>
          %add3A_734 = arith.addf %add3A_732, %mul3A_733 : vector<16xf32>
          %lt3A_735 = arith.cmpf olt, %add3A_734, %select_n3A_720 : vector<16xf32>
          %select_n3A_736 = arith.select %lt3A_735, %add3A_734, %select_n3A_720 : vector<16xi1>, vector<16xf32>
          %jit3A_737 = arith.constant 14 : i32
          %broadcast_in_dim3A_738 = vector.broadcast %jit3A_737 : i32 to vector<16xi32>
          %select_n3A_739 = arith.select %lt3A_735, %broadcast_in_dim3A_738, %select_n3A_723 : vector<16xi1>, vector<16xi32>
          %max3A = arith.constant 1.000000e-24 : f32
          %max3A_740 = vector.broadcast %max3A : f32 to vector<16xf32>
          %max3A_741 = arith.maximumf %select_n3A_736, %max3A_740 : vector<16xf32>
          %bitcast3A = vector.bitcast %max3A_741 : vector<16xf32> to vector<16xi32>
          %shift_right_arithmetic3A = arith.constant 1 : i32
          %shift_right_arithmetic3A_742 = vector.broadcast %shift_right_arithmetic3A : i32 to vector<16xi32>
          %shift_right_arithmetic3A_743 = arith.shrsi %bitcast3A, %shift_right_arithmetic3A_742 : vector<16xi32>
          %sub3A_744 = arith.constant 1597463007 : i32
          %sub3A_745 = vector.broadcast %sub3A_744 : i32 to vector<16xi32>
          %sub3A_746 = arith.subi %sub3A_745, %shift_right_arithmetic3A_743 : vector<16xi32>
          %bitcast3A_747 = vector.bitcast %sub3A_746 : vector<16xi32> to vector<16xf32>
          %mul3A_748 = arith.constant 5.000000e-01 : f32
          %mul3A_749 = vector.broadcast %mul3A_748 : f32 to vector<16xf32>
          %mul3A_750 = arith.mulf %mul3A_749, %max3A_741 : vector<16xf32>
          %mul3A_751 = arith.mulf %mul3A_750, %bitcast3A_747 : vector<16xf32>
          %mul3A_752 = arith.mulf %mul3A_751, %bitcast3A_747 : vector<16xf32>
          %sub3A_753 = arith.constant 1.500000e+00 : f32
          %sub3A_754 = vector.broadcast %sub3A_753 : f32 to vector<16xf32>
          %sub3A_755 = arith.subf %sub3A_754, %mul3A_752 : vector<16xf32>
          %mul3A_756 = arith.mulf %bitcast3A_747, %sub3A_755 : vector<16xf32>
          %mul3A_757 = arith.constant 5.000000e-01 : f32
          %mul3A_758 = vector.broadcast %mul3A_757 : f32 to vector<16xf32>
          %mul3A_759 = arith.mulf %mul3A_758, %max3A_741 : vector<16xf32>
          %mul3A_760 = arith.mulf %mul3A_759, %mul3A_756 : vector<16xf32>
          %mul3A_761 = arith.mulf %mul3A_760, %mul3A_756 : vector<16xf32>
          %sub3A_762 = arith.constant 1.500000e+00 : f32
          %sub3A_763 = vector.broadcast %sub3A_762 : f32 to vector<16xf32>
          %sub3A_764 = arith.subf %sub3A_763, %mul3A_761 : vector<16xf32>
          %mul3A_765 = arith.mulf %mul3A_756, %sub3A_764 : vector<16xf32>
          %mul3A_766 = arith.constant 5.000000e-01 : f32
          %mul3A_767 = vector.broadcast %mul3A_766 : f32 to vector<16xf32>
          %mul3A_768 = arith.mulf %mul3A_767, %max3A_741 : vector<16xf32>
          %mul3A_769 = arith.mulf %mul3A_768, %mul3A_765 : vector<16xf32>
          %mul3A_770 = arith.mulf %mul3A_769, %mul3A_765 : vector<16xf32>
          %sub3A_771 = arith.constant 1.500000e+00 : f32
          %sub3A_772 = vector.broadcast %sub3A_771 : f32 to vector<16xf32>
          %sub3A_773 = arith.subf %sub3A_772, %mul3A_770 : vector<16xf32>
          %mul3A_774 = arith.mulf %mul3A_765, %sub3A_773 : vector<16xf32>
          %mul3A_775 = arith.mulf %max3A_741, %mul3A_774 : vector<16xf32>
          %mul3A_776 = arith.constant 5.000000e-01 : f32
          %mul3A_777 = vector.broadcast %mul3A_776 : f32 to vector<16xf32>
          %mul3A_778 = arith.mulf %mul3A_775, %mul3A_777 : vector<16xf32>
          %sub3A_779 = arith.constant 1.000000e+00 : f32
          %sub3A_780 = vector.broadcast %sub3A_779 : f32 to vector<16xf32>
          %sub3A_781 = arith.subf %sub3A_780, %mul3A_778 : vector<16xf32>
          %max3A_782 = arith.constant 0.000000e+00 : f32
          %max3A_783 = vector.broadcast %max3A_782 : f32 to vector<16xf32>
          %max3A_784 = arith.maximumf %sub3A_781, %max3A_783 : vector<16xf32>
          %slice3A_785 = vector.extract_strided_slice %select_n3A_739 {offsets = [0], sizes = [1], strides = [1]} : vector<16xi32> to vector<1xi32>
          %squeeze3A_786 = vector.extract %slice3A_785[0] : i32 from vector<1xi32>
          %slice3A_787 = vector.extract_strided_slice %max3A_784 {offsets = [0], sizes = [1], strides = [1]} : vector<16xf32> to vector<1xf32>
          %squeeze3A_788 = vector.extract %slice3A_787[0] : f32 from vector<1xf32>
          %mul3A_789 = arith.constant 256 : i32
          %mul3A_790 = arith.muli %scan3A_356, %mul3A_789 : i32
          %mul3A_791 = arith.constant 16 : i32
          %mul3A_792 = arith.muli %squeeze3A_786, %mul3A_791 : i32
          %add3A_793 = arith.addi %mul3A_790, %mul3A_792 : i32
          %get3A_794 = arith.index_cast %select_n3A_260 : i32 to index
          %get3A_795 = arith.index_cast %add3A_793 : i32 to index
          %get3A_796 = tpu.vector_load %arg15[%get3A_794, %get3A_795] {strides = array<i32>} : memref<3x2048xf32, #tpu.memory_space<vmem>>, vector<16xf32>,
          %mul3A_797 = vector.broadcast %squeeze3A_788 : f32 to vector<16xf32>
          %mul3A_798 = arith.mulf %get3A_796, %mul3A_797 : vector<16xf32>
          %add3A_799 = arith.constant 0 : i32
          %add3A_800 = arith.addi %add3A_480, %add3A_799 : i32
          %get3A_801 = arith.index_cast %select_n3A_244 : i32 to index
          %get3A_802 = arith.index_cast %add3A_800 : i32 to index
          %get3A_803 = arith.constant 0 : index
          %get3A_804 = tpu.vector_load %arg16[%get3A_801, %get3A_802, %get3A_803] {strides = array<i32>} : memref<2x256x128xi32, #tpu.memory_space<vmem>>, vector<16xi32>,
          %bitcast3A_805 = vector.bitcast %get3A_804 : vector<16xi32> to vector<32xbf16>
          %mul3A_806 = arith.constant 64 : i32
          %mul3A_807 = arith.muli %squeeze3A_786, %mul3A_806 : i32
          %add3A_808 = arith.constant 0 : i32
          %add3A_809 = arith.addi %mul3A_807, %add3A_808 : i32
          %get3A_810 = arith.index_cast %add3A_809 : i32 to index
          %get3A_811 = tpu.vector_load %arg11[%get3A_810] {strides = array<i32>} : memref<960xi32, #tpu.memory_space<vmem>>, vector<16xi32>,
          %bitcast3A_812 = vector.bitcast %get3A_811 : vector<16xi32> to vector<32xbf16>
          %mul3A_813 = arith.mulf %bitcast3A_805, %bitcast3A_812 : vector<32xbf16>
          %unpack3A = tpu.unpack_subelements %mul3A_813, 0 {pack_format = #tpu.pack_format<interleaved>} : vector<32xbf16> -> vector<16xf32>
          %unpack3A_814 = tpu.unpack_subelements %mul3A_813, 1 {pack_format = #tpu.pack_format<interleaved>} : vector<32xbf16> -> vector<16xf32>
          %mul3A_815 = arith.mulf %unpack3A, %mul3A_798 : vector<16xf32>
          %add3A_816 = arith.addf %scan3A_468, %mul3A_815 : vector<16xf32>
          %mul3A_817 = arith.mulf %unpack3A_814, %mul3A_798 : vector<16xf32>
          %add3A_818 = arith.addf %scan3A_469, %mul3A_817 : vector<16xf32>
          %get3A_819 = arith.index_cast %select_n3A_244 : i32 to index
          %get3A_820 = arith.index_cast %add3A_800 : i32 to index
          %get3A_821 = arith.constant 16 : index
          %get3A_822 = tpu.vector_load %arg16[%get3A_819, %get3A_820, %get3A_821] {strides = array<i32>} : memref<2x256x128xi32, #tpu.memory_space<vmem>>, vector<16xi32>,
          %bitcast3A_823 = vector.bitcast %get3A_822 : vector<16xi32> to vector<32xbf16>
          %mul3A_824 = arith.constant 64 : i32
          %mul3A_825 = arith.muli %squeeze3A_786, %mul3A_824 : i32
          %add3A_826 = arith.constant 16 : i32
          %add3A_827 = arith.addi %mul3A_825, %add3A_826 : i32
          %get3A_828 = arith.index_cast %add3A_827 : i32 to index
          %get3A_829 = tpu.vector_load %arg11[%get3A_828] {strides = array<i32>} : memref<960xi32, #tpu.memory_space<vmem>>, vector<16xi32>,
          %bitcast3A_830 = vector.bitcast %get3A_829 : vector<16xi32> to vector<32xbf16>
          %mul3A_831 = arith.mulf %bitcast3A_823, %bitcast3A_830 : vector<32xbf16>
          %unpack3A_832 = tpu.unpack_subelements %mul3A_831, 0 {pack_format = #tpu.pack_format<interleaved>} : vector<32xbf16> -> vector<16xf32>
          %unpack3A_833 = tpu.unpack_subelements %mul3A_831, 1 {pack_format = #tpu.pack_format<interleaved>} : vector<32xbf16> -> vector<16xf32>
          %mul3A_834 = arith.mulf %unpack3A_832, %mul3A_798 : vector<16xf32>
          %add3A_835 = arith.addf %scan3A_470, %mul3A_834 : vector<16xf32>
          %mul3A_836 = arith.mulf %unpack3A_833, %mul3A_798 : vector<16xf32>
          %add3A_837 = arith.addf %scan3A_471, %mul3A_836 : vector<16xf32>
          %get3A_838 = arith.index_cast %select_n3A_244 : i32 to index
          %get3A_839 = arith.index_cast %add3A_800 : i32 to index
          %get3A_840 = arith.constant 32 : index
          %get3A_841 = tpu.vector_load %arg16[%get3A_838, %get3A_839, %get3A_840] {strides = array<i32>} : memref<2x256x128xi32, #tpu.memory_space<vmem>>, vector<16xi32>,
          %bitcast3A_842 = vector.bitcast %get3A_841 : vector<16xi32> to vector<32xbf16>
          %mul3A_843 = arith.constant 64 : i32
          %mul3A_844 = arith.muli %squeeze3A_786, %mul3A_843 : i32
          %add3A_845 = arith.constant 32 : i32
          %add3A_846 = arith.addi %mul3A_844, %add3A_845 : i32
          %get3A_847 = arith.index_cast %add3A_846 : i32 to index
          %get3A_848 = tpu.vector_load %arg11[%get3A_847] {strides = array<i32>} : memref<960xi32, #tpu.memory_space<vmem>>, vector<16xi32>,
          %bitcast3A_849 = vector.bitcast %get3A_848 : vector<16xi32> to vector<32xbf16>
          %mul3A_850 = arith.mulf %bitcast3A_842, %bitcast3A_849 : vector<32xbf16>
          %unpack3A_851 = tpu.unpack_subelements %mul3A_850, 0 {pack_format = #tpu.pack_format<interleaved>} : vector<32xbf16> -> vector<16xf32>
          %unpack3A_852 = tpu.unpack_subelements %mul3A_850, 1 {pack_format = #tpu.pack_format<interleaved>} : vector<32xbf16> -> vector<16xf32>
          %mul3A_853 = arith.mulf %unpack3A_851, %mul3A_798 : vector<16xf32>
          %add3A_854 = arith.addf %scan3A_472, %mul3A_853 : vector<16xf32>
          %mul3A_855 = arith.mulf %unpack3A_852, %mul3A_798 : vector<16xf32>
          %add3A_856 = arith.addf %scan3A_473, %mul3A_855 : vector<16xf32>
          %get3A_857 = arith.index_cast %select_n3A_244 : i32 to index
          %get3A_858 = arith.index_cast %add3A_800 : i32 to index
          %get3A_859 = arith.constant 48 : index
          %get3A_860 = tpu.vector_load %arg16[%get3A_857, %get3A_858, %get3A_859] {strides = array<i32>} : memref<2x256x128xi32, #tpu.memory_space<vmem>>, vector<16xi32>,
          %bitcast3A_861 = vector.bitcast %get3A_860 : vector<16xi32> to vector<32xbf16>
          %mul3A_862 = arith.constant 64 : i32
          %mul3A_863 = arith.muli %squeeze3A_786, %mul3A_862 : i32
          %add3A_864 = arith.constant 48 : i32
          %add3A_865 = arith.addi %mul3A_863, %add3A_864 : i32
          %get3A_866 = arith.index_cast %add3A_865 : i32 to index
          %get3A_867 = tpu.vector_load %arg11[%get3A_866] {strides = array<i32>} : memref<960xi32, #tpu.memory_space<vmem>>, vector<16xi32>,
          %bitcast3A_868 = vector.bitcast %get3A_867 : vector<16xi32> to vector<32xbf16>
          %mul3A_869 = arith.mulf %bitcast3A_861, %bitcast3A_868 : vector<32xbf16>
          %unpack3A_870 = tpu.unpack_subelements %mul3A_869, 0 {pack_format = #tpu.pack_format<interleaved>} : vector<32xbf16> -> vector<16xf32>
          %unpack3A_871 = tpu.unpack_subelements %mul3A_869, 1 {pack_format = #tpu.pack_format<interleaved>} : vector<32xbf16> -> vector<16xf32>
          %mul3A_872 = arith.mulf %unpack3A_870, %mul3A_798 : vector<16xf32>
          %add3A_873 = arith.addf %scan3A_474, %mul3A_872 : vector<16xf32>
          %mul3A_874 = arith.mulf %unpack3A_871, %mul3A_798 : vector<16xf32>
          %add3A_875 = arith.addf %scan3A_475, %mul3A_874 : vector<16xf32>
          %slice3A_876 = vector.extract_strided_slice %select_n3A_739 {offsets = [1], sizes = [1], strides = [1]} : vector<16xi32> to vector<1xi32>
          %squeeze3A_877 = vector.extract %slice3A_876[0] : i32 from vector<1xi32>
          %slice3A_878 = vector.extract_strided_slice %max3A_784 {offsets = [1], sizes = [1], strides = [1]} : vector<16xf32> to vector<1xf32>
          %squeeze3A_879 = vector.extract %slice3A_878[0] : f32 from vector<1xf32>
          %mul3A_880 = arith.constant 256 : i32
          %mul3A_881 = arith.muli %scan3A_356, %mul3A_880 : i32
          %mul3A_882 = arith.constant 16 : i32
          %mul3A_883 = arith.muli %squeeze3A_877, %mul3A_882 : i32
          %add3A_884 = arith.addi %mul3A_881, %mul3A_883 : i32
          %get3A_885 = arith.index_cast %select_n3A_260 : i32 to index
          %get3A_886 = arith.index_cast %add3A_884 : i32 to index
          %get3A_887 = tpu.vector_load %arg15[%get3A_885, %get3A_886] {strides = array<i32>} : memref<3x2048xf32, #tpu.memory_space<vmem>>, vector<16xf32>,
          %mul3A_888 = vector.broadcast %squeeze3A_879 : f32 to vector<16xf32>
          %mul3A_889 = arith.mulf %get3A_887, %mul3A_888 : vector<16xf32>
          %add3A_890 = arith.constant 1 : i32
          %add3A_891 = arith.addi %add3A_480, %add3A_890 : i32
          %get3A_892 = arith.index_cast %select_n3A_244 : i32 to index
          %get3A_893 = arith.index_cast %add3A_891 : i32 to index
          %get3A_894 = arith.constant 0 : index
          %get3A_895 = tpu.vector_load %arg16[%get3A_892, %get3A_893, %get3A_894] {strides = array<i32>} : memref<2x256x128xi32, #tpu.memory_space<vmem>>, vector<16xi32>,
          %bitcast3A_896 = vector.bitcast %get3A_895 : vector<16xi32> to vector<32xbf16>
          %mul3A_897 = arith.constant 64 : i32
          %mul3A_898 = arith.muli %squeeze3A_877, %mul3A_897 : i32
          %add3A_899 = arith.constant 0 : i32
          %add3A_900 = arith.addi %mul3A_898, %add3A_899 : i32
          %get3A_901 = arith.index_cast %add3A_900 : i32 to index
          %get3A_902 = tpu.vector_load %arg11[%get3A_901] {strides = array<i32>} : memref<960xi32, #tpu.memory_space<vmem>>, vector<16xi32>,
          %bitcast3A_903 = vector.bitcast %get3A_902 : vector<16xi32> to vector<32xbf16>
          %mul3A_904 = arith.mulf %bitcast3A_896, %bitcast3A_903 : vector<32xbf16>
          %unpack3A_905 = tpu.unpack_subelements %mul3A_904, 0 {pack_format = #tpu.pack_format<interleaved>} : vector<32xbf16> -> vector<16xf32>
          %unpack3A_906 = tpu.unpack_subelements %mul3A_904, 1 {pack_format = #tpu.pack_format<interleaved>} : vector<32xbf16> -> vector<16xf32>
          %mul3A_907 = arith.mulf %unpack3A_905, %mul3A_889 : vector<16xf32>
          %add3A_908 = arith.addf %add3A_816, %mul3A_907 : vector<16xf32>
          %mul3A_909 = arith.mulf %unpack3A_906, %mul3A_889 : vector<16xf32>
          %add3A_910 = arith.addf %add3A_818, %mul3A_909 : vector<16xf32>
          %get3A_911 = arith.index_cast %select_n3A_244 : i32 to index
          %get3A_912 = arith.index_cast %add3A_891 : i32 to index
          %get3A_913 = arith.constant 16 : index
          %get3A_914 = tpu.vector_load %arg16[%get3A_911, %get3A_912, %get3A_913] {strides = array<i32>} : memref<2x256x128xi32, #tpu.memory_space<vmem>>, vector<16xi32>,
          %bitcast3A_915 = vector.bitcast %get3A_914 : vector<16xi32> to vector<32xbf16>
          %mul3A_916 = arith.constant 64 : i32
          %mul3A_917 = arith.muli %squeeze3A_877, %mul3A_916 : i32
          %add3A_918 = arith.constant 16 : i32
          %add3A_919 = arith.addi %mul3A_917, %add3A_918 : i32
          %get3A_920 = arith.index_cast %add3A_919 : i32 to index
          %get3A_921 = tpu.vector_load %arg11[%get3A_920] {strides = array<i32>} : memref<960xi32, #tpu.memory_space<vmem>>, vector<16xi32>,
          %bitcast3A_922 = vector.bitcast %get3A_921 : vector<16xi32> to vector<32xbf16>
          %mul3A_923 = arith.mulf %bitcast3A_915, %bitcast3A_922 : vector<32xbf16>
          %unpack3A_924 = tpu.unpack_subelements %mul3A_923, 0 {pack_format = #tpu.pack_format<interleaved>} : vector<32xbf16> -> vector<16xf32>
          %unpack3A_925 = tpu.unpack_subelements %mul3A_923, 1 {pack_format = #tpu.pack_format<interleaved>} : vector<32xbf16> -> vector<16xf32>
          %mul3A_926 = arith.mulf %unpack3A_924, %mul3A_889 : vector<16xf32>
          %add3A_927 = arith.addf %add3A_835, %mul3A_926 : vector<16xf32>
          %mul3A_928 = arith.mulf %unpack3A_925, %mul3A_889 : vector<16xf32>
          %add3A_929 = arith.addf %add3A_837, %mul3A_928 : vector<16xf32>
          %get3A_930 = arith.index_cast %select_n3A_244 : i32 to index
          %get3A_931 = arith.index_cast %add3A_891 : i32 to index
          %get3A_932 = arith.constant 32 : index
          %get3A_933 = tpu.vector_load %arg16[%get3A_930, %get3A_931, %get3A_932] {strides = array<i32>} : memref<2x256x128xi32, #tpu.memory_space<vmem>>, vector<16xi32>,
          %bitcast3A_934 = vector.bitcast %get3A_933 : vector<16xi32> to vector<32xbf16>
          %mul3A_935 = arith.constant 64 : i32
          %mul3A_936 = arith.muli %squeeze3A_877, %mul3A_935 : i32
          %add3A_937 = arith.constant 32 : i32
          %add3A_938 = arith.addi %mul3A_936, %add3A_937 : i32
          %get3A_939 = arith.index_cast %add3A_938 : i32 to index
          %get3A_940 = tpu.vector_load %arg11[%get3A_939] {strides = array<i32>} : memref<960xi32, #tpu.memory_space<vmem>>, vector<16xi32>,
          %bitcast3A_941 = vector.bitcast %get3A_940 : vector<16xi32> to vector<32xbf16>
          %mul3A_942 = arith.mulf %bitcast3A_934, %bitcast3A_941 : vector<32xbf16>
          %unpack3A_943 = tpu.unpack_subelements %mul3A_942, 0 {pack_format = #tpu.pack_format<interleaved>} : vector<32xbf16> -> vector<16xf32>
          %unpack3A_944 = tpu.unpack_subelements %mul3A_942, 1 {pack_format = #tpu.pack_format<interleaved>} : vector<32xbf16> -> vector<16xf32>
          %mul3A_945 = arith.mulf %unpack3A_943, %mul3A_889 : vector<16xf32>
          %add3A_946 = arith.addf %add3A_854, %mul3A_945 : vector<16xf32>
          %mul3A_947 = arith.mulf %unpack3A_944, %mul3A_889 : vector<16xf32>
          %add3A_948 = arith.addf %add3A_856, %mul3A_947 : vector<16xf32>
          %get3A_949 = arith.index_cast %select_n3A_244 : i32 to index
          %get3A_950 = arith.index_cast %add3A_891 : i32 to index
          %get3A_951 = arith.constant 48 : index
          %get3A_952 = tpu.vector_load %arg16[%get3A_949, %get3A_950, %get3A_951] {strides = array<i32>} : memref<2x256x128xi32, #tpu.memory_space<vmem>>, vector<16xi32>,
          %bitcast3A_953 = vector.bitcast %get3A_952 : vector<16xi32> to vector<32xbf16>
          %mul3A_954 = arith.constant 64 : i32
          %mul3A_955 = arith.muli %squeeze3A_877, %mul3A_954 : i32
          %add3A_956 = arith.constant 48 : i32
          %add3A_957 = arith.addi %mul3A_955, %add3A_956 : i32
          %get3A_958 = arith.index_cast %add3A_957 : i32 to index
          %get3A_959 = tpu.vector_load %arg11[%get3A_958] {strides = array<i32>} : memref<960xi32, #tpu.memory_space<vmem>>, vector<16xi32>,
          %bitcast3A_960 = vector.bitcast %get3A_959 : vector<16xi32> to vector<32xbf16>
          %mul3A_961 = arith.mulf %bitcast3A_953, %bitcast3A_960 : vector<32xbf16>
          %unpack3A_962 = tpu.unpack_subelements %mul3A_961, 0 {pack_format = #tpu.pack_format<interleaved>} : vector<32xbf16> -> vector<16xf32>
          %unpack3A_963 = tpu.unpack_subelements %mul3A_961, 1 {pack_format = #tpu.pack_format<interleaved>} : vector<32xbf16> -> vector<16xf32>
          %mul3A_964 = arith.mulf %unpack3A_962, %mul3A_889 : vector<16xf32>
          %add3A_965 = arith.addf %add3A_873, %mul3A_964 : vector<16xf32>
          %mul3A_966 = arith.mulf %unpack3A_963, %mul3A_889 : vector<16xf32>
          %add3A_967 = arith.addf %add3A_875, %mul3A_966 : vector<16xf32>
          %slice3A_968 = vector.extract_strided_slice %select_n3A_739 {offsets = [2], sizes = [1], strides = [1]} : vector<16xi32> to vector<1xi32>
          %squeeze3A_969 = vector.extract %slice3A_968[0] : i32 from vector<1xi32>
          %slice3A_970 = vector.extract_strided_slice %max3A_784 {offsets = [2], sizes = [1], strides = [1]} : vector<16xf32> to vector<1xf32>
          %squeeze3A_971 = vector.extract %slice3A_970[0] : f32 from vector<1xf32>
          %mul3A_972 = arith.constant 256 : i32
          %mul3A_973 = arith.muli %scan3A_356, %mul3A_972 : i32
          %mul3A_974 = arith.constant 16 : i32
          %mul3A_975 = arith.muli %squeeze3A_969, %mul3A_974 : i32
          %add3A_976 = arith.addi %mul3A_973, %mul3A_975 : i32
          %get3A_977 = arith.index_cast %select_n3A_260 : i32 to index
          %get3A_978 = arith.index_cast %add3A_976 : i32 to index
          %get3A_979 = tpu.vector_load %arg15[%get3A_977, %get3A_978] {strides = array<i32>} : memref<3x2048xf32, #tpu.memory_space<vmem>>, vector<16xf32>,
          %mul3A_980 = vector.broadcast %squeeze3A_971 : f32 to vector<16xf32>
          %mul3A_981 = arith.mulf %get3A_979, %mul3A_980 : vector<16xf32>
          %add3A_982 = arith.constant 2 : i32
          %add3A_983 = arith.addi %add3A_480, %add3A_982 : i32
          %get3A_984 = arith.index_cast %select_n3A_244 : i32 to index
          %get3A_985 = arith.index_cast %add3A_983 : i32 to index
          %get3A_986 = arith.constant 0 : index
          %get3A_987 = tpu.vector_load %arg16[%get3A_984, %get3A_985, %get3A_986] {strides = array<i32>} : memref<2x256x128xi32, #tpu.memory_space<vmem>>, vector<16xi32>,
          %bitcast3A_988 = vector.bitcast %get3A_987 : vector<16xi32> to vector<32xbf16>
          %mul3A_989 = arith.constant 64 : i32
          %mul3A_990 = arith.muli %squeeze3A_969, %mul3A_989 : i32
          %add3A_991 = arith.constant 0 : i32
          %add3A_992 = arith.addi %mul3A_990, %add3A_991 : i32
          %get3A_993 = arith.index_cast %add3A_992 : i32 to index
          %get3A_994 = tpu.vector_load %arg11[%get3A_993] {strides = array<i32>} : memref<960xi32, #tpu.memory_space<vmem>>, vector<16xi32>,
          %bitcast3A_995 = vector.bitcast %get3A_994 : vector<16xi32> to vector<32xbf16>
          %mul3A_996 = arith.mulf %bitcast3A_988, %bitcast3A_995 : vector<32xbf16>
          %unpack3A_997 = tpu.unpack_subelements %mul3A_996, 0 {pack_format = #tpu.pack_format<interleaved>} : vector<32xbf16> -> vector<16xf32>
          %unpack3A_998 = tpu.unpack_subelements %mul3A_996, 1 {pack_format = #tpu.pack_format<interleaved>} : vector<32xbf16> -> vector<16xf32>
          %mul3A_999 = arith.mulf %unpack3A_997, %mul3A_981 : vector<16xf32>
          %add3A_1000 = arith.addf %add3A_908, %mul3A_999 : vector<16xf32>
          %mul3A_1001 = arith.mulf %unpack3A_998, %mul3A_981 : vector<16xf32>
          %add3A_1002 = arith.addf %add3A_910, %mul3A_1001 : vector<16xf32>
          %get3A_1003 = arith.index_cast %select_n3A_244 : i32 to index
          %get3A_1004 = arith.index_cast %add3A_983 : i32 to index
          %get3A_1005 = arith.constant 16 : index
          %get3A_1006 = tpu.vector_load %arg16[%get3A_1003, %get3A_1004, %get3A_1005] {strides = array<i32>} : memref<2x256x128xi32, #tpu.memory_space<vmem>>, vector<16xi32>,
          %bitcast3A_1007 = vector.bitcast %get3A_1006 : vector<16xi32> to vector<32xbf16>
          %mul3A_1008 = arith.constant 64 : i32
          %mul3A_1009 = arith.muli %squeeze3A_969, %mul3A_1008 : i32
          %add3A_1010 = arith.constant 16 : i32
          %add3A_1011 = arith.addi %mul3A_1009, %add3A_1010 : i32
          %get3A_1012 = arith.index_cast %add3A_1011 : i32 to index
          %get3A_1013 = tpu.vector_load %arg11[%get3A_1012] {strides = array<i32>} : memref<960xi32, #tpu.memory_space<vmem>>, vector<16xi32>,
          %bitcast3A_1014 = vector.bitcast %get3A_1013 : vector<16xi32> to vector<32xbf16>
          %mul3A_1015 = arith.mulf %bitcast3A_1007, %bitcast3A_1014 : vector<32xbf16>
          %unpack3A_1016 = tpu.unpack_subelements %mul3A_1015, 0 {pack_format = #tpu.pack_format<interleaved>} : vector<32xbf16> -> vector<16xf32>
          %unpack3A_1017 = tpu.unpack_subelements %mul3A_1015, 1 {pack_format = #tpu.pack_format<interleaved>} : vector<32xbf16> -> vector<16xf32>
          %mul3A_1018 = arith.mulf %unpack3A_1016, %mul3A_981 : vector<16xf32>
          %add3A_1019 = arith.addf %add3A_927, %mul3A_1018 : vector<16xf32>
          %mul3A_1020 = arith.mulf %unpack3A_1017, %mul3A_981 : vector<16xf32>
          %add3A_1021 = arith.addf %add3A_929, %mul3A_1020 : vector<16xf32>
          %get3A_1022 = arith.index_cast %select_n3A_244 : i32 to index
          %get3A_1023 = arith.index_cast %add3A_983 : i32 to index
          %get3A_1024 = arith.constant 32 : index
          %get3A_1025 = tpu.vector_load %arg16[%get3A_1022, %get3A_1023, %get3A_1024] {strides = array<i32>} : memref<2x256x128xi32, #tpu.memory_space<vmem>>, vector<16xi32>,
          %bitcast3A_1026 = vector.bitcast %get3A_1025 : vector<16xi32> to vector<32xbf16>
          %mul3A_1027 = arith.constant 64 : i32
          %mul3A_1028 = arith.muli %squeeze3A_969, %mul3A_1027 : i32
          %add3A_1029 = arith.constant 32 : i32
          %add3A_1030 = arith.addi %mul3A_1028, %add3A_1029 : i32
          %get3A_1031 = arith.index_cast %add3A_1030 : i32 to index
          %get3A_1032 = tpu.vector_load %arg11[%get3A_1031] {strides = array<i32>} : memref<960xi32, #tpu.memory_space<vmem>>, vector<16xi32>,
          %bitcast3A_1033 = vector.bitcast %get3A_1032 : vector<16xi32> to vector<32xbf16>
          %mul3A_1034 = arith.mulf %bitcast3A_1026, %bitcast3A_1033 : vector<32xbf16>
          %unpack3A_1035 = tpu.unpack_subelements %mul3A_1034, 0 {pack_format = #tpu.pack_format<interleaved>} : vector<32xbf16> -> vector<16xf32>
          %unpack3A_1036 = tpu.unpack_subelements %mul3A_1034, 1 {pack_format = #tpu.pack_format<interleaved>} : vector<32xbf16> -> vector<16xf32>
          %mul3A_1037 = arith.mulf %unpack3A_1035, %mul3A_981 : vector<16xf32>
          %add3A_1038 = arith.addf %add3A_946, %mul3A_1037 : vector<16xf32>
          %mul3A_1039 = arith.mulf %unpack3A_1036, %mul3A_981 : vector<16xf32>
          %add3A_1040 = arith.addf %add3A_948, %mul3A_1039 : vector<16xf32>
          %get3A_1041 = arith.index_cast %select_n3A_244 : i32 to index
          %get3A_1042 = arith.index_cast %add3A_983 : i32 to index
          %get3A_1043 = arith.constant 48 : index
          %get3A_1044 = tpu.vector_load %arg16[%get3A_1041, %get3A_1042, %get3A_1043] {strides = array<i32>} : memref<2x256x128xi32, #tpu.memory_space<vmem>>, vector<16xi32>,
          %bitcast3A_1045 = vector.bitcast %get3A_1044 : vector<16xi32> to vector<32xbf16>
          %mul3A_1046 = arith.constant 64 : i32
          %mul3A_1047 = arith.muli %squeeze3A_969, %mul3A_1046 : i32
          %add3A_1048 = arith.constant 48 : i32
          %add3A_1049 = arith.addi %mul3A_1047, %add3A_1048 : i32
          %get3A_1050 = arith.index_cast %add3A_1049 : i32 to index
          %get3A_1051 = tpu.vector_load %arg11[%get3A_1050] {strides = array<i32>} : memref<960xi32, #tpu.memory_space<vmem>>, vector<16xi32>,
          %bitcast3A_1052 = vector.bitcast %get3A_1051 : vector<16xi32> to vector<32xbf16>
          %mul3A_1053 = arith.mulf %bitcast3A_1045, %bitcast3A_1052 : vector<32xbf16>
          %unpack3A_1054 = tpu.unpack_subelements %mul3A_1053, 0 {pack_format = #tpu.pack_format<interleaved>} : vector<32xbf16> -> vector<16xf32>
          %unpack3A_1055 = tpu.unpack_subelements %mul3A_1053, 1 {pack_format = #tpu.pack_format<interleaved>} : vector<32xbf16> -> vector<16xf32>
          %mul3A_1056 = arith.mulf %unpack3A_1054, %mul3A_981 : vector<16xf32>
          %add3A_1057 = arith.addf %add3A_965, %mul3A_1056 : vector<16xf32>
          %mul3A_1058 = arith.mulf %unpack3A_1055, %mul3A_981 : vector<16xf32>
          %add3A_1059 = arith.addf %add3A_967, %mul3A_1058 : vector<16xf32>
          %slice3A_1060 = vector.extract_strided_slice %select_n3A_739 {offsets = [3], sizes = [1], strides = [1]} : vector<16xi32> to vector<1xi32>
          %squeeze3A_1061 = vector.extract %slice3A_1060[0] : i32 from vector<1xi32>
          %slice3A_1062 = vector.extract_strided_slice %max3A_784 {offsets = [3], sizes = [1], strides = [1]} : vector<16xf32> to vector<1xf32>
          %squeeze3A_1063 = vector.extract %slice3A_1062[0] : f32 from vector<1xf32>
          %mul3A_1064 = arith.constant 256 : i32
          %mul3A_1065 = arith.muli %scan3A_356, %mul3A_1064 : i32
          %mul3A_1066 = arith.constant 16 : i32
          %mul3A_1067 = arith.muli %squeeze3A_1061, %mul3A_1066 : i32
          %add3A_1068 = arith.addi %mul3A_1065, %mul3A_1067 : i32
          %get3A_1069 = arith.index_cast %select_n3A_260 : i32 to index
          %get3A_1070 = arith.index_cast %add3A_1068 : i32 to index
          %get3A_1071 = tpu.vector_load %arg15[%get3A_1069, %get3A_1070] {strides = array<i32>} : memref<3x2048xf32, #tpu.memory_space<vmem>>, vector<16xf32>,
          %mul3A_1072 = vector.broadcast %squeeze3A_1063 : f32 to vector<16xf32>
          %mul3A_1073 = arith.mulf %get3A_1071, %mul3A_1072 : vector<16xf32>
          %add3A_1074 = arith.constant 3 : i32
          %add3A_1075 = arith.addi %add3A_480, %add3A_1074 : i32
          %get3A_1076 = arith.index_cast %select_n3A_244 : i32 to index
          %get3A_1077 = arith.index_cast %add3A_1075 : i32 to index
          %get3A_1078 = arith.constant 0 : index
          %get3A_1079 = tpu.vector_load %arg16[%get3A_1076, %get3A_1077, %get3A_1078] {strides = array<i32>} : memref<2x256x128xi32, #tpu.memory_space<vmem>>, vector<16xi32>,
          %bitcast3A_1080 = vector.bitcast %get3A_1079 : vector<16xi32> to vector<32xbf16>
          %mul3A_1081 = arith.constant 64 : i32
          %mul3A_1082 = arith.muli %squeeze3A_1061, %mul3A_1081 : i32
          %add3A_1083 = arith.constant 0 : i32
          %add3A_1084 = arith.addi %mul3A_1082, %add3A_1083 : i32
          %get3A_1085 = arith.index_cast %add3A_1084 : i32 to index
          %get3A_1086 = tpu.vector_load %arg11[%get3A_1085] {strides = array<i32>} : memref<960xi32, #tpu.memory_space<vmem>>, vector<16xi32>,
          %bitcast3A_1087 = vector.bitcast %get3A_1086 : vector<16xi32> to vector<32xbf16>
          %mul3A_1088 = arith.mulf %bitcast3A_1080, %bitcast3A_1087 : vector<32xbf16>
          %unpack3A_1089 = tpu.unpack_subelements %mul3A_1088, 0 {pack_format = #tpu.pack_format<interleaved>} : vector<32xbf16> -> vector<16xf32>
          %unpack3A_1090 = tpu.unpack_subelements %mul3A_1088, 1 {pack_format = #tpu.pack_format<interleaved>} : vector<32xbf16> -> vector<16xf32>
          %mul3A_1091 = arith.mulf %unpack3A_1089, %mul3A_1073 : vector<16xf32>
          %add3A_1092 = arith.addf %add3A_1000, %mul3A_1091 : vector<16xf32>
          %mul3A_1093 = arith.mulf %unpack3A_1090, %mul3A_1073 : vector<16xf32>
          %add3A_1094 = arith.addf %add3A_1002, %mul3A_1093 : vector<16xf32>
          %get3A_1095 = arith.index_cast %select_n3A_244 : i32 to index
          %get3A_1096 = arith.index_cast %add3A_1075 : i32 to index
          %get3A_1097 = arith.constant 16 : index
          %get3A_1098 = tpu.vector_load %arg16[%get3A_1095, %get3A_1096, %get3A_1097] {strides = array<i32>} : memref<2x256x128xi32, #tpu.memory_space<vmem>>, vector<16xi32>,
          %bitcast3A_1099 = vector.bitcast %get3A_1098 : vector<16xi32> to vector<32xbf16>
          %mul3A_1100 = arith.constant 64 : i32
          %mul3A_1101 = arith.muli %squeeze3A_1061, %mul3A_1100 : i32
          %add3A_1102 = arith.constant 16 : i32
          %add3A_1103 = arith.addi %mul3A_1101, %add3A_1102 : i32
          %get3A_1104 = arith.index_cast %add3A_1103 : i32 to index
          %get3A_1105 = tpu.vector_load %arg11[%get3A_1104] {strides = array<i32>} : memref<960xi32, #tpu.memory_space<vmem>>, vector<16xi32>,
          %bitcast3A_1106 = vector.bitcast %get3A_1105 : vector<16xi32> to vector<32xbf16>
          %mul3A_1107 = arith.mulf %bitcast3A_1099, %bitcast3A_1106 : vector<32xbf16>
          %unpack3A_1108 = tpu.unpack_subelements %mul3A_1107, 0 {pack_format = #tpu.pack_format<interleaved>} : vector<32xbf16> -> vector<16xf32>
          %unpack3A_1109 = tpu.unpack_subelements %mul3A_1107, 1 {pack_format = #tpu.pack_format<interleaved>} : vector<32xbf16> -> vector<16xf32>
          %mul3A_1110 = arith.mulf %unpack3A_1108, %mul3A_1073 : vector<16xf32>
          %add3A_1111 = arith.addf %add3A_1019, %mul3A_1110 : vector<16xf32>
          %mul3A_1112 = arith.mulf %unpack3A_1109, %mul3A_1073 : vector<16xf32>
          %add3A_1113 = arith.addf %add3A_1021, %mul3A_1112 : vector<16xf32>
          %get3A_1114 = arith.index_cast %select_n3A_244 : i32 to index
          %get3A_1115 = arith.index_cast %add3A_1075 : i32 to index
          %get3A_1116 = arith.constant 32 : index
          %get3A_1117 = tpu.vector_load %arg16[%get3A_1114, %get3A_1115, %get3A_1116] {strides = array<i32>} : memref<2x256x128xi32, #tpu.memory_space<vmem>>, vector<16xi32>,
          %bitcast3A_1118 = vector.bitcast %get3A_1117 : vector<16xi32> to vector<32xbf16>
          %mul3A_1119 = arith.constant 64 : i32
          %mul3A_1120 = arith.muli %squeeze3A_1061, %mul3A_1119 : i32
          %add3A_1121 = arith.constant 32 : i32
          %add3A_1122 = arith.addi %mul3A_1120, %add3A_1121 : i32
          %get3A_1123 = arith.index_cast %add3A_1122 : i32 to index
          %get3A_1124 = tpu.vector_load %arg11[%get3A_1123] {strides = array<i32>} : memref<960xi32, #tpu.memory_space<vmem>>, vector<16xi32>,
          %bitcast3A_1125 = vector.bitcast %get3A_1124 : vector<16xi32> to vector<32xbf16>
          %mul3A_1126 = arith.mulf %bitcast3A_1118, %bitcast3A_1125 : vector<32xbf16>
          %unpack3A_1127 = tpu.unpack_subelements %mul3A_1126, 0 {pack_format = #tpu.pack_format<interleaved>} : vector<32xbf16> -> vector<16xf32>
          %unpack3A_1128 = tpu.unpack_subelements %mul3A_1126, 1 {pack_format = #tpu.pack_format<interleaved>} : vector<32xbf16> -> vector<16xf32>
          %mul3A_1129 = arith.mulf %unpack3A_1127, %mul3A_1073 : vector<16xf32>
          %add3A_1130 = arith.addf %add3A_1038, %mul3A_1129 : vector<16xf32>
          %mul3A_1131 = arith.mulf %unpack3A_1128, %mul3A_1073 : vector<16xf32>
          %add3A_1132 = arith.addf %add3A_1040, %mul3A_1131 : vector<16xf32>
          %get3A_1133 = arith.index_cast %select_n3A_244 : i32 to index
          %get3A_1134 = arith.index_cast %add3A_1075 : i32 to index
          %get3A_1135 = arith.constant 48 : index
          %get3A_1136 = tpu.vector_load %arg16[%get3A_1133, %get3A_1134, %get3A_1135] {strides = array<i32>} : memref<2x256x128xi32, #tpu.memory_space<vmem>>, vector<16xi32>,
          %bitcast3A_1137 = vector.bitcast %get3A_1136 : vector<16xi32> to vector<32xbf16>
          %mul3A_1138 = arith.constant 64 : i32
          %mul3A_1139 = arith.muli %squeeze3A_1061, %mul3A_1138 : i32
          %add3A_1140 = arith.constant 48 : i32
          %add3A_1141 = arith.addi %mul3A_1139, %add3A_1140 : i32
          %get3A_1142 = arith.index_cast %add3A_1141 : i32 to index
          %get3A_1143 = tpu.vector_load %arg11[%get3A_1142] {strides = array<i32>} : memref<960xi32, #tpu.memory_space<vmem>>, vector<16xi32>,
          %bitcast3A_1144 = vector.bitcast %get3A_1143 : vector<16xi32> to vector<32xbf16>
          %mul3A_1145 = arith.mulf %bitcast3A_1137, %bitcast3A_1144 : vector<32xbf16>
          %unpack3A_1146 = tpu.unpack_subelements %mul3A_1145, 0 {pack_format = #tpu.pack_format<interleaved>} : vector<32xbf16> -> vector<16xf32>
          %unpack3A_1147 = tpu.unpack_subelements %mul3A_1145, 1 {pack_format = #tpu.pack_format<interleaved>} : vector<32xbf16> -> vector<16xf32>
          %mul3A_1148 = arith.mulf %unpack3A_1146, %mul3A_1073 : vector<16xf32>
          %add3A_1149 = arith.addf %add3A_1057, %mul3A_1148 : vector<16xf32>
          %mul3A_1150 = arith.mulf %unpack3A_1147, %mul3A_1073 : vector<16xf32>
          %add3A_1151 = arith.addf %add3A_1059, %mul3A_1150 : vector<16xf32>
          %slice3A_1152 = vector.extract_strided_slice %select_n3A_739 {offsets = [4], sizes = [1], strides = [1]} : vector<16xi32> to vector<1xi32>
          %squeeze3A_1153 = vector.extract %slice3A_1152[0] : i32 from vector<1xi32>
          %slice3A_1154 = vector.extract_strided_slice %max3A_784 {offsets = [4], sizes = [1], strides = [1]} : vector<16xf32> to vector<1xf32>
          %squeeze3A_1155 = vector.extract %slice3A_1154[0] : f32 from vector<1xf32>
          %mul3A_1156 = arith.constant 256 : i32
          %mul3A_1157 = arith.muli %scan3A_356, %mul3A_1156 : i32
          %mul3A_1158 = arith.constant 16 : i32
          %mul3A_1159 = arith.muli %squeeze3A_1153, %mul3A_1158 : i32
          %add3A_1160 = arith.addi %mul3A_1157, %mul3A_1159 : i32
          %get3A_1161 = arith.index_cast %select_n3A_260 : i32 to index
          %get3A_1162 = arith.index_cast %add3A_1160 : i32 to index
          %get3A_1163 = tpu.vector_load %arg15[%get3A_1161, %get3A_1162] {strides = array<i32>} : memref<3x2048xf32, #tpu.memory_space<vmem>>, vector<16xf32>,
          %mul3A_1164 = vector.broadcast %squeeze3A_1155 : f32 to vector<16xf32>
          %mul3A_1165 = arith.mulf %get3A_1163, %mul3A_1164 : vector<16xf32>
          %add3A_1166 = arith.constant 4 : i32
          %add3A_1167 = arith.addi %add3A_480, %add3A_1166 : i32
          %get3A_1168 = arith.index_cast %select_n3A_244 : i32 to index
          %get3A_1169 = arith.index_cast %add3A_1167 : i32 to index
          %get3A_1170 = arith.constant 0 : index
          %get3A_1171 = tpu.vector_load %arg16[%get3A_1168, %get3A_1169, %get3A_1170] {strides = array<i32>} : memref<2x256x128xi32, #tpu.memory_space<vmem>>, vector<16xi32>,
          %bitcast3A_1172 = vector.bitcast %get3A_1171 : vector<16xi32> to vector<32xbf16>
          %mul3A_1173 = arith.constant 64 : i32
          %mul3A_1174 = arith.muli %squeeze3A_1153, %mul3A_1173 : i32
          %add3A_1175 = arith.constant 0 : i32
          %add3A_1176 = arith.addi %mul3A_1174, %add3A_1175 : i32
          %get3A_1177 = arith.index_cast %add3A_1176 : i32 to index
          %get3A_1178 = tpu.vector_load %arg11[%get3A_1177] {strides = array<i32>} : memref<960xi32, #tpu.memory_space<vmem>>, vector<16xi32>,
          %bitcast3A_1179 = vector.bitcast %get3A_1178 : vector<16xi32> to vector<32xbf16>
          %mul3A_1180 = arith.mulf %bitcast3A_1172, %bitcast3A_1179 : vector<32xbf16>
          %unpack3A_1181 = tpu.unpack_subelements %mul3A_1180, 0 {pack_format = #tpu.pack_format<interleaved>} : vector<32xbf16> -> vector<16xf32>
          %unpack3A_1182 = tpu.unpack_subelements %mul3A_1180, 1 {pack_format = #tpu.pack_format<interleaved>} : vector<32xbf16> -> vector<16xf32>
          %mul3A_1183 = arith.mulf %unpack3A_1181, %mul3A_1165 : vector<16xf32>
          %add3A_1184 = arith.addf %add3A_1092, %mul3A_1183 : vector<16xf32>
          %mul3A_1185 = arith.mulf %unpack3A_1182, %mul3A_1165 : vector<16xf32>
          %add3A_1186 = arith.addf %add3A_1094, %mul3A_1185 : vector<16xf32>
          %get3A_1187 = arith.index_cast %select_n3A_244 : i32 to index
          %get3A_1188 = arith.index_cast %add3A_1167 : i32 to index
          %get3A_1189 = arith.constant 16 : index
          %get3A_1190 = tpu.vector_load %arg16[%get3A_1187, %get3A_1188, %get3A_1189] {strides = array<i32>} : memref<2x256x128xi32, #tpu.memory_space<vmem>>, vector<16xi32>,
          %bitcast3A_1191 = vector.bitcast %get3A_1190 : vector<16xi32> to vector<32xbf16>
          %mul3A_1192 = arith.constant 64 : i32
          %mul3A_1193 = arith.muli %squeeze3A_1153, %mul3A_1192 : i32
          %add3A_1194 = arith.constant 16 : i32
          %add3A_1195 = arith.addi %mul3A_1193, %add3A_1194 : i32
          %get3A_1196 = arith.index_cast %add3A_1195 : i32 to index
          %get3A_1197 = tpu.vector_load %arg11[%get3A_1196] {strides = array<i32>} : memref<960xi32, #tpu.memory_space<vmem>>, vector<16xi32>,
          %bitcast3A_1198 = vector.bitcast %get3A_1197 : vector<16xi32> to vector<32xbf16>
          %mul3A_1199 = arith.mulf %bitcast3A_1191, %bitcast3A_1198 : vector<32xbf16>
          %unpack3A_1200 = tpu.unpack_subelements %mul3A_1199, 0 {pack_format = #tpu.pack_format<interleaved>} : vector<32xbf16> -> vector<16xf32>
          %unpack3A_1201 = tpu.unpack_subelements %mul3A_1199, 1 {pack_format = #tpu.pack_format<interleaved>} : vector<32xbf16> -> vector<16xf32>
          %mul3A_1202 = arith.mulf %unpack3A_1200, %mul3A_1165 : vector<16xf32>
          %add3A_1203 = arith.addf %add3A_1111, %mul3A_1202 : vector<16xf32>
          %mul3A_1204 = arith.mulf %unpack3A_1201, %mul3A_1165 : vector<16xf32>
          %add3A_1205 = arith.addf %add3A_1113, %mul3A_1204 : vector<16xf32>
          %get3A_1206 = arith.index_cast %select_n3A_244 : i32 to index
          %get3A_1207 = arith.index_cast %add3A_1167 : i32 to index
          %get3A_1208 = arith.constant 32 : index
          %get3A_1209 = tpu.vector_load %arg16[%get3A_1206, %get3A_1207, %get3A_1208] {strides = array<i32>} : memref<2x256x128xi32, #tpu.memory_space<vmem>>, vector<16xi32>,
          %bitcast3A_1210 = vector.bitcast %get3A_1209 : vector<16xi32> to vector<32xbf16>
          %mul3A_1211 = arith.constant 64 : i32
          %mul3A_1212 = arith.muli %squeeze3A_1153, %mul3A_1211 : i32
          %add3A_1213 = arith.constant 32 : i32
          %add3A_1214 = arith.addi %mul3A_1212, %add3A_1213 : i32
          %get3A_1215 = arith.index_cast %add3A_1214 : i32 to index
          %get3A_1216 = tpu.vector_load %arg11[%get3A_1215] {strides = array<i32>} : memref<960xi32, #tpu.memory_space<vmem>>, vector<16xi32>,
          %bitcast3A_1217 = vector.bitcast %get3A_1216 : vector<16xi32> to vector<32xbf16>
          %mul3A_1218 = arith.mulf %bitcast3A_1210, %bitcast3A_1217 : vector<32xbf16>
          %unpack3A_1219 = tpu.unpack_subelements %mul3A_1218, 0 {pack_format = #tpu.pack_format<interleaved>} : vector<32xbf16> -> vector<16xf32>
          %unpack3A_1220 = tpu.unpack_subelements %mul3A_1218, 1 {pack_format = #tpu.pack_format<interleaved>} : vector<32xbf16> -> vector<16xf32>
          %mul3A_1221 = arith.mulf %unpack3A_1219, %mul3A_1165 : vector<16xf32>
          %add3A_1222 = arith.addf %add3A_1130, %mul3A_1221 : vector<16xf32>
          %mul3A_1223 = arith.mulf %unpack3A_1220, %mul3A_1165 : vector<16xf32>
          %add3A_1224 = arith.addf %add3A_1132, %mul3A_1223 : vector<16xf32>
          %get3A_1225 = arith.index_cast %select_n3A_244 : i32 to index
          %get3A_1226 = arith.index_cast %add3A_1167 : i32 to index
          %get3A_1227 = arith.constant 48 : index
          %get3A_1228 = tpu.vector_load %arg16[%get3A_1225, %get3A_1226, %get3A_1227] {strides = array<i32>} : memref<2x256x128xi32, #tpu.memory_space<vmem>>, vector<16xi32>,
          %bitcast3A_1229 = vector.bitcast %get3A_1228 : vector<16xi32> to vector<32xbf16>
          %mul3A_1230 = arith.constant 64 : i32
          %mul3A_1231 = arith.muli %squeeze3A_1153, %mul3A_1230 : i32
          %add3A_1232 = arith.constant 48 : i32
          %add3A_1233 = arith.addi %mul3A_1231, %add3A_1232 : i32
          %get3A_1234 = arith.index_cast %add3A_1233 : i32 to index
          %get3A_1235 = tpu.vector_load %arg11[%get3A_1234] {strides = array<i32>} : memref<960xi32, #tpu.memory_space<vmem>>, vector<16xi32>,
          %bitcast3A_1236 = vector.bitcast %get3A_1235 : vector<16xi32> to vector<32xbf16>
          %mul3A_1237 = arith.mulf %bitcast3A_1229, %bitcast3A_1236 : vector<32xbf16>
          %unpack3A_1238 = tpu.unpack_subelements %mul3A_1237, 0 {pack_format = #tpu.pack_format<interleaved>} : vector<32xbf16> -> vector<16xf32>
          %unpack3A_1239 = tpu.unpack_subelements %mul3A_1237, 1 {pack_format = #tpu.pack_format<interleaved>} : vector<32xbf16> -> vector<16xf32>
          %mul3A_1240 = arith.mulf %unpack3A_1238, %mul3A_1165 : vector<16xf32>
          %add3A_1241 = arith.addf %add3A_1149, %mul3A_1240 : vector<16xf32>
          %mul3A_1242 = arith.mulf %unpack3A_1239, %mul3A_1165 : vector<16xf32>
          %add3A_1243 = arith.addf %add3A_1151, %mul3A_1242 : vector<16xf32>
          %slice3A_1244 = vector.extract_strided_slice %select_n3A_739 {offsets = [5], sizes = [1], strides = [1]} : vector<16xi32> to vector<1xi32>
          %squeeze3A_1245 = vector.extract %slice3A_1244[0] : i32 from vector<1xi32>
          %slice3A_1246 = vector.extract_strided_slice %max3A_784 {offsets = [5], sizes = [1], strides = [1]} : vector<16xf32> to vector<1xf32>
          %squeeze3A_1247 = vector.extract %slice3A_1246[0] : f32 from vector<1xf32>
          %mul3A_1248 = arith.constant 256 : i32
          %mul3A_1249 = arith.muli %scan3A_356, %mul3A_1248 : i32
          %mul3A_1250 = arith.constant 16 : i32
          %mul3A_1251 = arith.muli %squeeze3A_1245, %mul3A_1250 : i32
          %add3A_1252 = arith.addi %mul3A_1249, %mul3A_1251 : i32
          %get3A_1253 = arith.index_cast %select_n3A_260 : i32 to index
          %get3A_1254 = arith.index_cast %add3A_1252 : i32 to index
          %get3A_1255 = tpu.vector_load %arg15[%get3A_1253, %get3A_1254] {strides = array<i32>} : memref<3x2048xf32, #tpu.memory_space<vmem>>, vector<16xf32>,
          %mul3A_1256 = vector.broadcast %squeeze3A_1247 : f32 to vector<16xf32>
          %mul3A_1257 = arith.mulf %get3A_1255, %mul3A_1256 : vector<16xf32>
          %add3A_1258 = arith.constant 5 : i32
          %add3A_1259 = arith.addi %add3A_480, %add3A_1258 : i32
          %get3A_1260 = arith.index_cast %select_n3A_244 : i32 to index
          %get3A_1261 = arith.index_cast %add3A_1259 : i32 to index
          %get3A_1262 = arith.constant 0 : index
          %get3A_1263 = tpu.vector_load %arg16[%get3A_1260, %get3A_1261, %get3A_1262] {strides = array<i32>} : memref<2x256x128xi32, #tpu.memory_space<vmem>>, vector<16xi32>,
          %bitcast3A_1264 = vector.bitcast %get3A_1263 : vector<16xi32> to vector<32xbf16>
          %mul3A_1265 = arith.constant 64 : i32
          %mul3A_1266 = arith.muli %squeeze3A_1245, %mul3A_1265 : i32
          %add3A_1267 = arith.constant 0 : i32
          %add3A_1268 = arith.addi %mul3A_1266, %add3A_1267 : i32
          %get3A_1269 = arith.index_cast %add3A_1268 : i32 to index
          %get3A_1270 = tpu.vector_load %arg11[%get3A_1269] {strides = array<i32>} : memref<960xi32, #tpu.memory_space<vmem>>, vector<16xi32>,
          %bitcast3A_1271 = vector.bitcast %get3A_1270 : vector<16xi32> to vector<32xbf16>
          %mul3A_1272 = arith.mulf %bitcast3A_1264, %bitcast3A_1271 : vector<32xbf16>
          %unpack3A_1273 = tpu.unpack_subelements %mul3A_1272, 0 {pack_format = #tpu.pack_format<interleaved>} : vector<32xbf16> -> vector<16xf32>
          %unpack3A_1274 = tpu.unpack_subelements %mul3A_1272, 1 {pack_format = #tpu.pack_format<interleaved>} : vector<32xbf16> -> vector<16xf32>
          %mul3A_1275 = arith.mulf %unpack3A_1273, %mul3A_1257 : vector<16xf32>
          %add3A_1276 = arith.addf %add3A_1184, %mul3A_1275 : vector<16xf32>
          %mul3A_1277 = arith.mulf %unpack3A_1274, %mul3A_1257 : vector<16xf32>
          %add3A_1278 = arith.addf %add3A_1186, %mul3A_1277 : vector<16xf32>
          %get3A_1279 = arith.index_cast %select_n3A_244 : i32 to index
          %get3A_1280 = arith.index_cast %add3A_1259 : i32 to index
          %get3A_1281 = arith.constant 16 : index
          %get3A_1282 = tpu.vector_load %arg16[%get3A_1279, %get3A_1280, %get3A_1281] {strides = array<i32>} : memref<2x256x128xi32, #tpu.memory_space<vmem>>, vector<16xi32>,
          %bitcast3A_1283 = vector.bitcast %get3A_1282 : vector<16xi32> to vector<32xbf16>
          %mul3A_1284 = arith.constant 64 : i32
          %mul3A_1285 = arith.muli %squeeze3A_1245, %mul3A_1284 : i32
          %add3A_1286 = arith.constant 16 : i32
          %add3A_1287 = arith.addi %mul3A_1285, %add3A_1286 : i32
          %get3A_1288 = arith.index_cast %add3A_1287 : i32 to index
          %get3A_1289 = tpu.vector_load %arg11[%get3A_1288] {strides = array<i32>} : memref<960xi32, #tpu.memory_space<vmem>>, vector<16xi32>,
          %bitcast3A_1290 = vector.bitcast %get3A_1289 : vector<16xi32> to vector<32xbf16>
          %mul3A_1291 = arith.mulf %bitcast3A_1283, %bitcast3A_1290 : vector<32xbf16>
          %unpack3A_1292 = tpu.unpack_subelements %mul3A_1291, 0 {pack_format = #tpu.pack_format<interleaved>} : vector<32xbf16> -> vector<16xf32>
          %unpack3A_1293 = tpu.unpack_subelements %mul3A_1291, 1 {pack_format = #tpu.pack_format<interleaved>} : vector<32xbf16> -> vector<16xf32>
          %mul3A_1294 = arith.mulf %unpack3A_1292, %mul3A_1257 : vector<16xf32>
          %add3A_1295 = arith.addf %add3A_1203, %mul3A_1294 : vector<16xf32>
          %mul3A_1296 = arith.mulf %unpack3A_1293, %mul3A_1257 : vector<16xf32>
          %add3A_1297 = arith.addf %add3A_1205, %mul3A_1296 : vector<16xf32>
          %get3A_1298 = arith.index_cast %select_n3A_244 : i32 to index
          %get3A_1299 = arith.index_cast %add3A_1259 : i32 to index
          %get3A_1300 = arith.constant 32 : index
          %get3A_1301 = tpu.vector_load %arg16[%get3A_1298, %get3A_1299, %get3A_1300] {strides = array<i32>} : memref<2x256x128xi32, #tpu.memory_space<vmem>>, vector<16xi32>,
          %bitcast3A_1302 = vector.bitcast %get3A_1301 : vector<16xi32> to vector<32xbf16>
          %mul3A_1303 = arith.constant 64 : i32
          %mul3A_1304 = arith.muli %squeeze3A_1245, %mul3A_1303 : i32
          %add3A_1305 = arith.constant 32 : i32
          %add3A_1306 = arith.addi %mul3A_1304, %add3A_1305 : i32
          %get3A_1307 = arith.index_cast %add3A_1306 : i32 to index
          %get3A_1308 = tpu.vector_load %arg11[%get3A_1307] {strides = array<i32>} : memref<960xi32, #tpu.memory_space<vmem>>, vector<16xi32>,
          %bitcast3A_1309 = vector.bitcast %get3A_1308 : vector<16xi32> to vector<32xbf16>
          %mul3A_1310 = arith.mulf %bitcast3A_1302, %bitcast3A_1309 : vector<32xbf16>
          %unpack3A_1311 = tpu.unpack_subelements %mul3A_1310, 0 {pack_format = #tpu.pack_format<interleaved>} : vector<32xbf16> -> vector<16xf32>
          %unpack3A_1312 = tpu.unpack_subelements %mul3A_1310, 1 {pack_format = #tpu.pack_format<interleaved>} : vector<32xbf16> -> vector<16xf32>
          %mul3A_1313 = arith.mulf %unpack3A_1311, %mul3A_1257 : vector<16xf32>
          %add3A_1314 = arith.addf %add3A_1222, %mul3A_1313 : vector<16xf32>
          %mul3A_1315 = arith.mulf %unpack3A_1312, %mul3A_1257 : vector<16xf32>
          %add3A_1316 = arith.addf %add3A_1224, %mul3A_1315 : vector<16xf32>
          %get3A_1317 = arith.index_cast %select_n3A_244 : i32 to index
          %get3A_1318 = arith.index_cast %add3A_1259 : i32 to index
          %get3A_1319 = arith.constant 48 : index
          %get3A_1320 = tpu.vector_load %arg16[%get3A_1317, %get3A_1318, %get3A_1319] {strides = array<i32>} : memref<2x256x128xi32, #tpu.memory_space<vmem>>, vector<16xi32>,
          %bitcast3A_1321 = vector.bitcast %get3A_1320 : vector<16xi32> to vector<32xbf16>
          %mul3A_1322 = arith.constant 64 : i32
          %mul3A_1323 = arith.muli %squeeze3A_1245, %mul3A_1322 : i32
          %add3A_1324 = arith.constant 48 : i32
          %add3A_1325 = arith.addi %mul3A_1323, %add3A_1324 : i32
          %get3A_1326 = arith.index_cast %add3A_1325 : i32 to index
          %get3A_1327 = tpu.vector_load %arg11[%get3A_1326] {strides = array<i32>} : memref<960xi32, #tpu.memory_space<vmem>>, vector<16xi32>,
          %bitcast3A_1328 = vector.bitcast %get3A_1327 : vector<16xi32> to vector<32xbf16>
          %mul3A_1329 = arith.mulf %bitcast3A_1321, %bitcast3A_1328 : vector<32xbf16>
          %unpack3A_1330 = tpu.unpack_subelements %mul3A_1329, 0 {pack_format = #tpu.pack_format<interleaved>} : vector<32xbf16> -> vector<16xf32>
          %unpack3A_1331 = tpu.unpack_subelements %mul3A_1329, 1 {pack_format = #tpu.pack_format<interleaved>} : vector<32xbf16> -> vector<16xf32>
          %mul3A_1332 = arith.mulf %unpack3A_1330, %mul3A_1257 : vector<16xf32>
          %add3A_1333 = arith.addf %add3A_1241, %mul3A_1332 : vector<16xf32>
          %mul3A_1334 = arith.mulf %unpack3A_1331, %mul3A_1257 : vector<16xf32>
          %add3A_1335 = arith.addf %add3A_1243, %mul3A_1334 : vector<16xf32>
          %slice3A_1336 = vector.extract_strided_slice %select_n3A_739 {offsets = [6], sizes = [1], strides = [1]} : vector<16xi32> to vector<1xi32>
          %squeeze3A_1337 = vector.extract %slice3A_1336[0] : i32 from vector<1xi32>
          %slice3A_1338 = vector.extract_strided_slice %max3A_784 {offsets = [6], sizes = [1], strides = [1]} : vector<16xf32> to vector<1xf32>
          %squeeze3A_1339 = vector.extract %slice3A_1338[0] : f32 from vector<1xf32>
          %mul3A_1340 = arith.constant 256 : i32
          %mul3A_1341 = arith.muli %scan3A_356, %mul3A_1340 : i32
          %mul3A_1342 = arith.constant 16 : i32
          %mul3A_1343 = arith.muli %squeeze3A_1337, %mul3A_1342 : i32
          %add3A_1344 = arith.addi %mul3A_1341, %mul3A_1343 : i32
          %get3A_1345 = arith.index_cast %select_n3A_260 : i32 to index
          %get3A_1346 = arith.index_cast %add3A_1344 : i32 to index
          %get3A_1347 = tpu.vector_load %arg15[%get3A_1345, %get3A_1346] {strides = array<i32>} : memref<3x2048xf32, #tpu.memory_space<vmem>>, vector<16xf32>,
          %mul3A_1348 = vector.broadcast %squeeze3A_1339 : f32 to vector<16xf32>
          %mul3A_1349 = arith.mulf %get3A_1347, %mul3A_1348 : vector<16xf32>
          %add3A_1350 = arith.constant 6 : i32
          %add3A_1351 = arith.addi %add3A_480, %add3A_1350 : i32
          %get3A_1352 = arith.index_cast %select_n3A_244 : i32 to index
          %get3A_1353 = arith.index_cast %add3A_1351 : i32 to index
          %get3A_1354 = arith.constant 0 : index
          %get3A_1355 = tpu.vector_load %arg16[%get3A_1352, %get3A_1353, %get3A_1354] {strides = array<i32>} : memref<2x256x128xi32, #tpu.memory_space<vmem>>, vector<16xi32>,
          %bitcast3A_1356 = vector.bitcast %get3A_1355 : vector<16xi32> to vector<32xbf16>
          %mul3A_1357 = arith.constant 64 : i32
          %mul3A_1358 = arith.muli %squeeze3A_1337, %mul3A_1357 : i32
          %add3A_1359 = arith.constant 0 : i32
          %add3A_1360 = arith.addi %mul3A_1358, %add3A_1359 : i32
          %get3A_1361 = arith.index_cast %add3A_1360 : i32 to index
          %get3A_1362 = tpu.vector_load %arg11[%get3A_1361] {strides = array<i32>} : memref<960xi32, #tpu.memory_space<vmem>>, vector<16xi32>,
          %bitcast3A_1363 = vector.bitcast %get3A_1362 : vector<16xi32> to vector<32xbf16>
          %mul3A_1364 = arith.mulf %bitcast3A_1356, %bitcast3A_1363 : vector<32xbf16>
          %unpack3A_1365 = tpu.unpack_subelements %mul3A_1364, 0 {pack_format = #tpu.pack_format<interleaved>} : vector<32xbf16> -> vector<16xf32>
          %unpack3A_1366 = tpu.unpack_subelements %mul3A_1364, 1 {pack_format = #tpu.pack_format<interleaved>} : vector<32xbf16> -> vector<16xf32>
          %mul3A_1367 = arith.mulf %unpack3A_1365, %mul3A_1349 : vector<16xf32>
          %add3A_1368 = arith.addf %add3A_1276, %mul3A_1367 : vector<16xf32>
          %mul3A_1369 = arith.mulf %unpack3A_1366, %mul3A_1349 : vector<16xf32>
          %add3A_1370 = arith.addf %add3A_1278, %mul3A_1369 : vector<16xf32>
          %get3A_1371 = arith.index_cast %select_n3A_244 : i32 to index
          %get3A_1372 = arith.index_cast %add3A_1351 : i32 to index
          %get3A_1373 = arith.constant 16 : index
          %get3A_1374 = tpu.vector_load %arg16[%get3A_1371, %get3A_1372, %get3A_1373] {strides = array<i32>} : memref<2x256x128xi32, #tpu.memory_space<vmem>>, vector<16xi32>,
          %bitcast3A_1375 = vector.bitcast %get3A_1374 : vector<16xi32> to vector<32xbf16>
          %mul3A_1376 = arith.constant 64 : i32
          %mul3A_1377 = arith.muli %squeeze3A_1337, %mul3A_1376 : i32
          %add3A_1378 = arith.constant 16 : i32
          %add3A_1379 = arith.addi %mul3A_1377, %add3A_1378 : i32
          %get3A_1380 = arith.index_cast %add3A_1379 : i32 to index
          %get3A_1381 = tpu.vector_load %arg11[%get3A_1380] {strides = array<i32>} : memref<960xi32, #tpu.memory_space<vmem>>, vector<16xi32>,
          %bitcast3A_1382 = vector.bitcast %get3A_1381 : vector<16xi32> to vector<32xbf16>
          %mul3A_1383 = arith.mulf %bitcast3A_1375, %bitcast3A_1382 : vector<32xbf16>
          %unpack3A_1384 = tpu.unpack_subelements %mul3A_1383, 0 {pack_format = #tpu.pack_format<interleaved>} : vector<32xbf16> -> vector<16xf32>
          %unpack3A_1385 = tpu.unpack_subelements %mul3A_1383, 1 {pack_format = #tpu.pack_format<interleaved>} : vector<32xbf16> -> vector<16xf32>
          %mul3A_1386 = arith.mulf %unpack3A_1384, %mul3A_1349 : vector<16xf32>
          %add3A_1387 = arith.addf %add3A_1295, %mul3A_1386 : vector<16xf32>
          %mul3A_1388 = arith.mulf %unpack3A_1385, %mul3A_1349 : vector<16xf32>
          %add3A_1389 = arith.addf %add3A_1297, %mul3A_1388 : vector<16xf32>
          %get3A_1390 = arith.index_cast %select_n3A_244 : i32 to index
          %get3A_1391 = arith.index_cast %add3A_1351 : i32 to index
          %get3A_1392 = arith.constant 32 : index
          %get3A_1393 = tpu.vector_load %arg16[%get3A_1390, %get3A_1391, %get3A_1392] {strides = array<i32>} : memref<2x256x128xi32, #tpu.memory_space<vmem>>, vector<16xi32>,
          %bitcast3A_1394 = vector.bitcast %get3A_1393 : vector<16xi32> to vector<32xbf16>
          %mul3A_1395 = arith.constant 64 : i32
          %mul3A_1396 = arith.muli %squeeze3A_1337, %mul3A_1395 : i32
          %add3A_1397 = arith.constant 32 : i32
          %add3A_1398 = arith.addi %mul3A_1396, %add3A_1397 : i32
          %get3A_1399 = arith.index_cast %add3A_1398 : i32 to index
          %get3A_1400 = tpu.vector_load %arg11[%get3A_1399] {strides = array<i32>} : memref<960xi32, #tpu.memory_space<vmem>>, vector<16xi32>,
          %bitcast3A_1401 = vector.bitcast %get3A_1400 : vector<16xi32> to vector<32xbf16>
          %mul3A_1402 = arith.mulf %bitcast3A_1394, %bitcast3A_1401 : vector<32xbf16>
          %unpack3A_1403 = tpu.unpack_subelements %mul3A_1402, 0 {pack_format = #tpu.pack_format<interleaved>} : vector<32xbf16> -> vector<16xf32>
          %unpack3A_1404 = tpu.unpack_subelements %mul3A_1402, 1 {pack_format = #tpu.pack_format<interleaved>} : vector<32xbf16> -> vector<16xf32>
          %mul3A_1405 = arith.mulf %unpack3A_1403, %mul3A_1349 : vector<16xf32>
          %add3A_1406 = arith.addf %add3A_1314, %mul3A_1405 : vector<16xf32>
          %mul3A_1407 = arith.mulf %unpack3A_1404, %mul3A_1349 : vector<16xf32>
          %add3A_1408 = arith.addf %add3A_1316, %mul3A_1407 : vector<16xf32>
          %get3A_1409 = arith.index_cast %select_n3A_244 : i32 to index
          %get3A_1410 = arith.index_cast %add3A_1351 : i32 to index
          %get3A_1411 = arith.constant 48 : index
          %get3A_1412 = tpu.vector_load %arg16[%get3A_1409, %get3A_1410, %get3A_1411] {strides = array<i32>} : memref<2x256x128xi32, #tpu.memory_space<vmem>>, vector<16xi32>,
          %bitcast3A_1413 = vector.bitcast %get3A_1412 : vector<16xi32> to vector<32xbf16>
          %mul3A_1414 = arith.constant 64 : i32
          %mul3A_1415 = arith.muli %squeeze3A_1337, %mul3A_1414 : i32
          %add3A_1416 = arith.constant 48 : i32
          %add3A_1417 = arith.addi %mul3A_1415, %add3A_1416 : i32
          %get3A_1418 = arith.index_cast %add3A_1417 : i32 to index
          %get3A_1419 = tpu.vector_load %arg11[%get3A_1418] {strides = array<i32>} : memref<960xi32, #tpu.memory_space<vmem>>, vector<16xi32>,
          %bitcast3A_1420 = vector.bitcast %get3A_1419 : vector<16xi32> to vector<32xbf16>
          %mul3A_1421 = arith.mulf %bitcast3A_1413, %bitcast3A_1420 : vector<32xbf16>
          %unpack3A_1422 = tpu.unpack_subelements %mul3A_1421, 0 {pack_format = #tpu.pack_format<interleaved>} : vector<32xbf16> -> vector<16xf32>
          %unpack3A_1423 = tpu.unpack_subelements %mul3A_1421, 1 {pack_format = #tpu.pack_format<interleaved>} : vector<32xbf16> -> vector<16xf32>
          %mul3A_1424 = arith.mulf %unpack3A_1422, %mul3A_1349 : vector<16xf32>
          %add3A_1425 = arith.addf %add3A_1333, %mul3A_1424 : vector<16xf32>
          %mul3A_1426 = arith.mulf %unpack3A_1423, %mul3A_1349 : vector<16xf32>
          %add3A_1427 = arith.addf %add3A_1335, %mul3A_1426 : vector<16xf32>
          %slice3A_1428 = vector.extract_strided_slice %select_n3A_739 {offsets = [7], sizes = [1], strides = [1]} : vector<16xi32> to vector<1xi32>
          %squeeze3A_1429 = vector.extract %slice3A_1428[0] : i32 from vector<1xi32>
          %slice3A_1430 = vector.extract_strided_slice %max3A_784 {offsets = [7], sizes = [1], strides = [1]} : vector<16xf32> to vector<1xf32>
          %squeeze3A_1431 = vector.extract %slice3A_1430[0] : f32 from vector<1xf32>
          %mul3A_1432 = arith.constant 256 : i32
          %mul3A_1433 = arith.muli %scan3A_356, %mul3A_1432 : i32
          %mul3A_1434 = arith.constant 16 : i32
          %mul3A_1435 = arith.muli %squeeze3A_1429, %mul3A_1434 : i32
          %add3A_1436 = arith.addi %mul3A_1433, %mul3A_1435 : i32
          %get3A_1437 = arith.index_cast %select_n3A_260 : i32 to index
          %get3A_1438 = arith.index_cast %add3A_1436 : i32 to index
          %get3A_1439 = tpu.vector_load %arg15[%get3A_1437, %get3A_1438] {strides = array<i32>} : memref<3x2048xf32, #tpu.memory_space<vmem>>, vector<16xf32>,
          %mul3A_1440 = vector.broadcast %squeeze3A_1431 : f32 to vector<16xf32>
          %mul3A_1441 = arith.mulf %get3A_1439, %mul3A_1440 : vector<16xf32>
          %add3A_1442 = arith.constant 7 : i32
          %add3A_1443 = arith.addi %add3A_480, %add3A_1442 : i32
          %get3A_1444 = arith.index_cast %select_n3A_244 : i32 to index
          %get3A_1445 = arith.index_cast %add3A_1443 : i32 to index
          %get3A_1446 = arith.constant 0 : index
          %get3A_1447 = tpu.vector_load %arg16[%get3A_1444, %get3A_1445, %get3A_1446] {strides = array<i32>} : memref<2x256x128xi32, #tpu.memory_space<vmem>>, vector<16xi32>,
          %bitcast3A_1448 = vector.bitcast %get3A_1447 : vector<16xi32> to vector<32xbf16>
          %mul3A_1449 = arith.constant 64 : i32
          %mul3A_1450 = arith.muli %squeeze3A_1429, %mul3A_1449 : i32
          %add3A_1451 = arith.constant 0 : i32
          %add3A_1452 = arith.addi %mul3A_1450, %add3A_1451 : i32
          %get3A_1453 = arith.index_cast %add3A_1452 : i32 to index
          %get3A_1454 = tpu.vector_load %arg11[%get3A_1453] {strides = array<i32>} : memref<960xi32, #tpu.memory_space<vmem>>, vector<16xi32>,
          %bitcast3A_1455 = vector.bitcast %get3A_1454 : vector<16xi32> to vector<32xbf16>
          %mul3A_1456 = arith.mulf %bitcast3A_1448, %bitcast3A_1455 : vector<32xbf16>
          %unpack3A_1457 = tpu.unpack_subelements %mul3A_1456, 0 {pack_format = #tpu.pack_format<interleaved>} : vector<32xbf16> -> vector<16xf32>
          %unpack3A_1458 = tpu.unpack_subelements %mul3A_1456, 1 {pack_format = #tpu.pack_format<interleaved>} : vector<32xbf16> -> vector<16xf32>
          %mul3A_1459 = arith.mulf %unpack3A_1457, %mul3A_1441 : vector<16xf32>
          %add3A_1460 = arith.addf %add3A_1368, %mul3A_1459 : vector<16xf32>
          %mul3A_1461 = arith.mulf %unpack3A_1458, %mul3A_1441 : vector<16xf32>
          %add3A_1462 = arith.addf %add3A_1370, %mul3A_1461 : vector<16xf32>
          %get3A_1463 = arith.index_cast %select_n3A_244 : i32 to index
          %get3A_1464 = arith.index_cast %add3A_1443 : i32 to index
          %get3A_1465 = arith.constant 16 : index
          %get3A_1466 = tpu.vector_load %arg16[%get3A_1463, %get3A_1464, %get3A_1465] {strides = array<i32>} : memref<2x256x128xi32, #tpu.memory_space<vmem>>, vector<16xi32>,
          %bitcast3A_1467 = vector.bitcast %get3A_1466 : vector<16xi32> to vector<32xbf16>
          %mul3A_1468 = arith.constant 64 : i32
          %mul3A_1469 = arith.muli %squeeze3A_1429, %mul3A_1468 : i32
          %add3A_1470 = arith.constant 16 : i32
          %add3A_1471 = arith.addi %mul3A_1469, %add3A_1470 : i32
          %get3A_1472 = arith.index_cast %add3A_1471 : i32 to index
          %get3A_1473 = tpu.vector_load %arg11[%get3A_1472] {strides = array<i32>} : memref<960xi32, #tpu.memory_space<vmem>>, vector<16xi32>,
          %bitcast3A_1474 = vector.bitcast %get3A_1473 : vector<16xi32> to vector<32xbf16>
          %mul3A_1475 = arith.mulf %bitcast3A_1467, %bitcast3A_1474 : vector<32xbf16>
          %unpack3A_1476 = tpu.unpack_subelements %mul3A_1475, 0 {pack_format = #tpu.pack_format<interleaved>} : vector<32xbf16> -> vector<16xf32>
          %unpack3A_1477 = tpu.unpack_subelements %mul3A_1475, 1 {pack_format = #tpu.pack_format<interleaved>} : vector<32xbf16> -> vector<16xf32>
          %mul3A_1478 = arith.mulf %unpack3A_1476, %mul3A_1441 : vector<16xf32>
          %add3A_1479 = arith.addf %add3A_1387, %mul3A_1478 : vector<16xf32>
          %mul3A_1480 = arith.mulf %unpack3A_1477, %mul3A_1441 : vector<16xf32>
          %add3A_1481 = arith.addf %add3A_1389, %mul3A_1480 : vector<16xf32>
          %get3A_1482 = arith.index_cast %select_n3A_244 : i32 to index
          %get3A_1483 = arith.index_cast %add3A_1443 : i32 to index
          %get3A_1484 = arith.constant 32 : index
          %get3A_1485 = tpu.vector_load %arg16[%get3A_1482, %get3A_1483, %get3A_1484] {strides = array<i32>} : memref<2x256x128xi32, #tpu.memory_space<vmem>>, vector<16xi32>,
          %bitcast3A_1486 = vector.bitcast %get3A_1485 : vector<16xi32> to vector<32xbf16>
          %mul3A_1487 = arith.constant 64 : i32
          %mul3A_1488 = arith.muli %squeeze3A_1429, %mul3A_1487 : i32
          %add3A_1489 = arith.constant 32 : i32
          %add3A_1490 = arith.addi %mul3A_1488, %add3A_1489 : i32
          %get3A_1491 = arith.index_cast %add3A_1490 : i32 to index
          %get3A_1492 = tpu.vector_load %arg11[%get3A_1491] {strides = array<i32>} : memref<960xi32, #tpu.memory_space<vmem>>, vector<16xi32>,
          %bitcast3A_1493 = vector.bitcast %get3A_1492 : vector<16xi32> to vector<32xbf16>
          %mul3A_1494 = arith.mulf %bitcast3A_1486, %bitcast3A_1493 : vector<32xbf16>
          %unpack3A_1495 = tpu.unpack_subelements %mul3A_1494, 0 {pack_format = #tpu.pack_format<interleaved>} : vector<32xbf16> -> vector<16xf32>
          %unpack3A_1496 = tpu.unpack_subelements %mul3A_1494, 1 {pack_format = #tpu.pack_format<interleaved>} : vector<32xbf16> -> vector<16xf32>
          %mul3A_1497 = arith.mulf %unpack3A_1495, %mul3A_1441 : vector<16xf32>
          %add3A_1498 = arith.addf %add3A_1406, %mul3A_1497 : vector<16xf32>
          %mul3A_1499 = arith.mulf %unpack3A_1496, %mul3A_1441 : vector<16xf32>
          %add3A_1500 = arith.addf %add3A_1408, %mul3A_1499 : vector<16xf32>
          %get3A_1501 = arith.index_cast %select_n3A_244 : i32 to index
          %get3A_1502 = arith.index_cast %add3A_1443 : i32 to index
          %get3A_1503 = arith.constant 48 : index
          %get3A_1504 = tpu.vector_load %arg16[%get3A_1501, %get3A_1502, %get3A_1503] {strides = array<i32>} : memref<2x256x128xi32, #tpu.memory_space<vmem>>, vector<16xi32>,
          %bitcast3A_1505 = vector.bitcast %get3A_1504 : vector<16xi32> to vector<32xbf16>
          %mul3A_1506 = arith.constant 64 : i32
          %mul3A_1507 = arith.muli %squeeze3A_1429, %mul3A_1506 : i32
          %add3A_1508 = arith.constant 48 : i32
          %add3A_1509 = arith.addi %mul3A_1507, %add3A_1508 : i32
          %get3A_1510 = arith.index_cast %add3A_1509 : i32 to index
          %get3A_1511 = tpu.vector_load %arg11[%get3A_1510] {strides = array<i32>} : memref<960xi32, #tpu.memory_space<vmem>>, vector<16xi32>,
          %bitcast3A_1512 = vector.bitcast %get3A_1511 : vector<16xi32> to vector<32xbf16>
          %mul3A_1513 = arith.mulf %bitcast3A_1505, %bitcast3A_1512 : vector<32xbf16>
          %unpack3A_1514 = tpu.unpack_subelements %mul3A_1513, 0 {pack_format = #tpu.pack_format<interleaved>} : vector<32xbf16> -> vector<16xf32>
          %unpack3A_1515 = tpu.unpack_subelements %mul3A_1513, 1 {pack_format = #tpu.pack_format<interleaved>} : vector<32xbf16> -> vector<16xf32>
          %mul3A_1516 = arith.mulf %unpack3A_1514, %mul3A_1441 : vector<16xf32>
          %add3A_1517 = arith.addf %add3A_1425, %mul3A_1516 : vector<16xf32>
          %mul3A_1518 = arith.mulf %unpack3A_1515, %mul3A_1441 : vector<16xf32>
          %add3A_1519 = arith.addf %add3A_1427, %mul3A_1518 : vector<16xf32>
          %slice3A_1520 = vector.extract_strided_slice %select_n3A_739 {offsets = [8], sizes = [1], strides = [1]} : vector<16xi32> to vector<1xi32>
          %squeeze3A_1521 = vector.extract %slice3A_1520[0] : i32 from vector<1xi32>
          %slice3A_1522 = vector.extract_strided_slice %max3A_784 {offsets = [8], sizes = [1], strides = [1]} : vector<16xf32> to vector<1xf32>
          %squeeze3A_1523 = vector.extract %slice3A_1522[0] : f32 from vector<1xf32>
          %mul3A_1524 = arith.constant 256 : i32
          %mul3A_1525 = arith.muli %scan3A_356, %mul3A_1524 : i32
          %mul3A_1526 = arith.constant 16 : i32
          %mul3A_1527 = arith.muli %squeeze3A_1521, %mul3A_1526 : i32
          %add3A_1528 = arith.addi %mul3A_1525, %mul3A_1527 : i32
          %get3A_1529 = arith.index_cast %select_n3A_260 : i32 to index
          %get3A_1530 = arith.index_cast %add3A_1528 : i32 to index
          %get3A_1531 = tpu.vector_load %arg15[%get3A_1529, %get3A_1530] {strides = array<i32>} : memref<3x2048xf32, #tpu.memory_space<vmem>>, vector<16xf32>,
          %mul3A_1532 = vector.broadcast %squeeze3A_1523 : f32 to vector<16xf32>
          %mul3A_1533 = arith.mulf %get3A_1531, %mul3A_1532 : vector<16xf32>
          %add3A_1534 = arith.constant 8 : i32
          %add3A_1535 = arith.addi %add3A_480, %add3A_1534 : i32
          %get3A_1536 = arith.index_cast %select_n3A_244 : i32 to index
          %get3A_1537 = arith.index_cast %add3A_1535 : i32 to index
          %get3A_1538 = arith.constant 0 : index
          %get3A_1539 = tpu.vector_load %arg16[%get3A_1536, %get3A_1537, %get3A_1538] {strides = array<i32>} : memref<2x256x128xi32, #tpu.memory_space<vmem>>, vector<16xi32>,
          %bitcast3A_1540 = vector.bitcast %get3A_1539 : vector<16xi32> to vector<32xbf16>
          %mul3A_1541 = arith.constant 64 : i32
          %mul3A_1542 = arith.muli %squeeze3A_1521, %mul3A_1541 : i32
          %add3A_1543 = arith.constant 0 : i32
          %add3A_1544 = arith.addi %mul3A_1542, %add3A_1543 : i32
          %get3A_1545 = arith.index_cast %add3A_1544 : i32 to index
          %get3A_1546 = tpu.vector_load %arg11[%get3A_1545] {strides = array<i32>} : memref<960xi32, #tpu.memory_space<vmem>>, vector<16xi32>,
          %bitcast3A_1547 = vector.bitcast %get3A_1546 : vector<16xi32> to vector<32xbf16>
          %mul3A_1548 = arith.mulf %bitcast3A_1540, %bitcast3A_1547 : vector<32xbf16>
          %unpack3A_1549 = tpu.unpack_subelements %mul3A_1548, 0 {pack_format = #tpu.pack_format<interleaved>} : vector<32xbf16> -> vector<16xf32>
          %unpack3A_1550 = tpu.unpack_subelements %mul3A_1548, 1 {pack_format = #tpu.pack_format<interleaved>} : vector<32xbf16> -> vector<16xf32>
          %mul3A_1551 = arith.mulf %unpack3A_1549, %mul3A_1533 : vector<16xf32>
          %add3A_1552 = arith.addf %add3A_1460, %mul3A_1551 : vector<16xf32>
          %mul3A_1553 = arith.mulf %unpack3A_1550, %mul3A_1533 : vector<16xf32>
          %add3A_1554 = arith.addf %add3A_1462, %mul3A_1553 : vector<16xf32>
          %get3A_1555 = arith.index_cast %select_n3A_244 : i32 to index
          %get3A_1556 = arith.index_cast %add3A_1535 : i32 to index
          %get3A_1557 = arith.constant 16 : index
          %get3A_1558 = tpu.vector_load %arg16[%get3A_1555, %get3A_1556, %get3A_1557] {strides = array<i32>} : memref<2x256x128xi32, #tpu.memory_space<vmem>>, vector<16xi32>,
          %bitcast3A_1559 = vector.bitcast %get3A_1558 : vector<16xi32> to vector<32xbf16>
          %mul3A_1560 = arith.constant 64 : i32
          %mul3A_1561 = arith.muli %squeeze3A_1521, %mul3A_1560 : i32
          %add3A_1562 = arith.constant 16 : i32
          %add3A_1563 = arith.addi %mul3A_1561, %add3A_1562 : i32
          %get3A_1564 = arith.index_cast %add3A_1563 : i32 to index
          %get3A_1565 = tpu.vector_load %arg11[%get3A_1564] {strides = array<i32>} : memref<960xi32, #tpu.memory_space<vmem>>, vector<16xi32>,
          %bitcast3A_1566 = vector.bitcast %get3A_1565 : vector<16xi32> to vector<32xbf16>
          %mul3A_1567 = arith.mulf %bitcast3A_1559, %bitcast3A_1566 : vector<32xbf16>
          %unpack3A_1568 = tpu.unpack_subelements %mul3A_1567, 0 {pack_format = #tpu.pack_format<interleaved>} : vector<32xbf16> -> vector<16xf32>
          %unpack3A_1569 = tpu.unpack_subelements %mul3A_1567, 1 {pack_format = #tpu.pack_format<interleaved>} : vector<32xbf16> -> vector<16xf32>
          %mul3A_1570 = arith.mulf %unpack3A_1568, %mul3A_1533 : vector<16xf32>
          %add3A_1571 = arith.addf %add3A_1479, %mul3A_1570 : vector<16xf32>
          %mul3A_1572 = arith.mulf %unpack3A_1569, %mul3A_1533 : vector<16xf32>
          %add3A_1573 = arith.addf %add3A_1481, %mul3A_1572 : vector<16xf32>
          %get3A_1574 = arith.index_cast %select_n3A_244 : i32 to index
          %get3A_1575 = arith.index_cast %add3A_1535 : i32 to index
          %get3A_1576 = arith.constant 32 : index
          %get3A_1577 = tpu.vector_load %arg16[%get3A_1574, %get3A_1575, %get3A_1576] {strides = array<i32>} : memref<2x256x128xi32, #tpu.memory_space<vmem>>, vector<16xi32>,
          %bitcast3A_1578 = vector.bitcast %get3A_1577 : vector<16xi32> to vector<32xbf16>
          %mul3A_1579 = arith.constant 64 : i32
          %mul3A_1580 = arith.muli %squeeze3A_1521, %mul3A_1579 : i32
          %add3A_1581 = arith.constant 32 : i32
          %add3A_1582 = arith.addi %mul3A_1580, %add3A_1581 : i32
          %get3A_1583 = arith.index_cast %add3A_1582 : i32 to index
          %get3A_1584 = tpu.vector_load %arg11[%get3A_1583] {strides = array<i32>} : memref<960xi32, #tpu.memory_space<vmem>>, vector<16xi32>,
          %bitcast3A_1585 = vector.bitcast %get3A_1584 : vector<16xi32> to vector<32xbf16>
          %mul3A_1586 = arith.mulf %bitcast3A_1578, %bitcast3A_1585 : vector<32xbf16>
          %unpack3A_1587 = tpu.unpack_subelements %mul3A_1586, 0 {pack_format = #tpu.pack_format<interleaved>} : vector<32xbf16> -> vector<16xf32>
          %unpack3A_1588 = tpu.unpack_subelements %mul3A_1586, 1 {pack_format = #tpu.pack_format<interleaved>} : vector<32xbf16> -> vector<16xf32>
          %mul3A_1589 = arith.mulf %unpack3A_1587, %mul3A_1533 : vector<16xf32>
          %add3A_1590 = arith.addf %add3A_1498, %mul3A_1589 : vector<16xf32>
          %mul3A_1591 = arith.mulf %unpack3A_1588, %mul3A_1533 : vector<16xf32>
          %add3A_1592 = arith.addf %add3A_1500, %mul3A_1591 : vector<16xf32>
          %get3A_1593 = arith.index_cast %select_n3A_244 : i32 to index
          %get3A_1594 = arith.index_cast %add3A_1535 : i32 to index
          %get3A_1595 = arith.constant 48 : index
          %get3A_1596 = tpu.vector_load %arg16[%get3A_1593, %get3A_1594, %get3A_1595] {strides = array<i32>} : memref<2x256x128xi32, #tpu.memory_space<vmem>>, vector<16xi32>,
          %bitcast3A_1597 = vector.bitcast %get3A_1596 : vector<16xi32> to vector<32xbf16>
          %mul3A_1598 = arith.constant 64 : i32
          %mul3A_1599 = arith.muli %squeeze3A_1521, %mul3A_1598 : i32
          %add3A_1600 = arith.constant 48 : i32
          %add3A_1601 = arith.addi %mul3A_1599, %add3A_1600 : i32
          %get3A_1602 = arith.index_cast %add3A_1601 : i32 to index
          %get3A_1603 = tpu.vector_load %arg11[%get3A_1602] {strides = array<i32>} : memref<960xi32, #tpu.memory_space<vmem>>, vector<16xi32>,
          %bitcast3A_1604 = vector.bitcast %get3A_1603 : vector<16xi32> to vector<32xbf16>
          %mul3A_1605 = arith.mulf %bitcast3A_1597, %bitcast3A_1604 : vector<32xbf16>
          %unpack3A_1606 = tpu.unpack_subelements %mul3A_1605, 0 {pack_format = #tpu.pack_format<interleaved>} : vector<32xbf16> -> vector<16xf32>
          %unpack3A_1607 = tpu.unpack_subelements %mul3A_1605, 1 {pack_format = #tpu.pack_format<interleaved>} : vector<32xbf16> -> vector<16xf32>
          %mul3A_1608 = arith.mulf %unpack3A_1606, %mul3A_1533 : vector<16xf32>
          %add3A_1609 = arith.addf %add3A_1517, %mul3A_1608 : vector<16xf32>
          %mul3A_1610 = arith.mulf %unpack3A_1607, %mul3A_1533 : vector<16xf32>
          %add3A_1611 = arith.addf %add3A_1519, %mul3A_1610 : vector<16xf32>
          %slice3A_1612 = vector.extract_strided_slice %select_n3A_739 {offsets = [9], sizes = [1], strides = [1]} : vector<16xi32> to vector<1xi32>
          %squeeze3A_1613 = vector.extract %slice3A_1612[0] : i32 from vector<1xi32>
          %slice3A_1614 = vector.extract_strided_slice %max3A_784 {offsets = [9], sizes = [1], strides = [1]} : vector<16xf32> to vector<1xf32>
          %squeeze3A_1615 = vector.extract %slice3A_1614[0] : f32 from vector<1xf32>
          %mul3A_1616 = arith.constant 256 : i32
          %mul3A_1617 = arith.muli %scan3A_356, %mul3A_1616 : i32
          %mul3A_1618 = arith.constant 16 : i32
          %mul3A_1619 = arith.muli %squeeze3A_1613, %mul3A_1618 : i32
          %add3A_1620 = arith.addi %mul3A_1617, %mul3A_1619 : i32
          %get3A_1621 = arith.index_cast %select_n3A_260 : i32 to index
          %get3A_1622 = arith.index_cast %add3A_1620 : i32 to index
          %get3A_1623 = tpu.vector_load %arg15[%get3A_1621, %get3A_1622] {strides = array<i32>} : memref<3x2048xf32, #tpu.memory_space<vmem>>, vector<16xf32>,
          %mul3A_1624 = vector.broadcast %squeeze3A_1615 : f32 to vector<16xf32>
          %mul3A_1625 = arith.mulf %get3A_1623, %mul3A_1624 : vector<16xf32>
          %add3A_1626 = arith.constant 9 : i32
          %add3A_1627 = arith.addi %add3A_480, %add3A_1626 : i32
          %get3A_1628 = arith.index_cast %select_n3A_244 : i32 to index
          %get3A_1629 = arith.index_cast %add3A_1627 : i32 to index
          %get3A_1630 = arith.constant 0 : index
          %get3A_1631 = tpu.vector_load %arg16[%get3A_1628, %get3A_1629, %get3A_1630] {strides = array<i32>} : memref<2x256x128xi32, #tpu.memory_space<vmem>>, vector<16xi32>,
          %bitcast3A_1632 = vector.bitcast %get3A_1631 : vector<16xi32> to vector<32xbf16>
          %mul3A_1633 = arith.constant 64 : i32
          %mul3A_1634 = arith.muli %squeeze3A_1613, %mul3A_1633 : i32
          %add3A_1635 = arith.constant 0 : i32
          %add3A_1636 = arith.addi %mul3A_1634, %add3A_1635 : i32
          %get3A_1637 = arith.index_cast %add3A_1636 : i32 to index
          %get3A_1638 = tpu.vector_load %arg11[%get3A_1637] {strides = array<i32>} : memref<960xi32, #tpu.memory_space<vmem>>, vector<16xi32>,
          %bitcast3A_1639 = vector.bitcast %get3A_1638 : vector<16xi32> to vector<32xbf16>
          %mul3A_1640 = arith.mulf %bitcast3A_1632, %bitcast3A_1639 : vector<32xbf16>
          %unpack3A_1641 = tpu.unpack_subelements %mul3A_1640, 0 {pack_format = #tpu.pack_format<interleaved>} : vector<32xbf16> -> vector<16xf32>
          %unpack3A_1642 = tpu.unpack_subelements %mul3A_1640, 1 {pack_format = #tpu.pack_format<interleaved>} : vector<32xbf16> -> vector<16xf32>
          %mul3A_1643 = arith.mulf %unpack3A_1641, %mul3A_1625 : vector<16xf32>
          %add3A_1644 = arith.addf %add3A_1552, %mul3A_1643 : vector<16xf32>
          %mul3A_1645 = arith.mulf %unpack3A_1642, %mul3A_1625 : vector<16xf32>
          %add3A_1646 = arith.addf %add3A_1554, %mul3A_1645 : vector<16xf32>
          %get3A_1647 = arith.index_cast %select_n3A_244 : i32 to index
          %get3A_1648 = arith.index_cast %add3A_1627 : i32 to index
          %get3A_1649 = arith.constant 16 : index
          %get3A_1650 = tpu.vector_load %arg16[%get3A_1647, %get3A_1648, %get3A_1649] {strides = array<i32>} : memref<2x256x128xi32, #tpu.memory_space<vmem>>, vector<16xi32>,
          %bitcast3A_1651 = vector.bitcast %get3A_1650 : vector<16xi32> to vector<32xbf16>
          %mul3A_1652 = arith.constant 64 : i32
          %mul3A_1653 = arith.muli %squeeze3A_1613, %mul3A_1652 : i32
          %add3A_1654 = arith.constant 16 : i32
          %add3A_1655 = arith.addi %mul3A_1653, %add3A_1654 : i32
          %get3A_1656 = arith.index_cast %add3A_1655 : i32 to index
          %get3A_1657 = tpu.vector_load %arg11[%get3A_1656] {strides = array<i32>} : memref<960xi32, #tpu.memory_space<vmem>>, vector<16xi32>,
          %bitcast3A_1658 = vector.bitcast %get3A_1657 : vector<16xi32> to vector<32xbf16>
          %mul3A_1659 = arith.mulf %bitcast3A_1651, %bitcast3A_1658 : vector<32xbf16>
          %unpack3A_1660 = tpu.unpack_subelements %mul3A_1659, 0 {pack_format = #tpu.pack_format<interleaved>} : vector<32xbf16> -> vector<16xf32>
          %unpack3A_1661 = tpu.unpack_subelements %mul3A_1659, 1 {pack_format = #tpu.pack_format<interleaved>} : vector<32xbf16> -> vector<16xf32>
          %mul3A_1662 = arith.mulf %unpack3A_1660, %mul3A_1625 : vector<16xf32>
          %add3A_1663 = arith.addf %add3A_1571, %mul3A_1662 : vector<16xf32>
          %mul3A_1664 = arith.mulf %unpack3A_1661, %mul3A_1625 : vector<16xf32>
          %add3A_1665 = arith.addf %add3A_1573, %mul3A_1664 : vector<16xf32>
          %get3A_1666 = arith.index_cast %select_n3A_244 : i32 to index
          %get3A_1667 = arith.index_cast %add3A_1627 : i32 to index
          %get3A_1668 = arith.constant 32 : index
          %get3A_1669 = tpu.vector_load %arg16[%get3A_1666, %get3A_1667, %get3A_1668] {strides = array<i32>} : memref<2x256x128xi32, #tpu.memory_space<vmem>>, vector<16xi32>,
          %bitcast3A_1670 = vector.bitcast %get3A_1669 : vector<16xi32> to vector<32xbf16>
          %mul3A_1671 = arith.constant 64 : i32
          %mul3A_1672 = arith.muli %squeeze3A_1613, %mul3A_1671 : i32
          %add3A_1673 = arith.constant 32 : i32
          %add3A_1674 = arith.addi %mul3A_1672, %add3A_1673 : i32
          %get3A_1675 = arith.index_cast %add3A_1674 : i32 to index
          %get3A_1676 = tpu.vector_load %arg11[%get3A_1675] {strides = array<i32>} : memref<960xi32, #tpu.memory_space<vmem>>, vector<16xi32>,
          %bitcast3A_1677 = vector.bitcast %get3A_1676 : vector<16xi32> to vector<32xbf16>
          %mul3A_1678 = arith.mulf %bitcast3A_1670, %bitcast3A_1677 : vector<32xbf16>
          %unpack3A_1679 = tpu.unpack_subelements %mul3A_1678, 0 {pack_format = #tpu.pack_format<interleaved>} : vector<32xbf16> -> vector<16xf32>
          %unpack3A_1680 = tpu.unpack_subelements %mul3A_1678, 1 {pack_format = #tpu.pack_format<interleaved>} : vector<32xbf16> -> vector<16xf32>
          %mul3A_1681 = arith.mulf %unpack3A_1679, %mul3A_1625 : vector<16xf32>
          %add3A_1682 = arith.addf %add3A_1590, %mul3A_1681 : vector<16xf32>
          %mul3A_1683 = arith.mulf %unpack3A_1680, %mul3A_1625 : vector<16xf32>
          %add3A_1684 = arith.addf %add3A_1592, %mul3A_1683 : vector<16xf32>
          %get3A_1685 = arith.index_cast %select_n3A_244 : i32 to index
          %get3A_1686 = arith.index_cast %add3A_1627 : i32 to index
          %get3A_1687 = arith.constant 48 : index
          %get3A_1688 = tpu.vector_load %arg16[%get3A_1685, %get3A_1686, %get3A_1687] {strides = array<i32>} : memref<2x256x128xi32, #tpu.memory_space<vmem>>, vector<16xi32>,
          %bitcast3A_1689 = vector.bitcast %get3A_1688 : vector<16xi32> to vector<32xbf16>
          %mul3A_1690 = arith.constant 64 : i32
          %mul3A_1691 = arith.muli %squeeze3A_1613, %mul3A_1690 : i32
          %add3A_1692 = arith.constant 48 : i32
          %add3A_1693 = arith.addi %mul3A_1691, %add3A_1692 : i32
          %get3A_1694 = arith.index_cast %add3A_1693 : i32 to index
          %get3A_1695 = tpu.vector_load %arg11[%get3A_1694] {strides = array<i32>} : memref<960xi32, #tpu.memory_space<vmem>>, vector<16xi32>,
          %bitcast3A_1696 = vector.bitcast %get3A_1695 : vector<16xi32> to vector<32xbf16>
          %mul3A_1697 = arith.mulf %bitcast3A_1689, %bitcast3A_1696 : vector<32xbf16>
          %unpack3A_1698 = tpu.unpack_subelements %mul3A_1697, 0 {pack_format = #tpu.pack_format<interleaved>} : vector<32xbf16> -> vector<16xf32>
          %unpack3A_1699 = tpu.unpack_subelements %mul3A_1697, 1 {pack_format = #tpu.pack_format<interleaved>} : vector<32xbf16> -> vector<16xf32>
          %mul3A_1700 = arith.mulf %unpack3A_1698, %mul3A_1625 : vector<16xf32>
          %add3A_1701 = arith.addf %add3A_1609, %mul3A_1700 : vector<16xf32>
          %mul3A_1702 = arith.mulf %unpack3A_1699, %mul3A_1625 : vector<16xf32>
          %add3A_1703 = arith.addf %add3A_1611, %mul3A_1702 : vector<16xf32>
          %slice3A_1704 = vector.extract_strided_slice %select_n3A_739 {offsets = [10], sizes = [1], strides = [1]} : vector<16xi32> to vector<1xi32>
          %squeeze3A_1705 = vector.extract %slice3A_1704[0] : i32 from vector<1xi32>
          %slice3A_1706 = vector.extract_strided_slice %max3A_784 {offsets = [10], sizes = [1], strides = [1]} : vector<16xf32> to vector<1xf32>
          %squeeze3A_1707 = vector.extract %slice3A_1706[0] : f32 from vector<1xf32>
          %mul3A_1708 = arith.constant 256 : i32
          %mul3A_1709 = arith.muli %scan3A_356, %mul3A_1708 : i32
          %mul3A_1710 = arith.constant 16 : i32
          %mul3A_1711 = arith.muli %squeeze3A_1705, %mul3A_1710 : i32
          %add3A_1712 = arith.addi %mul3A_1709, %mul3A_1711 : i32
          %get3A_1713 = arith.index_cast %select_n3A_260 : i32 to index
          %get3A_1714 = arith.index_cast %add3A_1712 : i32 to index
          %get3A_1715 = tpu.vector_load %arg15[%get3A_1713, %get3A_1714] {strides = array<i32>} : memref<3x2048xf32, #tpu.memory_space<vmem>>, vector<16xf32>,
          %mul3A_1716 = vector.broadcast %squeeze3A_1707 : f32 to vector<16xf32>
          %mul3A_1717 = arith.mulf %get3A_1715, %mul3A_1716 : vector<16xf32>
          %add3A_1718 = arith.constant 10 : i32
          %add3A_1719 = arith.addi %add3A_480, %add3A_1718 : i32
          %get3A_1720 = arith.index_cast %select_n3A_244 : i32 to index
          %get3A_1721 = arith.index_cast %add3A_1719 : i32 to index
          %get3A_1722 = arith.constant 0 : index
          %get3A_1723 = tpu.vector_load %arg16[%get3A_1720, %get3A_1721, %get3A_1722] {strides = array<i32>} : memref<2x256x128xi32, #tpu.memory_space<vmem>>, vector<16xi32>,
          %bitcast3A_1724 = vector.bitcast %get3A_1723 : vector<16xi32> to vector<32xbf16>
          %mul3A_1725 = arith.constant 64 : i32
          %mul3A_1726 = arith.muli %squeeze3A_1705, %mul3A_1725 : i32
          %add3A_1727 = arith.constant 0 : i32
          %add3A_1728 = arith.addi %mul3A_1726, %add3A_1727 : i32
          %get3A_1729 = arith.index_cast %add3A_1728 : i32 to index
          %get3A_1730 = tpu.vector_load %arg11[%get3A_1729] {strides = array<i32>} : memref<960xi32, #tpu.memory_space<vmem>>, vector<16xi32>,
          %bitcast3A_1731 = vector.bitcast %get3A_1730 : vector<16xi32> to vector<32xbf16>
          %mul3A_1732 = arith.mulf %bitcast3A_1724, %bitcast3A_1731 : vector<32xbf16>
          %unpack3A_1733 = tpu.unpack_subelements %mul3A_1732, 0 {pack_format = #tpu.pack_format<interleaved>} : vector<32xbf16> -> vector<16xf32>
          %unpack3A_1734 = tpu.unpack_subelements %mul3A_1732, 1 {pack_format = #tpu.pack_format<interleaved>} : vector<32xbf16> -> vector<16xf32>
          %mul3A_1735 = arith.mulf %unpack3A_1733, %mul3A_1717 : vector<16xf32>
          %add3A_1736 = arith.addf %add3A_1644, %mul3A_1735 : vector<16xf32>
          %mul3A_1737 = arith.mulf %unpack3A_1734, %mul3A_1717 : vector<16xf32>
          %add3A_1738 = arith.addf %add3A_1646, %mul3A_1737 : vector<16xf32>
          %get3A_1739 = arith.index_cast %select_n3A_244 : i32 to index
          %get3A_1740 = arith.index_cast %add3A_1719 : i32 to index
          %get3A_1741 = arith.constant 16 : index
          %get3A_1742 = tpu.vector_load %arg16[%get3A_1739, %get3A_1740, %get3A_1741] {strides = array<i32>} : memref<2x256x128xi32, #tpu.memory_space<vmem>>, vector<16xi32>,
          %bitcast3A_1743 = vector.bitcast %get3A_1742 : vector<16xi32> to vector<32xbf16>
          %mul3A_1744 = arith.constant 64 : i32
          %mul3A_1745 = arith.muli %squeeze3A_1705, %mul3A_1744 : i32
          %add3A_1746 = arith.constant 16 : i32
          %add3A_1747 = arith.addi %mul3A_1745, %add3A_1746 : i32
          %get3A_1748 = arith.index_cast %add3A_1747 : i32 to index
          %get3A_1749 = tpu.vector_load %arg11[%get3A_1748] {strides = array<i32>} : memref<960xi32, #tpu.memory_space<vmem>>, vector<16xi32>,
          %bitcast3A_1750 = vector.bitcast %get3A_1749 : vector<16xi32> to vector<32xbf16>
          %mul3A_1751 = arith.mulf %bitcast3A_1743, %bitcast3A_1750 : vector<32xbf16>
          %unpack3A_1752 = tpu.unpack_subelements %mul3A_1751, 0 {pack_format = #tpu.pack_format<interleaved>} : vector<32xbf16> -> vector<16xf32>
          %unpack3A_1753 = tpu.unpack_subelements %mul3A_1751, 1 {pack_format = #tpu.pack_format<interleaved>} : vector<32xbf16> -> vector<16xf32>
          %mul3A_1754 = arith.mulf %unpack3A_1752, %mul3A_1717 : vector<16xf32>
          %add3A_1755 = arith.addf %add3A_1663, %mul3A_1754 : vector<16xf32>
          %mul3A_1756 = arith.mulf %unpack3A_1753, %mul3A_1717 : vector<16xf32>
          %add3A_1757 = arith.addf %add3A_1665, %mul3A_1756 : vector<16xf32>
          %get3A_1758 = arith.index_cast %select_n3A_244 : i32 to index
          %get3A_1759 = arith.index_cast %add3A_1719 : i32 to index
          %get3A_1760 = arith.constant 32 : index
          %get3A_1761 = tpu.vector_load %arg16[%get3A_1758, %get3A_1759, %get3A_1760] {strides = array<i32>} : memref<2x256x128xi32, #tpu.memory_space<vmem>>, vector<16xi32>,
          %bitcast3A_1762 = vector.bitcast %get3A_1761 : vector<16xi32> to vector<32xbf16>
          %mul3A_1763 = arith.constant 64 : i32
          %mul3A_1764 = arith.muli %squeeze3A_1705, %mul3A_1763 : i32
          %add3A_1765 = arith.constant 32 : i32
          %add3A_1766 = arith.addi %mul3A_1764, %add3A_1765 : i32
          %get3A_1767 = arith.index_cast %add3A_1766 : i32 to index
          %get3A_1768 = tpu.vector_load %arg11[%get3A_1767] {strides = array<i32>} : memref<960xi32, #tpu.memory_space<vmem>>, vector<16xi32>,
          %bitcast3A_1769 = vector.bitcast %get3A_1768 : vector<16xi32> to vector<32xbf16>
          %mul3A_1770 = arith.mulf %bitcast3A_1762, %bitcast3A_1769 : vector<32xbf16>
          %unpack3A_1771 = tpu.unpack_subelements %mul3A_1770, 0 {pack_format = #tpu.pack_format<interleaved>} : vector<32xbf16> -> vector<16xf32>
          %unpack3A_1772 = tpu.unpack_subelements %mul3A_1770, 1 {pack_format = #tpu.pack_format<interleaved>} : vector<32xbf16> -> vector<16xf32>
          %mul3A_1773 = arith.mulf %unpack3A_1771, %mul3A_1717 : vector<16xf32>
          %add3A_1774 = arith.addf %add3A_1682, %mul3A_1773 : vector<16xf32>
          %mul3A_1775 = arith.mulf %unpack3A_1772, %mul3A_1717 : vector<16xf32>
          %add3A_1776 = arith.addf %add3A_1684, %mul3A_1775 : vector<16xf32>
          %get3A_1777 = arith.index_cast %select_n3A_244 : i32 to index
          %get3A_1778 = arith.index_cast %add3A_1719 : i32 to index
          %get3A_1779 = arith.constant 48 : index
          %get3A_1780 = tpu.vector_load %arg16[%get3A_1777, %get3A_1778, %get3A_1779] {strides = array<i32>} : memref<2x256x128xi32, #tpu.memory_space<vmem>>, vector<16xi32>,
          %bitcast3A_1781 = vector.bitcast %get3A_1780 : vector<16xi32> to vector<32xbf16>
          %mul3A_1782 = arith.constant 64 : i32
          %mul3A_1783 = arith.muli %squeeze3A_1705, %mul3A_1782 : i32
          %add3A_1784 = arith.constant 48 : i32
          %add3A_1785 = arith.addi %mul3A_1783, %add3A_1784 : i32
          %get3A_1786 = arith.index_cast %add3A_1785 : i32 to index
          %get3A_1787 = tpu.vector_load %arg11[%get3A_1786] {strides = array<i32>} : memref<960xi32, #tpu.memory_space<vmem>>, vector<16xi32>,
          %bitcast3A_1788 = vector.bitcast %get3A_1787 : vector<16xi32> to vector<32xbf16>
          %mul3A_1789 = arith.mulf %bitcast3A_1781, %bitcast3A_1788 : vector<32xbf16>
          %unpack3A_1790 = tpu.unpack_subelements %mul3A_1789, 0 {pack_format = #tpu.pack_format<interleaved>} : vector<32xbf16> -> vector<16xf32>
          %unpack3A_1791 = tpu.unpack_subelements %mul3A_1789, 1 {pack_format = #tpu.pack_format<interleaved>} : vector<32xbf16> -> vector<16xf32>
          %mul3A_1792 = arith.mulf %unpack3A_1790, %mul3A_1717 : vector<16xf32>
          %add3A_1793 = arith.addf %add3A_1701, %mul3A_1792 : vector<16xf32>
          %mul3A_1794 = arith.mulf %unpack3A_1791, %mul3A_1717 : vector<16xf32>
          %add3A_1795 = arith.addf %add3A_1703, %mul3A_1794 : vector<16xf32>
          %slice3A_1796 = vector.extract_strided_slice %select_n3A_739 {offsets = [11], sizes = [1], strides = [1]} : vector<16xi32> to vector<1xi32>
          %squeeze3A_1797 = vector.extract %slice3A_1796[0] : i32 from vector<1xi32>
          %slice3A_1798 = vector.extract_strided_slice %max3A_784 {offsets = [11], sizes = [1], strides = [1]} : vector<16xf32> to vector<1xf32>
          %squeeze3A_1799 = vector.extract %slice3A_1798[0] : f32 from vector<1xf32>
          %mul3A_1800 = arith.constant 256 : i32
          %mul3A_1801 = arith.muli %scan3A_356, %mul3A_1800 : i32
          %mul3A_1802 = arith.constant 16 : i32
          %mul3A_1803 = arith.muli %squeeze3A_1797, %mul3A_1802 : i32
          %add3A_1804 = arith.addi %mul3A_1801, %mul3A_1803 : i32
          %get3A_1805 = arith.index_cast %select_n3A_260 : i32 to index
          %get3A_1806 = arith.index_cast %add3A_1804 : i32 to index
          %get3A_1807 = tpu.vector_load %arg15[%get3A_1805, %get3A_1806] {strides = array<i32>} : memref<3x2048xf32, #tpu.memory_space<vmem>>, vector<16xf32>,
          %mul3A_1808 = vector.broadcast %squeeze3A_1799 : f32 to vector<16xf32>
          %mul3A_1809 = arith.mulf %get3A_1807, %mul3A_1808 : vector<16xf32>
          %add3A_1810 = arith.constant 11 : i32
          %add3A_1811 = arith.addi %add3A_480, %add3A_1810 : i32
          %get3A_1812 = arith.index_cast %select_n3A_244 : i32 to index
          %get3A_1813 = arith.index_cast %add3A_1811 : i32 to index
          %get3A_1814 = arith.constant 0 : index
          %get3A_1815 = tpu.vector_load %arg16[%get3A_1812, %get3A_1813, %get3A_1814] {strides = array<i32>} : memref<2x256x128xi32, #tpu.memory_space<vmem>>, vector<16xi32>,
          %bitcast3A_1816 = vector.bitcast %get3A_1815 : vector<16xi32> to vector<32xbf16>
          %mul3A_1817 = arith.constant 64 : i32
          %mul3A_1818 = arith.muli %squeeze3A_1797, %mul3A_1817 : i32
          %add3A_1819 = arith.constant 0 : i32
          %add3A_1820 = arith.addi %mul3A_1818, %add3A_1819 : i32
          %get3A_1821 = arith.index_cast %add3A_1820 : i32 to index
          %get3A_1822 = tpu.vector_load %arg11[%get3A_1821] {strides = array<i32>} : memref<960xi32, #tpu.memory_space<vmem>>, vector<16xi32>,
          %bitcast3A_1823 = vector.bitcast %get3A_1822 : vector<16xi32> to vector<32xbf16>
          %mul3A_1824 = arith.mulf %bitcast3A_1816, %bitcast3A_1823 : vector<32xbf16>
          %unpack3A_1825 = tpu.unpack_subelements %mul3A_1824, 0 {pack_format = #tpu.pack_format<interleaved>} : vector<32xbf16> -> vector<16xf32>
          %unpack3A_1826 = tpu.unpack_subelements %mul3A_1824, 1 {pack_format = #tpu.pack_format<interleaved>} : vector<32xbf16> -> vector<16xf32>
          %mul3A_1827 = arith.mulf %unpack3A_1825, %mul3A_1809 : vector<16xf32>
          %add3A_1828 = arith.addf %add3A_1736, %mul3A_1827 : vector<16xf32>
          %mul3A_1829 = arith.mulf %unpack3A_1826, %mul3A_1809 : vector<16xf32>
          %add3A_1830 = arith.addf %add3A_1738, %mul3A_1829 : vector<16xf32>
          %get3A_1831 = arith.index_cast %select_n3A_244 : i32 to index
          %get3A_1832 = arith.index_cast %add3A_1811 : i32 to index
          %get3A_1833 = arith.constant 16 : index
          %get3A_1834 = tpu.vector_load %arg16[%get3A_1831, %get3A_1832, %get3A_1833] {strides = array<i32>} : memref<2x256x128xi32, #tpu.memory_space<vmem>>, vector<16xi32>,
          %bitcast3A_1835 = vector.bitcast %get3A_1834 : vector<16xi32> to vector<32xbf16>
          %mul3A_1836 = arith.constant 64 : i32
          %mul3A_1837 = arith.muli %squeeze3A_1797, %mul3A_1836 : i32
          %add3A_1838 = arith.constant 16 : i32
          %add3A_1839 = arith.addi %mul3A_1837, %add3A_1838 : i32
          %get3A_1840 = arith.index_cast %add3A_1839 : i32 to index
          %get3A_1841 = tpu.vector_load %arg11[%get3A_1840] {strides = array<i32>} : memref<960xi32, #tpu.memory_space<vmem>>, vector<16xi32>,
          %bitcast3A_1842 = vector.bitcast %get3A_1841 : vector<16xi32> to vector<32xbf16>
          %mul3A_1843 = arith.mulf %bitcast3A_1835, %bitcast3A_1842 : vector<32xbf16>
          %unpack3A_1844 = tpu.unpack_subelements %mul3A_1843, 0 {pack_format = #tpu.pack_format<interleaved>} : vector<32xbf16> -> vector<16xf32>
          %unpack3A_1845 = tpu.unpack_subelements %mul3A_1843, 1 {pack_format = #tpu.pack_format<interleaved>} : vector<32xbf16> -> vector<16xf32>
          %mul3A_1846 = arith.mulf %unpack3A_1844, %mul3A_1809 : vector<16xf32>
          %add3A_1847 = arith.addf %add3A_1755, %mul3A_1846 : vector<16xf32>
          %mul3A_1848 = arith.mulf %unpack3A_1845, %mul3A_1809 : vector<16xf32>
          %add3A_1849 = arith.addf %add3A_1757, %mul3A_1848 : vector<16xf32>
          %get3A_1850 = arith.index_cast %select_n3A_244 : i32 to index
          %get3A_1851 = arith.index_cast %add3A_1811 : i32 to index
          %get3A_1852 = arith.constant 32 : index
          %get3A_1853 = tpu.vector_load %arg16[%get3A_1850, %get3A_1851, %get3A_1852] {strides = array<i32>} : memref<2x256x128xi32, #tpu.memory_space<vmem>>, vector<16xi32>,
          %bitcast3A_1854 = vector.bitcast %get3A_1853 : vector<16xi32> to vector<32xbf16>
          %mul3A_1855 = arith.constant 64 : i32
          %mul3A_1856 = arith.muli %squeeze3A_1797, %mul3A_1855 : i32
          %add3A_1857 = arith.constant 32 : i32
          %add3A_1858 = arith.addi %mul3A_1856, %add3A_1857 : i32
          %get3A_1859 = arith.index_cast %add3A_1858 : i32 to index
          %get3A_1860 = tpu.vector_load %arg11[%get3A_1859] {strides = array<i32>} : memref<960xi32, #tpu.memory_space<vmem>>, vector<16xi32>,
          %bitcast3A_1861 = vector.bitcast %get3A_1860 : vector<16xi32> to vector<32xbf16>
          %mul3A_1862 = arith.mulf %bitcast3A_1854, %bitcast3A_1861 : vector<32xbf16>
          %unpack3A_1863 = tpu.unpack_subelements %mul3A_1862, 0 {pack_format = #tpu.pack_format<interleaved>} : vector<32xbf16> -> vector<16xf32>
          %unpack3A_1864 = tpu.unpack_subelements %mul3A_1862, 1 {pack_format = #tpu.pack_format<interleaved>} : vector<32xbf16> -> vector<16xf32>
          %mul3A_1865 = arith.mulf %unpack3A_1863, %mul3A_1809 : vector<16xf32>
          %add3A_1866 = arith.addf %add3A_1774, %mul3A_1865 : vector<16xf32>
          %mul3A_1867 = arith.mulf %unpack3A_1864, %mul3A_1809 : vector<16xf32>
          %add3A_1868 = arith.addf %add3A_1776, %mul3A_1867 : vector<16xf32>
          %get3A_1869 = arith.index_cast %select_n3A_244 : i32 to index
          %get3A_1870 = arith.index_cast %add3A_1811 : i32 to index
          %get3A_1871 = arith.constant 48 : index
          %get3A_1872 = tpu.vector_load %arg16[%get3A_1869, %get3A_1870, %get3A_1871] {strides = array<i32>} : memref<2x256x128xi32, #tpu.memory_space<vmem>>, vector<16xi32>,
          %bitcast3A_1873 = vector.bitcast %get3A_1872 : vector<16xi32> to vector<32xbf16>
          %mul3A_1874 = arith.constant 64 : i32
          %mul3A_1875 = arith.muli %squeeze3A_1797, %mul3A_1874 : i32
          %add3A_1876 = arith.constant 48 : i32
          %add3A_1877 = arith.addi %mul3A_1875, %add3A_1876 : i32
          %get3A_1878 = arith.index_cast %add3A_1877 : i32 to index
          %get3A_1879 = tpu.vector_load %arg11[%get3A_1878] {strides = array<i32>} : memref<960xi32, #tpu.memory_space<vmem>>, vector<16xi32>,
          %bitcast3A_1880 = vector.bitcast %get3A_1879 : vector<16xi32> to vector<32xbf16>
          %mul3A_1881 = arith.mulf %bitcast3A_1873, %bitcast3A_1880 : vector<32xbf16>
          %unpack3A_1882 = tpu.unpack_subelements %mul3A_1881, 0 {pack_format = #tpu.pack_format<interleaved>} : vector<32xbf16> -> vector<16xf32>
          %unpack3A_1883 = tpu.unpack_subelements %mul3A_1881, 1 {pack_format = #tpu.pack_format<interleaved>} : vector<32xbf16> -> vector<16xf32>
          %mul3A_1884 = arith.mulf %unpack3A_1882, %mul3A_1809 : vector<16xf32>
          %add3A_1885 = arith.addf %add3A_1793, %mul3A_1884 : vector<16xf32>
          %mul3A_1886 = arith.mulf %unpack3A_1883, %mul3A_1809 : vector<16xf32>
          %add3A_1887 = arith.addf %add3A_1795, %mul3A_1886 : vector<16xf32>
          %slice3A_1888 = vector.extract_strided_slice %select_n3A_739 {offsets = [12], sizes = [1], strides = [1]} : vector<16xi32> to vector<1xi32>
          %squeeze3A_1889 = vector.extract %slice3A_1888[0] : i32 from vector<1xi32>
          %slice3A_1890 = vector.extract_strided_slice %max3A_784 {offsets = [12], sizes = [1], strides = [1]} : vector<16xf32> to vector<1xf32>
          %squeeze3A_1891 = vector.extract %slice3A_1890[0] : f32 from vector<1xf32>
          %mul3A_1892 = arith.constant 256 : i32
          %mul3A_1893 = arith.muli %scan3A_356, %mul3A_1892 : i32
          %mul3A_1894 = arith.constant 16 : i32
          %mul3A_1895 = arith.muli %squeeze3A_1889, %mul3A_1894 : i32
          %add3A_1896 = arith.addi %mul3A_1893, %mul3A_1895 : i32
          %get3A_1897 = arith.index_cast %select_n3A_260 : i32 to index
          %get3A_1898 = arith.index_cast %add3A_1896 : i32 to index
          %get3A_1899 = tpu.vector_load %arg15[%get3A_1897, %get3A_1898] {strides = array<i32>} : memref<3x2048xf32, #tpu.memory_space<vmem>>, vector<16xf32>,
          %mul3A_1900 = vector.broadcast %squeeze3A_1891 : f32 to vector<16xf32>
          %mul3A_1901 = arith.mulf %get3A_1899, %mul3A_1900 : vector<16xf32>
          %add3A_1902 = arith.constant 12 : i32
          %add3A_1903 = arith.addi %add3A_480, %add3A_1902 : i32
          %get3A_1904 = arith.index_cast %select_n3A_244 : i32 to index
          %get3A_1905 = arith.index_cast %add3A_1903 : i32 to index
          %get3A_1906 = arith.constant 0 : index
          %get3A_1907 = tpu.vector_load %arg16[%get3A_1904, %get3A_1905, %get3A_1906] {strides = array<i32>} : memref<2x256x128xi32, #tpu.memory_space<vmem>>, vector<16xi32>,
          %bitcast3A_1908 = vector.bitcast %get3A_1907 : vector<16xi32> to vector<32xbf16>
          %mul3A_1909 = arith.constant 64 : i32
          %mul3A_1910 = arith.muli %squeeze3A_1889, %mul3A_1909 : i32
          %add3A_1911 = arith.constant 0 : i32
          %add3A_1912 = arith.addi %mul3A_1910, %add3A_1911 : i32
          %get3A_1913 = arith.index_cast %add3A_1912 : i32 to index
          %get3A_1914 = tpu.vector_load %arg11[%get3A_1913] {strides = array<i32>} : memref<960xi32, #tpu.memory_space<vmem>>, vector<16xi32>,
          %bitcast3A_1915 = vector.bitcast %get3A_1914 : vector<16xi32> to vector<32xbf16>
          %mul3A_1916 = arith.mulf %bitcast3A_1908, %bitcast3A_1915 : vector<32xbf16>
          %unpack3A_1917 = tpu.unpack_subelements %mul3A_1916, 0 {pack_format = #tpu.pack_format<interleaved>} : vector<32xbf16> -> vector<16xf32>
          %unpack3A_1918 = tpu.unpack_subelements %mul3A_1916, 1 {pack_format = #tpu.pack_format<interleaved>} : vector<32xbf16> -> vector<16xf32>
          %mul3A_1919 = arith.mulf %unpack3A_1917, %mul3A_1901 : vector<16xf32>
          %add3A_1920 = arith.addf %add3A_1828, %mul3A_1919 : vector<16xf32>
          %mul3A_1921 = arith.mulf %unpack3A_1918, %mul3A_1901 : vector<16xf32>
          %add3A_1922 = arith.addf %add3A_1830, %mul3A_1921 : vector<16xf32>
          %get3A_1923 = arith.index_cast %select_n3A_244 : i32 to index
          %get3A_1924 = arith.index_cast %add3A_1903 : i32 to index
          %get3A_1925 = arith.constant 16 : index
          %get3A_1926 = tpu.vector_load %arg16[%get3A_1923, %get3A_1924, %get3A_1925] {strides = array<i32>} : memref<2x256x128xi32, #tpu.memory_space<vmem>>, vector<16xi32>,
          %bitcast3A_1927 = vector.bitcast %get3A_1926 : vector<16xi32> to vector<32xbf16>
          %mul3A_1928 = arith.constant 64 : i32
          %mul3A_1929 = arith.muli %squeeze3A_1889, %mul3A_1928 : i32
          %add3A_1930 = arith.constant 16 : i32
          %add3A_1931 = arith.addi %mul3A_1929, %add3A_1930 : i32
          %get3A_1932 = arith.index_cast %add3A_1931 : i32 to index
          %get3A_1933 = tpu.vector_load %arg11[%get3A_1932] {strides = array<i32>} : memref<960xi32, #tpu.memory_space<vmem>>, vector<16xi32>,
          %bitcast3A_1934 = vector.bitcast %get3A_1933 : vector<16xi32> to vector<32xbf16>
          %mul3A_1935 = arith.mulf %bitcast3A_1927, %bitcast3A_1934 : vector<32xbf16>
          %unpack3A_1936 = tpu.unpack_subelements %mul3A_1935, 0 {pack_format = #tpu.pack_format<interleaved>} : vector<32xbf16> -> vector<16xf32>
          %unpack3A_1937 = tpu.unpack_subelements %mul3A_1935, 1 {pack_format = #tpu.pack_format<interleaved>} : vector<32xbf16> -> vector<16xf32>
          %mul3A_1938 = arith.mulf %unpack3A_1936, %mul3A_1901 : vector<16xf32>
          %add3A_1939 = arith.addf %add3A_1847, %mul3A_1938 : vector<16xf32>
          %mul3A_1940 = arith.mulf %unpack3A_1937, %mul3A_1901 : vector<16xf32>
          %add3A_1941 = arith.addf %add3A_1849, %mul3A_1940 : vector<16xf32>
          %get3A_1942 = arith.index_cast %select_n3A_244 : i32 to index
          %get3A_1943 = arith.index_cast %add3A_1903 : i32 to index
          %get3A_1944 = arith.constant 32 : index
          %get3A_1945 = tpu.vector_load %arg16[%get3A_1942, %get3A_1943, %get3A_1944] {strides = array<i32>} : memref<2x256x128xi32, #tpu.memory_space<vmem>>, vector<16xi32>,
          %bitcast3A_1946 = vector.bitcast %get3A_1945 : vector<16xi32> to vector<32xbf16>
          %mul3A_1947 = arith.constant 64 : i32
          %mul3A_1948 = arith.muli %squeeze3A_1889, %mul3A_1947 : i32
          %add3A_1949 = arith.constant 32 : i32
          %add3A_1950 = arith.addi %mul3A_1948, %add3A_1949 : i32
          %get3A_1951 = arith.index_cast %add3A_1950 : i32 to index
          %get3A_1952 = tpu.vector_load %arg11[%get3A_1951] {strides = array<i32>} : memref<960xi32, #tpu.memory_space<vmem>>, vector<16xi32>,
          %bitcast3A_1953 = vector.bitcast %get3A_1952 : vector<16xi32> to vector<32xbf16>
          %mul3A_1954 = arith.mulf %bitcast3A_1946, %bitcast3A_1953 : vector<32xbf16>
          %unpack3A_1955 = tpu.unpack_subelements %mul3A_1954, 0 {pack_format = #tpu.pack_format<interleaved>} : vector<32xbf16> -> vector<16xf32>
          %unpack3A_1956 = tpu.unpack_subelements %mul3A_1954, 1 {pack_format = #tpu.pack_format<interleaved>} : vector<32xbf16> -> vector<16xf32>
          %mul3A_1957 = arith.mulf %unpack3A_1955, %mul3A_1901 : vector<16xf32>
          %add3A_1958 = arith.addf %add3A_1866, %mul3A_1957 : vector<16xf32>
          %mul3A_1959 = arith.mulf %unpack3A_1956, %mul3A_1901 : vector<16xf32>
          %add3A_1960 = arith.addf %add3A_1868, %mul3A_1959 : vector<16xf32>
          %get3A_1961 = arith.index_cast %select_n3A_244 : i32 to index
          %get3A_1962 = arith.index_cast %add3A_1903 : i32 to index
          %get3A_1963 = arith.constant 48 : index
          %get3A_1964 = tpu.vector_load %arg16[%get3A_1961, %get3A_1962, %get3A_1963] {strides = array<i32>} : memref<2x256x128xi32, #tpu.memory_space<vmem>>, vector<16xi32>,
          %bitcast3A_1965 = vector.bitcast %get3A_1964 : vector<16xi32> to vector<32xbf16>
          %mul3A_1966 = arith.constant 64 : i32
          %mul3A_1967 = arith.muli %squeeze3A_1889, %mul3A_1966 : i32
          %add3A_1968 = arith.constant 48 : i32
          %add3A_1969 = arith.addi %mul3A_1967, %add3A_1968 : i32
          %get3A_1970 = arith.index_cast %add3A_1969 : i32 to index
          %get3A_1971 = tpu.vector_load %arg11[%get3A_1970] {strides = array<i32>} : memref<960xi32, #tpu.memory_space<vmem>>, vector<16xi32>,
          %bitcast3A_1972 = vector.bitcast %get3A_1971 : vector<16xi32> to vector<32xbf16>
          %mul3A_1973 = arith.mulf %bitcast3A_1965, %bitcast3A_1972 : vector<32xbf16>
          %unpack3A_1974 = tpu.unpack_subelements %mul3A_1973, 0 {pack_format = #tpu.pack_format<interleaved>} : vector<32xbf16> -> vector<16xf32>
          %unpack3A_1975 = tpu.unpack_subelements %mul3A_1973, 1 {pack_format = #tpu.pack_format<interleaved>} : vector<32xbf16> -> vector<16xf32>
          %mul3A_1976 = arith.mulf %unpack3A_1974, %mul3A_1901 : vector<16xf32>
          %add3A_1977 = arith.addf %add3A_1885, %mul3A_1976 : vector<16xf32>
          %mul3A_1978 = arith.mulf %unpack3A_1975, %mul3A_1901 : vector<16xf32>
          %add3A_1979 = arith.addf %add3A_1887, %mul3A_1978 : vector<16xf32>
          %slice3A_1980 = vector.extract_strided_slice %select_n3A_739 {offsets = [13], sizes = [1], strides = [1]} : vector<16xi32> to vector<1xi32>
          %squeeze3A_1981 = vector.extract %slice3A_1980[0] : i32 from vector<1xi32>
          %slice3A_1982 = vector.extract_strided_slice %max3A_784 {offsets = [13], sizes = [1], strides = [1]} : vector<16xf32> to vector<1xf32>
          %squeeze3A_1983 = vector.extract %slice3A_1982[0] : f32 from vector<1xf32>
          %mul3A_1984 = arith.constant 256 : i32
          %mul3A_1985 = arith.muli %scan3A_356, %mul3A_1984 : i32
          %mul3A_1986 = arith.constant 16 : i32
          %mul3A_1987 = arith.muli %squeeze3A_1981, %mul3A_1986 : i32
          %add3A_1988 = arith.addi %mul3A_1985, %mul3A_1987 : i32
          %get3A_1989 = arith.index_cast %select_n3A_260 : i32 to index
          %get3A_1990 = arith.index_cast %add3A_1988 : i32 to index
          %get3A_1991 = tpu.vector_load %arg15[%get3A_1989, %get3A_1990] {strides = array<i32>} : memref<3x2048xf32, #tpu.memory_space<vmem>>, vector<16xf32>,
          %mul3A_1992 = vector.broadcast %squeeze3A_1983 : f32 to vector<16xf32>
          %mul3A_1993 = arith.mulf %get3A_1991, %mul3A_1992 : vector<16xf32>
          %add3A_1994 = arith.constant 13 : i32
          %add3A_1995 = arith.addi %add3A_480, %add3A_1994 : i32
          %get3A_1996 = arith.index_cast %select_n3A_244 : i32 to index
          %get3A_1997 = arith.index_cast %add3A_1995 : i32 to index
          %get3A_1998 = arith.constant 0 : index
          %get3A_1999 = tpu.vector_load %arg16[%get3A_1996, %get3A_1997, %get3A_1998] {strides = array<i32>} : memref<2x256x128xi32, #tpu.memory_space<vmem>>, vector<16xi32>,
          %bitcast3A_2000 = vector.bitcast %get3A_1999 : vector<16xi32> to vector<32xbf16>
          %mul3A_2001 = arith.constant 64 : i32
          %mul3A_2002 = arith.muli %squeeze3A_1981, %mul3A_2001 : i32
          %add3A_2003 = arith.constant 0 : i32
          %add3A_2004 = arith.addi %mul3A_2002, %add3A_2003 : i32
          %get3A_2005 = arith.index_cast %add3A_2004 : i32 to index
          %get3A_2006 = tpu.vector_load %arg11[%get3A_2005] {strides = array<i32>} : memref<960xi32, #tpu.memory_space<vmem>>, vector<16xi32>,
          %bitcast3A_2007 = vector.bitcast %get3A_2006 : vector<16xi32> to vector<32xbf16>
          %mul3A_2008 = arith.mulf %bitcast3A_2000, %bitcast3A_2007 : vector<32xbf16>
          %unpack3A_2009 = tpu.unpack_subelements %mul3A_2008, 0 {pack_format = #tpu.pack_format<interleaved>} : vector<32xbf16> -> vector<16xf32>
          %unpack3A_2010 = tpu.unpack_subelements %mul3A_2008, 1 {pack_format = #tpu.pack_format<interleaved>} : vector<32xbf16> -> vector<16xf32>
          %mul3A_2011 = arith.mulf %unpack3A_2009, %mul3A_1993 : vector<16xf32>
          %add3A_2012 = arith.addf %add3A_1920, %mul3A_2011 : vector<16xf32>
          %mul3A_2013 = arith.mulf %unpack3A_2010, %mul3A_1993 : vector<16xf32>
          %add3A_2014 = arith.addf %add3A_1922, %mul3A_2013 : vector<16xf32>
          %get3A_2015 = arith.index_cast %select_n3A_244 : i32 to index
          %get3A_2016 = arith.index_cast %add3A_1995 : i32 to index
          %get3A_2017 = arith.constant 16 : index
          %get3A_2018 = tpu.vector_load %arg16[%get3A_2015, %get3A_2016, %get3A_2017] {strides = array<i32>} : memref<2x256x128xi32, #tpu.memory_space<vmem>>, vector<16xi32>,
          %bitcast3A_2019 = vector.bitcast %get3A_2018 : vector<16xi32> to vector<32xbf16>
          %mul3A_2020 = arith.constant 64 : i32
          %mul3A_2021 = arith.muli %squeeze3A_1981, %mul3A_2020 : i32
          %add3A_2022 = arith.constant 16 : i32
          %add3A_2023 = arith.addi %mul3A_2021, %add3A_2022 : i32
          %get3A_2024 = arith.index_cast %add3A_2023 : i32 to index
          %get3A_2025 = tpu.vector_load %arg11[%get3A_2024] {strides = array<i32>} : memref<960xi32, #tpu.memory_space<vmem>>, vector<16xi32>,
          %bitcast3A_2026 = vector.bitcast %get3A_2025 : vector<16xi32> to vector<32xbf16>
          %mul3A_2027 = arith.mulf %bitcast3A_2019, %bitcast3A_2026 : vector<32xbf16>
          %unpack3A_2028 = tpu.unpack_subelements %mul3A_2027, 0 {pack_format = #tpu.pack_format<interleaved>} : vector<32xbf16> -> vector<16xf32>
          %unpack3A_2029 = tpu.unpack_subelements %mul3A_2027, 1 {pack_format = #tpu.pack_format<interleaved>} : vector<32xbf16> -> vector<16xf32>
          %mul3A_2030 = arith.mulf %unpack3A_2028, %mul3A_1993 : vector<16xf32>
          %add3A_2031 = arith.addf %add3A_1939, %mul3A_2030 : vector<16xf32>
          %mul3A_2032 = arith.mulf %unpack3A_2029, %mul3A_1993 : vector<16xf32>
          %add3A_2033 = arith.addf %add3A_1941, %mul3A_2032 : vector<16xf32>
          %get3A_2034 = arith.index_cast %select_n3A_244 : i32 to index
          %get3A_2035 = arith.index_cast %add3A_1995 : i32 to index
          %get3A_2036 = arith.constant 32 : index
          %get3A_2037 = tpu.vector_load %arg16[%get3A_2034, %get3A_2035, %get3A_2036] {strides = array<i32>} : memref<2x256x128xi32, #tpu.memory_space<vmem>>, vector<16xi32>,
          %bitcast3A_2038 = vector.bitcast %get3A_2037 : vector<16xi32> to vector<32xbf16>
          %mul3A_2039 = arith.constant 64 : i32
          %mul3A_2040 = arith.muli %squeeze3A_1981, %mul3A_2039 : i32
          %add3A_2041 = arith.constant 32 : i32
          %add3A_2042 = arith.addi %mul3A_2040, %add3A_2041 : i32
          %get3A_2043 = arith.index_cast %add3A_2042 : i32 to index
          %get3A_2044 = tpu.vector_load %arg11[%get3A_2043] {strides = array<i32>} : memref<960xi32, #tpu.memory_space<vmem>>, vector<16xi32>,
          %bitcast3A_2045 = vector.bitcast %get3A_2044 : vector<16xi32> to vector<32xbf16>
          %mul3A_2046 = arith.mulf %bitcast3A_2038, %bitcast3A_2045 : vector<32xbf16>
          %unpack3A_2047 = tpu.unpack_subelements %mul3A_2046, 0 {pack_format = #tpu.pack_format<interleaved>} : vector<32xbf16> -> vector<16xf32>
          %unpack3A_2048 = tpu.unpack_subelements %mul3A_2046, 1 {pack_format = #tpu.pack_format<interleaved>} : vector<32xbf16> -> vector<16xf32>
          %mul3A_2049 = arith.mulf %unpack3A_2047, %mul3A_1993 : vector<16xf32>
          %add3A_2050 = arith.addf %add3A_1958, %mul3A_2049 : vector<16xf32>
          %mul3A_2051 = arith.mulf %unpack3A_2048, %mul3A_1993 : vector<16xf32>
          %add3A_2052 = arith.addf %add3A_1960, %mul3A_2051 : vector<16xf32>
          %get3A_2053 = arith.index_cast %select_n3A_244 : i32 to index
          %get3A_2054 = arith.index_cast %add3A_1995 : i32 to index
          %get3A_2055 = arith.constant 48 : index
          %get3A_2056 = tpu.vector_load %arg16[%get3A_2053, %get3A_2054, %get3A_2055] {strides = array<i32>} : memref<2x256x128xi32, #tpu.memory_space<vmem>>, vector<16xi32>,
          %bitcast3A_2057 = vector.bitcast %get3A_2056 : vector<16xi32> to vector<32xbf16>
          %mul3A_2058 = arith.constant 64 : i32
          %mul3A_2059 = arith.muli %squeeze3A_1981, %mul3A_2058 : i32
          %add3A_2060 = arith.constant 48 : i32
          %add3A_2061 = arith.addi %mul3A_2059, %add3A_2060 : i32
          %get3A_2062 = arith.index_cast %add3A_2061 : i32 to index
          %get3A_2063 = tpu.vector_load %arg11[%get3A_2062] {strides = array<i32>} : memref<960xi32, #tpu.memory_space<vmem>>, vector<16xi32>,
          %bitcast3A_2064 = vector.bitcast %get3A_2063 : vector<16xi32> to vector<32xbf16>
          %mul3A_2065 = arith.mulf %bitcast3A_2057, %bitcast3A_2064 : vector<32xbf16>
          %unpack3A_2066 = tpu.unpack_subelements %mul3A_2065, 0 {pack_format = #tpu.pack_format<interleaved>} : vector<32xbf16> -> vector<16xf32>
          %unpack3A_2067 = tpu.unpack_subelements %mul3A_2065, 1 {pack_format = #tpu.pack_format<interleaved>} : vector<32xbf16> -> vector<16xf32>
          %mul3A_2068 = arith.mulf %unpack3A_2066, %mul3A_1993 : vector<16xf32>
          %add3A_2069 = arith.addf %add3A_1977, %mul3A_2068 : vector<16xf32>
          %mul3A_2070 = arith.mulf %unpack3A_2067, %mul3A_1993 : vector<16xf32>
          %add3A_2071 = arith.addf %add3A_1979, %mul3A_2070 : vector<16xf32>
          %slice3A_2072 = vector.extract_strided_slice %select_n3A_739 {offsets = [14], sizes = [1], strides = [1]} : vector<16xi32> to vector<1xi32>
          %squeeze3A_2073 = vector.extract %slice3A_2072[0] : i32 from vector<1xi32>
          %slice3A_2074 = vector.extract_strided_slice %max3A_784 {offsets = [14], sizes = [1], strides = [1]} : vector<16xf32> to vector<1xf32>
          %squeeze3A_2075 = vector.extract %slice3A_2074[0] : f32 from vector<1xf32>
          %mul3A_2076 = arith.constant 256 : i32
          %mul3A_2077 = arith.muli %scan3A_356, %mul3A_2076 : i32
          %mul3A_2078 = arith.constant 16 : i32
          %mul3A_2079 = arith.muli %squeeze3A_2073, %mul3A_2078 : i32
          %add3A_2080 = arith.addi %mul3A_2077, %mul3A_2079 : i32
          %get3A_2081 = arith.index_cast %select_n3A_260 : i32 to index
          %get3A_2082 = arith.index_cast %add3A_2080 : i32 to index
          %get3A_2083 = tpu.vector_load %arg15[%get3A_2081, %get3A_2082] {strides = array<i32>} : memref<3x2048xf32, #tpu.memory_space<vmem>>, vector<16xf32>,
          %mul3A_2084 = vector.broadcast %squeeze3A_2075 : f32 to vector<16xf32>
          %mul3A_2085 = arith.mulf %get3A_2083, %mul3A_2084 : vector<16xf32>
          %add3A_2086 = arith.constant 14 : i32
          %add3A_2087 = arith.addi %add3A_480, %add3A_2086 : i32
          %get3A_2088 = arith.index_cast %select_n3A_244 : i32 to index
          %get3A_2089 = arith.index_cast %add3A_2087 : i32 to index
          %get3A_2090 = arith.constant 0 : index
          %get3A_2091 = tpu.vector_load %arg16[%get3A_2088, %get3A_2089, %get3A_2090] {strides = array<i32>} : memref<2x256x128xi32, #tpu.memory_space<vmem>>, vector<16xi32>,
          %bitcast3A_2092 = vector.bitcast %get3A_2091 : vector<16xi32> to vector<32xbf16>
          %mul3A_2093 = arith.constant 64 : i32
          %mul3A_2094 = arith.muli %squeeze3A_2073, %mul3A_2093 : i32
          %add3A_2095 = arith.constant 0 : i32
          %add3A_2096 = arith.addi %mul3A_2094, %add3A_2095 : i32
          %get3A_2097 = arith.index_cast %add3A_2096 : i32 to index
          %get3A_2098 = tpu.vector_load %arg11[%get3A_2097] {strides = array<i32>} : memref<960xi32, #tpu.memory_space<vmem>>, vector<16xi32>,
          %bitcast3A_2099 = vector.bitcast %get3A_2098 : vector<16xi32> to vector<32xbf16>
          %mul3A_2100 = arith.mulf %bitcast3A_2092, %bitcast3A_2099 : vector<32xbf16>
          %unpack3A_2101 = tpu.unpack_subelements %mul3A_2100, 0 {pack_format = #tpu.pack_format<interleaved>} : vector<32xbf16> -> vector<16xf32>
          %unpack3A_2102 = tpu.unpack_subelements %mul3A_2100, 1 {pack_format = #tpu.pack_format<interleaved>} : vector<32xbf16> -> vector<16xf32>
          %mul3A_2103 = arith.mulf %unpack3A_2101, %mul3A_2085 : vector<16xf32>
          %add3A_2104 = arith.addf %add3A_2012, %mul3A_2103 : vector<16xf32>
          %mul3A_2105 = arith.mulf %unpack3A_2102, %mul3A_2085 : vector<16xf32>
          %add3A_2106 = arith.addf %add3A_2014, %mul3A_2105 : vector<16xf32>
          %get3A_2107 = arith.index_cast %select_n3A_244 : i32 to index
          %get3A_2108 = arith.index_cast %add3A_2087 : i32 to index
          %get3A_2109 = arith.constant 16 : index
          %get3A_2110 = tpu.vector_load %arg16[%get3A_2107, %get3A_2108, %get3A_2109] {strides = array<i32>} : memref<2x256x128xi32, #tpu.memory_space<vmem>>, vector<16xi32>,
          %bitcast3A_2111 = vector.bitcast %get3A_2110 : vector<16xi32> to vector<32xbf16>
          %mul3A_2112 = arith.constant 64 : i32
          %mul3A_2113 = arith.muli %squeeze3A_2073, %mul3A_2112 : i32
          %add3A_2114 = arith.constant 16 : i32
          %add3A_2115 = arith.addi %mul3A_2113, %add3A_2114 : i32
          %get3A_2116 = arith.index_cast %add3A_2115 : i32 to index
          %get3A_2117 = tpu.vector_load %arg11[%get3A_2116] {strides = array<i32>} : memref<960xi32, #tpu.memory_space<vmem>>, vector<16xi32>,
          %bitcast3A_2118 = vector.bitcast %get3A_2117 : vector<16xi32> to vector<32xbf16>
          %mul3A_2119 = arith.mulf %bitcast3A_2111, %bitcast3A_2118 : vector<32xbf16>
          %unpack3A_2120 = tpu.unpack_subelements %mul3A_2119, 0 {pack_format = #tpu.pack_format<interleaved>} : vector<32xbf16> -> vector<16xf32>
          %unpack3A_2121 = tpu.unpack_subelements %mul3A_2119, 1 {pack_format = #tpu.pack_format<interleaved>} : vector<32xbf16> -> vector<16xf32>
          %mul3A_2122 = arith.mulf %unpack3A_2120, %mul3A_2085 : vector<16xf32>
          %add3A_2123 = arith.addf %add3A_2031, %mul3A_2122 : vector<16xf32>
          %mul3A_2124 = arith.mulf %unpack3A_2121, %mul3A_2085 : vector<16xf32>
          %add3A_2125 = arith.addf %add3A_2033, %mul3A_2124 : vector<16xf32>
          %get3A_2126 = arith.index_cast %select_n3A_244 : i32 to index
          %get3A_2127 = arith.index_cast %add3A_2087 : i32 to index
          %get3A_2128 = arith.constant 32 : index
          %get3A_2129 = tpu.vector_load %arg16[%get3A_2126, %get3A_2127, %get3A_2128] {strides = array<i32>} : memref<2x256x128xi32, #tpu.memory_space<vmem>>, vector<16xi32>,
          %bitcast3A_2130 = vector.bitcast %get3A_2129 : vector<16xi32> to vector<32xbf16>
          %mul3A_2131 = arith.constant 64 : i32
          %mul3A_2132 = arith.muli %squeeze3A_2073, %mul3A_2131 : i32
          %add3A_2133 = arith.constant 32 : i32
          %add3A_2134 = arith.addi %mul3A_2132, %add3A_2133 : i32
          %get3A_2135 = arith.index_cast %add3A_2134 : i32 to index
          %get3A_2136 = tpu.vector_load %arg11[%get3A_2135] {strides = array<i32>} : memref<960xi32, #tpu.memory_space<vmem>>, vector<16xi32>,
          %bitcast3A_2137 = vector.bitcast %get3A_2136 : vector<16xi32> to vector<32xbf16>
          %mul3A_2138 = arith.mulf %bitcast3A_2130, %bitcast3A_2137 : vector<32xbf16>
          %unpack3A_2139 = tpu.unpack_subelements %mul3A_2138, 0 {pack_format = #tpu.pack_format<interleaved>} : vector<32xbf16> -> vector<16xf32>
          %unpack3A_2140 = tpu.unpack_subelements %mul3A_2138, 1 {pack_format = #tpu.pack_format<interleaved>} : vector<32xbf16> -> vector<16xf32>
          %mul3A_2141 = arith.mulf %unpack3A_2139, %mul3A_2085 : vector<16xf32>
          %add3A_2142 = arith.addf %add3A_2050, %mul3A_2141 : vector<16xf32>
          %mul3A_2143 = arith.mulf %unpack3A_2140, %mul3A_2085 : vector<16xf32>
          %add3A_2144 = arith.addf %add3A_2052, %mul3A_2143 : vector<16xf32>
          %get3A_2145 = arith.index_cast %select_n3A_244 : i32 to index
          %get3A_2146 = arith.index_cast %add3A_2087 : i32 to index
          %get3A_2147 = arith.constant 48 : index
          %get3A_2148 = tpu.vector_load %arg16[%get3A_2145, %get3A_2146, %get3A_2147] {strides = array<i32>} : memref<2x256x128xi32, #tpu.memory_space<vmem>>, vector<16xi32>,
          %bitcast3A_2149 = vector.bitcast %get3A_2148 : vector<16xi32> to vector<32xbf16>
          %mul3A_2150 = arith.constant 64 : i32
          %mul3A_2151 = arith.muli %squeeze3A_2073, %mul3A_2150 : i32
          %add3A_2152 = arith.constant 48 : i32
          %add3A_2153 = arith.addi %mul3A_2151, %add3A_2152 : i32
          %get3A_2154 = arith.index_cast %add3A_2153 : i32 to index
          %get3A_2155 = tpu.vector_load %arg11[%get3A_2154] {strides = array<i32>} : memref<960xi32, #tpu.memory_space<vmem>>, vector<16xi32>,
          %bitcast3A_2156 = vector.bitcast %get3A_2155 : vector<16xi32> to vector<32xbf16>
          %mul3A_2157 = arith.mulf %bitcast3A_2149, %bitcast3A_2156 : vector<32xbf16>
          %unpack3A_2158 = tpu.unpack_subelements %mul3A_2157, 0 {pack_format = #tpu.pack_format<interleaved>} : vector<32xbf16> -> vector<16xf32>
          %unpack3A_2159 = tpu.unpack_subelements %mul3A_2157, 1 {pack_format = #tpu.pack_format<interleaved>} : vector<32xbf16> -> vector<16xf32>
          %mul3A_2160 = arith.mulf %unpack3A_2158, %mul3A_2085 : vector<16xf32>
          %add3A_2161 = arith.addf %add3A_2069, %mul3A_2160 : vector<16xf32>
          %mul3A_2162 = arith.mulf %unpack3A_2159, %mul3A_2085 : vector<16xf32>
          %add3A_2163 = arith.addf %add3A_2071, %mul3A_2162 : vector<16xf32>
          %slice3A_2164 = vector.extract_strided_slice %select_n3A_739 {offsets = [15], sizes = [1], strides = [1]} : vector<16xi32> to vector<1xi32>
          %squeeze3A_2165 = vector.extract %slice3A_2164[0] : i32 from vector<1xi32>
          %slice3A_2166 = vector.extract_strided_slice %max3A_784 {offsets = [15], sizes = [1], strides = [1]} : vector<16xf32> to vector<1xf32>
          %squeeze3A_2167 = vector.extract %slice3A_2166[0] : f32 from vector<1xf32>
          %mul3A_2168 = arith.constant 256 : i32
          %mul3A_2169 = arith.muli %scan3A_356, %mul3A_2168 : i32
          %mul3A_2170 = arith.constant 16 : i32
          %mul3A_2171 = arith.muli %squeeze3A_2165, %mul3A_2170 : i32
          %add3A_2172 = arith.addi %mul3A_2169, %mul3A_2171 : i32
          %get3A_2173 = arith.index_cast %select_n3A_260 : i32 to index
          %get3A_2174 = arith.index_cast %add3A_2172 : i32 to index
          %get3A_2175 = tpu.vector_load %arg15[%get3A_2173, %get3A_2174] {strides = array<i32>} : memref<3x2048xf32, #tpu.memory_space<vmem>>, vector<16xf32>,
          %mul3A_2176 = vector.broadcast %squeeze3A_2167 : f32 to vector<16xf32>
          %mul3A_2177 = arith.mulf %get3A_2175, %mul3A_2176 : vector<16xf32>
          %add3A_2178 = arith.constant 15 : i32
          %add3A_2179 = arith.addi %add3A_480, %add3A_2178 : i32
          %get3A_2180 = arith.index_cast %select_n3A_244 : i32 to index
          %get3A_2181 = arith.index_cast %add3A_2179 : i32 to index
          %get3A_2182 = arith.constant 0 : index
          %get3A_2183 = tpu.vector_load %arg16[%get3A_2180, %get3A_2181, %get3A_2182] {strides = array<i32>} : memref<2x256x128xi32, #tpu.memory_space<vmem>>, vector<16xi32>,
          %bitcast3A_2184 = vector.bitcast %get3A_2183 : vector<16xi32> to vector<32xbf16>
          %mul3A_2185 = arith.constant 64 : i32
          %mul3A_2186 = arith.muli %squeeze3A_2165, %mul3A_2185 : i32
          %add3A_2187 = arith.constant 0 : i32
          %add3A_2188 = arith.addi %mul3A_2186, %add3A_2187 : i32
          %get3A_2189 = arith.index_cast %add3A_2188 : i32 to index
          %get3A_2190 = tpu.vector_load %arg11[%get3A_2189] {strides = array<i32>} : memref<960xi32, #tpu.memory_space<vmem>>, vector<16xi32>,
          %bitcast3A_2191 = vector.bitcast %get3A_2190 : vector<16xi32> to vector<32xbf16>
          %mul3A_2192 = arith.mulf %bitcast3A_2184, %bitcast3A_2191 : vector<32xbf16>
          %unpack3A_2193 = tpu.unpack_subelements %mul3A_2192, 0 {pack_format = #tpu.pack_format<interleaved>} : vector<32xbf16> -> vector<16xf32>
          %unpack3A_2194 = tpu.unpack_subelements %mul3A_2192, 1 {pack_format = #tpu.pack_format<interleaved>} : vector<32xbf16> -> vector<16xf32>
          %mul3A_2195 = arith.mulf %unpack3A_2193, %mul3A_2177 : vector<16xf32>
          %add3A_2196 = arith.addf %add3A_2104, %mul3A_2195 : vector<16xf32>
          %mul3A_2197 = arith.mulf %unpack3A_2194, %mul3A_2177 : vector<16xf32>
          %add3A_2198 = arith.addf %add3A_2106, %mul3A_2197 : vector<16xf32>
          %get3A_2199 = arith.index_cast %select_n3A_244 : i32 to index
          %get3A_2200 = arith.index_cast %add3A_2179 : i32 to index
          %get3A_2201 = arith.constant 16 : index
          %get3A_2202 = tpu.vector_load %arg16[%get3A_2199, %get3A_2200, %get3A_2201] {strides = array<i32>} : memref<2x256x128xi32, #tpu.memory_space<vmem>>, vector<16xi32>,
          %bitcast3A_2203 = vector.bitcast %get3A_2202 : vector<16xi32> to vector<32xbf16>
          %mul3A_2204 = arith.constant 64 : i32
          %mul3A_2205 = arith.muli %squeeze3A_2165, %mul3A_2204 : i32
          %add3A_2206 = arith.constant 16 : i32
          %add3A_2207 = arith.addi %mul3A_2205, %add3A_2206 : i32
          %get3A_2208 = arith.index_cast %add3A_2207 : i32 to index
          %get3A_2209 = tpu.vector_load %arg11[%get3A_2208] {strides = array<i32>} : memref<960xi32, #tpu.memory_space<vmem>>, vector<16xi32>,
          %bitcast3A_2210 = vector.bitcast %get3A_2209 : vector<16xi32> to vector<32xbf16>
          %mul3A_2211 = arith.mulf %bitcast3A_2203, %bitcast3A_2210 : vector<32xbf16>
          %unpack3A_2212 = tpu.unpack_subelements %mul3A_2211, 0 {pack_format = #tpu.pack_format<interleaved>} : vector<32xbf16> -> vector<16xf32>
          %unpack3A_2213 = tpu.unpack_subelements %mul3A_2211, 1 {pack_format = #tpu.pack_format<interleaved>} : vector<32xbf16> -> vector<16xf32>
          %mul3A_2214 = arith.mulf %unpack3A_2212, %mul3A_2177 : vector<16xf32>
          %add3A_2215 = arith.addf %add3A_2123, %mul3A_2214 : vector<16xf32>
          %mul3A_2216 = arith.mulf %unpack3A_2213, %mul3A_2177 : vector<16xf32>
          %add3A_2217 = arith.addf %add3A_2125, %mul3A_2216 : vector<16xf32>
          %get3A_2218 = arith.index_cast %select_n3A_244 : i32 to index
          %get3A_2219 = arith.index_cast %add3A_2179 : i32 to index
          %get3A_2220 = arith.constant 32 : index
          %get3A_2221 = tpu.vector_load %arg16[%get3A_2218, %get3A_2219, %get3A_2220] {strides = array<i32>} : memref<2x256x128xi32, #tpu.memory_space<vmem>>, vector<16xi32>,
          %bitcast3A_2222 = vector.bitcast %get3A_2221 : vector<16xi32> to vector<32xbf16>
          %mul3A_2223 = arith.constant 64 : i32
          %mul3A_2224 = arith.muli %squeeze3A_2165, %mul3A_2223 : i32
          %add3A_2225 = arith.constant 32 : i32
          %add3A_2226 = arith.addi %mul3A_2224, %add3A_2225 : i32
          %get3A_2227 = arith.index_cast %add3A_2226 : i32 to index
          %get3A_2228 = tpu.vector_load %arg11[%get3A_2227] {strides = array<i32>} : memref<960xi32, #tpu.memory_space<vmem>>, vector<16xi32>,
          %bitcast3A_2229 = vector.bitcast %get3A_2228 : vector<16xi32> to vector<32xbf16>
          %mul3A_2230 = arith.mulf %bitcast3A_2222, %bitcast3A_2229 : vector<32xbf16>
          %unpack3A_2231 = tpu.unpack_subelements %mul3A_2230, 0 {pack_format = #tpu.pack_format<interleaved>} : vector<32xbf16> -> vector<16xf32>
          %unpack3A_2232 = tpu.unpack_subelements %mul3A_2230, 1 {pack_format = #tpu.pack_format<interleaved>} : vector<32xbf16> -> vector<16xf32>
          %mul3A_2233 = arith.mulf %unpack3A_2231, %mul3A_2177 : vector<16xf32>
          %add3A_2234 = arith.addf %add3A_2142, %mul3A_2233 : vector<16xf32>
          %mul3A_2235 = arith.mulf %unpack3A_2232, %mul3A_2177 : vector<16xf32>
          %add3A_2236 = arith.addf %add3A_2144, %mul3A_2235 : vector<16xf32>
          %get3A_2237 = arith.index_cast %select_n3A_244 : i32 to index
          %get3A_2238 = arith.index_cast %add3A_2179 : i32 to index
          %get3A_2239 = arith.constant 48 : index
          %get3A_2240 = tpu.vector_load %arg16[%get3A_2237, %get3A_2238, %get3A_2239] {strides = array<i32>} : memref<2x256x128xi32, #tpu.memory_space<vmem>>, vector<16xi32>,
          %bitcast3A_2241 = vector.bitcast %get3A_2240 : vector<16xi32> to vector<32xbf16>
          %mul3A_2242 = arith.constant 64 : i32
          %mul3A_2243 = arith.muli %squeeze3A_2165, %mul3A_2242 : i32
          %add3A_2244 = arith.constant 48 : i32
          %add3A_2245 = arith.addi %mul3A_2243, %add3A_2244 : i32
          %get3A_2246 = arith.index_cast %add3A_2245 : i32 to index
          %get3A_2247 = tpu.vector_load %arg11[%get3A_2246] {strides = array<i32>} : memref<960xi32, #tpu.memory_space<vmem>>, vector<16xi32>,
          %bitcast3A_2248 = vector.bitcast %get3A_2247 : vector<16xi32> to vector<32xbf16>
          %mul3A_2249 = arith.mulf %bitcast3A_2241, %bitcast3A_2248 : vector<32xbf16>
          %unpack3A_2250 = tpu.unpack_subelements %mul3A_2249, 0 {pack_format = #tpu.pack_format<interleaved>} : vector<32xbf16> -> vector<16xf32>
          %unpack3A_2251 = tpu.unpack_subelements %mul3A_2249, 1 {pack_format = #tpu.pack_format<interleaved>} : vector<32xbf16> -> vector<16xf32>
          %mul3A_2252 = arith.mulf %unpack3A_2250, %mul3A_2177 : vector<16xf32>
          %add3A_2253 = arith.addf %add3A_2161, %mul3A_2252 : vector<16xf32>
          %mul3A_2254 = arith.mulf %unpack3A_2251, %mul3A_2177 : vector<16xf32>
          %add3A_2255 = arith.addf %add3A_2163, %mul3A_2254 : vector<16xf32>
          scf.yield %add3A_2196, %add3A_2198, %add3A_2215, %add3A_2217, %add3A_2234, %add3A_2236, %add3A_2253, %add3A_2255 : vector<16xf32>, vector<16xf32>, vector<16xf32>, vector<16xf32>, vector<16xf32>, vector<16xf32>, vector<16xf32>, vector<16xf32>
        }
        %scan3A_443 = arith.constant 2 : i32
        %swap3A = arith.index_cast %scan3A_356 : i32 to index
        %swap3A_444 = arith.constant 0 : index
        %swap3A_445 = tpu.vector_load %arg17[%swap3A, %swap3A_444] {strides = array<i32>} : memref<8x128xf32, #tpu.memory_space<vmem>>, vector<16xf32>,
        tpu.vector_store %arg17[%swap3A, %swap3A_444], %scan3A_442#0 {strides = array<i32>} : memref<8x128xf32, #tpu.memory_space<vmem>>, vector<16xf32>,
        %swap3A_446 = arith.index_cast %scan3A_356 : i32 to index
        %swap3A_447 = arith.constant 16 : index
        %swap3A_448 = tpu.vector_load %arg17[%swap3A_446, %swap3A_447] {strides = array<i32>} : memref<8x128xf32, #tpu.memory_space<vmem>>, vector<16xf32>,
        tpu.vector_store %arg17[%swap3A_446, %swap3A_447], %scan3A_442#1 {strides = array<i32>} : memref<8x128xf32, #tpu.memory_space<vmem>>, vector<16xf32>,
        %swap3A_449 = arith.index_cast %scan3A_356 : i32 to index
        %swap3A_450 = arith.constant 32 : index
        %swap3A_451 = tpu.vector_load %arg17[%swap3A_449, %swap3A_450] {strides = array<i32>} : memref<8x128xf32, #tpu.memory_space<vmem>>, vector<16xf32>,
        tpu.vector_store %arg17[%swap3A_449, %swap3A_450], %scan3A_442#2 {strides = array<i32>} : memref<8x128xf32, #tpu.memory_space<vmem>>, vector<16xf32>,
        %swap3A_452 = arith.index_cast %scan3A_356 : i32 to index
        %swap3A_453 = arith.constant 48 : index
        %swap3A_454 = tpu.vector_load %arg17[%swap3A_452, %swap3A_453] {strides = array<i32>} : memref<8x128xf32, #tpu.memory_space<vmem>>, vector<16xf32>,
        tpu.vector_store %arg17[%swap3A_452, %swap3A_453], %scan3A_442#3 {strides = array<i32>} : memref<8x128xf32, #tpu.memory_space<vmem>>, vector<16xf32>,
        %swap3A_455 = arith.index_cast %scan3A_356 : i32 to index
        %swap3A_456 = arith.constant 64 : index
        %swap3A_457 = tpu.vector_load %arg17[%swap3A_455, %swap3A_456] {strides = array<i32>} : memref<8x128xf32, #tpu.memory_space<vmem>>, vector<16xf32>,
        tpu.vector_store %arg17[%swap3A_455, %swap3A_456], %scan3A_442#4 {strides = array<i32>} : memref<8x128xf32, #tpu.memory_space<vmem>>, vector<16xf32>,
        %swap3A_458 = arith.index_cast %scan3A_356 : i32 to index
        %swap3A_459 = arith.constant 80 : index
        %swap3A_460 = tpu.vector_load %arg17[%swap3A_458, %swap3A_459] {strides = array<i32>} : memref<8x128xf32, #tpu.memory_space<vmem>>, vector<16xf32>,
        tpu.vector_store %arg17[%swap3A_458, %swap3A_459], %scan3A_442#5 {strides = array<i32>} : memref<8x128xf32, #tpu.memory_space<vmem>>, vector<16xf32>,
        %swap3A_461 = arith.index_cast %scan3A_356 : i32 to index
        %swap3A_462 = arith.constant 96 : index
        %swap3A_463 = tpu.vector_load %arg17[%swap3A_461, %swap3A_462] {strides = array<i32>} : memref<8x128xf32, #tpu.memory_space<vmem>>, vector<16xf32>,
        tpu.vector_store %arg17[%swap3A_461, %swap3A_462], %scan3A_442#6 {strides = array<i32>} : memref<8x128xf32, #tpu.memory_space<vmem>>, vector<16xf32>,
        %swap3A_464 = arith.index_cast %scan3A_356 : i32 to index
        %swap3A_465 = arith.constant 112 : index
        %swap3A_466 = tpu.vector_load %arg17[%swap3A_464, %swap3A_465] {strides = array<i32>} : memref<8x128xf32, #tpu.memory_space<vmem>>, vector<16xf32>,
        tpu.vector_store %arg17[%swap3A_464, %swap3A_465], %scan3A_442#7 {strides = array<i32>} : memref<8x128xf32, #tpu.memory_space<vmem>>, vector<16xf32>,
      }
      %scan3A_351 = arith.constant 8 : i32
      %dma_start3A_352 = arith.constant 0 : i32
      %dma_start3A_353 = tpu.memref_slice %arg9[%mul3A_265, %dma_start3A_352] : memref<10000x128xf32, #tpu.memory_space<hbm>> -> memref<8x128xf32, #tpu.memory_space<hbm>>
      %dma_start3A_354 = arith.constant 0 : i32
      %dma_start3A_355 = tpu.memref_slice %arg9[%mul3A_265, %dma_start3A_354] : memref<10000x128xf32, #tpu.memory_space<hbm>> -> memref<8x128xf32, #tpu.memory_space<hbm>>
      tpu.enqueue_dma source(%arg17 : memref<8x128xf32, #tpu.memory_space<vmem>>) target(%dma_start3A_355 : memref<8x128xf32, #tpu.memory_space<hbm>>) target_semaphore(%arg20 : memref<!tpu.dma_semaphore, #tpu.memory_space<semaphore_mem>>)
    }
    %sub3A_219 = arith.constant 1 : i32
    %sub3A_220 = arith.subi %select_n3A, %sub3A_219 : i32
    %mul3A_221 = arith.constant 32 : i32
    %mul3A_222 = arith.muli %mul3A_221, %sub3A_220 : i32
    %add3A_223 = arith.addi %add3A, %mul3A_222 : i32
    %mul3A_224 = arith.constant 8 : i32
    %mul3A_225 = arith.muli %add3A_223, %mul3A_224 : i32
    %dma_wait3A_226 = arith.constant 0 : i32
    %dma_wait3A_227 = tpu.memref_slice %arg9[%mul3A_225, %dma_wait3A_226] : memref<10000x128xf32, #tpu.memory_space<hbm>> -> memref<8x128xf32, #tpu.memory_space<hbm>>
    %dma_wait3A_228 = arith.constant 0 : i32
    %dma_wait3A_229 = tpu.memref_slice %arg9[%mul3A_225, %dma_wait3A_228] : memref<10000x128xf32, #tpu.memory_space<hbm>> -> memref<8x128xf32, #tpu.memory_space<hbm>>
    tpu.wait_dma2 semaphore(%arg20 : memref<!tpu.dma_semaphore, #tpu.memory_space<semaphore_mem>>) src(%arg17 : memref<8x128xf32, #tpu.memory_space<vmem>>) dst(%dma_wait3A_229 : memref<8x128xf32, #tpu.memory_space<hbm>>)
    return
  }
}

module attributes {stable_mosaic.version = 14 : i64} {
  func.func @_mlp_body(%arg0: i32, %arg1: memref<1000x128xf32, #tpu.memory_space<vmem>>, %arg2: memref<128x128xf32, #tpu.memory_space<vmem>>, %arg3: memref<1x128xf32, #tpu.memory_space<vmem>>, %arg4: memref<128x256xf32, #tpu.memory_space<vmem>>, %arg5: memref<1000x256xf32, #tpu.memory_space<vmem>>) attributes {dimension_semantics = [#tpu.dimension_semantics<arbitrary>], iteration_bounds = array<i64: 10>, scalar_prefetch = 0 : i64, scratch_operands = 0 : i64, tpu.core_type = #tpu.core_type<tc>, window_params = [{transform_indices = @transform_0, window_bounds = array<i64: 1000, 128>}, {pipeline_mode = #tpu.pipeline_mode<synchronous>, transform_indices = @transform_1, window_bounds = array<i64: 128, 128>}, {pipeline_mode = #tpu.pipeline_mode<synchronous>, transform_indices = @transform_2, window_bounds = array<i64: 1, 128>}, {pipeline_mode = #tpu.pipeline_mode<synchronous>, transform_indices = @transform_3, window_bounds = array<i64: 128, 256>}, {transform_indices = @transform_4, window_bounds = array<i64: 1000, 256>}]} {
    %get3A = arith.constant 0 : index
    %get3A_0 = arith.constant 0 : index
    %get3A_1 = vector.load %arg1[%get3A, %get3A_0] : memref<1000x128xf32, #tpu.memory_space<vmem>>, vector<1000x128xf32>
    %get3A_2 = arith.constant 0 : index
    %get3A_3 = arith.constant 0 : index
    %get3A_4 = vector.load %arg2[%get3A_2, %get3A_3] : memref<128x128xf32, #tpu.memory_space<vmem>>, vector<128x128xf32>
    %dot_general3A = arith.constant dense<0.000000e+00> : vector<1000x128xf32>
    %dot_general3A_5 = tpu.matmul %get3A_1, %get3A_4, %dot_general3A {dimension_numbers = #tpu.dot_dimension_numbers<[1], [0], [0], [1], [0, 0, 1, 1], [], []>, transpose_lhs_hint = false} : vector<1000x128xf32>, vector<128x128xf32>, vector<1000x128xf32> -> vector<1000x128xf32>
    %get3A_6 = arith.constant 0 : index
    %get3A_7 = arith.constant 0 : index
    %get3A_8 = vector.load %arg3[%get3A_6, %get3A_7] : memref<1x128xf32, #tpu.memory_space<vmem>>, vector<1x128xf32>
    %add3A = vector.broadcast %get3A_8 : vector<1x128xf32> to vector<1000x128xf32>
    %add3A_9 = arith.addf %dot_general3A_5, %add3A : vector<1000x128xf32>
    %gt3A = arith.constant 0.000000e+00 : f32
    %gt3A_10 = vector.broadcast %gt3A : f32 to vector<1000x128xf32>
    %gt3A_11 = arith.cmpf ogt, %add3A_9, %gt3A_10 : vector<1000x128xf32>
    %mul3A = arith.constant 1.000000e-01 : f32
    %mul3A_12 = vector.broadcast %mul3A : f32 to vector<1000x128xf32>
    %mul3A_13 = arith.mulf %add3A_9, %mul3A_12 : vector<1000x128xf32>
    %select_n3A = arith.select %gt3A_11, %add3A_9, %mul3A_13 : vector<1000x128xi1>, vector<1000x128xf32>
    %get3A_14 = arith.constant 0 : index
    %get3A_15 = arith.constant 0 : index
    %get3A_16 = vector.load %arg4[%get3A_14, %get3A_15] : memref<128x256xf32, #tpu.memory_space<vmem>>, vector<128x256xf32>
    %dot_general3A_17 = arith.constant dense<0.000000e+00> : vector<1000x256xf32>
    %dot_general3A_18 = tpu.matmul %select_n3A, %get3A_16, %dot_general3A_17 {dimension_numbers = #tpu.dot_dimension_numbers<[1], [0], [0], [1], [0, 0, 1, 1], [], []>, transpose_lhs_hint = false} : vector<1000x128xf32>, vector<128x256xf32>, vector<1000x256xf32> -> vector<1000x256xf32>
    %neg3A = arith.constant 0.000000e+00 : f32
    %neg3A_19 = vector.broadcast %neg3A : f32 to vector<1000x256xf32>
    %neg3A_20 = arith.subf %neg3A_19, %dot_general3A_18 : vector<1000x256xf32>
    %exp3A = math.exp %neg3A_20 : vector<1000x256xf32>
    %add3A_21 = arith.constant 1.000000e+00 : f32
    %add3A_22 = vector.broadcast %add3A_21 : f32 to vector<1000x256xf32>
    %add3A_23 = arith.addf %add3A_22, %exp3A : vector<1000x256xf32>
    %div3A = arith.constant 1.000000e+00 : f32
    %div3A_24 = vector.broadcast %div3A : f32 to vector<1000x256xf32>
    %div3A_25 = arith.divf %div3A_24, %add3A_23 : vector<1000x256xf32>
    %swap3A = arith.constant 0 : index
    %swap3A_26 = arith.constant 0 : index
    %swap3A_27 = vector.load %arg5[%swap3A, %swap3A_26] : memref<1000x256xf32, #tpu.memory_space<vmem>>, vector<1000x256xf32>
    tpu.vector_store %arg5[%swap3A, %swap3A_26], %div3A_25 {strides = array<i32>} : memref<1000x256xf32, #tpu.memory_space<vmem>>, vector<1000x256xf32>,
    return
  }
  func.func @transform_0(%arg0: i32) -> (i32, i32) {
    %c0_i32 = arith.constant 0 : i32
    %c0_i32_0 = arith.constant 0 : i32
    return %arg0, %c0_i32 : i32, i32
  }
  func.func @transform_1(%arg0: i32) -> (i32, i32) {
    %c0_i32 = arith.constant 0 : i32
    %c0_i32_0 = arith.constant 0 : i32
    %c0_i32_1 = arith.constant 0 : i32
    return %c0_i32, %c0_i32_0 : i32, i32
  }
  func.func @transform_2(%arg0: i32) -> (i32, i32) {
    %c0_i32 = arith.constant 0 : i32
    %c0_i32_0 = arith.constant 0 : i32
    %c0_i32_1 = arith.constant 0 : i32
    return %c0_i32, %c0_i32_0 : i32, i32
  }
  func.func @transform_3(%arg0: i32) -> (i32, i32) {
    %c0_i32 = arith.constant 0 : i32
    %c0_i32_0 = arith.constant 0 : i32
    %c0_i32_1 = arith.constant 0 : i32
    return %c0_i32, %c0_i32_0 : i32, i32
  }
  func.func @transform_4(%arg0: i32) -> (i32, i32) {
    %c0_i32 = arith.constant 0 : i32
    %c0_i32_0 = arith.constant 0 : i32
    return %arg0, %c0_i32 : i32, i32
  }
}

</mosaic_0001>

<sc_bundles>
// kernel: kernel.4.cloned.1.call-start
scs
__scs_entry_jumppad:
0x0: {  	(pc) =	sbr.rel $0x88, $3  }
0x1: {  	(tag) =	ssettag $0x0;
	lr =	simm.s32 $0x1  }
0x2: {  	[smem:$0x3F98] =	sst lr;
	_ =	strace $0xD0000000  }
0x3: {  	_ = 	snop  }
0x4: {  	_ = 	snop  }
0x5: {  	_ = 	snop  }
0x6: {  	_ = 	snop  }
0x7: {  	_ = 	snop  }
__scs_overlays_trampoline_lowered:
0x8: {  	[smem:$0x3FA7] =	sst s0  }
0x9: {  	[smem:$0x3FA8] =	sst s1  }
0xa: {  	[smem:$0x3FA9] =	sst s2  }
0xb: {  	[smem:$0x3FAA] =	sst s3  }
0xc: {  	[smem:$0x3FAB] =	sst s4  }
0xd: {  	[smem:$0x3FAC] =	sst s5  }
0xe: {  	[smem:$0x3FAD] =	sst s6  }
0xf: {  	[smem:$0x3FAE] =	sst s7  }
0x10: {  	[smem:$0x3FAF] =	sst s8  }
0x11: {  	[smem:$0x3FB0] =	sst s9;
	s0 =	simm.s32 @!p0 $0x0  }
0x12: {  	s1 =	sld [smem:$0x3F96];
	s0 =	simm.s32 @p0 $0x1  }
0x13: {  	[smem:$0x3FB1] =	sst s0;
	s0 =	simm.s32 @!p1 $0x0  }
0x14: {  	s2 =	sld [smem:$0x3F95];
	s0 =	simm.s32 @p1 $0x1  }
0x15: {  	[smem:$0x3FB2] =	sst s0;
	s0 =	simm.s32 @!p2 $0x0  }
0x16: {  	s3 =	sld [smem:$0x3FDB];
	s0 =	simm.s32 @p2 $0x1  }
0x17: {  	s4 =	simm.s32 $0x1BF5;
	[smem:$0x3FB4] =	sst s0  }
0x18: {  	s0 =	sld [smem:$0x3F97];
	_ =	swait.ge [sflag:s4], $0x0  }
0x19: {  	s7 =	sld [smem:$0x3F98]  }
0x1a: {  	s8 =	sadd.s32 $0xFFFFE003, lr  }
0x1b: {  	s9 =	sadd.s32 $0xFFFFFEF7, lr;
	s5 =	simm.s32 $0xFFFFFFFF;
	p2 =	slt.u32 s8, $0xFFFFF086  }
0x1c: {  	p1 =	slt.u32 s9, $0xF7A;
	s5 =	simm.s32 @!p2 $0x0  }
0x1d: {  	s5 =	simm.s32 @p1 $0x1;
	p0 =	seq.s32 s7, s2  }
0x1e: {  	s7 =	smul.u32 @!p0 $0xF7A, s2;
	p2 =	seq.s32 @!p0 s5, $0x0  }
0x1f: {  	s9 =	smul.u32 $0xF7A, s1;
	s8 =	simm.s32 @!p0 $0x1BF5;
	p2 =	por !p2, p0  }
0x20: {  	[sflag:s8] =	ssyncset.s32 @!p0 $0xFFFFF086;
	s6 =	sadd.s32 @!p0 s3, s7;
	s7 =	simm.s32 @!p0 $0x108  }
0x21: {  	s3 =	sadd.s32 s3, s9;
	s6 =	sadd.s32 @!p0 $0x88, s6;
	s7 =	simm.s32 @p2 $0x1082  }
0x22: {  	[simem:s7], [sflag:s8] =	dma.local @!p0 [hbm:s6], $0xF7A  }
0x23: {  	s9 =	sor.u32 $0xD0000000, s2;
	s6 =	simm.s32 $0x108;
	_ =	swait.ge @!p0 [sflag:s8], $0x0  }
0x24: {  	s3 =	sadd.s32 $0x88, s3;
	s6 =	simm.s32 @!p1 $0x1082;
	[sflag:s4] =	ssyncset.s32 $0xFFFFF086  }
0x25: {  	[simem:s6], [sflag:s4] =	dma.local [hbm:s3], $0xF7A  }
0x26: {  	[smem:$0x3F98] =	sst s1;
	(tag) =	ssettag s2;
	_ =	strace s9  }
0x27: {  	s1 =	sld [smem:$0x3FA8]  }
0x28: {  	s2 =	sld [smem:$0x3FA9]  }
0x29: {  	s4 =	sld [smem:$0x3FAB]  }
0x2a: {  	p0 =	seq.s32 s5, $0x0;
	s5 =	sld [smem:$0x3FAC]  }
0x2b: {  	s6 =	sld [smem:$0x3FAD]  }
0x2c: {  	s7 =	sld [smem:$0x3FAE]  }
0x2d: {  	s3 =	simm.s32 $0x108;
	s8 =	sld [smem:$0x3FAF]  }
0x2e: {  	s3 =	simm.s32 @!p0 $0x1082;
	s9 =	sld [smem:$0x3FB0]  }
0x2f: {  	lr =	sadd.s32 s0, s3;
	s0 =	sld [smem:$0x3FA7]  }
0x30: {  	s3 =	sld [smem:$0x3FAA]  }
0x31: {  	[smem:$0x3FB3] =	sst s10  }
0x32: {  	s10 =	sld [smem:$0x3FB1];
	_ =	sdelay $0x3  }
0x33: {  	p0 =	seq.s32 s10, $0x1;
	s10 =	sld [smem:$0x3FB3];
	_ =	sdelay $0x3  }
0x34: {  	[smem:$0x3FB3] =	sst s10  }
0x35: {  	s10 =	sld [smem:$0x3FB2];
	_ =	sdelay $0x3  }
0x36: {  	p1 =	seq.s32 s10, $0x1;
	s10 =	sld [smem:$0x3FB3];
	_ =	sdelay $0x3  }
0x37: {  	[smem:$0x3FB3] =	sst s10  }
0x38: {  	s10 =	sld [smem:$0x3FB4]  }
0x39: {  	_ = 	snop;
	(pc) =	sbr.ind lr, $3  }
0x3a: {  	_ = 	snop  }
0x3b: {  	_ = 	snop  }
0x3c: {  	p2 =	seq.s32 s10, $0x1;
	s10 =	sld [smem:$0x3FB3]  }
0x3d: {  	_ =	shalt  }
0x3e: {  	_ =	shalt  }
0x3f: {  	_ =	shalt  }
0x40: {  	_ =	shalt  }
0x41: {  	_ =	shalt  }
0x42: {  	_ =	shalt  }
0x43: {  	_ =	shalt  }
0x44: {  	_ =	shalt  }
0x45: {  	_ =	shalt  }
0x46: {  	_ =	shalt  }
0x47: {  	_ =	shalt  }
0x48: {  	_ =	shalt  }
0x49: {  	_ =	shalt  }
0x4a: {  	_ =	shalt  }
0x4b: {  	_ =	shalt  }
0x4c: {  	_ =	shalt  }
0x4d: {  	_ =	shalt  }
0x4e: {  	_ =	shalt  }
0x4f: {  	_ =	shalt  }
0x50: {  	_ =	shalt  }
0x51: {  	_ =	shalt  }
0x52: {  	_ =	shalt  }
0x53: {  	_ =	shalt  }
0x54: {  	_ =	shalt  }
0x55: {  	_ =	shalt  }
0x56: {  	_ =	shalt  }
0x57: {  	_ =	shalt  }
0x58: {  	_ =	shalt  }
0x59: {  	_ =	shalt  }
0x5a: {  	_ =	shalt  }
0x5b: {  	_ =	shalt  }
0x5c: {  	_ =	shalt  }
0x5d: {  	_ =	shalt  }
0x5e: {  	_ =	shalt  }
0x5f: {  	_ =	shalt  }
0x60: {  	_ =	shalt  }
0x61: {  	_ =	shalt  }
0x62: {  	_ =	shalt  }
0x63: {  	_ =	shalt  }
0x64: {  	_ =	shalt  }
0x65: {  	_ =	shalt  }
0x66: {  	_ =	shalt  }
0x67: {  	_ =	shalt  }
0x68: {  	_ =	shalt  }
0x69: {  	_ =	shalt  }
0x6a: {  	_ =	shalt  }
0x6b: {  	_ =	shalt  }
0x6c: {  	_ =	shalt  }
0x6d: {  	_ =	shalt  }
0x6e: {  	_ =	shalt  }
0x6f: {  	_ =	shalt  }
0x70: {  	_ =	shalt  }
0x71: {  	_ =	shalt  }
0x72: {  	_ =	shalt  }
0x73: {  	_ =	shalt  }
0x74: {  	_ =	shalt  }
0x75: {  	_ =	shalt  }
0x76: {  	_ =	shalt  }
0x77: {  	_ =	shalt  }
0x78: {  	_ =	shalt  }
0x79: {  	_ =	shalt  }
0x7a: {  	_ =	shalt  }
0x7b: {  	_ =	shalt  }
0x7c: {  	_ =	shalt  }
0x7d: {  	_ =	shalt  }
0x7e: {  	_ =	shalt  }
0x7f: {  	_ =	shalt  }
0x80: {  	_ =	shalt  }
0x81: {  	_ =	shalt  }
0x82: {  	_ =	shalt  }
0x83: {  	_ =	shalt  }
0x84: {  	_ =	shalt  }
0x85: {  	_ =	shalt  }
0x86: {  	_ =	shalt  }
0x87: {  	_ =	shalt  }
.Lfunc_end0:
.L_simem_size_0:
called_computation_lowered:
.L_overlay_start_0:
0x88: {  	s2 =	sld [smem:$0x3FD9]  }
0x89: {  	s3 =	sld [smem:$0x3FFE];
	_ =	sdelay $0x1  }
0x8a: {  	s1 =	srdreg.scid  }
0x8b: {  	s0 =	sand.u32 $0x1, s1  }
0x8c: {  	s17 =	sshll.u32 s0, $0xA;
	s2 =	sadd.s32 s3, s2  }
0x8d: {  	s2 =	sadd.s32 s2, s17  }
0x8e: {  	[smem:$0x3FBF] =	sst s2  }
0x8f: {  	_ = 	snop  }
0x90: {  	s2 =	sld [smem:$0x3FD0];
	(tm) =	ssettm $0x1  }
0x91: {  	s18 =	sld [smem:$0x3FFB];
	_ =	sdelay $0x3  }
0x92: {  	_ =	strace s18  }
0x93: {  	s3 =	sld [smem:$0x3FFC];
	_ =	sdelay $0x3  }
0x94: {  	_ =	strace s3  }
0x95: {  	s3 =	sld [smem:$0x3FFD];
	_ =	sdelay $0x3  }
0x96: {  	_ =	strace s3  }
0x97: {  	_ =	strace $0x8FFFFFFF  }
0x98: {  	s19 =	sld [smem:$0x3FDB];
	_ =	sdelay $0x1  }
0x99: {  	s4 =	simm.s32 $_scs_section_size  }
0x9a: {  	s5 =	simm.s32 $_size__tile_overlayer_lowered;
	s6 =	simm.s32 $_tile_overlayer_lowered  }
0x9b: {  	s22 =	simm.s32 $0x1BFF;
	s21 =	sshll.u32 s6, $0x1;
	s3 =	sadd.s32 s4, s19  }
0x9c: {  	s7 =	simm.s32 $0x0;
	s20 =	sshll.u32 s5, $0x1;
	s5 =	sadd.s32 s21, s3  }
0x9d: {  	[timem:s7], [sflag:s22] =	dma.local [hbm:s5], s20  }
0x9e: {  	_ =	swait.ge [sflag:s22], s20  }
0x9f: {  	s4 =	ssub.s32 $0x0, s20;
	[sflag:s22] =	ssyncset.done $0x0  }
0xa0: {  	[sflag:s22] =	ssyncadd.s32 s4;
	_ =	sdelay $0x1  }
0xa1: {  	s23 =	simm.s32 $0x1B8B  }
0xa2: {  	_ =	swait.ge [sflag:s23], $0x1  }
0xa3: {  	[sflag:s23] =	ssyncset.done $0x0  }
0xa4: {  	s25 =	simm.s32 $0x1B8E;
	s24 =	sld [smem:$0x3FFE];
	[sflag:s23] =	ssyncadd.s32 $0xFFFFFFFF  }
0xa5: {  	s26 =	simm.s32 $execute0_lowered;
	[smem:$0x3FD2] =	sst s25  }
0xa6: {  	s5 =	sshll.u32 s26, $0x1;
	_ =	strace $0x80000046;
	[dreg:$0x1] =	wrdreg $0xFFFFFFFF  }
0xa7: {  	s28 =	simm.s32 $_size_execute0_lowered;
	s3 =	sadd.s32 s3, s5;
	[dreg:$0x0] =	wrdreg $0x0  }
0xa8: {  	s5 =	sshll.u32 s28, $0x1;
	[dreg:$0x2] =	wrdreg s3  }
0xa9: {  	[dreg:$0x3] =	wrdreg s5  }
0xaa: {  	[dreg:$0x4] =	wrdreg $0xC0  }
0xab: {  	_ =	task [dreg:s7], $0x5FFFF  }
0xac: {  	[dreg:$0x1] =	wrdreg $0xFFFFFFFF  }
0xad: {  	[dreg:$0x0] =	wrdreg $0x60  }
0xae: {  	[dreg:$0x2] =	wrdreg s24  }
0xaf: {  	[dreg:$0x3] =	wrdreg s2  }
0xb0: {  	[dreg:$0x4] =	wrdreg $0x9  }
0xb1: {  	_ =	task.clear_ibuf [dreg:s7], $0x5FFFF;
	_ =	strace $0x90000046  }
0xb2: {  	s29 =	simm.s32 $0x9;
	_ =	strace $0x80000048  }
0xb3: {  	_ =	swait.ge [sflag:s29], $0x1  }
0xb4: {  	[sflag:s29] =	ssyncadd.s32 $0xFFFFFFFF  }
0xb5: {  	_ =	strace $0x90000048  }
0xb6: {  	_ =	sfence  }
0xb7: {  	s30 =	sld [smem:$0x0];
	_ =	sdelay $0x2  }
0xb8: {  	s31 =	sshll.u32 s1, $0xD;
	s1 =	sshrl.u32 s1, $0x2  }
0xb9: {  	s3 =	sand.u32 $0x4000, s31;
	s1 =	sadd.s32 s1, s30  }
0xba: {  	s0 =	sor.u32 s3, s0;
	s1 =	sshll.u32 s1, $0x11  }
0xbb: {  	s0 =	sor.u32 s1, s0  }
0xbc: {  	s0 =	sadd.s32 $0x8F2B, s0  }
0xbd: {  	[sflag:s0] =	ssyncadd.remote.s32 $0x1  }
0xbe: {  	_ =	sfence.sel $0xFFFF  }
0xbf: {  	[dreg:$0x0] =	wrdreg $0xFFFFFFFF;
	(pc) =	sbr.abs _section_cstart, $3  }
0xc0: {  	[dreg:$0x1] =	wrdreg $0xFFFFFFFF  }
0xc1: {  	_ =	task.clear_ibuf [dreg:s7], $0x2FFFF;
	_ =	strace $0x9FFFFFFF  }
0xc2: {  	(tm) =	ssettm $0x7FFFFFFF  }
0xc3: {  	_ =	shalt  }
tec
execute0_lowered:
.L_overlay_start_1:
0x0: {  	(tag) =	ssettag $0x1  }
0x1: {  	s0 =	rddreg [dreg:$0x0]  }
0x2: {  	s1 =	rddreg [dreg:$0x1];
	s2 =	simm.s32 $0x0  }
0x3: {  	s16 =	srdreg.scid;
	s8 =	stileid.u32;
	s28 =	simm.s32 $0x2  }
0x4: {  	s29 =	simm.s32 $0x1A000;
	s30 =	simm.s32 $0x3;
	s31 =	simm.s32 $0x0  }
0x5: {  	[smem:$0x7FF] =	sst s2;
	s3 =	sadd.s32 $0x50800, s0;
	s4 =	sadd.s32 $0x4F400, s0  }
0x6: {  	s5 =	sadd.s32 $0x5A800, s0;
	s7 =	sadd.s32 $0x5BA00, s0;
	s6 =	sadd.s32 $0x5A600, s0  }
0x7: {  	_ =	strace $0x80000047;
	[dreg:$0x3] =	wrdreg s5;
	s5 =	sand.u32 $0x1, s16  }
0x8: {  	s17 =	sadd.s32 $0x5B800, s0;
	s10 =	sadd.s32 $0x1200, s0;
	s18 =	sshll.u32 s5, $0x4  }
0x9: {  	[dreg:$0x4] =	wrdreg s6;
	s19 =	ssub.s32 $0x2, s5;
	s11 =	sor.u32 s8, s18  }
0xa: {  	[dreg:$0x5] =	wrdreg s17;
	s5 =	sshrl.u32 s19, $0x1;
	s6 =	ssub.s32 $0x501, s11  }
0xb: {  	s8 =	sshll.u32 s11, $0x5;
	s0 =	ssub.s32 s19, s5;
	s20 =	sshll.u32 s11, $0x2  }
0xc: {  	s21 =	sshll.u32 s11, $0x8;
	s22 =	sor.u32 $0x20, s11;
	s19 =	sshll.u32 s11, $0xA  }
0xd: {  	s12 =	sshrl.u32 s6, $0x5;
	s13 =	sadd.s32 s3, s8;
	s5 =	sadd.s32 s4, s20  }
0xe: {  	s15 =	sadd.s32 s10, s21;
	s23 =	sshll.u32 s22, $0x5;
	s24 =	sshll.u32 s22, $0x2  }
0xf: {  	s25 =	sshll.u32 s22, $0x8;
	s0 =	smax.u32 s0, $0x1;
	[dreg:$0x6] =	wrdreg s5  }
0x10: {  	s21 =	simm.s32 $0x4;
	s5 =	sadd.s32 s4, s24;
	[dreg:$0x8] =	wrdreg s0  }
0x11: {  	s16 =	sadd.s32 s3, s23;
	s26 =	sadd.s32 $0x10, s13;
	[dreg:$0x7] =	wrdreg s5  }
0x12: {  	v9 =	vimm.s32 $0x0;
	s18 =	sadd.s32 s10, s25;
	s0 =	simm.s32 $0x1;
	[dreg:$0x9] =	wrdreg s26  }
.LBB2_1:
0x13: {  	s5 =	rddreg [dreg:$0x3]  }
0x14: {  	[tilespmem:s2], [sflag:$0x4] =	stream.linear.gather [hbm4b:s5+s2], $0x7580, $0x38;
	[tilespmem:$0x1A400] =	vst v63  }
0x15: {  	_ =	swait.ge [sflag:s21], $0x7580  }
0x16: {  	[sflag:s21] =	ssyncset.done $0x0  }
0x17: {  	s6 =	simm.s32 $0x7580;
	s14 =	rddreg [dreg:$0x4];
	[sflag:s21] =	ssyncadd.s32 $0xFFFF8A80  }
0x18: {  	[tilespmem:s6], [sflag:$0x4] =	stream.linear.gather [hbm4b:s14+s2], $0x400, $0x38;
	[tilespmem:$0x1A400] =	vst v63  }
0x19: {  	_ =	swait.ge [sflag:s21], $0x400  }
0x1a: {  	[sflag:s21] =	ssyncset.done $0x0  }
0x1b: {  	s20 =	simm.s32 $0x7980;
	s17 =	rddreg [dreg:$0x5];
	[sflag:s21] =	ssyncadd.s32 $0xFFFFFC00  }
0x1c: {  	[tilespmem:s20], [sflag:$0x4] =	stream.linear.gather [hbm4b:s17+s2], $0x80, $0x38;
	[tilespmem:$0x1A400] =	vst v63  }
0x1d: {  	_ =	swait.ge [sflag:s21], $0x80  }
0x1e: {  	[sflag:s21] =	ssyncset.done $0x0  }
0x1f: {  	[sflag:s21] =	ssyncadd.s32 $0xFFFFFF80  }
0x20: {  	v43 =	vld [tilespmem:$0x7980]  }
0x21: {  	s6 =	simm.s32 $0x7A00;
	v44 =	vld [tilespmem:$0x7990]  }
0x22: {  	v45 =	vld [tilespmem:$0x79A0];
	[tilespmem:s6], [sflag:$0x1] =	stream.linear.gather [hbm4b:s13+s2], $0x80, $0x38  }
0x23: {  	s8 =	simm.s32 $0x7C00;
	s22 =	rddreg [dreg:$0x9]  }
0x24: {  	[tilespmem:s8], [sflag:$0x1] =	stream.linear.gather [hbm4b:s22+s2], $0x80, $0x38;
	[tilespmem:$0x1A400] =	vst v63  }
0x25: {  	s9 =	simm.s32 $0x7E00;
	s23 =	rddreg [dreg:$0x6]  }
0x26: {  	[tilespmem:s9], [sflag:$0x1] =	stream.linear.gather [hbm4b:s23+s2], $0x20, $0x38;
	[tilespmem:$0x1A400] =	vst v63  }
0x27: {  	s24 =	simm.s32 $0x8000  }
0x28: {  	[tilespmem:s24], [sflag:$0x1] =	stream.linear.gather [hbm4b:s15+s2], $0x80, $0x38;
	[tilespmem:$0x1A400] =	vst v63  }
0x29: {  	s25 =	sadd.s32 $0x10, s15;
	s26 =	simm.s32 $0x8200  }
0x2a: {  	[tilespmem:s26], [sflag:$0x1] =	stream.linear.gather [hbm4b:s25+s2], $0x80, $0x38;
	[tilespmem:$0x1A400] =	vst v63  }
0x2b: {  	s14 =	sadd.s32 $0x20, s15;
	s17 =	simm.s32 $0x8400  }
0x2c: {  	[tilespmem:s17], [sflag:$0x1] =	stream.linear.gather [hbm4b:s14+s2], $0x80, $0x38;
	[tilespmem:$0x1A400] =	vst v63  }
0x2d: {  	s20 =	sadd.s32 $0x30, s15;
	s22 =	simm.s32 $0x8600  }
0x2e: {  	[tilespmem:s22], [sflag:$0x1] =	stream.linear.gather [hbm4b:s20+s2], $0x80, $0x38;
	[tilespmem:$0x1A400] =	vst v63  }
0x2f: {  	s23 =	sadd.s32 $0x40, s15;
	s24 =	simm.s32 $0x8800  }
0x30: {  	[tilespmem:s24], [sflag:$0x1] =	stream.linear.gather [hbm4b:s23+s2], $0x80, $0x38;
	[tilespmem:$0x1A400] =	vst v63  }
0x31: {  	s25 =	sadd.s32 $0x50, s15;
	s26 =	simm.s32 $0x8A00  }
0x32: {  	[tilespmem:s26], [sflag:$0x1] =	stream.linear.gather [hbm4b:s25+s2], $0x80, $0x38;
	[tilespmem:$0x1A400] =	vst v63  }
0x33: {  	s14 =	sadd.s32 $0x60, s15;
	s17 =	simm.s32 $0x8C00  }
0x34: {  	[tilespmem:s17], [sflag:$0x1] =	stream.linear.gather [hbm4b:s14+s2], $0x80, $0x38;
	[tilespmem:$0x1A400] =	vst v63  }
0x35: {  	s20 =	sadd.s32 $0x70, s15;
	s22 =	simm.s32 $0x8E00  }
0x36: {  	[tilespmem:s22], [sflag:$0x1] =	stream.linear.gather [hbm4b:s20+s2], $0x80, $0x38;
	[tilespmem:$0x1A400] =	vst v63  }
0x37: {  	s23 =	sadd.s32 $0x80, s15;
	s24 =	simm.s32 $0x9000  }
0x38: {  	[tilespmem:s24], [sflag:$0x1] =	stream.linear.gather [hbm4b:s23+s2], $0x80, $0x38;
	[tilespmem:$0x1A400] =	vst v63  }
0x39: {  	s25 =	sadd.s32 $0x90, s15;
	s26 =	simm.s32 $0x9200  }
0x3a: {  	[tilespmem:s26], [sflag:$0x1] =	stream.linear.gather [hbm4b:s25+s2], $0x80, $0x38;
	[tilespmem:$0x1A400] =	vst v63  }
0x3b: {  	s14 =	sadd.s32 $0xA0, s15;
	s17 =	simm.s32 $0x9400  }
0x3c: {  	[tilespmem:s17], [sflag:$0x1] =	stream.linear.gather [hbm4b:s14+s2], $0x80, $0x38;
	[tilespmem:$0x1A400] =	vst v63  }
0x3d: {  	s20 =	sadd.s32 $0xB0, s15;
	s22 =	simm.s32 $0x9600  }
0x3e: {  	[tilespmem:s22], [sflag:$0x1] =	stream.linear.gather [hbm4b:s20+s2], $0x80, $0x38;
	[tilespmem:$0x1A400] =	vst v63  }
0x3f: {  	s23 =	sadd.s32 $0xC0, s15;
	s24 =	simm.s32 $0x9800  }
0x40: {  	[tilespmem:s24], [sflag:$0x1] =	stream.linear.gather [hbm4b:s23+s2], $0x80, $0x38;
	[tilespmem:$0x1A400] =	vst v63  }
0x41: {  	s25 =	sadd.s32 $0xD0, s15;
	s26 =	simm.s32 $0x9A00  }
0x42: {  	[tilespmem:s26], [sflag:$0x1] =	stream.linear.gather [hbm4b:s25+s2], $0x80, $0x38;
	[tilespmem:$0x1A400] =	vst v63  }
0x43: {  	s9 =	sadd.s32 $0xE0, s15;
	s14 =	simm.s32 $0x9C00  }
0x44: {  	[tilespmem:s14], [sflag:$0x1] =	stream.linear.gather [hbm4b:s9+s2], $0x80, $0x38;
	[tilespmem:$0x1A400] =	vst v63  }
0x45: {  	s17 =	sadd.s32 $0xF0, s15;
	s20 =	simm.s32 $0x9E00  }
0x46: {  	[tilespmem:s20], [sflag:$0x1] =	stream.linear.gather [hbm4b:s17+s2], $0x80, $0x38;
	[tilespmem:$0x1A400] =	vst v63  }
0x47: {  	s22 =	simm.s32 $0x7A80  }
0x48: {  	[tilespmem:s22], [sflag:$0x1] =	stream.linear.gather [hbm4b:s16+s2], $0x80, $0x38;
	[tilespmem:$0x1A400] =	vst v63  }
0x49: {  	s23 =	sadd.s32 $0x10, s16;
	s24 =	simm.s32 $0x7C80  }
0x4a: {  	[tilespmem:s24], [sflag:$0x1] =	stream.linear.gather [hbm4b:s23+s2], $0x80, $0x38;
	[tilespmem:$0x1A400] =	vst v63  }
0x4b: {  	s25 =	rddreg [dreg:$0x7];
	s26 =	simm.s32 $0x7E80  }
0x4c: {  	[tilespmem:s26], [sflag:$0x1] =	stream.linear.gather [hbm4b:s25+s2], $0x20, $0x38;
	[tilespmem:$0x1A400] =	vst v63  }
0x4d: {  	s9 =	simm.s32 $0x8080  }
0x4e: {  	[tilespmem:s9], [sflag:$0x1] =	stream.linear.gather [hbm4b:s18+s2], $0x80, $0x38;
	[tilespmem:$0x1A400] =	vst v63  }
0x4f: {  	s14 =	sadd.s32 $0x10, s18;
	s17 =	simm.s32 $0x8280  }
0x50: {  	[tilespmem:s17], [sflag:$0x1] =	stream.linear.gather [hbm4b:s14+s2], $0x80, $0x38;
	[tilespmem:$0x1A400] =	vst v63  }
0x51: {  	s20 =	sadd.s32 $0x20, s18;
	s22 =	simm.s32 $0x8480  }
0x52: {  	[tilespmem:s22], [sflag:$0x1] =	stream.linear.gather [hbm4b:s20+s2], $0x80, $0x38;
	[tilespmem:$0x1A400] =	vst v63  }
0x53: {  	s23 =	sadd.s32 $0x30, s18;
	s24 =	simm.s32 $0x8680  }
0x54: {  	[tilespmem:s24], [sflag:$0x1] =	stream.linear.gather [hbm4b:s23+s2], $0x80, $0x38;
	[tilespmem:$0x1A400] =	vst v63  }
0x55: {  	s25 =	sadd.s32 $0x40, s18;
	s26 =	simm.s32 $0x8880  }
0x56: {  	[tilespmem:s26], [sflag:$0x1] =	stream.linear.gather [hbm4b:s25+s2], $0x80, $0x38;
	[tilespmem:$0x1A400] =	vst v63  }
0x57: {  	s14 =	sadd.s32 $0x50, s18;
	s17 =	simm.s32 $0x8A80  }
0x58: {  	[tilespmem:s17], [sflag:$0x1] =	stream.linear.gather [hbm4b:s14+s2], $0x80, $0x38;
	[tilespmem:$0x1A400] =	vst v63  }
0x59: {  	s20 =	sadd.s32 $0x60, s18;
	s22 =	simm.s32 $0x8C80  }
0x5a: {  	[tilespmem:s22], [sflag:$0x1] =	stream.linear.gather [hbm4b:s20+s2], $0x80, $0x38;
	[tilespmem:$0x1A400] =	vst v63  }
0x5b: {  	s23 =	sadd.s32 $0x70, s18;
	s24 =	simm.s32 $0x8E80  }
0x5c: {  	[tilespmem:s24], [sflag:$0x1] =	stream.linear.gather [hbm4b:s23+s2], $0x80, $0x38;
	[tilespmem:$0x1A400] =	vst v63  }
0x5d: {  	s25 =	sadd.s32 $0x80, s18;
	s26 =	simm.s32 $0x9080  }
0x5e: {  	[tilespmem:s26], [sflag:$0x1] =	stream.linear.gather [hbm4b:s25+s2], $0x80, $0x38;
	[tilespmem:$0x1A400] =	vst v63  }
0x5f: {  	s14 =	sadd.s32 $0x90, s18;
	s17 =	simm.s32 $0x9280  }
0x60: {  	[tilespmem:s17], [sflag:$0x1] =	stream.linear.gather [hbm4b:s14+s2], $0x80, $0x38;
	[tilespmem:$0x1A400] =	vst v63  }
0x61: {  	s20 =	sadd.s32 $0xA0, s18;
	s22 =	simm.s32 $0x9480  }
0x62: {  	[tilespmem:s22], [sflag:$0x1] =	stream.linear.gather [hbm4b:s20+s2], $0x80, $0x38;
	[tilespmem:$0x1A400] =	vst v63  }
0x63: {  	s23 =	sadd.s32 $0xB0, s18;
	s24 =	simm.s32 $0x9680  }
0x64: {  	[tilespmem:s24], [sflag:$0x1] =	stream.linear.gather [hbm4b:s23+s2], $0x80, $0x38;
	[tilespmem:$0x1A400] =	vst v63  }
0x65: {  	s25 =	sadd.s32 $0xC0, s18;
	s26 =	simm.s32 $0x9880  }
0x66: {  	[tilespmem:s26], [sflag:$0x1] =	stream.linear.gather [hbm4b:s25+s2], $0x80, $0x38;
	[tilespmem:$0x1A400] =	vst v63  }
0x67: {  	s9 =	sadd.s32 $0xD0, s18;
	s14 =	simm.s32 $0x9A80  }
0x68: {  	v11 =	vbroadcast v43, $0x0;
	[tilespmem:s14], [sflag:$0x1] =	stream.linear.gather [hbm4b:s9+s2], $0x80, $0x38;
	[tilespmem:$0x1A400] =	vst v63  }
0x69: {  	v12 =	vbroadcast v44, $0x0;
	v13 =	vbroadcast v45, $0x0;
	s17 =	sadd.s32 $0xE0, s18;
	s20 =	simm.s32 $0x9C80  }
0x6a: {  	v14 =	vbroadcast v43, $0x1;
	v15 =	vbroadcast v44, $0x1;
	[tilespmem:s20], [sflag:$0x1] =	stream.linear.gather [hbm4b:s17+s2], $0x80, $0x38;
	[tilespmem:$0x1A400] =	vst v63  }
0x6b: {  	v16 =	vbroadcast v45, $0x1;
	v17 =	vbroadcast v43, $0x2;
	s22 =	sadd.s32 $0xF0, s18;
	s23 =	simm.s32 $0x9E80  }
0x6c: {  	v18 =	vbroadcast v44, $0x2;
	v19 =	vbroadcast v45, $0x2;
	[tilespmem:s23], [sflag:$0x1] =	stream.linear.gather [hbm4b:s22+s2], $0x80, $0x38;
	[tilespmem:$0x1A400] =	vst v63  }
0x6d: {  	v20 =	vbroadcast v43, $0x3;
	v21 =	vbroadcast v44, $0x3;
	_ =	swait.ge [sflag:s0], $0x100  }
0x6e: {  	v22 =	vbroadcast v45, $0x3;
	v23 =	vbroadcast v43, $0x4;
	[sflag:s0] =	ssyncset.done $0x0  }
0x6f: {  	v24 =	vbroadcast v44, $0x4;
	v25 =	vbroadcast v45, $0x4;
	[sflag:s0] =	ssyncadd.s32 $0xFFFFFF00  }
0x70: {  	v26 =	vbroadcast v43, $0x5;
	v27 =	vbroadcast v44, $0x5;
	_ =	swait.ge [sflag:s0], $0x20  }
0x71: {  	v28 =	vbroadcast v45, $0x5;
	v29 =	vbroadcast v43, $0x6;
	[sflag:s0] =	ssyncset.done $0x0  }
0x72: {  	v30 =	vbroadcast v44, $0x6;
	v0 =	vbroadcast v44, $0xB;
	[sflag:s0] =	ssyncadd.s32 $0xFFFFFFE0  }
0x73: {  	v31 =	vbroadcast v45, $0x6;
	v56 =	vbroadcast v45, $0xB;
	_ =	swait.ge [sflag:s0], $0x800  }
0x74: {  	v32 =	vbroadcast v43, $0x7;
	v57 =	vbroadcast v43, $0xC;
	[tilespmem:$0x1FF70] =	vst v0  }
0x75: {  	v33 =	vbroadcast v44, $0x7;
	v58 =	vbroadcast v44, $0xC;
	[tilespmem:$0x1FF80] =	vst v56  }
0x76: {  	v34 =	vbroadcast v45, $0x7;
	v59 =	vbroadcast v45, $0xC;
	[tilespmem:$0x1FF90] =	vst v57  }
0x77: {  	v35 =	vbroadcast v43, $0x8;
	v60 =	vbroadcast v43, $0xD;
	[tilespmem:$0x1FFA0] =	vst v58  }
0x78: {  	v36 =	vbroadcast v44, $0x8;
	v61 =	vbroadcast v44, $0xD;
	[tilespmem:$0x1FFB0] =	vst v59  }
0x79: {  	v37 =	vbroadcast v45, $0x8;
	v62 =	vbroadcast v45, $0xD;
	[tilespmem:$0x1FFC0] =	vst v60  }
0x7a: {  	v38 =	vbroadcast v43, $0x9;
	v39 =	vbroadcast v44, $0x9;
	[sflag:s0] =	ssyncset.done $0x0;
	[tilespmem:$0x1FFD0] =	vst v61  }
0x7b: {  	v40 =	vbroadcast v45, $0x9;
	v63 =	vbroadcast v43, $0xE;
	s24 =	simm.s32 $0x80;
	s25 =	simm.s32 $0xA000;
	[tilespmem:$0x1FFE0] =	vst v62;
	[sflag:s0] =	ssyncadd.s32 $0xFFFFF800  }
0x7c: {  	v41 =	vbroadcast v43, $0xA;
	v42 =	vbroadcast v44, $0xA;
	[tilespmem:s25], [sflag:$0x2] =	stream.indirect.gather [hbm4b:s7+s24], $0x80, s6, s24, $0xb8;
	[tilespmem:$0x1A400] =	vst v63  }
0x7d: {  	s5 =	simm.s32 $0x0;
	v8 =	vbroadcast v45, $0xA;
	v10 =	vbroadcast v43, $0xB;
	s26 =	simm.s32 $0xE000;
	[tilespmem:$0x1FFF0] =	vst v63  }
0x7e: {  	v44 =	vbroadcast v44, $0xE;
	v45 =	vbroadcast v45, $0xE;
	[tilespmem:s26], [sflag:$0x2] =	stream.indirect.gather [hbm4b:s7+s24], $0x80, s8, s24, $0xb8;
	[tilespmem:$0x1A400] =	vst v63  }
.LBB2_2:
0x7f: {  	_ =	swait.ge [sflag:s28], $0x4000  }
0x80: {  	[sflag:s28] =	ssyncset.done $0x0  }
0x81: {  	[sflag:s28] =	ssyncadd.s32 $0xFFFFC000  }
0x82: {  	s22 =	sadd.s32 $0x1, s5;
	_ =	swait.ge [sflag:s28], $0x4000  }
0x83: {  	p0 =	sge.u32 s22, s12;
	[sflag:s28] =	ssyncset.done $0x0  }
0x84: {  	s9 =	simm.s32 @!p0 $0x1;
	[sflag:s28] =	ssyncadd.s32 $0xFFFFC000  }
0x85: {  	_ =	swait.ge @!p0 [sflag:s9], $0x100  }
0x86: {  	[sflag:s9] =	ssyncset.done @!p0 $0x0  }
0x87: {  	s8 =	sadd.s32 $0x2, s5;
	[sflag:s9] =	ssyncadd.s32 @!p0 $0xFFFFFF00  }
0x88: {  	p1 =	sge.u32 s8, s12;
	_ =	swait.ge @!p0 [sflag:s9], $0x20  }
.Ltmp0:
0x89: {  	[sflag:s9] =	ssyncset.done @!p0 $0x0;
	(pc) =	sbr.rel @p1 .LBB2_4-.Ltmp0, $4  }
0x8a: {  	[sflag:s9] =	ssyncadd.s32 @!p0 $0xFFFFFFE0  }
0x8b: {  	_ =	swait.ge @!p0 [sflag:s9], $0x800  }
0x8c: {  	[sflag:s9] =	ssyncset.done @!p0 $0x0  }
0x8d: {  	[sflag:s9] =	ssyncadd.s32 @!p0 $0xFFFFF800  }
0x8e: {  	s9 =	smulhi.u32 $0xAAAAAAAB, s8;
	_ =	sdelay $0x1  }
0x8f: {  	s9 =	sshrl.u32 s9, $0x1  }
0x90: {  	s14 =	sshll.u32 s8, $0x5;
	s9 =	smul.u32 $0x3, s9  }
0x91: {  	s14 =	sor.u32 s11, s14  }
0x92: {  	s25 =	sshll.u32 s14, $0x5;
	s24 =	ssub.s32 s8, s9  }
0x93: {  	s9 =	sand.u32 $0x1FFFFFE0, s25;
	s8 =	sshll.u32 s24, $0x7  }
0x94: {  	s9 =	sadd.s32 s3, s9;
	s23 =	sor.u32 $0x7A00, s8  }
0x95: {  	[tilespmem:s23], [sflag:$0x1] =	stream.linear.gather [hbm4b:s9+s2], $0x80, $0x38;
	[tilespmem:$0x1A400] =	vst v63  }
0x96: {  	s6 =	sshll.u32 s14, $0x2;
	s26 =	sor.u32 $0x7C00, s8;
	s9 =	sadd.s32 $0x10, s9  }
0x97: {  	[tilespmem:s26], [sflag:$0x1] =	stream.linear.gather [hbm4b:s9+s2], $0x80, $0x38;
	[tilespmem:$0x1A400] =	vst v63  }
0x98: {  	s9 =	sand.u32 $0x1FFFFFFC, s6  }
0x99: {  	s20 =	sshll.u32 s14, $0x8;
	s17 =	sor.u32 $0x7E00, s8;
	s9 =	sadd.s32 s4, s9  }
0x9a: {  	[tilespmem:s17], [sflag:$0x1] =	stream.linear.gather [hbm4b:s9+s2], $0x20, $0x38;
	[tilespmem:$0x1A400] =	vst v63  }
0x9b: {  	s9 =	sand.u32 $0x1FFFFF00, s20  }
0x9c: {  	s23 =	sor.u32 $0x8000, s8;
	s9 =	sadd.s32 s10, s9  }
0x9d: {  	[tilespmem:s23], [sflag:$0x1] =	stream.linear.gather [hbm4b:s9+s2], $0x80, $0x38;
	[tilespmem:$0x1A400] =	vst v63  }
0x9e: {  	s25 =	sor.u32 $0x8200, s8;
	s24 =	sadd.s32 $0x10, s9  }
0x9f: {  	[tilespmem:s25], [sflag:$0x1] =	stream.linear.gather [hbm4b:s24+s2], $0x80, $0x38;
	[tilespmem:$0x1A400] =	vst v63  }
0xa0: {  	s6 =	sor.u32 $0x8400, s8;
	s26 =	sadd.s32 $0x20, s9  }
0xa1: {  	[tilespmem:s6], [sflag:$0x1] =	stream.linear.gather [hbm4b:s26+s2], $0x80, $0x38;
	[tilespmem:$0x1A400] =	vst v63  }
0xa2: {  	s20 =	sor.u32 $0x8600, s8;
	s17 =	sadd.s32 $0x30, s9  }
0xa3: {  	[tilespmem:s20], [sflag:$0x1] =	stream.linear.gather [hbm4b:s17+s2], $0x80, $0x38;
	[tilespmem:$0x1A400] =	vst v63  }
0xa4: {  	s24 =	sadd.s32 $0x40, s9;
	s25 =	sor.u32 $0x8800, s8  }
0xa5: {  	[tilespmem:s25], [sflag:$0x1] =	stream.linear.gather [hbm4b:s24+s2], $0x80, $0x38;
	[tilespmem:$0x1A400] =	vst v63  }
0xa6: {  	s26 =	sadd.s32 $0x50, s9;
	s6 =	sor.u32 $0x8A00, s8  }
0xa7: {  	[tilespmem:s6], [sflag:$0x1] =	stream.linear.gather [hbm4b:s26+s2], $0x80, $0x38;
	[tilespmem:$0x1A400] =	vst v63  }
0xa8: {  	s17 =	sadd.s32 $0x60, s9;
	s20 =	sor.u32 $0x8C00, s8  }
0xa9: {  	[tilespmem:s20], [sflag:$0x1] =	stream.linear.gather [hbm4b:s17+s2], $0x80, $0x38;
	[tilespmem:$0x1A400] =	vst v63  }
0xaa: {  	s24 =	sadd.s32 $0x70, s9;
	s25 =	sor.u32 $0x8E00, s8  }
0xab: {  	[tilespmem:s25], [sflag:$0x1] =	stream.linear.gather [hbm4b:s24+s2], $0x80, $0x38;
	[tilespmem:$0x1A400] =	vst v63  }
0xac: {  	s26 =	sadd.s32 $0x80, s9;
	s6 =	sor.u32 $0x9000, s8  }
0xad: {  	[tilespmem:s6], [sflag:$0x1] =	stream.linear.gather [hbm4b:s26+s2], $0x80, $0x38;
	[tilespmem:$0x1A400] =	vst v63  }
0xae: {  	s17 =	sadd.s32 $0x90, s9;
	s20 =	sor.u32 $0x9200, s8  }
0xaf: {  	[tilespmem:s20], [sflag:$0x1] =	stream.linear.gather [hbm4b:s17+s2], $0x80, $0x38;
	[tilespmem:$0x1A400] =	vst v63  }
0xb0: {  	s24 =	sadd.s32 $0xA0, s9;
	s25 =	sor.u32 $0x9400, s8  }
0xb1: {  	[tilespmem:s25], [sflag:$0x1] =	stream.linear.gather [hbm4b:s24+s2], $0x80, $0x38;
	[tilespmem:$0x1A400] =	vst v63  }
0xb2: {  	s26 =	sadd.s32 $0xB0, s9;
	s6 =	sor.u32 $0x9600, s8  }
0xb3: {  	[tilespmem:s6], [sflag:$0x1] =	stream.linear.gather [hbm4b:s26+s2], $0x80, $0x38;
	[tilespmem:$0x1A400] =	vst v63  }
0xb4: {  	s17 =	sadd.s32 $0xC0, s9;
	s20 =	sor.u32 $0x9800, s8  }
0xb5: {  	[tilespmem:s20], [sflag:$0x1] =	stream.linear.gather [hbm4b:s17+s2], $0x80, $0x38;
	[tilespmem:$0x1A400] =	vst v63  }
0xb6: {  	s23 =	sadd.s32 $0xD0, s9;
	s24 =	sor.u32 $0x9A00, s8  }
0xb7: {  	[tilespmem:s24], [sflag:$0x1] =	stream.linear.gather [hbm4b:s23+s2], $0x80, $0x38;
	[tilespmem:$0x1A400] =	vst v63  }
0xb8: {  	s25 =	sadd.s32 $0xE0, s9;
	s26 =	sor.u32 $0x9C00, s8  }
0xb9: {  	[tilespmem:s26], [sflag:$0x1] =	stream.linear.gather [hbm4b:s25+s2], $0x80, $0x38;
	[tilespmem:$0x1A400] =	vst v63  }
0xba: {  	s9 =	sadd.s32 $0xF0, s9;
	s8 =	sor.u32 $0x9E00, s8  }
0xbb: {  	[tilespmem:s8], [sflag:$0x1] =	stream.linear.gather [hbm4b:s9+s2], $0x80, $0x38;
	[tilespmem:$0x1A400] =	vst v63  }
.LBB2_4:
0xbc: {  	s8 =	smulhi.u32 @!p0 $0xAAAAAAAB, s22;
	_ =	sdelay $0x1  }
0xbd: {  	s8 =	sshrl.u32 @!p0 s8, $0x1  }
0xbe: {  	s8 =	smul.u32 @!p0 $0x3, s8;
	_ =	sdelay $0x1  }
0xbf: {  	s9 =	sshll.u32 @!p0 s22, $0xF;
	s8 =	ssub.s32 @!p0 s22, s8  }
0xc0: {  	s9 =	sand.u32 @!p0 $0x8000, s9;
	s8 =	sshll.u32 @!p0 s8, $0x7  }
0xc1: {  	s24 =	simm.s32 @!p0 $0x80;
	s14 =	sadd.s32 @!p0 $0xA000, s9;
	s23 =	sor.u32 @!p0 $0x7A00, s8  }
0xc2: {  	[tilespmem:s14], [sflag:$0x2] =	stream.indirect.gather @!p0 [hbm4b:s7+s24], $0x80, s23, s24, $0xb8;
	[tilespmem:$0x1A400] =	vst v63  }
0xc3: {  	s9 =	sadd.s32 @!p0 $0xE000, s9;
	s8 =	sor.u32 @!p0 $0x7C00, s8;
	s23 =	smulhi.u32 $0xAAAAAAAB, s5  }
0xc4: {  	[tilespmem:s9], [sflag:$0x2] =	stream.indirect.gather @!p0 [hbm4b:s7+s24], $0x80, s8, s24, $0xb8;
	[tilespmem:$0x1A400] =	vst v63  }
0xc5: {  	s24 =	sshrl.u32 s23, $0x1;
	p0 =	seq.s32 s5, $0x0  }
0xc6: {  	s8 =	smul.u32 $0x3, s24;
	s9 =	simm.s32 @!p0 $0x3  }
0xc7: {  	_ =	swait.ge @!p0 [sflag:s9], $0x400  }
0xc8: {  	s8 =	ssub.s32 s5, s8;
	[sflag:s9] =	ssyncset.done @!p0 $0x0  }
0xc9: {  	[sflag:s9] =	ssyncadd.s32 @!p0 $0xFFFFFC00;
	s25 =	sshll.u32 s8, $0x7  }
0xca: {  	v0 =	vld [tilespmem:s25+$0x7E00]  }
0xcb: {  	v63 =	vld [tilespmem:s25+$0x7E10];
	_ =	sdelay $0x1  }
0xcc: {  	s23 =	sshll.u32 s5, $0xF  }
0xcd: {  	s5 =	sand.u32 $0x8000, s23  }
0xce: {  	s26 =	sadd.s32 $0xA000, s5;
	[tilespmem:$0x1FF50] =	vst v0  }
0xcf: {  	s8 =	simm.s32 $0x0;
	s5 =	sadd.s32 $0x7A00, s25;
	v48 =	vmov s25;
	v49 =	vmov s26;
	[tilespmem:$0x1FF60] =	vst v63  }
.LBB2_5:
0xd0: {  	v0 =	vld [tilespmem:$0x1FF50]  }
0xd1: {  	v1 =	vld [tilespmem:$0x1FF60];
	_ =	sdelay $0x1  }
0xd2: {  	s9 =	sshll.u32 s8, $0x2  }
0xd3: {  	v50 =	vmov s9;
	s14 =	sor.u32 $0x1, s9;
	s24 =	sor.u32 $0x2, s9;
	s9 =	sshll.u32 s8, $0x7  }
0xd4: {  	p0 =	slt.u32 s8, $0x4;
	s26 =	sand.u32 $0x200, s9  }
0xd5: {  	v51 =	vmov s14;
	s14 =	sadd.s32 s26, s5;
	v46 =	vpsel p0, v0, v1  }
0xd6: {  	v63 =	vmov s14;
	v0 =	vperm.xlane v46, v50  }
0xd7: {  	v52 =	vmov s24;
	[tilespmem:$0x1FF40] =	vst v63;
	v61 =	vperm.xlane v46, v51  }
0xd8: {  	v56 =	vimm.f32 $0.0e+00;
	v57 =	vimm.f32 $0.0e+00;
	v62 =	vperm.xlane v46, v52;
	v50 =	vld [tilespmem:$0x1FFD0];
	[tilespmem:$0x1FF10] =	vst v0  }
0xd9: {  	v58 =	vimm.f32 $0.0e+00;
	v59 =	vimm.f32 $0.0e+00;
	v60 =	vimm.f32 $0.0e+00;
	s24 =	sshll.u32 s8, $0x5;
	v51 =	vld [tilespmem:$0x1FFE0];
	[tilespmem:$0x1FF20] =	vst v61  }
0xda: {  	s26 =	sshll.u32 s8, $0x8;
	s14 =	simm.s32 $0x0;
	p0 =	por $0x1, $0x1;
	v63 =	vimm.f32 $0.0e+00;
	v52 =	vld [tilespmem:$0x1FFF0];
	[tilespmem:$0x1FF30] =	vst v62;
	v61 =	vimm.f32 $0.0e+00;
	v62 =	vimm.f32 $0.0e+00  }
.LBB2_6:
0xdb: {  	v0 =	vld [tilespmem:$0x1FF40];
	_ =	sdelay $0x5  }
0xdc: {  	s14 =	sor.u32 s24, s14  }
0xdd: {  	s17 =	sand.u32 $0x70, s14  }
0xde: {  	v46 =	vld.idx.msk [tilespmem:v0+s17+$0x0 ss:$0x1], $0xffff;
	_ =	sdelay $0x4  }
0xdf: {  	v54 =	vadd.s32 $0x2710, v46;
	_ =	sdelay $0x1  }
0xe0: {  	v43 =	vld [tilespmem:$0x1FF10]  }
0xe1: {  	v53 =	vld [tilespmem:$0x1FF20]  }
0xe2: {  	v55 =	vadd.s32 $0x4E20, v46;
	v46 =	vld.idx.msk [tilespmem:v46+s2+$0x0], $0xffff  }
0xe3: {  	v54 =	vld.idx.msk [tilespmem:v54+s2+$0x0], $0xffff;
	_ =	sdelay $0x3  }
0xe4: {  	v47 =	vld.idx.msk [tilespmem:v55+s2+$0x0], $0xffff  }
0xe5: {  	v55 =	vsub.f32 v46, v43;
	v46 =	vsub.f32 v54, v53;
	v54 =	vld [tilespmem:$0x1FF30];
	_ =	sdelay $0x3  }
0xe6: {  	v4 =	vsub.f32 v55, v11  }
0xe7: {  	v5 =	vsub.f32 v46, v12;
	v54 =	vsub.f32 v47, v54;
	_ =	sdelay $0x1  }
0xe8: {  	v0 =	vmul.f32 v5, v5;
	v47 =	vmul.f32 v4, v4;
	v1 =	vsub.f32 v54, v13  }
0xe9: {  	v2 =	vsub.f32 v55, v14;
	v3 =	vsub.f32 v46, v15  }
0xea: {  	v0 =	vadd.f32 v0, v47;
	v1 =	vmul.f32 v1, v1  }
0xeb: {  	v2 =	vmul.f32 v2, v2;
	v3 =	vmul.f32 v3, v3;
	v43 =	vsub.f32 v54, v16  }
0xec: {  	v53 =	vsub.f32 v55, v17;
	v0 =	vadd.f32 v1, v0  }
0xed: {  	v1 =	vadd.f32 v3, v2;
	v2 =	vmul.f32 v43, v43;
	v43 =	vsub.f32 v46, v18  }
0xee: {  	v6 =	vsub.f32 v55, v23;
	v7 =	vsub.f32 v46, v24  }
0xef: {  	v1 =	vadd.f32 v2, v1;
	v2 =	vmul.f32 v53, v53;
	v53 =	vmul.f32 v43, v43  }
0xf0: {  	v4 =	vsub.f32 v55, v20;
	vm0 =	vlt.f32 v0, $1.000000020e+30;
	v43 =	vsub.f32 v54, v19  }
0xf1: {  	v0 =	vnsel vm0, $0x7149F2CA, v0;
	v2 =	vadd.f32 v53, v2;
	v53 =	vsub.f32 v46, v21  }
0xf2: {  	v5 =	vsub.f32 v54, v22;
	vm0 =	vlt.f32 v1, v0;
	v47 =	vmul.f32 v43, v43  }
0xf3: {  	v4 =	vmul.f32 v4, v4;
	v0 =	vsel vm0, v1, v0;
	v3 =	vmul.f32 v53, v53  }
0xf4: {  	v1 =	vadd.f32 v47, v2;
	v47 =	vmul.f32 v6, v6;
	v53 =	vmul.f32 v7, v7  }
0xf5: {  	v6 =	vsub.f32 v54, v25  }
0xf6: {  	v43 =	vmul.f32 v5, v5;
	v3 =	vadd.f32 v3, v4;
	v2 =	vadd.f32 v53, v47  }
0xf7: {  	vm1 =	vlt.f32 v1, v0;
	v47 =	vsub.f32 v55, v26;
	v53 =	vsub.f32 v46, v27  }
0xf8: {  	v0 =	vsel vm1, v1, v0;
	v1 =	vadd.f32 v43, v3;
	v43 =	vmul.f32 v6, v6;
	_ =	sdelay $0x1  }
0xf9: {  	v2 =	vadd.f32 v43, v2;
	v43 =	vmul.f32 v47, v47;
	v47 =	vmul.f32 v53, v53  }
0xfa: {  	v6 =	vsub.f32 v46, v33;
	vm2 =	vlt.f32 v1, v0  }
0xfb: {  	v53 =	vsub.f32 v54, v28;
	v0 =	vsel vm2, v1, v0;
	v3 =	vadd.f32 v47, v43  }
0xfc: {  	vm3 =	vlt.f32 v2, v0;
	v43 =	vsub.f32 v55, v29;
	v47 =	vsub.f32 v46, v30  }
0xfd: {  	v1 =	vmul.f32 v53, v53;
	v0 =	vsel vm3, v2, v0;
	v2 =	vsub.f32 v55, v32  }
0xfe: {  	v53 =	vmul.f32 v43, v43;
	v43 =	vmul.f32 v47, v47;
	v47 =	vsub.f32 v54, v31  }
0xff: {  	v7 =	vsub.f32 v54, v34;
	v6 =	vmul.f32 v6, v6;
	v2 =	vmul.f32 v2, v2  }
0x100: {  	v1 =	vadd.f32 v1, v3;
	v3 =	vadd.f32 v43, v53;
	v53 =	vmul.f32 v47, v47  }
0x101: {  	v43 =	vmul.f32 v7, v7;
	v7 =	vsub.f32 v46, v36;
	v2 =	vadd.f32 v6, v2  }
0x102: {  	vm4 =	vlt.f32 v1, v0;
	v6 =	vsub.f32 v55, v35  }
0x103: {  	v47 =	vadd.f32 v53, v3;
	v53 =	vmul.f32 v7, v7;
	v2 =	vadd.f32 v43, v2  }
0x104: {  	v3 =	vmul.f32 v6, v6;
	v43 =	vsub.f32 v55, v38;
	v6 =	vsub.f32 v46, v39  }
0x105: {  	v0 =	vsel vm4, v1, v0  }
0x106: {  	v3 =	vadd.f32 v53, v3;
	v5 =	vmul.f32 v43, v43;
	v6 =	vmul.f32 v6, v6  }
0x107: {  	vm5 =	vlt.f32 v47, v0;
	v53 =	vsub.f32 v54, v40;
	v43 =	vsub.f32 v46, v42  }
0x108: {  	v0 =	vsel vm5, v47, v0;
	v5 =	vadd.f32 v6, v5  }
0x109: {  	v4 =	vmul.f32 v53, v53;
	v6 =	vmul.f32 v43, v43;
	v43 =	vsub.f32 v54, v8  }
0x10a: {  	v7 =	vsub.f32 v55, v41;
	v47 =	vsub.f32 v54, v37;
	vm6 =	vlt.f32 v2, v0  }
0x10b: {  	v0 =	vsel vm6, v2, v0;
	v2 =	vadd.f32 v4, v5;
	v4 =	vmul.f32 v43, v43;
	v43 =	vld [tilespmem:$0x1FF80]  }
0x10c: {  	v1 =	vmul.f32 v47, v47;
	v53 =	vmul.f32 v7, v7;
	v47 =	vld [tilespmem:$0x1FF70]  }
0x10d: {  	v7 =	vld [tilespmem:$0x1FFA0]  }
0x10e: {  	v1 =	vadd.f32 v1, v3;
	v3 =	vadd.f32 v6, v53;
	v6 =	vld [tilespmem:$0x1FF90];
	_ =	sdelay $0x1  }
0x10f: {  	vm7 =	vlt.f32 v1, v0;
	v53 =	vsub.f32 v54, v43;
	v43 =	vmov v8;
	v8 =	vld [tilespmem:$0x1FFB0]  }
0x110: {  	v0 =	vsel vm7, v1, v0;
	v1 =	vsub.f32 v55, v10;
	v5 =	vsub.f32 v46, v47;
	v47 =	vld [tilespmem:$0x1FFC0]  }
0x111: {  	v3 =	vadd.f32 v4, v3;
	v7 =	vsub.f32 v46, v7  }
0x112: {  	vm8 =	vlt.f32 v2, v0;
	v6 =	vsub.f32 v55, v6;
	v1 =	vmul.f32 v1, v1  }
0x113: {  	v5 =	vmul.f32 v5, v5;
	v7 =	vmul.f32 v7, v7;
	v0 =	vsel vm8, v2, v0  }
0x114: {  	vm9 =	vlt.f32 v3, v0;
	v6 =	vmul.f32 v6, v6;
	v8 =	vsub.f32 v54, v8  }
0x115: {  	v1 =	vadd.f32 v5, v1;
	v4 =	vmul.f32 v53, v53;
	v2 =	vsub.f32 v55, v47  }
0x116: {  	v53 =	vadd.f32 v7, v6;
	v7 =	vsub.f32 v46, v50;
	v6 =	vmul.f32 v8, v8  }
0x117: {  	v0 =	vsel vm9, v3, v0;
	v55 =	vsub.f32 v55, v52;
	v1 =	vadd.f32 v4, v1  }
0x118: {  	v2 =	vmul.f32 v2, v2;
	v4 =	vadd.f32 v6, v53;
	v6 =	vmul.f32 v7, v7  }
0x119: {  	vm10 =	vlt.f32 v1, v0;
	v53 =	vsub.f32 v54, v51;
	v7 =	vsub.f32 v46, v44  }
0x11a: {  	v3 =	vmul.f32 v55, v55;
	v0 =	vsel vm10, v1, v0;
	v2 =	vadd.f32 v6, v2  }
0x11b: {  	v5 =	vmul.f32 v53, v53;
	v6 =	vsub.f32 v54, v45;
	v7 =	vmul.f32 v7, v7  }
0x11c: {  	vm11 =	vlt.f32 v4, v0  }
0x11d: {  	v46 =	vadd.f32 v5, v2;
	v47 =	vadd.f32 v7, v3;
	v53 =	vmul.f32 v6, v6  }
0x11e: {  	v0 =	vsel vm11, v4, v0  }
0x11f: {  	v54 =	vsel vm0, $0x1, v9;
	v2 =	vadd.f32 v53, v47;
	vm14 =	vlt.f32 v46, v0  }
0x120: {  	v55 =	vsel vm1, $0x2, v54;
	v0 =	vsel vm14, v46, v0  }
0x121: {  	v5 =	vsel vm2, $0x3, v55;
	vm15 =	vlt.f32 v2, v0  }
0x122: {  	v1 =	vsel vm3, $0x4, v5;
	v0 =	vsel vm15, v2, v0  }
0x123: {  	v1 =	vsel vm4, $0x5, v1;
	v0 =	vmax.f32 v0, $1.000000020e-24  }
0x124: {  	v1 =	vsel vm5, $0x6, v1;
	v46 =	vshra.s32 v0, $0x1;
	v47 =	vmul.f32 $5.000000000e-01, v0  }
0x125: {  	v1 =	vsel vm6, $0x7, v1;
	v2 =	vsub.s32 $0x5F3759DF, v46  }
0x126: {  	v1 =	vsel vm7, $0x8, v1;
	v55 =	vmul.f32 v2, v47  }
0x127: {  	v1 =	vsel vm8, $0x9, v1  }
0x128: {  	v1 =	vsel vm9, $0xA, v1;
	v4 =	vmul.f32 v2, v55  }
0x129: {  	v1 =	vsel vm10, $0xB, v1  }
0x12a: {  	v1 =	vsel vm11, $0xC, v1;
	v4 =	vsub.f32 $1.500000000e+00, v4  }
0x12b: {  	v1 =	vsel vm14, $0xD, v1  }
0x12c: {  	v55 =	vsel vm15, $0xE, v1;
	v5 =	vmul.f32 v2, v4  }
0x12d: {  	(v2sf) =	vpush v55, $0x0  }
0x12e: {  	v2 =	vmul.f32 v5, v47;
	_ =	sdelay $0x1  }
0x12f: {  	v2 =	vmul.f32 v2, v5;
	_ =	sdelay $0x1  }
0x130: {  	v2 =	vsub.f32 $1.500000000e+00, v2;
	_ =	sdelay $0x1  }
0x131: {  	v1 =	vmul.f32 v2, v5;
	_ =	sdelay $0x1  }
0x132: {  	(v2sf) =	vpush v55, $0x1;
	v2 =	vmul.f32 v1, v47;
	_ =	sdelay $0x1  }
0x133: {  	v2 =	vmul.f32 v2, v1;
	_ =	sdelay $0x1  }
0x134: {  	v2 =	vsub.f32 $1.500000000e+00, v2;
	_ =	sdelay $0x1  }
0x135: {  	s6 =	spop (v2sf);
	v1 =	vmul.f32 v2, v1  }
0x136: {  	s20 =	sshll.u32 s6, $0x4  }
0x137: {  	s17 =	sshll.u32 s6, $0x8;
	s25 =	sadd.s32 s26, s20;
	v0 =	vmul.f32 v1, v0  }
0x138: {  	s14 =	sshll.u32 s14, $0x9;
	s17 =	sshra.s32 s17, $0x2;
	s25 =	sshll.u32 s25, $0x2  }
0x139: {  	s14 =	sshra.s32 s14, $0x2;
	s20 =	sand.u32 $0x70, s20;
	s25 =	sand.u32 $0xFFFFFE00, s25;
	v2 =	vld [tilespmem:s17+$0x7580];
	v0 =	vmul.f32 $5.000000000e-01, v0  }
0x13a: {  	s20 =	sor.u32 s20, s25;
	v1 =	vld.idx.msk [tilespmem:v49+s14+$0x0 ss:$0x1], $0xffff  }
0x13b: {  	v3 =	vld.idx.msk [tilespmem:v48+s20+$0x8000 ss:$0x1], $0xffff;
	v0 =	vsub.f32 $1.000000000e+00, v0  }
0x13c: {  	v7 =	vld.idx.msk [tilespmem:v49+s14+$0x30 ss:$0x1], $0xffff  }
0x13d: {  	(v2sf) =	vpush v55, $0x2;
	v47 =	vld [tilespmem:s17+$0x7590];
	v54 =	vmax.f32 v0, $0.0e+00  }
0x13e: {  	v8 =	vld [tilespmem:s17+$0x75B0];
	s20 =	spop (v2sf);
	v46 =	vbroadcast v54, $0x0  }
0x13f: {  	s25 =	sshll.u32 s20, $0x4;
	v1 =	vmul.bf16 v2, v1;
	v0 =	vld.idx.msk [tilespmem:v49+s14+$0x10 ss:$0x1], $0xffff  }
0x140: {  	v53 =	vld [tilespmem:s17+$0x75A0];
	s6 =	sadd.s32 s26, s25;
	v3 =	vmul.f32 v46, v3  }
0x141: {  	s6 =	sshll.u32 s6, $0x2;
	v2 =	vld.idx.msk [tilespmem:v49+s14+$0x20 ss:$0x1], $0xffff;
	v6 =	vunpack.i.l.bf16.f32 v1  }
0x142: {  	v4 =	vld.idx.msk [tilespmem:v49+s14+$0x80 ss:$0x1], $0xffff;
	s25 =	sand.u32 $0x70, s25;
	s6 =	sand.u32 $0xFFFFFE00, s6;
	v6 =	vmul.f32 v3, v6  }
0x143: {  	(v2sf) =	vpush v55, $0x3;
	s20 =	sshll.u32 s20, $0x8;
	v7 =	vmul.bf16 v8, v7;
	v8 =	vld.idx.msk [tilespmem:v49+s14+$0x90 ss:$0x1], $0xffff;
	s6 =	sor.u32 s25, s6;
	v1 =	vunpack.i.u.bf16.f32 v1  }
0x144: {  	v1 =	vmul.f32 v3, v1;
	v0 =	vmul.bf16 v47, v0;
	v5 =	vadd.f32 v6, v63;
	v6 =	vld.idx.msk [tilespmem:v48+s6+$0x8000 ss:$0x1], $0xffff;
	s6 =	sshra.s32 s20, $0x2  }
0x145: {  	v47 =	vld [tilespmem:s6+$0x7580]  }
0x146: {  	v2 =	vmul.bf16 v53, v2;
	v1 =	vadd.f32 v1, v62;
	v63 =	vunpack.i.l.bf16.f32 v0;
	v62 =	vld [tilespmem:s6+$0x7590]  }
0x147: {  	v46 =	vmul.f32 v3, v63;
	v63 =	vld.idx.msk [tilespmem:v49+s14+$0xA0 ss:$0x1], $0xffff  }
0x148: {  	v53 =	vunpack.i.l.bf16.f32 v2;
	v2 =	vunpack.i.u.bf16.f32 v2;
	v0 =	vunpack.i.u.bf16.f32 v0;
	v9 =	vld [tilespmem:s6+$0x75A0]  }
0x149: {  	v2 =	vmul.f32 v3, v2;
	v46 =	vadd.f32 v46, v60;
	v60 =	vmul.f32 v3, v53  }
0x14a: {  	v0 =	vmul.f32 v3, v0;
	v53 =	vunpack.i.l.bf16.f32 v7;
	v7 =	vunpack.i.u.bf16.f32 v7  }
0x14b: {  	v59 =	vadd.f32 v60, v59;
	v60 =	vmul.f32 v3, v53;
	v53 =	vbroadcast v54, $0x1  }
0x14c: {  	s17 =	spop (v2sf);
	(v2sf) =	vpush v55, $0x4;
	v3 =	vmul.f32 v3, v7;
	v4 =	vmul.bf16 v47, v4  }
0x14d: {  	s20 =	sshll.u32 s17, $0x4;
	s17 =	sshll.u32 s17, $0x8;
	v2 =	vadd.f32 v2, v58;
	v58 =	vld [tilespmem:s6+$0x75B0];
	v8 =	vmul.bf16 v62, v8;
	v9 =	vmul.bf16 v9, v63  }
0x14e: {  	s25 =	sadd.s32 s26, s20;
	s17 =	sshra.s32 s17, $0x2;
	v0 =	vadd.f32 v0, v61;
	v7 =	vld.idx.msk [tilespmem:v49+s14+$0xB0 ss:$0x1], $0xffff;
	v63 =	vbroadcast v54, $0x2;
	v6 =	vmul.f32 v53, v6  }
0x14f: {  	s25 =	sshll.u32 s25, $0x2;
	v62 =	vld [tilespmem:s17+$0x7580];
	v47 =	vadd.f32 v60, v57;
	v61 =	vunpack.i.u.bf16.f32 v4;
	v4 =	vunpack.i.l.bf16.f32 v4  }
0x150: {  	s20 =	sand.u32 $0x70, s20;
	s6 =	sand.u32 $0xFFFFFE00, s25;
	v60 =	vld.idx.msk [tilespmem:v49+s14+$0x100 ss:$0x1], $0xffff;
	v53 =	vunpack.i.u.bf16.f32 v8;
	v8 =	vunpack.i.l.bf16.f32 v8;
	v4 =	vmul.f32 v6, v4  }
0x151: {  	s6 =	sor.u32 s20, s6;
	v3 =	vadd.f32 v3, v56;
	v57 =	vmul.f32 v6, v61;
	v8 =	vmul.f32 v6, v8  }
0x152: {  	v56 =	vmul.f32 v6, v53;
	v61 =	vld.idx.msk [tilespmem:v48+s6+$0x8000 ss:$0x1], $0xffff;
	v53 =	vunpack.i.l.bf16.f32 v9;
	v9 =	vunpack.i.u.bf16.f32 v9  }
0x153: {  	s6 =	spop (v2sf);
	(v2sf) =	vpush v55, $0x5;
	v7 =	vmul.bf16 v58, v7;
	v1 =	vadd.f32 v1, v57;
	v57 =	vld.idx.msk [tilespmem:v49+s14+$0x110 ss:$0x1], $0xffff  }
0x154: {  	s20 =	sshll.u32 s6, $0x4;
	s6 =	sshll.u32 s6, $0x8;
	v4 =	vadd.f32 v5, v4;
	v8 =	vadd.f32 v46, v8;
	v5 =	vmul.f32 v6, v53;
	v46 =	vld [tilespmem:s17+$0x7590]  }
0x155: {  	s6 =	sshra.s32 s6, $0x2;
	v58 =	vmul.bf16 v62, v60;
	v53 =	vunpack.i.u.bf16.f32 v7;
	v7 =	vunpack.i.l.bf16.f32 v7;
	v60 =	vld.idx.msk [tilespmem:v49+s14+$0x120 ss:$0x1], $0xffff  }
0x156: {  	v9 =	vmul.f32 v6, v9;
	v5 =	vadd.f32 v59, v5;
	v7 =	vmul.f32 v6, v7;
	v59 =	vld [tilespmem:s6+$0x7580]  }
0x157: {  	v0 =	vadd.f32 v0, v56;
	v6 =	vmul.f32 v6, v53;
	v56 =	vmul.f32 v63, v61;
	v61 =	vld [tilespmem:s17+$0x75A0]  }
0x158: {  	s25 =	sadd.s32 s26, s20;
	v2 =	vadd.f32 v2, v9;
	v53 =	vunpack.i.l.bf16.f32 v58;
	v62 =	vunpack.i.u.bf16.f32 v58;
	v58 =	vld.idx.msk [tilespmem:v49+s14+$0x180 ss:$0x1], $0xffff  }
0x159: {  	s25 =	sshll.u32 s25, $0x2;
	v3 =	vadd.f32 v3, v6;
	v6 =	vld [tilespmem:s17+$0x75B0];
	v9 =	vmul.f32 v56, v53;
	v46 =	vmul.bf16 v46, v57  }
0x15a: {  	s20 =	sand.u32 $0x70, s20;
	v7 =	vadd.f32 v47, v7;
	s17 =	sand.u32 $0xFFFFFE00, s25;
	v53 =	vld.idx.msk [tilespmem:v49+s14+$0x130 ss:$0x1], $0xffff  }
0x15b: {  	v47 =	vmul.f32 v56, v62;
	s17 =	sor.u32 s20, s17;
	v4 =	vadd.f32 v4, v9;
	v9 =	vunpack.i.l.bf16.f32 v46  }
0x15c: {  	v46 =	vunpack.i.u.bf16.f32 v46;
	v9 =	vmul.f32 v56, v9;
	v60 =	vmul.bf16 v61, v60;
	v61 =	vld.idx.msk [tilespmem:v48+s17+$0x8000 ss:$0x1], $0xffff  }
0x15d: {  	v62 =	vld.idx.msk [tilespmem:v49+s14+$0x1A0 ss:$0x1], $0xffff;
	v1 =	vadd.f32 v1, v47;
	v46 =	vmul.f32 v56, v46;
	v58 =	vmul.bf16 v59, v58  }
0x15e: {  	v47 =	vld [tilespmem:s6+$0x7590];
	s17 =	spop (v2sf);
	(v2sf) =	vpush v55, $0x6;
	v8 =	vadd.f32 v8, v9;
	v63 =	vunpack.i.l.bf16.f32 v60  }
0x15f: {  	s20 =	sshll.u32 s17, $0x4;
	v9 =	vld.idx.msk [tilespmem:v49+s14+$0x190 ss:$0x1], $0xffff;
	v6 =	vmul.bf16 v6, v53;
	v53 =	vunpack.i.u.bf16.f32 v60;
	v60 =	vbroadcast v54, $0x3  }
0x160: {  	v0 =	vadd.f32 v0, v46;
	s25 =	sadd.s32 s26, s20;
	v46 =	vmul.f32 v56, v63;
	v57 =	vmul.f32 v56, v53;
	v53 =	vld [tilespmem:s6+$0x75A0]  }
0x161: {  	s25 =	sshll.u32 s25, $0x2;
	v63 =	vunpack.i.l.bf16.f32 v6;
	v6 =	vunpack.i.u.bf16.f32 v6;
	v60 =	vmul.f32 v60, v61  }
0x162: {  	s20 =	sand.u32 $0x70, s20;
	s25 =	sand.u32 $0xFFFFFE00, s25;
	v63 =	vmul.f32 v56, v63;
	v6 =	vmul.f32 v56, v6;
	v61 =	vunpack.i.l.bf16.f32 v58;
	v56 =	vld.idx.msk [tilespmem:v49+s14+$0x1B0 ss:$0x1], $0xffff  }
0x163: {  	v5 =	vadd.f32 v5, v46;
	v2 =	vadd.f32 v2, v57;
	v57 =	vld [tilespmem:s6+$0x75B0];
	s25 =	sor.u32 s20, s25;
	v46 =	vmul.f32 v60, v61  }
0x164: {  	s20 =	sshll.u32 s17, $0x8;
	v7 =	vadd.f32 v7, v63;
	v3 =	vadd.f32 v3, v6;
	v6 =	vmul.bf16 v47, v9;
	v9 =	vld.idx.msk [tilespmem:v48+s25+$0x8000 ss:$0x1], $0xffff  }
0x165: {  	s6 =	sshra.s32 s20, $0x2;
	v63 =	vunpack.i.u.bf16.f32 v58;
	v58 =	vld.idx.msk [tilespmem:v49+s14+$0x200 ss:$0x1], $0xffff;
	v4 =	vadd.f32 v4, v46;
	v46 =	vmul.bf16 v53, v62  }
0x166: {  	v61 =	vld [tilespmem:s6+$0x7580];
	v47 =	vmul.f32 v60, v63;
	v53 =	vunpack.i.u.bf16.f32 v6;
	v6 =	vunpack.i.l.bf16.f32 v6  }
0x167: {  	v63 =	vld.idx.msk [tilespmem:v49+s14+$0x210 ss:$0x1], $0xffff;
	v6 =	vmul.f32 v6, v60;
	v59 =	vmul.f32 v53, v60;
	v62 =	vunpack.i.l.bf16.f32 v46  }
0x168: {  	s17 =	spop (v2sf);
	(v2sf) =	vpush v55, $0x7;
	v56 =	vmul.bf16 v57, v56;
	v57 =	vld [tilespmem:s6+$0x7590];
	v53 =	vmul.f32 v62, v60  }
0x169: {  	v6 =	vadd.f32 v6, v8;
	v0 =	vadd.f32 v0, v59;
	v8 =	vunpack.i.u.bf16.f32 v46  }
0x16a: {  	v59 =	vunpack.i.l.bf16.f32 v56;
	v62 =	vunpack.i.u.bf16.f32 v56;
	v8 =	vmul.f32 v8, v60  }
0x16b: {  	v46 =	vmul.f32 v59, v60;
	v59 =	vld.idx.msk [tilespmem:v49+s14+$0x220 ss:$0x1], $0xffff;
	v5 =	vadd.f32 v53, v5;
	v53 =	vbroadcast v54, $0x4  }
0x16c: {  	s20 =	sshll.u32 s17, $0x4;
	v2 =	vadd.f32 v8, v2;
	v8 =	vmul.f32 v62, v60;
	v62 =	vmul.bf16 v61, v58;
	v58 =	vld [tilespmem:s6+$0x75A0]  }
0x16d: {  	s25 =	sadd.s32 s26, s20;
	v56 =	vld.idx.msk [tilespmem:v49+s14+$0x230 ss:$0x1], $0xffff;
	v7 =	vadd.f32 v46, v7;
	v46 =	vmul.bf16 v57, v63;
	v9 =	vmul.f32 v9, v53  }
0x16e: {  	s17 =	sshll.u32 s17, $0x8;
	s25 =	sshll.u32 s25, $0x2;
	v1 =	vadd.f32 v1, v47;
	v57 =	vld [tilespmem:s6+$0x75B0];
	v3 =	vadd.f32 v8, v3;
	v8 =	vunpack.i.l.bf16.f32 v62  }
0x16f: {  	s20 =	sand.u32 $0x70, s20;
	s17 =	sshra.s32 s17, $0x2;
	s6 =	sand.u32 $0xFFFFFE00, s25;
	v61 =	vld.idx.msk [tilespmem:v49+s14+$0x280 ss:$0x1], $0xffff;
	v47 =	vunpack.i.u.bf16.f32 v62;
	v53 =	vunpack.i.l.bf16.f32 v46;
	v8 =	vmul.f32 v8, v9  }
0x170: {  	s6 =	sor.u32 s20, s6;
	v46 =	vunpack.i.u.bf16.f32 v46;
	v47 =	vmul.f32 v47, v9;
	v60 =	vmul.f32 v53, v9;
	v53 =	vld [tilespmem:s17+$0x7580]  }
0x171: {  	v4 =	vadd.f32 v8, v4;
	v8 =	vmul.f32 v46, v9;
	v63 =	vmul.bf16 v58, v59;
	v58 =	vld.idx.msk [tilespmem:v48+s6+$0x8000 ss:$0x1], $0xffff  }
0x172: {  	v1 =	vadd.f32 v47, v1;
	v6 =	vadd.f32 v60, v6  }
0x173: {  	v47 =	vld.idx.msk [tilespmem:v49+s14+$0x290 ss:$0x1], $0xffff;
	v56 =	vmul.bf16 v57, v56;
	v0 =	vadd.f32 v8, v0;
	v8 =	vunpack.i.l.bf16.f32 v63  }
0x174: {  	v57 =	vld [tilespmem:s17+$0x7590];
	v59 =	vbroadcast v54, $0x5;
	v46 =	vunpack.i.u.bf16.f32 v63;
	v8 =	vmul.f32 v8, v9  }
0x175: {  	s6 =	spop (v2sf);
	v60 =	vld.idx.msk [tilespmem:v49+s14+$0x2A0 ss:$0x1], $0xffff;
	v63 =	vunpack.i.l.bf16.f32 v56;
	v46 =	vmul.f32 v46, v9;
	v61 =	vmul.bf16 v53, v61  }
0x176: {  	s20 =	sshll.u32 s6, $0x4;
	v56 =	vunpack.i.u.bf16.f32 v56;
	v53 =	vld [tilespmem:s17+$0x75A0];
	v63 =	vmul.f32 v63, v9;
	v58 =	vmul.f32 v58, v59  }
0x177: {  	s25 =	sadd.s32 s26, s20;
	v5 =	vadd.f32 v8, v5;
	v8 =	vmul.f32 v56, v9;
	v9 =	vunpack.i.l.bf16.f32 v61;
	v56 =	vld.idx.msk [tilespmem:v49+s14+$0x2B0 ss:$0x1], $0xffff  }
0x178: {  	s6 =	sshll.u32 s6, $0x8;
	s25 =	sshll.u32 s25, $0x2;
	v2 =	vadd.f32 v46, v2;
	v7 =	vadd.f32 v63, v7;
	v46 =	vld [tilespmem:s17+$0x75B0];
	v9 =	vmul.f32 v9, v58  }
0x179: {  	s20 =	sand.u32 $0x70, s20;
	s6 =	sshra.s32 s6, $0x2;
	s25 =	sand.u32 $0xFFFFFE00, s25;
	v63 =	vunpack.i.u.bf16.f32 v61;
	v59 =	vld.idx.msk [tilespmem:v49+s14+$0x300 ss:$0x1], $0xffff;
	v3 =	vadd.f32 v8, v3;
	v8 =	vmul.bf16 v57, v47  }
0x17a: {  	(v2sf) =	vpush v55, $0x8;
	s20 =	sor.u32 s20, s25;
	v61 =	vld [tilespmem:s6+$0x7580];
	v57 =	vmul.f32 v63, v58;
	v4 =	vadd.f32 v9, v4  }
0x17b: {  	v47 =	vld.idx.msk [tilespmem:v48+s20+$0x8000 ss:$0x1], $0xffff;
	v9 =	vmul.bf16 v53, v60;
	v53 =	vunpack.i.u.bf16.f32 v8;
	v8 =	vunpack.i.l.bf16.f32 v8  }
0x17c: {  	v63 =	vld.idx.msk [tilespmem:v49+s14+$0x310 ss:$0x1], $0xffff;
	v1 =	vadd.f32 v57, v1;
	v8 =	vmul.f32 v8, v58  }
0x17d: {  	s17 =	spop (v2sf);
	v60 =	vmul.f32 v53, v58;
	v46 =	vmul.bf16 v46, v56;
	v56 =	vld [tilespmem:s6+$0x7590];
	v62 =	vunpack.i.l.bf16.f32 v9  }
0x17e: {  	s20 =	sshll.u32 s17, $0x4;
	v62 =	vmul.f32 v62, v58;
	v6 =	vadd.f32 v8, v6;
	v8 =	vunpack.i.u.bf16.f32 v9  }
0x17f: {  	s25 =	sadd.s32 s26, s20;
	v57 =	vld.idx.msk [tilespmem:v49+s14+$0x320 ss:$0x1], $0xffff;
	v53 =	vbroadcast v54, $0x6;
	v9 =	vunpack.i.l.bf16.f32 v46;
	v8 =	vmul.f32 v8, v58  }
0x180: {  	s25 =	sshll.u32 s25, $0x2;
	v46 =	vunpack.i.u.bf16.f32 v46;
	v9 =	vmul.f32 v9, v58;
	v5 =	vadd.f32 v62, v5;
	v62 =	vld [tilespmem:s6+$0x75A0]  }
0x181: {  	s20 =	sand.u32 $0x70, s20;
	v61 =	vmul.bf16 v61, v59;
	s25 =	sand.u32 $0xFFFFFE00, s25;
	v2 =	vadd.f32 v8, v2;
	v8 =	vmul.f32 v46, v58;
	v58 =	vld.idx.msk [tilespmem:v49+s14+$0x330 ss:$0x1], $0xffff  }
0x182: {  	s25 =	sor.u32 s20, s25;
	s20 =	sshll.u32 s17, $0x8;
	v7 =	vadd.f32 v9, v7;
	v9 =	vmul.f32 v47, v53;
	v47 =	vmul.bf16 v56, v63;
	v56 =	vld [tilespmem:s6+$0x75B0]  }
0x183: {  	(v2sf) =	vpush v55, $0x9;
	v0 =	vadd.f32 v60, v0;
	v46 =	vunpack.i.u.bf16.f32 v61;
	s6 =	sshra.s32 s20, $0x2  }
0x184: {  	v63 =	vld [tilespmem:s6+$0x7580];
	v3 =	vadd.f32 v8, v3;
	v8 =	vunpack.i.l.bf16.f32 v61;
	v46 =	vmul.f32 v46, v9  }
0x185: {  	v53 =	vunpack.i.l.bf16.f32 v47;
	v61 =	vld.idx.msk [tilespmem:v49+s14+$0x380 ss:$0x1], $0xffff;
	v47 =	vunpack.i.u.bf16.f32 v47;
	v8 =	vmul.f32 v8, v9  }
0x186: {  	v59 =	vld.idx.msk [tilespmem:v48+s25+$0x8000 ss:$0x1], $0xffff;
	v60 =	vmul.f32 v53, v9;
	v62 =	vmul.bf16 v62, v57;
	v1 =	vadd.f32 v46, v1  }
0x187: {  	v57 =	vld.idx.msk [tilespmem:v49+s14+$0x390 ss:$0x1], $0xffff;
	v4 =	vadd.f32 v8, v4;
	v8 =	vmul.f32 v47, v9;
	v46 =	vmul.bf16 v56, v58  }
0x188: {  	v6 =	vadd.f32 v60, v6;
	v56 =	vld [tilespmem:s6+$0x7590]  }
0x189: {  	v58 =	vld.idx.msk [tilespmem:v49+s14+$0x3A0 ss:$0x1], $0xffff;
	v47 =	vunpack.i.l.bf16.f32 v62;
	v0 =	vadd.f32 v8, v0;
	v53 =	vunpack.i.l.bf16.f32 v46  }
0x18a: {  	s17 =	spop (v2sf);
	v8 =	vunpack.i.u.bf16.f32 v62;
	v47 =	vmul.f32 v47, v9;
	v62 =	vld [tilespmem:s6+$0x75A0];
	v63 =	vmul.bf16 v63, v61  }
0x18b: {  	s20 =	sshll.u32 s17, $0x4;
	v46 =	vunpack.i.u.bf16.f32 v46;
	v8 =	vmul.f32 v8, v9;
	v60 =	vmul.f32 v53, v9  }
0x18c: {  	(v2sf) =	vpush v55, $0xA;
	s25 =	sadd.s32 s26, s20;
	v9 =	vmul.f32 v46, v9;
	v53 =	vmovc v44;
	v44 =	vmovc v10;
	v10 =	vbroadcast v54, $0x7  }
0x18d: {  	s25 =	sshll.u32 s25, $0x2;
	v5 =	vadd.f32 v47, v5;
	v46 =	vunpack.i.u.bf16.f32 v63;
	v61 =	vmul.bf16 v56, v57;
	v56 =	vld [tilespmem:s6+$0x75B0]  }
0x18e: {  	s20 =	sand.u32 $0x70, s20;
	s25 =	sand.u32 $0xFFFFFE00, s25;
	v2 =	vadd.f32 v8, v2;
	v7 =	vadd.f32 v60, v7;
	v8 =	vmul.f32 v59, v10;
	v10 =	vld.idx.msk [tilespmem:v49+s14+$0x3B0 ss:$0x1], $0xffff  }
0x18f: {  	s25 =	sor.u32 s20, s25;
	s20 =	sshll.u32 s17, $0x8;
	v3 =	vadd.f32 v9, v3;
	v9 =	vunpack.i.l.bf16.f32 v63;
	v60 =	vld.idx.msk [tilespmem:v49+s14+$0x400 ss:$0x1], $0xffff;
	v57 =	vmul.bf16 v62, v58  }
0x190: {  	s6 =	sshra.s32 s20, $0x2;
	v58 =	vld.idx.msk [tilespmem:v48+s25+$0x8000 ss:$0x1], $0xffff;
	v59 =	vunpack.i.u.bf16.f32 v61;
	v47 =	vunpack.i.l.bf16.f32 v61;
	v9 =	vmul.f32 v9, v8  }
0x191: {  	v62 =	vld [tilespmem:s6+$0x7580];
	v46 =	vmul.f32 v46, v8;
	v47 =	vmul.f32 v47, v8;
	v61 =	vunpack.i.l.bf16.f32 v57  }
0x192: {  	v4 =	vadd.f32 v9, v4;
	v9 =	vmul.f32 v59, v8;
	v59 =	vmul.f32 v61, v8;
	v61 =	vld.idx.msk [tilespmem:v49+s14+$0x410 ss:$0x1], $0xffff  }
0x193: {  	s17 =	spop (v2sf);
	v1 =	vadd.f32 v46, v1;
	v6 =	vadd.f32 v47, v6;
	v46 =	vld [tilespmem:s6+$0x7590];
	v10 =	vmul.bf16 v56, v10  }
0x194: {  	s20 =	sshll.u32 s17, $0x4;
	v56 =	vbroadcast v54, $0x8;
	v0 =	vadd.f32 v9, v0;
	v9 =	vunpack.i.u.bf16.f32 v57  }
0x195: {  	s25 =	sadd.s32 s26, s20;
	v5 =	vadd.f32 v59, v5;
	v57 =	vld.idx.msk [tilespmem:v49+s14+$0x420 ss:$0x1], $0xffff;
	v9 =	vmul.f32 v9, v8;
	v63 =	vunpack.i.l.bf16.f32 v10  }
0x196: {  	s25 =	sshll.u32 s25, $0x2;
	v59 =	vmul.bf16 v62, v60;
	v60 =	vld [tilespmem:s6+$0x75A0];
	v10 =	vunpack.i.u.bf16.f32 v10;
	v47 =	vmul.f32 v63, v8  }
0x197: {  	s20 =	sand.u32 $0x70, s20;
	s25 =	sand.u32 $0xFFFFFE00, s25;
	v8 =	vmul.f32 v10, v8;
	v10 =	vld.idx.msk [tilespmem:v49+s14+$0x430 ss:$0x1], $0xffff;
	v2 =	vadd.f32 v9, v2;
	v9 =	vmul.f32 v58, v56  }
0x198: {  	s25 =	sor.u32 s20, s25;
	v62 =	vunpack.i.l.bf16.f32 v59;
	v46 =	vmul.bf16 v46, v61;
	v56 =	vld [tilespmem:s6+$0x75B0];
	v7 =	vadd.f32 v47, v7  }
0x199: {  	s20 =	sshll.u32 s17, $0x8;
	v58 =	vld.idx.msk [tilespmem:v48+s25+$0x8000 ss:$0x1], $0xffff;
	v3 =	vadd.f32 v8, v3;
	v8 =	vunpack.i.u.bf16.f32 v59;
	v47 =	vmul.f32 v62, v9  }
0x19a: {  	v61 =	vld.idx.msk [tilespmem:v49+s14+$0x480 ss:$0x1], $0xffff;
	s6 =	sshra.s32 s20, $0x2;
	v8 =	vmul.f32 v8, v9;
	v59 =	vunpack.i.u.bf16.f32 v46;
	v46 =	vunpack.i.l.bf16.f32 v46  }
0x19b: {  	(v2sf) =	vpush v55, $0xB;
	v57 =	vmul.bf16 v60, v57;
	v60 =	vld [tilespmem:s6+$0x7580];
	v46 =	vmul.f32 v46, v9  }
0x19c: {  	v4 =	vadd.f32 v47, v4;
	v1 =	vadd.f32 v8, v1;
	v8 =	vmul.f32 v59, v9;
	v47 =	vld.idx.msk [tilespmem:v49+s14+$0x490 ss:$0x1], $0xffff  }
0x19d: {  	v63 =	vunpack.i.l.bf16.f32 v57;
	v6 =	vadd.f32 v46, v6;
	v10 =	vmul.bf16 v56, v10;
	v56 =	vld [tilespmem:s6+$0x7590]  }
0x19e: {  	s17 =	spop (v2sf);
	v46 =	vmul.f32 v63, v9;
	v63 =	vld [tilespmem:s6+$0x75A0];
	v0 =	vadd.f32 v8, v0;
	v8 =	vunpack.i.u.bf16.f32 v57  }
0x19f: {  	s20 =	sshll.u32 s17, $0x4;
	s17 =	sshll.u32 s17, $0x8;
	v62 =	vbroadcast v54, $0x9;
	v57 =	vld.idx.msk [tilespmem:v49+s14+$0x4A0 ss:$0x1], $0xffff;
	v8 =	vmul.f32 v8, v9;
	v59 =	vunpack.i.l.bf16.f32 v10  }
0x1a0: {  	s17 =	sshra.s32 s17, $0x2;
	v5 =	vadd.f32 v46, v5;
	v61 =	vmul.bf16 v60, v61;
	v46 =	vmul.f32 v59, v9  }
0x1a1: {  	v59 =	vld [tilespmem:s17+$0x7580];
	v2 =	vadd.f32 v8, v2;
	v8 =	vunpack.i.u.bf16.f32 v10;
	v10 =	vmul.f32 v58, v62  }
0x1a2: {  	s25 =	sadd.s32 s26, s20;
	v7 =	vadd.f32 v46, v7;
	v8 =	vmul.f32 v8, v9;
	v9 =	vunpack.i.l.bf16.f32 v61;
	v46 =	vld.idx.msk [tilespmem:v49+s14+$0x4B0 ss:$0x1], $0xffff  }
0x1a3: {  	(v2sf) =	vpush v55, $0xC;
	s25 =	sshll.u32 s25, $0x2;
	v47 =	vmul.bf16 v56, v47;
	v56 =	vld [tilespmem:s6+$0x75B0];
	v9 =	vmul.f32 v9, v10  }
0x1a4: {  	s20 =	sand.u32 $0x70, s20;
	v58 =	vld.idx.msk [tilespmem:v49+s14+$0x500 ss:$0x1], $0xffff;
	s6 =	sand.u32 $0xFFFFFE00, s25;
	v57 =	vmul.bf16 v63, v57;
	v3 =	vadd.f32 v8, v3;
	v8 =	vunpack.i.u.bf16.f32 v61  }
0x1a5: {  	s6 =	sor.u32 s20, s6;
	v4 =	vadd.f32 v9, v4;
	v8 =	vmul.f32 v8, v10;
	v9 =	vunpack.i.l.bf16.f32 v47  }
0x1a6: {  	v61 =	vld.idx.msk [tilespmem:v48+s6+$0x8000 ss:$0x1], $0xffff;
	v47 =	vunpack.i.u.bf16.f32 v47;
	v60 =	vunpack.i.l.bf16.f32 v57;
	v9 =	vmul.f32 v9, v10  }
0x1a7: {  	v1 =	vadd.f32 v8, v1;
	v8 =	vmul.f32 v47, v10;
	v47 =	vmul.f32 v60, v10;
	v60 =	vld.idx.msk [tilespmem:v49+s14+$0x510 ss:$0x1], $0xffff  }
0x1a8: {  	v46 =	vmul.bf16 v56, v46;
	v56 =	vld [tilespmem:s17+$0x7590];
	v6 =	vadd.f32 v9, v6;
	v9 =	vunpack.i.u.bf16.f32 v57  }
0x1a9: {  	v58 =	vmul.bf16 v59, v58;
	v59 =	vld [tilespmem:s17+$0x75A0];
	v0 =	vadd.f32 v8, v0;
	v8 =	vmul.f32 v9, v10  }
0x1aa: {  	v63 =	vbroadcast v54, $0xA;
	s6 =	spop (v2sf);
	(v2sf) =	vpush v55, $0xD;
	v9 =	vld.idx.msk [tilespmem:v49+s14+$0x520 ss:$0x1], $0xffff;
	v62 =	vunpack.i.l.bf16.f32 v46  }
0x1ab: {  	s20 =	sshll.u32 s6, $0x4;
	v2 =	vadd.f32 v8, v2;
	v8 =	vunpack.i.u.bf16.f32 v46;
	v46 =	vmul.f32 v62, v10  }
0x1ac: {  	s25 =	sadd.s32 s26, s20;
	v57 =	vld.idx.msk [tilespmem:v49+s14+$0x530 ss:$0x1], $0xffff;
	v5 =	vadd.f32 v47, v5;
	v8 =	vmul.f32 v8, v10;
	v10 =	vmul.f32 v61, v63  }
0x1ad: {  	s6 =	sshll.u32 s6, $0x8;
	s25 =	sshll.u32 s25, $0x2;
	v47 =	vunpack.i.u.bf16.f32 v58;
	v58 =	vunpack.i.l.bf16.f32 v58;
	v56 =	vmul.bf16 v56, v60;
	v60 =	vld [tilespmem:s17+$0x75B0]  }
0x1ae: {  	s20 =	sand.u32 $0x70, s20;
	s6 =	sshra.s32 s6, $0x2;
	s17 =	sand.u32 $0xFFFFFE00, s25;
	v7 =	vadd.f32 v46, v7;
	v46 =	vmul.f32 v58, v10;
	v47 =	vmul.f32 v47, v10;
	v58 =	vld.idx.msk [tilespmem:v49+s14+$0x580 ss:$0x1], $0xffff  }
0x1af: {  	s17 =	sor.u32 s20, s17;
	v61 =	vunpack.i.u.bf16.f32 v56;
	v56 =	vunpack.i.l.bf16.f32 v56;
	v9 =	vmul.bf16 v59, v9;
	v59 =	vld [tilespmem:s6+$0x7580]  }
0x1b0: {  	v3 =	vadd.f32 v8, v3;
	v8 =	vmul.f32 v56, v10;
	v56 =	vmul.f32 v61, v10;
	v61 =	vld.idx.msk [tilespmem:v48+s17+$0x8000 ss:$0x1], $0xffff  }
0x1b1: {  	v4 =	vadd.f32 v46, v4;
	v1 =	vadd.f32 v47, v1;
	v62 =	vunpack.i.l.bf16.f32 v9;
	v47 =	vld.idx.msk [tilespmem:v49+s14+$0x590 ss:$0x1], $0xffff  }
0x1b2: {  	v46 =	vld [tilespmem:s6+$0x7590];
	v9 =	vunpack.i.u.bf16.f32 v9;
	v6 =	vadd.f32 v8, v6;
	v8 =	vmul.f32 v62, v10  }
0x1b3: {  	v0 =	vadd.f32 v56, v0;
	v56 =	vmul.bf16 v60, v57;
	v57 =	vbroadcast v54, $0xB;
	v60 =	vld.idx.msk [tilespmem:v49+s14+$0x5A0 ss:$0x1], $0xffff  }
0x1b4: {  	s17 =	spop (v2sf);
	v5 =	vadd.f32 v8, v5;
	v8 =	vmul.f32 v9, v10;
	v9 =	vmul.bf16 v59, v58;
	v58 =	vld [tilespmem:s6+$0x75A0]  }
0x1b5: {  	s20 =	sshll.u32 s17, $0x4;
	v63 =	vunpack.i.u.bf16.f32 v56;
	v56 =	vunpack.i.l.bf16.f32 v56;
	v57 =	vmul.f32 v61, v57  }
0x1b6: {  	s25 =	sadd.s32 s26, s20;
	v56 =	vmul.f32 v56, v10;
	v10 =	vmul.f32 v63, v10;
	v59 =	vunpack.i.l.bf16.f32 v9  }
0x1b7: {  	(v2sf) =	vpush v55, $0xE;
	s25 =	sshll.u32 s25, $0x2;
	v61 =	vld.idx.msk [tilespmem:v49+s14+$0x5B0 ss:$0x1], $0xffff;
	v2 =	vadd.f32 v8, v2;
	v8 =	vmul.f32 v59, v57  }
0x1b8: {  	s20 =	sand.u32 $0x70, s20;
	s25 =	sand.u32 $0xFFFFFE00, s25;
	v9 =	vunpack.i.u.bf16.f32 v9;
	v59 =	vld [tilespmem:s6+$0x75B0];
	v3 =	vadd.f32 v10, v3;
	v10 =	vmul.bf16 v46, v47  }
0x1b9: {  	v62 =	vld.idx.msk [tilespmem:v49+s14+$0x610 ss:$0x1], $0xffff;
	s25 =	sor.u32 s20, s25;
	s20 =	sshll.u32 s17, $0x8;
	v7 =	vadd.f32 v56, v7;
	v4 =	vadd.f32 v8, v4;
	v8 =	vmul.bf16 v58, v60  }
0x1ba: {  	v47 =	vld.idx.msk [tilespmem:v49+s14+$0x600 ss:$0x1], $0xffff;
	s6 =	sshra.s32 s20, $0x2;
	v9 =	vmul.f32 v9, v57;
	v60 =	vunpack.i.u.bf16.f32 v10;
	v10 =	vunpack.i.l.bf16.f32 v10  }
0x1bb: {  	v58 =	vld [tilespmem:s6+$0x7580];
	v10 =	vmul.f32 v10, v57;
	v56 =	vmul.f32 v60, v57;
	v60 =	vunpack.i.l.bf16.f32 v8  }
0x1bc: {  	v46 =	vld.idx.msk [tilespmem:v48+s25+$0x8000 ss:$0x1], $0xffff;
	v1 =	vadd.f32 v9, v1;
	v9 =	vmul.f32 v60, v57  }
0x1bd: {  	s17 =	spop (v2sf);
	v8 =	vunpack.i.u.bf16.f32 v8;
	v59 =	vmul.bf16 v59, v61;
	v60 =	vld [tilespmem:s6+$0x7590];
	v6 =	vadd.f32 v10, v6  }
0x1be: {  	s20 =	sshll.u32 s17, $0x4;
	v0 =	vadd.f32 v56, v0;
	v8 =	vmul.f32 v8, v57;
	v10 =	vld.idx.msk [tilespmem:v49+s14+$0x620 ss:$0x1], $0xffff;
	v5 =	vadd.f32 v9, v5  }
0x1bf: {  	s25 =	sadd.s32 s26, s20;
	v61 =	vld [tilespmem:s6+$0x75A0];
	v9 =	vunpack.i.l.bf16.f32 v59;
	v56 =	vunpack.i.u.bf16.f32 v59;
	v59 =	vbroadcast v54, $0xC  }
0x1c0: {  	s25 =	sshll.u32 s25, $0x2;
	v2 =	vadd.f32 v8, v2;
	v47 =	vmul.bf16 v58, v47;
	v58 =	vld [tilespmem:s6+$0x75B0];
	v8 =	vmul.f32 v56, v57  }
0x1c1: {  	(v2sf) =	vpush v55, $0xF;
	s20 =	sand.u32 $0x70, s20;
	s25 =	sand.u32 $0xFFFFFE00, s25;
	v9 =	vmul.f32 v9, v57;
	v56 =	vld.idx.msk [tilespmem:v49+s14+$0x630 ss:$0x1], $0xffff;
	v46 =	vmul.f32 v46, v59  }
0x1c2: {  	s17 =	sshll.u32 s17, $0x8;
	s25 =	sor.u32 s20, s25;
	v59 =	vld.idx.msk [tilespmem:v49+s14+$0x680 ss:$0x1], $0xffff;
	v62 =	vmul.bf16 v60, v62;
	v3 =	vadd.f32 v8, v3;
	v8 =	vunpack.i.l.bf16.f32 v47  }
0x1c3: {  	s6 =	sshra.s32 s17, $0x2;
	v7 =	vadd.f32 v9, v7;
	v9 =	vld.idx.msk [tilespmem:v48+s25+$0x8000 ss:$0x1], $0xffff;
	v47 =	vunpack.i.u.bf16.f32 v47;
	v8 =	vmul.f32 v8, v46  }
0x1c4: {  	v60 =	vld [tilespmem:s6+$0x7580];
	v10 =	vmul.bf16 v61, v10;
	v47 =	vmul.f32 v47, v46;
	v57 =	vunpack.i.u.bf16.f32 v62  }
0x1c5: {  	v61 =	vld [tilespmem:s6+$0x75A0];
	v63 =	vunpack.i.l.bf16.f32 v62;
	v4 =	vadd.f32 v8, v4;
	v8 =	vmul.f32 v57, v46  }
0x1c6: {  	v55 =	vmul.f32 v63, v46;
	v57 =	vld.idx.msk [tilespmem:v49+s14+$0x690 ss:$0x1], $0xffff;
	v1 =	vadd.f32 v47, v1;
	v47 =	vmul.bf16 v58, v56  }
0x1c7: {  	s17 =	spop (v2sf);
	v56 =	vld.idx.msk [tilespmem:v49+s14+$0x6A0 ss:$0x1], $0xffff;
	v0 =	vadd.f32 v8, v0;
	v8 =	vunpack.i.u.bf16.f32 v10;
	v10 =	vunpack.i.l.bf16.f32 v10  }
0x1c8: {  	s20 =	sshll.u32 s17, $0x4;
	v6 =	vadd.f32 v55, v6;
	v55 =	vld [tilespmem:s6+$0x7590];
	v10 =	vmul.f32 v10, v46  }
0x1c9: {  	s25 =	sadd.s32 s26, s20;
	v62 =	vbroadcast v54, $0xD;
	v58 =	vunpack.i.l.bf16.f32 v47;
	v8 =	vmul.f32 v8, v46  }
0x1ca: {  	s25 =	sshll.u32 s25, $0x2;
	v47 =	vunpack.i.u.bf16.f32 v47;
	v58 =	vmul.f32 v58, v46;
	v5 =	vadd.f32 v10, v5;
	v10 =	vld [tilespmem:s6+$0x75B0]  }
0x1cb: {  	s20 =	sand.u32 $0x70, s20;
	s25 =	sand.u32 $0xFFFFFE00, s25;
	v60 =	vmul.bf16 v60, v59;
	v2 =	vadd.f32 v8, v2;
	v8 =	vmul.f32 v9, v62;
	v9 =	vld.idx.msk [tilespmem:v49+s14+$0x6B0 ss:$0x1], $0xffff  }
0x1cc: {  	v46 =	vmul.f32 v47, v46;
	v7 =	vadd.f32 v58, v7;
	s6 =	sor.u32 s20, s25;
	v56 =	vmul.bf16 v61, v56;
	v58 =	vld.idx.msk [tilespmem:v49+s14+$0x700 ss:$0x1], $0xffff  }
0x1cd: {  	v47 =	vunpack.i.u.bf16.f32 v60;
	v62 =	vunpack.i.l.bf16.f32 v60;
	s20 =	sshll.u32 s17, $0x8;
	v55 =	vmul.bf16 v55, v57;
	v57 =	vld.idx.msk [tilespmem:v48+s6+$0x8000 ss:$0x1], $0xffff  }
0x1ce: {  	v3 =	vadd.f32 v46, v3;
	v46 =	vmul.f32 v62, v8;
	s6 =	sshra.s32 s20, $0x2;
	v61 =	vunpack.i.l.bf16.f32 v56;
	v62 =	vld.idx.msk [tilespmem:v49+s14+$0x710 ss:$0x1], $0xffff  }
0x1cf: {  	v47 =	vmul.f32 v47, v8;
	v60 =	vld [tilespmem:s6+$0x7580];
	v63 =	vmul.f32 v61, v8  }
0x1d0: {  	v61 =	vunpack.i.u.bf16.f32 v56;
	v56 =	vld [tilespmem:s6+$0x75B0];
	v59 =	vunpack.i.u.bf16.f32 v55;
	v55 =	vunpack.i.l.bf16.f32 v55  }
0x1d1: {  	v1 =	vadd.f32 v47, v1;
	v47 =	vld [tilespmem:s6+$0x7590];
	v55 =	vmul.f32 v55, v8;
	v59 =	vmul.f32 v59, v8  }
0x1d2: {  	v4 =	vadd.f32 v46, v4;
	v9 =	vmul.bf16 v10, v9;
	v10 =	vld [tilespmem:s6+$0x75A0];
	v5 =	vadd.f32 v63, v5  }
0x1d3: {  	s17 =	spop (v2sf);
	v46 =	vbroadcast v54, $0xE;
	v63 =	vld.idx.msk [tilespmem:v49+s14+$0x730 ss:$0x1], $0xffff;
	v6 =	vadd.f32 v55, v6;
	v0 =	vadd.f32 v59, v0  }
0x1d4: {  	s20 =	sshll.u32 s17, $0x4;
	v55 =	vmul.f32 v61, v8;
	v59 =	vunpack.i.l.bf16.f32 v9;
	v58 =	vmul.bf16 v60, v58;
	v60 =	vld.idx.msk [tilespmem:v49+s14+$0x720 ss:$0x1], $0xffff  }
0x1d5: {  	s25 =	sadd.s32 s26, s20;
	v9 =	vunpack.i.u.bf16.f32 v9;
	v46 =	vmul.f32 v57, v46;
	v59 =	vmul.f32 v59, v8  }
0x1d6: {  	s6 =	sshll.u32 s25, $0x2;
	v8 =	vmul.f32 v9, v8;
	v2 =	vadd.f32 v55, v2;
	v9 =	vunpack.i.u.bf16.f32 v58  }
0x1d7: {  	s20 =	sand.u32 $0x70, s20;
	s6 =	sand.u32 $0xFFFFFE00, s6;
	v57 =	vld.idx.msk [tilespmem:v49+s14+$0x790 ss:$0x1], $0xffff;
	v58 =	vunpack.i.l.bf16.f32 v58;
	v7 =	vadd.f32 v59, v7;
	v9 =	vmul.f32 v9, v46  }
0x1d8: {  	s25 =	sshll.u32 s17, $0x8;
	s6 =	sor.u32 s20, s6;
	v3 =	vadd.f32 v8, v3;
	v8 =	vmul.bf16 v47, v62;
	v47 =	vld.idx.msk [tilespmem:v49+s14+$0x780 ss:$0x1], $0xffff;
	v61 =	vmul.f32 v58, v46  }
0x1d9: {  	v56 =	vmul.bf16 v56, v63;
	v58 =	vld.idx.msk [tilespmem:v48+s6+$0x8000 ss:$0x1], $0xffff;
	s6 =	sshra.s32 s25, $0x2;
	v1 =	vadd.f32 v9, v1;
	v9 =	vmul.bf16 v10, v60  }
0x1da: {  	v62 =	vunpack.i.u.bf16.f32 v8;
	v8 =	vunpack.i.l.bf16.f32 v8;
	v4 =	vadd.f32 v61, v4;
	v10 =	vld [tilespmem:s6+$0x7580]  }
0x1db: {  	v8 =	vmul.f32 v8, v46;
	v55 =	vmul.f32 v62, v46;
	v60 =	vld [tilespmem:s6+$0x7590];
	v59 =	vunpack.i.l.bf16.f32 v9  }
0x1dc: {  	v61 =	vunpack.i.l.bf16.f32 v56;
	v9 =	vunpack.i.u.bf16.f32 v9;
	v59 =	vmul.f32 v59, v46  }
0x1dd: {  	v63 =	vld [tilespmem:s6+$0x75A0];
	v6 =	vadd.f32 v8, v6;
	v8 =	vmul.f32 v9, v46;
	v9 =	vmul.f32 v61, v46  }
0x1de: {  	v54 =	vbroadcast v54, $0xF;
	v0 =	vadd.f32 v55, v0;
	v61 =	vld.idx.msk [tilespmem:v49+s14+$0x7A0 ss:$0x1], $0xffff;
	v5 =	vadd.f32 v59, v5  }
0x1df: {  	v2 =	vadd.f32 v8, v2;
	v7 =	vadd.f32 v9, v7;
	v8 =	vmul.bf16 v10, v47;
	v9 =	vld.idx.msk [tilespmem:v49+s14+$0x7B0 ss:$0x1], $0xffff  }
0x1e0: {  	v10 =	vunpack.i.u.bf16.f32 v56;
	v47 =	vmul.f32 v58, v54;
	v54 =	vmul.bf16 v60, v57;
	v56 =	vld [tilespmem:s6+$0x75B0]  }
0x1e1: {  	v10 =	vmul.f32 v10, v46;
	v57 =	vunpack.i.u.bf16.f32 v8;
	v8 =	vunpack.i.l.bf16.f32 v8  }
0x1e2: {  	v8 =	vmul.f32 v8, v47;
	v46 =	vmul.f32 v57, v47;
	v57 =	vunpack.i.l.bf16.f32 v54  }
0x1e3: {  	v3 =	vadd.f32 v10, v3;
	v10 =	vmul.bf16 v63, v61;
	v58 =	vmul.f32 v57, v47  }
0x1e4: {  	v59 =	vunpack.i.u.bf16.f32 v54;
	v63 =	vadd.f32 v8, v4;
	v62 =	vadd.f32 v46, v1  }
0x1e5: {  	p1 =	por p0, p0;
	v8 =	vunpack.i.u.bf16.f32 v10;
	v60 =	vadd.f32 v58, v6;
	v6 =	vmul.bf16 v56, v9  }
.Ltmp1:
0x1e6: {  	v61 =	vunpack.i.l.bf16.f32 v10;
	v1 =	vmul.f32 v59, v47;
	v8 =	vmul.f32 v8, v47;
	(pc) =	sbr.rel @p1 .LBB2_6-.Ltmp1, $4  }
0x1e7: {  	v4 =	vmul.f32 v61, v47;
	v9 =	vunpack.i.u.bf16.f32 v6;
	v6 =	vunpack.i.l.bf16.f32 v6  }
0x1e8: {  	v61 =	vadd.f32 v1, v0;
	v54 =	vmul.f32 v6, v47;
	v55 =	vmul.f32 v9, v47  }
0x1e9: {  	v10 =	vmov v44;
	v59 =	vadd.f32 v4, v5;
	v58 =	vadd.f32 v8, v2  }
0x1ea: {  	p0 =	por $0x0, $0x0;
	s14 =	simm.s32 $0x10;
	v44 =	vmovc v53;
	v9 =	vimm.s32 $0x0;
	v8 =	vmovc v43;
	v57 =	vadd.f32 v54, v7;
	v56 =	vadd.f32 v55, v3  }
0x1eb: {  	s6 =	sand.u32 $0x3FFFFF80, s9  }
0x1ec: {  	[tilespmem:s6+$0x1A000] =	vst v63  }
0x1ed: {  	s8 =	sadd.s32 $0x1, s8;
	[tilespmem:s6+$0x1A010] =	vst v62  }
0x1ee: {  	[tilespmem:s6+$0x1A020] =	vst v60;
	p0 =	sne.s32 s8, $0x8  }
.Ltmp2:
0x1ef: {  	[tilespmem:s6+$0x1A030] =	vst v61;
	(pc) =	sbr.rel @p0 .LBB2_5-.Ltmp2, $4  }
0x1f0: {  	[tilespmem:s6+$0x1A040] =	vst v59  }
0x1f1: {  	[tilespmem:s6+$0x1A050] =	vst v58  }
0x1f2: {  	[tilespmem:s6+$0x1A060] =	vst v57  }
0x1f3: {  	[tilespmem:s6+$0x1A070] =	vst v56  }
0x1f4: {  	p0 =	sne.s32 s22, s12  }
.Ltmp3:
0x1f5: {  	s5 =	sor.u32 s19, s23;
	(pc) =	sbr.rel @p0 .LBB2_2-.Ltmp3, $4  }
0x1f6: {  	s5 =	sshrl.u32 s5, $0x3  }
0x1f7: {  	s5 =	sadd.s32 s1, s5  }
0x1f8: {  	[hbm4b:s5+s2] =	stream.linear.scatter [tilespmem:s29], [sflag:$0x3], $0x400, $0x38;
	[tilespmem:$0x1A400] =	vst v63  }
0x1f9: {  	s5 =	smov.u32 s22  }
0x1fa: {  	_ =	swait.ge [sflag:s30], $0x400  }
0x1fb: {  	s31 =	sadd.s32 $0x1, s31;
	s5 =	rddreg [dreg:$0x8]  }
0x1fc: {  	p0 =	sne.s32 s31, s5  }
.Ltmp4:
0x1fd: {  	_ = 	snop;
	(pc) =	sbr.rel @p0 .LBB2_1-.Ltmp4, $3  }
0x1fe: {  	_ =	sdelay $0x1  }
0x1ff: {  	[sflag:s30] =	ssyncset.done $0x0  }
0x200: {  	[sflag:s30] =	ssyncadd.s32 $0xFFFFFC00  }
0x201: {  	_ =	sfence.sel $0x180000  }
0x202: {  	[bflag:$0x0] =	sbarrier.arrive $0xFFFF  }
0x203: {  	_ =	strace $0x90000047  }
0x204: {  	s0 =	stileid.u32;
	[bflag:$0x2] =	sbarrier.arrive $0xFFFF  }
0x205: {  	p0 =	sne.s32 s0, $0x0;
	s0 =	rddreg [dreg:$0x2]  }
0x206: {  	s0 =	sadd.s32 @!p0 $0x100000, s0  }
0x207: {  	[sflag:s0] =	ssyncadd.tile.s32 @!p0 $0x1;
	_ =	shalt  }
.Lfunc_end2:
_tile_overlayer_lowered:
.L_overlay_start_2:
0x208: {  	(tag) =	ssettag $0x2  }
0x209: {  	s0 =	rddreg [dreg:$0x0];
	s2 =	stileid.u32  }
0x20a: {  	s1 =	rddreg [dreg:$0x1];
	p0 =	sne.s32 s2, $0x0  }
0x20b: {  	s3 =	rddreg [dreg:$0x2];
	[bflag:$0x3] =	sbarrier.arrive $0xFFFF;
	s2 =	simm.s32 @!p0 $0x1C04  }
0x20c: {  	[timem:s3], [sflag:s2] =	dma.local @!p0 [hbm:s0], s1  }
0x20d: {  	s0 =	simm.s32 @!p0 $0x4  }
0x20e: {  	_ =	swait.ge @!p0 [sflag:s0], s1  }
0x20f: {  	s1 =	ssub.s32 @!p0 $0x0, s1;
	[sflag:s0] =	ssyncset.done @!p0 $0x0  }
0x210: {  	[sflag:s0] =	ssyncadd.s32 @!p0 s1  }
0x211: {  	[bflag:$0x3] =	sbarrier.arrive $0xFFFF  }
0x212: {  	_ =	shalt  }

</sc_bundles>
